<compile_context>
chip_gen: v7x
topology: tpu7x:2x2x1
jax: 0.10.2.dev20260603
libtpu: 0.0.44.dev20260713+nightly
codegen_flags: <defaults>
</compile_context>

<pallas_src>
import functools
import math

import jax
import jax.numpy as jnp
from jax import lax
from jax.experimental import pallas as pl
from jax.experimental.pallas import tpu as pltpu
from jax.experimental.pallas import tpu_sc as plsc

_NUM_CORES = 2
_NUM_SUBCORES = 16
_NUM_WORKERS = _NUM_CORES * _NUM_SUBCORES
_LANES = 16


@functools.lru_cache(maxsize=None)
def _make_gather(B, VP, D2, scale):
  D = D2 // 2
  assert B % _NUM_WORKERS == 0
  b_per_w = B // _NUM_WORKERS
  C = 160
  n_chunks = b_per_w // C
  assert b_per_w % C == 0 and C % 8 == 0 and n_chunks % 2 == 0
  n_groups = (C + _LANES - 1) // _LANES

  mesh = plsc.VectorSubcoreMesh(core_axis_name="c", subcore_axis_name="s")

  def buf_types():
    return (
        pltpu.VMEM((C,), jnp.int32),
        pltpu.VMEM((C,), jnp.int32),
        pltpu.VMEM((C, D2), jnp.float32),
        pltpu.VMEM((C, D), jnp.float32),
        pltpu.SemaphoreType.DMA,
        pltpu.SemaphoreType.DMA,
    )

  @functools.partial(
      pl.kernel,
      mesh=mesh,
      out_type=jax.ShapeDtypeStruct((B, D), jnp.float32),
      scratch_types=[
          pltpu.VMEM((b_per_w,), jnp.int32),
          buf_types(),
          buf_types(),
      ],
  )
  def gather_kernel(table_hbm, idx_hbm, out_hbm, tok_full, buf0, buf1):
    wid = lax.axis_index("s") * _NUM_CORES + lax.axis_index("c")
    base = pl.multiple_of(wid * b_per_w, 1024)
    bufs = (buf0, buf1)

    pltpu.sync_copy(idx_hbm.at[pl.ds(base, b_per_w)], tok_full)

    def fetch(g, b):
      gidx_v, poff_v, rows_v, _, gsem, _ = bufs[b]

      @plsc.parallel_loop(0, n_groups, step=1, unroll=4)
      def _(k):
        o = jnp.minimum(k * _LANES, C - _LANES)
        sl = pl.ds(o, _LANES)
        t = tok_full[pl.ds(g * C + o, _LANES)]
        gidx_v[sl] = t >> 1
        poff_v[sl] = (t & 1) * D

      pltpu.async_copy(table_hbm.at[gidx_v], rows_v, gsem)

    def select_store(g, b):
      gidx_v, poff_v, rows_v, out_v, gsem, ssem = bufs[b]
      pltpu.make_async_copy(table_hbm.at[gidx_v], rows_v, gsem).wait()

      @plsc.parallel_loop(0, n_groups, step=1, unroll=2)
      def _(k):
        o = jnp.minimum(k * _LANES, C - _LANES)
        pvec = poff_v[pl.ds(o, _LANES)]
        for m in range(_LANES):
          p = pvec[m]
          t = o + m
          for j in range(D // _LANES):
            jo = j * _LANES
            out_v[t, pl.ds(jo, _LANES)] = (
                rows_v[t, pl.ds(p + jo, _LANES)] * scale)

      off = pl.multiple_of(base + g * C, 8)
      pltpu.async_copy(out_v, out_hbm.at[pl.ds(off, C)], ssem)

    def wait_store(g, b):
      _, _, _, out_v, _, ssem = bufs[b]
      off = pl.multiple_of(base + g * C, 8)
      pltpu.make_async_copy(out_v, out_hbm.at[pl.ds(off, C)], ssem).wait()

    fetch(0, 0)

    def do_pair(p, carry):
      g0 = p * 2

      @pl.when(p > 0)
      def _():
        wait_store(g0 - 1, 1)

      fetch(g0 + 1, 1)
      select_store(g0, 0)

      @pl.when(g0 + 2 < n_chunks)
      def _():
        wait_store(g0, 0)
        fetch(g0 + 2, 0)

      select_store(g0 + 1, 1)
      return carry

    lax.fori_loop(0, n_chunks // 2, do_pair, 0)

    wait_store(n_chunks - 2, 0)
    wait_store(n_chunks - 1, 1)

  return gather_kernel


def kernel(tokens, table):
  bsz, hist = tokens.shape
  vocab, emb = table.shape
  scale = float(math.sqrt(emb))
  B = bsz * hist
  flat = tokens.reshape(B).astype(jnp.int32)
  paired = table.reshape(vocab // 2, 2 * emb)
  out = _make_gather(B, vocab // 2, 2 * emb, scale)(paired, flat)
  return out.reshape(bsz, hist, emb)

# --- scband reference (transcript-rebuilt; emitter-appended) ---
"""Pipeline reference for scband-token-embedding-28948079575561 (READ-ONLY COPY).

The authoritative reference and input builder live on the scoring server;
editing this copy changes nothing except your own understanding.
"""

import jax, jax.numpy as jnp
import numpy as np
import math

VOCAB_SIZE = 1000000
EMB_SIZE = 64
BATCH = 4096
HIST = 200

def setup_inputs(seed: int = 0) -> dict:
    key = jax.random.key(seed)
    k1, k2 = jax.random.split(key)
    tokens = jax.random.randint(k1, (BATCH, HIST), 0, VOCAB_SIZE, dtype=jnp.int64 if jax.config.jax_enable_x64 else jnp.int32)
    # embedding table: vocab_size + 4 rows (special tokens), per module __init__
    table = jax.random.normal(k2, (VOCAB_SIZE + 4, EMB_SIZE), dtype=jnp.float32)
    return {"tokens": tokens, "table": table}

def reference(tokens, table):
    # TokenEmbedding.forward: embedding(tokens.long()) * sqrt(emb_size)
    emb = jnp.take(table, tokens, axis=0)
    return emb * math.sqrt(EMB_SIZE)

if __name__ == "__main__":
    import jax
    _d = setup_inputs()
    print(jax.jit(kernel)(*tuple(_d.values())))

</pallas_src>

<mosaic_0001>
#map = affine_map<(d0, d1) -> (0, 0)>
#map1 = affine_map<(d0, d1) -> (0)>
module attributes {stable_mosaic.version = 14 : i64} {
  func.func @gather_kernel(%arg0: i32, %arg1: i32, %arg2: memref<500002x128xf32, #tpu.memory_space<hbm>>, %arg3: memref<819200xi32, #tpu.memory_space<hbm>>, %arg4: memref<819200x64xf32, #tpu.memory_space<hbm>>, %arg5: memref<25600xi32, #tpu.memory_space<vmem>>, %arg6: memref<160xi32, #tpu.memory_space<vmem>>, %arg7: memref<160xi32, #tpu.memory_space<vmem>>, %arg8: memref<160x128xf32, #tpu.memory_space<vmem>>, %arg9: memref<160x64xf32, #tpu.memory_space<vmem>>, %arg10: memref<!tpu.dma_semaphore, #tpu.memory_space<semaphore_mem>>, %arg11: memref<!tpu.dma_semaphore, #tpu.memory_space<semaphore_mem>>, %arg12: memref<160xi32, #tpu.memory_space<vmem>>, %arg13: memref<160xi32, #tpu.memory_space<vmem>>, %arg14: memref<160x128xf32, #tpu.memory_space<vmem>>, %arg15: memref<160x64xf32, #tpu.memory_space<vmem>>, %arg16: memref<!tpu.dma_semaphore, #tpu.memory_space<semaphore_mem>>, %arg17: memref<!tpu.dma_semaphore, #tpu.memory_space<semaphore_mem>>) attributes {dimension_semantics = [#tpu.dimension_semantics<core_parallel>, #tpu.dimension_semantics<subcore_parallel>], iteration_bounds = array<i64: 2, 16>, scalar_prefetch = 0 : i64, scratch_operands = 13 : i64, tpu.core_type = #tpu.core_type<sc_vector_subcore>, window_params = [{transform_indices = #map}, {transform_indices = #map1}, {transform_indices = #map}]} {
    %mul3A = arith.constant 2 : i32
    %mul3A_0 = arith.muli %arg1, %mul3A : i32
    %add3A = arith.addi %mul3A_0, %arg0 : i32
    %mul3A_1 = arith.constant 25600 : i32
    %mul3A_2 = arith.muli %add3A, %mul3A_1 : i32
    %multiple_of3A = tpu.assume_multiple %mul3A_2, 1024 : i32
    "tpu.region"() ({
      %run_scoped3A = tpu.sem_alloc : memref<!tpu.dma_semaphore, #tpu.memory_space<semaphore_mem>>
      %dma_start3A_25 = tpu.memref_slice %arg3[%multiple_of3A] : memref<819200xi32, #tpu.memory_space<hbm>> -> memref<25600xi32, #tpu.memory_space<hbm>>
      %dma_start3A_26 = tpu.memref_slice %arg3[%multiple_of3A] : memref<819200xi32, #tpu.memory_space<hbm>> -> memref<25600xi32, #tpu.memory_space<hbm>>
      tpu.enqueue_dma source(%dma_start3A_26 : memref<25600xi32, #tpu.memory_space<hbm>>) target(%arg5 : memref<25600xi32, #tpu.memory_space<vmem>>) target_semaphore(%run_scoped3A : memref<!tpu.dma_semaphore, #tpu.memory_space<semaphore_mem>>)
      %dma_wait3A_27 = tpu.memref_slice %arg3[%multiple_of3A] : memref<819200xi32, #tpu.memory_space<hbm>> -> memref<25600xi32, #tpu.memory_space<hbm>>
      %dma_wait3A_28 = tpu.memref_slice %arg3[%multiple_of3A] : memref<819200xi32, #tpu.memory_space<hbm>> -> memref<25600xi32, #tpu.memory_space<hbm>>
      tpu.wait_dma2 semaphore(%run_scoped3A : memref<!tpu.dma_semaphore, #tpu.memory_space<semaphore_mem>>) src(%dma_wait3A_28 : memref<25600xi32, #tpu.memory_space<hbm>>) dst(%arg5 : memref<25600xi32, #tpu.memory_space<vmem>>)
      tpu.yield
    }) : () -> ()
    %parallel_loop3A = arith.constant 0 : i32
    %parallel_loop3A_3 = arith.constant 10 : i32
    %parallel_loop3A_4 = arith.constant 1 : i32
    scf.for %parallel_loop3A_25 = %parallel_loop3A to %parallel_loop3A_3 step %parallel_loop3A_4  : i32 {
      %parallel_loop3A_26 = arith.constant 16 : i32
      %parallel_loop3A_27 = arith.muli %parallel_loop3A_25, %parallel_loop3A_26 : i32
      %parallel_loop3A_28 = arith.constant 144 : i32
      %parallel_loop3A_29 = arith.minsi %parallel_loop3A_27, %parallel_loop3A_28 : i32
      %parallel_loop3A_30 = arith.constant 0 : i32
      %parallel_loop3A_31 = arith.addi %parallel_loop3A_30, %parallel_loop3A_29 : i32
      %parallel_loop3A_32 = arith.index_cast %parallel_loop3A_31 : i32 to index
      %parallel_loop3A_33 = tpu.vector_load %arg5[%parallel_loop3A_32] {strides = array<i32>} : memref<25600xi32, #tpu.memory_space<vmem>>, vector<16xi32>,
      %parallel_loop3A_34 = vector.shape_cast %parallel_loop3A_33 : vector<16xi32> to vector<16xi32>
      %parallel_loop3A_35 = arith.constant 1 : i32
      %parallel_loop3A_36 = vector.broadcast %parallel_loop3A_35 : i32 to vector<16xi32>
      %parallel_loop3A_37 = arith.shrsi %parallel_loop3A_34, %parallel_loop3A_36 : vector<16xi32>
      %parallel_loop3A_38 = arith.index_cast %parallel_loop3A_29 : i32 to index
      %parallel_loop3A_39 = tpu.vector_load %arg6[%parallel_loop3A_38] {strides = array<i32>} : memref<160xi32, #tpu.memory_space<vmem>>, vector<16xi32>,
      %parallel_loop3A_40 = vector.shape_cast %parallel_loop3A_39 : vector<16xi32> to vector<16xi32>
      %parallel_loop3A_41 = vector.shape_cast %parallel_loop3A_37 : vector<16xi32> to vector<16xi32>
      tpu.vector_store %arg6[%parallel_loop3A_38], %parallel_loop3A_41 {strides = array<i32>} : memref<160xi32, #tpu.memory_space<vmem>>, vector<16xi32>,
      %parallel_loop3A_42 = arith.constant 1 : i32
      %parallel_loop3A_43 = vector.broadcast %parallel_loop3A_42 : i32 to vector<16xi32>
      %parallel_loop3A_44 = arith.andi %parallel_loop3A_34, %parallel_loop3A_43 : vector<16xi32>
      %parallel_loop3A_45 = arith.constant 64 : i32
      %parallel_loop3A_46 = vector.broadcast %parallel_loop3A_45 : i32 to vector<16xi32>
      %parallel_loop3A_47 = arith.muli %parallel_loop3A_44, %parallel_loop3A_46 : vector<16xi32>
      %parallel_loop3A_48 = arith.index_cast %parallel_loop3A_29 : i32 to index
      %parallel_loop3A_49 = tpu.vector_load %arg7[%parallel_loop3A_48] {strides = array<i32>} : memref<160xi32, #tpu.memory_space<vmem>>, vector<16xi32>,
      %parallel_loop3A_50 = vector.shape_cast %parallel_loop3A_49 : vector<16xi32> to vector<16xi32>
      %parallel_loop3A_51 = vector.shape_cast %parallel_loop3A_47 : vector<16xi32> to vector<16xi32>
      tpu.vector_store %arg7[%parallel_loop3A_48], %parallel_loop3A_51 {strides = array<i32>} : memref<160xi32, #tpu.memory_space<vmem>>, vector<16xi32>,
    } {sc.loop_unroll_factor = 4 : i64, sc.parallel_access}
    %dma_start3A = arith.constant 0 : i32
    %dma_start3A_5 = arith.constant 0 : i32
    %dma_start3A_6 = tpu.memref_slice %arg2[%dma_start3A, %dma_start3A_5] : memref<500002x128xf32, #tpu.memory_space<hbm>> -> memref<500002x128xf32, #tpu.memory_space<hbm>>
    tpu.enqueue_indirect_dma source(%dma_start3A_6 : memref<500002x128xf32, #tpu.memory_space<hbm>>) target(%arg8 : memref<160x128xf32, #tpu.memory_space<vmem>>) offsets(%arg6 : memref<160xi32, #tpu.memory_space<vmem>>) semaphore(%arg10 : memref<!tpu.dma_semaphore, #tpu.memory_space<semaphore_mem>>)
    %scan3A = arith.constant 0 : i32
    %scan3A_7 = arith.constant 0 : i32
    %scan3A_8 = arith.constant 80 : i32
    %scan3A_9 = arith.addi %scan3A_7, %scan3A_8 : i32
    %scan3A_10 = arith.constant 1 : i32
    scf.for %scan3A_25 = %scan3A_7 to %scan3A_9 step %scan3A_10  : i32 {
      %mul3A_26 = arith.constant 2 : i32
      %mul3A_27 = arith.muli %scan3A_25, %mul3A_26 : i32
      %gt3A = arith.constant 0 : i32
      %gt3A_28 = arith.cmpi sgt, %scan3A_25, %gt3A : i32
      %convert_element_type3A = arith.extui %gt3A_28 : i1 to i32
      %cond3A = arith.constant 0 : i32
      %cond3A_29 = arith.cmpi ne, %convert_element_type3A, %cond3A : i32
      scf.if %cond3A_29 {
        %sub3A = arith.constant 1 : i32
        %sub3A_74 = arith.subi %mul3A_27, %sub3A : i32
        %mul3A_75 = arith.constant 160 : i32
        %mul3A_76 = arith.muli %sub3A_74, %mul3A_75 : i32
        %add3A_77 = arith.addi %multiple_of3A, %mul3A_76 : i32
        %multiple_of3A_78 = tpu.assume_multiple %add3A_77, 8 : i32
        %dma_wait3A_79 = arith.constant 0 : i32
        %dma_wait3A_80 = tpu.memref_slice %arg4[%multiple_of3A_78, %dma_wait3A_79] : memref<819200x64xf32, #tpu.memory_space<hbm>> -> memref<160x64xf32, #tpu.memory_space<hbm>>
        %dma_wait3A_81 = arith.constant 0 : i32
        %dma_wait3A_82 = tpu.memref_slice %arg4[%multiple_of3A_78, %dma_wait3A_81] : memref<819200x64xf32, #tpu.memory_space<hbm>> -> memref<160x64xf32, #tpu.memory_space<hbm>>
        tpu.wait_dma2 semaphore(%arg17 : memref<!tpu.dma_semaphore, #tpu.memory_space<semaphore_mem>>) src(%arg15 : memref<160x64xf32, #tpu.memory_space<vmem>>) dst(%dma_wait3A_82 : memref<160x64xf32, #tpu.memory_space<hbm>>)
      } else {
      }
      %add3A_30 = arith.constant 1 : i32
      %add3A_31 = arith.addi %mul3A_27, %add3A_30 : i32
      %parallel_loop3A_32 = arith.constant 0 : i32
      %parallel_loop3A_33 = arith.constant 10 : i32
      %parallel_loop3A_34 = arith.constant 1 : i32
      scf.for %parallel_loop3A_74 = %parallel_loop3A_32 to %parallel_loop3A_33 step %parallel_loop3A_34  : i32 {
        %parallel_loop3A_75 = arith.constant 16 : i32
        %parallel_loop3A_76 = arith.muli %parallel_loop3A_74, %parallel_loop3A_75 : i32
        %parallel_loop3A_77 = arith.constant 144 : i32
        %parallel_loop3A_78 = arith.minsi %parallel_loop3A_76, %parallel_loop3A_77 : i32
        %parallel_loop3A_79 = arith.constant 160 : i32
        %parallel_loop3A_80 = arith.muli %add3A_31, %parallel_loop3A_79 : i32
        %parallel_loop3A_81 = arith.addi %parallel_loop3A_80, %parallel_loop3A_78 : i32
        %parallel_loop3A_82 = arith.index_cast %parallel_loop3A_81 : i32 to index
        %parallel_loop3A_83 = tpu.vector_load %arg5[%parallel_loop3A_82] {strides = array<i32>} : memref<25600xi32, #tpu.memory_space<vmem>>, vector<16xi32>,
        %parallel_loop3A_84 = vector.shape_cast %parallel_loop3A_83 : vector<16xi32> to vector<16xi32>
        %parallel_loop3A_85 = arith.constant 1 : i32
        %parallel_loop3A_86 = vector.broadcast %parallel_loop3A_85 : i32 to vector<16xi32>
        %parallel_loop3A_87 = arith.shrsi %parallel_loop3A_84, %parallel_loop3A_86 : vector<16xi32>
        %parallel_loop3A_88 = arith.index_cast %parallel_loop3A_78 : i32 to index
        %parallel_loop3A_89 = tpu.vector_load %arg12[%parallel_loop3A_88] {strides = array<i32>} : memref<160xi32, #tpu.memory_space<vmem>>, vector<16xi32>,
        %parallel_loop3A_90 = vector.shape_cast %parallel_loop3A_89 : vector<16xi32> to vector<16xi32>
        %parallel_loop3A_91 = vector.shape_cast %parallel_loop3A_87 : vector<16xi32> to vector<16xi32>
        tpu.vector_store %arg12[%parallel_loop3A_88], %parallel_loop3A_91 {strides = array<i32>} : memref<160xi32, #tpu.memory_space<vmem>>, vector<16xi32>,
        %parallel_loop3A_92 = arith.constant 1 : i32
        %parallel_loop3A_93 = vector.broadcast %parallel_loop3A_92 : i32 to vector<16xi32>
        %parallel_loop3A_94 = arith.andi %parallel_loop3A_84, %parallel_loop3A_93 : vector<16xi32>
        %parallel_loop3A_95 = arith.constant 64 : i32
        %parallel_loop3A_96 = vector.broadcast %parallel_loop3A_95 : i32 to vector<16xi32>
        %parallel_loop3A_97 = arith.muli %parallel_loop3A_94, %parallel_loop3A_96 : vector<16xi32>
        %parallel_loop3A_98 = arith.index_cast %parallel_loop3A_78 : i32 to index
        %parallel_loop3A_99 = tpu.vector_load %arg13[%parallel_loop3A_98] {strides = array<i32>} : memref<160xi32, #tpu.memory_space<vmem>>, vector<16xi32>,
        %parallel_loop3A_100 = vector.shape_cast %parallel_loop3A_99 : vector<16xi32> to vector<16xi32>
        %parallel_loop3A_101 = vector.shape_cast %parallel_loop3A_97 : vector<16xi32> to vector<16xi32>
        tpu.vector_store %arg13[%parallel_loop3A_98], %parallel_loop3A_101 {strides = array<i32>} : memref<160xi32, #tpu.memory_space<vmem>>, vector<16xi32>,
      } {sc.loop_unroll_factor = 4 : i64, sc.parallel_access}
      %dma_start3A_35 = arith.constant 0 : i32
      %dma_start3A_36 = arith.constant 0 : i32
      %dma_start3A_37 = tpu.memref_slice %arg2[%dma_start3A_35, %dma_start3A_36] : memref<500002x128xf32, #tpu.memory_space<hbm>> -> memref<500002x128xf32, #tpu.memory_space<hbm>>
      tpu.enqueue_indirect_dma source(%dma_start3A_37 : memref<500002x128xf32, #tpu.memory_space<hbm>>) target(%arg14 : memref<160x128xf32, #tpu.memory_space<vmem>>) offsets(%arg12 : memref<160xi32, #tpu.memory_space<vmem>>) semaphore(%arg16 : memref<!tpu.dma_semaphore, #tpu.memory_space<semaphore_mem>>)
      %dma_wait3A_38 = arith.constant 0 : i32
      %dma_wait3A_39 = arith.constant 0 : i32
      %dma_wait3A_40 = tpu.memref_slice %arg2[%dma_wait3A_38, %dma_wait3A_39] : memref<500002x128xf32, #tpu.memory_space<hbm>> -> memref<500002x128xf32, #tpu.memory_space<hbm>>
      tpu.wait_indirect_dma semaphore(%arg10 : memref<!tpu.dma_semaphore, #tpu.memory_space<semaphore_mem>>) src(%dma_wait3A_40 : memref<500002x128xf32, #tpu.memory_space<hbm>>) dst(%arg8 : memref<160x128xf32, #tpu.memory_space<vmem>>)
      %parallel_loop3A_41 = arith.constant 0 : i32
      %parallel_loop3A_42 = arith.constant 10 : i32
      %parallel_loop3A_43 = arith.constant 1 : i32
      scf.for %parallel_loop3A_74 = %parallel_loop3A_41 to %parallel_loop3A_42 step %parallel_loop3A_43  : i32 {
        %parallel_loop3A_75 = arith.constant 16 : i32
        %parallel_loop3A_76 = arith.muli %parallel_loop3A_74, %parallel_loop3A_75 : i32
        %parallel_loop3A_77 = arith.constant 144 : i32
        %parallel_loop3A_78 = arith.minsi %parallel_loop3A_76, %parallel_loop3A_77 : i32
        %parallel_loop3A_79 = arith.index_cast %parallel_loop3A_78 : i32 to index
        %parallel_loop3A_80 = tpu.vector_load %arg7[%parallel_loop3A_79] {strides = array<i32>} : memref<160xi32, #tpu.memory_space<vmem>>, vector<16xi32>,
        %parallel_loop3A_81 = vector.shape_cast %parallel_loop3A_80 : vector<16xi32> to vector<16xi32>
        %parallel_loop3A_82 = vector.extract_strided_slice %parallel_loop3A_81 {offsets = [0], sizes = [1], strides = [1]} : vector<16xi32> to vector<1xi32>
        %parallel_loop3A_83 = vector.extract %parallel_loop3A_82[0] : i32 from vector<1xi32>
        %parallel_loop3A_84 = arith.constant 0 : i32
        %parallel_loop3A_85 = arith.addi %parallel_loop3A_78, %parallel_loop3A_84 : i32
        %parallel_loop3A_86 = arith.constant 0 : i32
        %parallel_loop3A_87 = arith.addi %parallel_loop3A_83, %parallel_loop3A_86 : i32
        %parallel_loop3A_88 = arith.index_cast %parallel_loop3A_85 : i32 to index
        %parallel_loop3A_89 = arith.index_cast %parallel_loop3A_87 : i32 to index
        %parallel_loop3A_90 = tpu.vector_load %arg8[%parallel_loop3A_88, %parallel_loop3A_89] {strides = array<i32>} : memref<160x128xf32, #tpu.memory_space<vmem>>, vector<1x16xf32>,
        %parallel_loop3A_91 = vector.shape_cast %parallel_loop3A_90 : vector<1x16xf32> to vector<16xf32>
        %parallel_loop3A_92 = arith.constant 8.000000e+00 : f32
        %parallel_loop3A_93 = vector.broadcast %parallel_loop3A_92 : f32 to vector<16xf32>
        %parallel_loop3A_94 = arith.mulf %parallel_loop3A_91, %parallel_loop3A_93 : vector<16xf32>
        %parallel_loop3A_95 = arith.index_cast %parallel_loop3A_85 : i32 to index
        %parallel_loop3A_96 = arith.constant 0 : index
        %parallel_loop3A_97 = tpu.vector_load %arg9[%parallel_loop3A_95, %parallel_loop3A_96] {strides = array<i32>} : memref<160x64xf32, #tpu.memory_space<vmem>>, vector<1x16xf32>,
        %parallel_loop3A_98 = vector.shape_cast %parallel_loop3A_97 : vector<1x16xf32> to vector<16xf32>
        %parallel_loop3A_99 = vector.shape_cast %parallel_loop3A_94 : vector<16xf32> to vector<1x16xf32>
        tpu.vector_store %arg9[%parallel_loop3A_95, %parallel_loop3A_96], %parallel_loop3A_99 {strides = array<i32>} : memref<160x64xf32, #tpu.memory_space<vmem>>, vector<1x16xf32>,
        %parallel_loop3A_100 = arith.constant 16 : i32
        %parallel_loop3A_101 = arith.addi %parallel_loop3A_83, %parallel_loop3A_100 : i32
        %parallel_loop3A_102 = arith.index_cast %parallel_loop3A_85 : i32 to index
        %parallel_loop3A_103 = arith.index_cast %parallel_loop3A_101 : i32 to index
        %parallel_loop3A_104 = tpu.vector_load %arg8[%parallel_loop3A_102, %parallel_loop3A_103] {strides = array<i32>} : memref<160x128xf32, #tpu.memory_space<vmem>>, vector<1x16xf32>,
        %parallel_loop3A_105 = vector.shape_cast %parallel_loop3A_104 : vector<1x16xf32> to vector<16xf32>
        %parallel_loop3A_106 = arith.constant 8.000000e+00 : f32
        %parallel_loop3A_107 = vector.broadcast %parallel_loop3A_106 : f32 to vector<16xf32>
        %parallel_loop3A_108 = arith.mulf %parallel_loop3A_105, %parallel_loop3A_107 : vector<16xf32>
        %parallel_loop3A_109 = arith.index_cast %parallel_loop3A_85 : i32 to index
        %parallel_loop3A_110 = arith.constant 16 : index
        %parallel_loop3A_111 = tpu.vector_load %arg9[%parallel_loop3A_109, %parallel_loop3A_110] {strides = array<i32>} : memref<160x64xf32, #tpu.memory_space<vmem>>, vector<1x16xf32>,
        %parallel_loop3A_112 = vector.shape_cast %parallel_loop3A_111 : vector<1x16xf32> to vector<16xf32>
        %parallel_loop3A_113 = vector.shape_cast %parallel_loop3A_108 : vector<16xf32> to vector<1x16xf32>
        tpu.vector_store %arg9[%parallel_loop3A_109, %parallel_loop3A_110], %parallel_loop3A_113 {strides = array<i32>} : memref<160x64xf32, #tpu.memory_space<vmem>>, vector<1x16xf32>,
        %parallel_loop3A_114 = arith.constant 32 : i32
        %parallel_loop3A_115 = arith.addi %parallel_loop3A_83, %parallel_loop3A_114 : i32
        %parallel_loop3A_116 = arith.index_cast %parallel_loop3A_85 : i32 to index
        %parallel_loop3A_117 = arith.index_cast %parallel_loop3A_115 : i32 to index
        %parallel_loop3A_118 = tpu.vector_load %arg8[%parallel_loop3A_116, %parallel_loop3A_117] {strides = array<i32>} : memref<160x128xf32, #tpu.memory_space<vmem>>, vector<1x16xf32>,
        %parallel_loop3A_119 = vector.shape_cast %parallel_loop3A_118 : vector<1x16xf32> to vector<16xf32>
        %parallel_loop3A_120 = arith.constant 8.000000e+00 : f32
        %parallel_loop3A_121 = vector.broadcast %parallel_loop3A_120 : f32 to vector<16xf32>
        %parallel_loop3A_122 = arith.mulf %parallel_loop3A_119, %parallel_loop3A_121 : vector<16xf32>
        %parallel_loop3A_123 = arith.index_cast %parallel_loop3A_85 : i32 to index
        %parallel_loop3A_124 = arith.constant 32 : index
        %parallel_loop3A_125 = tpu.vector_load %arg9[%parallel_loop3A_123, %parallel_loop3A_124] {strides = array<i32>} : memref<160x64xf32, #tpu.memory_space<vmem>>, vector<1x16xf32>,
        %parallel_loop3A_126 = vector.shape_cast %parallel_loop3A_125 : vector<1x16xf32> to vector<16xf32>
        %parallel_loop3A_127 = vector.shape_cast %parallel_loop3A_122 : vector<16xf32> to vector<1x16xf32>
        tpu.vector_store %arg9[%parallel_loop3A_123, %parallel_loop3A_124], %parallel_loop3A_127 {strides = array<i32>} : memref<160x64xf32, #tpu.memory_space<vmem>>, vector<1x16xf32>,
        %parallel_loop3A_128 = arith.constant 48 : i32
        %parallel_loop3A_129 = arith.addi %parallel_loop3A_83, %parallel_loop3A_128 : i32
        %parallel_loop3A_130 = arith.index_cast %parallel_loop3A_85 : i32 to index
        %parallel_loop3A_131 = arith.index_cast %parallel_loop3A_129 : i32 to index
        %parallel_loop3A_132 = tpu.vector_load %arg8[%parallel_loop3A_130, %parallel_loop3A_131] {strides = array<i32>} : memref<160x128xf32, #tpu.memory_space<vmem>>, vector<1x16xf32>,
        %parallel_loop3A_133 = vector.shape_cast %parallel_loop3A_132 : vector<1x16xf32> to vector<16xf32>
        %parallel_loop3A_134 = arith.constant 8.000000e+00 : f32
        %parallel_loop3A_135 = vector.broadcast %parallel_loop3A_134 : f32 to vector<16xf32>
        %parallel_loop3A_136 = arith.mulf %parallel_loop3A_133, %parallel_loop3A_135 : vector<16xf32>
        %parallel_loop3A_137 = arith.index_cast %parallel_loop3A_85 : i32 to index
        %parallel_loop3A_138 = arith.constant 48 : index
        %parallel_loop3A_139 = tpu.vector_load %arg9[%parallel_loop3A_137, %parallel_loop3A_138] {strides = array<i32>} : memref<160x64xf32, #tpu.memory_space<vmem>>, vector<1x16xf32>,
        %parallel_loop3A_140 = vector.shape_cast %parallel_loop3A_139 : vector<1x16xf32> to vector<16xf32>
        %parallel_loop3A_141 = vector.shape_cast %parallel_loop3A_136 : vector<16xf32> to vector<1x16xf32>
        tpu.vector_store %arg9[%parallel_loop3A_137, %parallel_loop3A_138], %parallel_loop3A_141 {strides = array<i32>} : memref<160x64xf32, #tpu.memory_space<vmem>>, vector<1x16xf32>,
        %parallel_loop3A_142 = vector.extract_strided_slice %parallel_loop3A_81 {offsets = [1], sizes = [1], strides = [1]} : vector<16xi32> to vector<1xi32>
        %parallel_loop3A_143 = vector.extract %parallel_loop3A_142[0] : i32 from vector<1xi32>
        %parallel_loop3A_144 = arith.constant 1 : i32
        %parallel_loop3A_145 = arith.addi %parallel_loop3A_78, %parallel_loop3A_144 : i32
        %parallel_loop3A_146 = arith.constant 0 : i32
        %parallel_loop3A_147 = arith.addi %parallel_loop3A_143, %parallel_loop3A_146 : i32
        %parallel_loop3A_148 = arith.index_cast %parallel_loop3A_145 : i32 to index
        %parallel_loop3A_149 = arith.index_cast %parallel_loop3A_147 : i32 to index
        %parallel_loop3A_150 = tpu.vector_load %arg8[%parallel_loop3A_148, %parallel_loop3A_149] {strides = array<i32>} : memref<160x128xf32, #tpu.memory_space<vmem>>, vector<1x16xf32>,
        %parallel_loop3A_151 = vector.shape_cast %parallel_loop3A_150 : vector<1x16xf32> to vector<16xf32>
        %parallel_loop3A_152 = arith.constant 8.000000e+00 : f32
        %parallel_loop3A_153 = vector.broadcast %parallel_loop3A_152 : f32 to vector<16xf32>
        %parallel_loop3A_154 = arith.mulf %parallel_loop3A_151, %parallel_loop3A_153 : vector<16xf32>
        %parallel_loop3A_155 = arith.index_cast %parallel_loop3A_145 : i32 to index
        %parallel_loop3A_156 = arith.constant 0 : index
        %parallel_loop3A_157 = tpu.vector_load %arg9[%parallel_loop3A_155, %parallel_loop3A_156] {strides = array<i32>} : memref<160x64xf32, #tpu.memory_space<vmem>>, vector<1x16xf32>,
        %parallel_loop3A_158 = vector.shape_cast %parallel_loop3A_157 : vector<1x16xf32> to vector<16xf32>
        %parallel_loop3A_159 = vector.shape_cast %parallel_loop3A_154 : vector<16xf32> to vector<1x16xf32>
        tpu.vector_store %arg9[%parallel_loop3A_155, %parallel_loop3A_156], %parallel_loop3A_159 {strides = array<i32>} : memref<160x64xf32, #tpu.memory_space<vmem>>, vector<1x16xf32>,
        %parallel_loop3A_160 = arith.constant 16 : i32
        %parallel_loop3A_161 = arith.addi %parallel_loop3A_143, %parallel_loop3A_160 : i32
        %parallel_loop3A_162 = arith.index_cast %parallel_loop3A_145 : i32 to index
        %parallel_loop3A_163 = arith.index_cast %parallel_loop3A_161 : i32 to index
        %parallel_loop3A_164 = tpu.vector_load %arg8[%parallel_loop3A_162, %parallel_loop3A_163] {strides = array<i32>} : memref<160x128xf32, #tpu.memory_space<vmem>>, vector<1x16xf32>,
        %parallel_loop3A_165 = vector.shape_cast %parallel_loop3A_164 : vector<1x16xf32> to vector<16xf32>
        %parallel_loop3A_166 = arith.constant 8.000000e+00 : f32
        %parallel_loop3A_167 = vector.broadcast %parallel_loop3A_166 : f32 to vector<16xf32>
        %parallel_loop3A_168 = arith.mulf %parallel_loop3A_165, %parallel_loop3A_167 : vector<16xf32>
        %parallel_loop3A_169 = arith.index_cast %parallel_loop3A_145 : i32 to index
        %parallel_loop3A_170 = arith.constant 16 : index
        %parallel_loop3A_171 = tpu.vector_load %arg9[%parallel_loop3A_169, %parallel_loop3A_170] {strides = array<i32>} : memref<160x64xf32, #tpu.memory_space<vmem>>, vector<1x16xf32>,
        %parallel_loop3A_172 = vector.shape_cast %parallel_loop3A_171 : vector<1x16xf32> to vector<16xf32>
        %parallel_loop3A_173 = vector.shape_cast %parallel_loop3A_168 : vector<16xf32> to vector<1x16xf32>
        tpu.vector_store %arg9[%parallel_loop3A_169, %parallel_loop3A_170], %parallel_loop3A_173 {strides = array<i32>} : memref<160x64xf32, #tpu.memory_space<vmem>>, vector<1x16xf32>,
        %parallel_loop3A_174 = arith.constant 32 : i32
        %parallel_loop3A_175 = arith.addi %parallel_loop3A_143, %parallel_loop3A_174 : i32
        %parallel_loop3A_176 = arith.index_cast %parallel_loop3A_145 : i32 to index
        %parallel_loop3A_177 = arith.index_cast %parallel_loop3A_175 : i32 to index
        %parallel_loop3A_178 = tpu.vector_load %arg8[%parallel_loop3A_176, %parallel_loop3A_177] {strides = array<i32>} : memref<160x128xf32, #tpu.memory_space<vmem>>, vector<1x16xf32>,
        %parallel_loop3A_179 = vector.shape_cast %parallel_loop3A_178 : vector<1x16xf32> to vector<16xf32>
        %parallel_loop3A_180 = arith.constant 8.000000e+00 : f32
        %parallel_loop3A_181 = vector.broadcast %parallel_loop3A_180 : f32 to vector<16xf32>
        %parallel_loop3A_182 = arith.mulf %parallel_loop3A_179, %parallel_loop3A_181 : vector<16xf32>
        %parallel_loop3A_183 = arith.index_cast %parallel_loop3A_145 : i32 to index
        %parallel_loop3A_184 = arith.constant 32 : index
        %parallel_loop3A_185 = tpu.vector_load %arg9[%parallel_loop3A_183, %parallel_loop3A_184] {strides = array<i32>} : memref<160x64xf32, #tpu.memory_space<vmem>>, vector<1x16xf32>,
        %parallel_loop3A_186 = vector.shape_cast %parallel_loop3A_185 : vector<1x16xf32> to vector<16xf32>
        %parallel_loop3A_187 = vector.shape_cast %parallel_loop3A_182 : vector<16xf32> to vector<1x16xf32>
        tpu.vector_store %arg9[%parallel_loop3A_183, %parallel_loop3A_184], %parallel_loop3A_187 {strides = array<i32>} : memref<160x64xf32, #tpu.memory_space<vmem>>, vector<1x16xf32>,
        %parallel_loop3A_188 = arith.constant 48 : i32
        %parallel_loop3A_189 = arith.addi %parallel_loop3A_143, %parallel_loop3A_188 : i32
        %parallel_loop3A_190 = arith.index_cast %parallel_loop3A_145 : i32 to index
        %parallel_loop3A_191 = arith.index_cast %parallel_loop3A_189 : i32 to index
        %parallel_loop3A_192 = tpu.vector_load %arg8[%parallel_loop3A_190, %parallel_loop3A_191] {strides = array<i32>} : memref<160x128xf32, #tpu.memory_space<vmem>>, vector<1x16xf32>,
        %parallel_loop3A_193 = vector.shape_cast %parallel_loop3A_192 : vector<1x16xf32> to vector<16xf32>
        %parallel_loop3A_194 = arith.constant 8.000000e+00 : f32
        %parallel_loop3A_195 = vector.broadcast %parallel_loop3A_194 : f32 to vector<16xf32>
        %parallel_loop3A_196 = arith.mulf %parallel_loop3A_193, %parallel_loop3A_195 : vector<16xf32>
        %parallel_loop3A_197 = arith.index_cast %parallel_loop3A_145 : i32 to index
        %parallel_loop3A_198 = arith.constant 48 : index
        %parallel_loop3A_199 = tpu.vector_load %arg9[%parallel_loop3A_197, %parallel_loop3A_198] {strides = array<i32>} : memref<160x64xf32, #tpu.memory_space<vmem>>, vector<1x16xf32>,
        %parallel_loop3A_200 = vector.shape_cast %parallel_loop3A_199 : vector<1x16xf32> to vector<16xf32>
        %parallel_loop3A_201 = vector.shape_cast %parallel_loop3A_196 : vector<16xf32> to vector<1x16xf32>
        tpu.vector_store %arg9[%parallel_loop3A_197, %parallel_loop3A_198], %parallel_loop3A_201 {strides = array<i32>} : memref<160x64xf32, #tpu.memory_space<vmem>>, vector<1x16xf32>,
        %parallel_loop3A_202 = vector.extract_strided_slice %parallel_loop3A_81 {offsets = [2], sizes = [1], strides = [1]} : vector<16xi32> to vector<1xi32>
        %parallel_loop3A_203 = vector.extract %parallel_loop3A_202[0] : i32 from vector<1xi32>
        %parallel_loop3A_204 = arith.constant 2 : i32
        %parallel_loop3A_205 = arith.addi %parallel_loop3A_78, %parallel_loop3A_204 : i32
        %parallel_loop3A_206 = arith.constant 0 : i32
        %parallel_loop3A_207 = arith.addi %parallel_loop3A_203, %parallel_loop3A_206 : i32
        %parallel_loop3A_208 = arith.index_cast %parallel_loop3A_205 : i32 to index
        %parallel_loop3A_209 = arith.index_cast %parallel_loop3A_207 : i32 to index
        %parallel_loop3A_210 = tpu.vector_load %arg8[%parallel_loop3A_208, %parallel_loop3A_209] {strides = array<i32>} : memref<160x128xf32, #tpu.memory_space<vmem>>, vector<1x16xf32>,
        %parallel_loop3A_211 = vector.shape_cast %parallel_loop3A_210 : vector<1x16xf32> to vector<16xf32>
        %parallel_loop3A_212 = arith.constant 8.000000e+00 : f32
        %parallel_loop3A_213 = vector.broadcast %parallel_loop3A_212 : f32 to vector<16xf32>
        %parallel_loop3A_214 = arith.mulf %parallel_loop3A_211, %parallel_loop3A_213 : vector<16xf32>
        %parallel_loop3A_215 = arith.index_cast %parallel_loop3A_205 : i32 to index
        %parallel_loop3A_216 = arith.constant 0 : index
        %parallel_loop3A_217 = tpu.vector_load %arg9[%parallel_loop3A_215, %parallel_loop3A_216] {strides = array<i32>} : memref<160x64xf32, #tpu.memory_space<vmem>>, vector<1x16xf32>,
        %parallel_loop3A_218 = vector.shape_cast %parallel_loop3A_217 : vector<1x16xf32> to vector<16xf32>
        %parallel_loop3A_219 = vector.shape_cast %parallel_loop3A_214 : vector<16xf32> to vector<1x16xf32>
        tpu.vector_store %arg9[%parallel_loop3A_215, %parallel_loop3A_216], %parallel_loop3A_219 {strides = array<i32>} : memref<160x64xf32, #tpu.memory_space<vmem>>, vector<1x16xf32>,
        %parallel_loop3A_220 = arith.constant 16 : i32
        %parallel_loop3A_221 = arith.addi %parallel_loop3A_203, %parallel_loop3A_220 : i32
        %parallel_loop3A_222 = arith.index_cast %parallel_loop3A_205 : i32 to index
        %parallel_loop3A_223 = arith.index_cast %parallel_loop3A_221 : i32 to index
        %parallel_loop3A_224 = tpu.vector_load %arg8[%parallel_loop3A_222, %parallel_loop3A_223] {strides = array<i32>} : memref<160x128xf32, #tpu.memory_space<vmem>>, vector<1x16xf32>,
        %parallel_loop3A_225 = vector.shape_cast %parallel_loop3A_224 : vector<1x16xf32> to vector<16xf32>
        %parallel_loop3A_226 = arith.constant 8.000000e+00 : f32
        %parallel_loop3A_227 = vector.broadcast %parallel_loop3A_226 : f32 to vector<16xf32>
        %parallel_loop3A_228 = arith.mulf %parallel_loop3A_225, %parallel_loop3A_227 : vector<16xf32>
        %parallel_loop3A_229 = arith.index_cast %parallel_loop3A_205 : i32 to index
        %parallel_loop3A_230 = arith.constant 16 : index
        %parallel_loop3A_231 = tpu.vector_load %arg9[%parallel_loop3A_229, %parallel_loop3A_230] {strides = array<i32>} : memref<160x64xf32, #tpu.memory_space<vmem>>, vector<1x16xf32>,
        %parallel_loop3A_232 = vector.shape_cast %parallel_loop3A_231 : vector<1x16xf32> to vector<16xf32>
        %parallel_loop3A_233 = vector.shape_cast %parallel_loop3A_228 : vector<16xf32> to vector<1x16xf32>
        tpu.vector_store %arg9[%parallel_loop3A_229, %parallel_loop3A_230], %parallel_loop3A_233 {strides = array<i32>} : memref<160x64xf32, #tpu.memory_space<vmem>>, vector<1x16xf32>,
        %parallel_loop3A_234 = arith.constant 32 : i32
        %parallel_loop3A_235 = arith.addi %parallel_loop3A_203, %parallel_loop3A_234 : i32
        %parallel_loop3A_236 = arith.index_cast %parallel_loop3A_205 : i32 to index
        %parallel_loop3A_237 = arith.index_cast %parallel_loop3A_235 : i32 to index
        %parallel_loop3A_238 = tpu.vector_load %arg8[%parallel_loop3A_236, %parallel_loop3A_237] {strides = array<i32>} : memref<160x128xf32, #tpu.memory_space<vmem>>, vector<1x16xf32>,
        %parallel_loop3A_239 = vector.shape_cast %parallel_loop3A_238 : vector<1x16xf32> to vector<16xf32>
        %parallel_loop3A_240 = arith.constant 8.000000e+00 : f32
        %parallel_loop3A_241 = vector.broadcast %parallel_loop3A_240 : f32 to vector<16xf32>
        %parallel_loop3A_242 = arith.mulf %parallel_loop3A_239, %parallel_loop3A_241 : vector<16xf32>
        %parallel_loop3A_243 = arith.index_cast %parallel_loop3A_205 : i32 to index
        %parallel_loop3A_244 = arith.constant 32 : index
        %parallel_loop3A_245 = tpu.vector_load %arg9[%parallel_loop3A_243, %parallel_loop3A_244] {strides = array<i32>} : memref<160x64xf32, #tpu.memory_space<vmem>>, vector<1x16xf32>,
        %parallel_loop3A_246 = vector.shape_cast %parallel_loop3A_245 : vector<1x16xf32> to vector<16xf32>
        %parallel_loop3A_247 = vector.shape_cast %parallel_loop3A_242 : vector<16xf32> to vector<1x16xf32>
        tpu.vector_store %arg9[%parallel_loop3A_243, %parallel_loop3A_244], %parallel_loop3A_247 {strides = array<i32>} : memref<160x64xf32, #tpu.memory_space<vmem>>, vector<1x16xf32>,
        %parallel_loop3A_248 = arith.constant 48 : i32
        %parallel_loop3A_249 = arith.addi %parallel_loop3A_203, %parallel_loop3A_248 : i32
        %parallel_loop3A_250 = arith.index_cast %parallel_loop3A_205 : i32 to index
        %parallel_loop3A_251 = arith.index_cast %parallel_loop3A_249 : i32 to index
        %parallel_loop3A_252 = tpu.vector_load %arg8[%parallel_loop3A_250, %parallel_loop3A_251] {strides = array<i32>} : memref<160x128xf32, #tpu.memory_space<vmem>>, vector<1x16xf32>,
        %parallel_loop3A_253 = vector.shape_cast %parallel_loop3A_252 : vector<1x16xf32> to vector<16xf32>
        %parallel_loop3A_254 = arith.constant 8.000000e+00 : f32
        %parallel_loop3A_255 = vector.broadcast %parallel_loop3A_254 : f32 to vector<16xf32>
        %parallel_loop3A_256 = arith.mulf %parallel_loop3A_253, %parallel_loop3A_255 : vector<16xf32>
        %parallel_loop3A_257 = arith.index_cast %parallel_loop3A_205 : i32 to index
        %parallel_loop3A_258 = arith.constant 48 : index
        %parallel_loop3A_259 = tpu.vector_load %arg9[%parallel_loop3A_257, %parallel_loop3A_258] {strides = array<i32>} : memref<160x64xf32, #tpu.memory_space<vmem>>, vector<1x16xf32>,
        %parallel_loop3A_260 = vector.shape_cast %parallel_loop3A_259 : vector<1x16xf32> to vector<16xf32>
        %parallel_loop3A_261 = vector.shape_cast %parallel_loop3A_256 : vector<16xf32> to vector<1x16xf32>
        tpu.vector_store %arg9[%parallel_loop3A_257, %parallel_loop3A_258], %parallel_loop3A_261 {strides = array<i32>} : memref<160x64xf32, #tpu.memory_space<vmem>>, vector<1x16xf32>,
        %parallel_loop3A_262 = vector.extract_strided_slice %parallel_loop3A_81 {offsets = [3], sizes = [1], strides = [1]} : vector<16xi32> to vector<1xi32>
        %parallel_loop3A_263 = vector.extract %parallel_loop3A_262[0] : i32 from vector<1xi32>
        %parallel_loop3A_264 = arith.constant 3 : i32
        %parallel_loop3A_265 = arith.addi %parallel_loop3A_78, %parallel_loop3A_264 : i32
        %parallel_loop3A_266 = arith.constant 0 : i32
        %parallel_loop3A_267 = arith.addi %parallel_loop3A_263, %parallel_loop3A_266 : i32
        %parallel_loop3A_268 = arith.index_cast %parallel_loop3A_265 : i32 to index
        %parallel_loop3A_269 = arith.index_cast %parallel_loop3A_267 : i32 to index
        %parallel_loop3A_270 = tpu.vector_load %arg8[%parallel_loop3A_268, %parallel_loop3A_269] {strides = array<i32>} : memref<160x128xf32, #tpu.memory_space<vmem>>, vector<1x16xf32>,
        %parallel_loop3A_271 = vector.shape_cast %parallel_loop3A_270 : vector<1x16xf32> to vector<16xf32>
        %parallel_loop3A_272 = arith.constant 8.000000e+00 : f32
        %parallel_loop3A_273 = vector.broadcast %parallel_loop3A_272 : f32 to vector<16xf32>
        %parallel_loop3A_274 = arith.mulf %parallel_loop3A_271, %parallel_loop3A_273 : vector<16xf32>
        %parallel_loop3A_275 = arith.index_cast %parallel_loop3A_265 : i32 to index
        %parallel_loop3A_276 = arith.constant 0 : index
        %parallel_loop3A_277 = tpu.vector_load %arg9[%parallel_loop3A_275, %parallel_loop3A_276] {strides = array<i32>} : memref<160x64xf32, #tpu.memory_space<vmem>>, vector<1x16xf32>,
        %parallel_loop3A_278 = vector.shape_cast %parallel_loop3A_277 : vector<1x16xf32> to vector<16xf32>
        %parallel_loop3A_279 = vector.shape_cast %parallel_loop3A_274 : vector<16xf32> to vector<1x16xf32>
        tpu.vector_store %arg9[%parallel_loop3A_275, %parallel_loop3A_276], %parallel_loop3A_279 {strides = array<i32>} : memref<160x64xf32, #tpu.memory_space<vmem>>, vector<1x16xf32>,
        %parallel_loop3A_280 = arith.constant 16 : i32
        %parallel_loop3A_281 = arith.addi %parallel_loop3A_263, %parallel_loop3A_280 : i32
        %parallel_loop3A_282 = arith.index_cast %parallel_loop3A_265 : i32 to index
        %parallel_loop3A_283 = arith.index_cast %parallel_loop3A_281 : i32 to index
        %parallel_loop3A_284 = tpu.vector_load %arg8[%parallel_loop3A_282, %parallel_loop3A_283] {strides = array<i32>} : memref<160x128xf32, #tpu.memory_space<vmem>>, vector<1x16xf32>,
        %parallel_loop3A_285 = vector.shape_cast %parallel_loop3A_284 : vector<1x16xf32> to vector<16xf32>
        %parallel_loop3A_286 = arith.constant 8.000000e+00 : f32
        %parallel_loop3A_287 = vector.broadcast %parallel_loop3A_286 : f32 to vector<16xf32>
        %parallel_loop3A_288 = arith.mulf %parallel_loop3A_285, %parallel_loop3A_287 : vector<16xf32>
        %parallel_loop3A_289 = arith.index_cast %parallel_loop3A_265 : i32 to index
        %parallel_loop3A_290 = arith.constant 16 : index
        %parallel_loop3A_291 = tpu.vector_load %arg9[%parallel_loop3A_289, %parallel_loop3A_290] {strides = array<i32>} : memref<160x64xf32, #tpu.memory_space<vmem>>, vector<1x16xf32>,
        %parallel_loop3A_292 = vector.shape_cast %parallel_loop3A_291 : vector<1x16xf32> to vector<16xf32>
        %parallel_loop3A_293 = vector.shape_cast %parallel_loop3A_288 : vector<16xf32> to vector<1x16xf32>
        tpu.vector_store %arg9[%parallel_loop3A_289, %parallel_loop3A_290], %parallel_loop3A_293 {strides = array<i32>} : memref<160x64xf32, #tpu.memory_space<vmem>>, vector<1x16xf32>,
        %parallel_loop3A_294 = arith.constant 32 : i32
        %parallel_loop3A_295 = arith.addi %parallel_loop3A_263, %parallel_loop3A_294 : i32
        %parallel_loop3A_296 = arith.index_cast %parallel_loop3A_265 : i32 to index
        %parallel_loop3A_297 = arith.index_cast %parallel_loop3A_295 : i32 to index
        %parallel_loop3A_298 = tpu.vector_load %arg8[%parallel_loop3A_296, %parallel_loop3A_297] {strides = array<i32>} : memref<160x128xf32, #tpu.memory_space<vmem>>, vector<1x16xf32>,
        %parallel_loop3A_299 = vector.shape_cast %parallel_loop3A_298 : vector<1x16xf32> to vector<16xf32>
        %parallel_loop3A_300 = arith.constant 8.000000e+00 : f32
        %parallel_loop3A_301 = vector.broadcast %parallel_loop3A_300 : f32 to vector<16xf32>
        %parallel_loop3A_302 = arith.mulf %parallel_loop3A_299, %parallel_loop3A_301 : vector<16xf32>
        %parallel_loop3A_303 = arith.index_cast %parallel_loop3A_265 : i32 to index
        %parallel_loop3A_304 = arith.constant 32 : index
        %parallel_loop3A_305 = tpu.vector_load %arg9[%parallel_loop3A_303, %parallel_loop3A_304] {strides = array<i32>} : memref<160x64xf32, #tpu.memory_space<vmem>>, vector<1x16xf32>,
        %parallel_loop3A_306 = vector.shape_cast %parallel_loop3A_305 : vector<1x16xf32> to vector<16xf32>
        %parallel_loop3A_307 = vector.shape_cast %parallel_loop3A_302 : vector<16xf32> to vector<1x16xf32>
        tpu.vector_store %arg9[%parallel_loop3A_303, %parallel_loop3A_304], %parallel_loop3A_307 {strides = array<i32>} : memref<160x64xf32, #tpu.memory_space<vmem>>, vector<1x16xf32>,
        %parallel_loop3A_308 = arith.constant 48 : i32
        %parallel_loop3A_309 = arith.addi %parallel_loop3A_263, %parallel_loop3A_308 : i32
        %parallel_loop3A_310 = arith.index_cast %parallel_loop3A_265 : i32 to index
        %parallel_loop3A_311 = arith.index_cast %parallel_loop3A_309 : i32 to index
        %parallel_loop3A_312 = tpu.vector_load %arg8[%parallel_loop3A_310, %parallel_loop3A_311] {strides = array<i32>} : memref<160x128xf32, #tpu.memory_space<vmem>>, vector<1x16xf32>,
        %parallel_loop3A_313 = vector.shape_cast %parallel_loop3A_312 : vector<1x16xf32> to vector<16xf32>
        %parallel_loop3A_314 = arith.constant 8.000000e+00 : f32
        %parallel_loop3A_315 = vector.broadcast %parallel_loop3A_314 : f32 to vector<16xf32>
        %parallel_loop3A_316 = arith.mulf %parallel_loop3A_313, %parallel_loop3A_315 : vector<16xf32>
        %parallel_loop3A_317 = arith.index_cast %parallel_loop3A_265 : i32 to index
        %parallel_loop3A_318 = arith.constant 48 : index
        %parallel_loop3A_319 = tpu.vector_load %arg9[%parallel_loop3A_317, %parallel_loop3A_318] {strides = array<i32>} : memref<160x64xf32, #tpu.memory_space<vmem>>, vector<1x16xf32>,
        %parallel_loop3A_320 = vector.shape_cast %parallel_loop3A_319 : vector<1x16xf32> to vector<16xf32>
        %parallel_loop3A_321 = vector.shape_cast %parallel_loop3A_316 : vector<16xf32> to vector<1x16xf32>
        tpu.vector_store %arg9[%parallel_loop3A_317, %parallel_loop3A_318], %parallel_loop3A_321 {strides = array<i32>} : memref<160x64xf32, #tpu.memory_space<vmem>>, vector<1x16xf32>,
        %parallel_loop3A_322 = vector.extract_strided_slice %parallel_loop3A_81 {offsets = [4], sizes = [1], strides = [1]} : vector<16xi32> to vector<1xi32>
        %parallel_loop3A_323 = vector.extract %parallel_loop3A_322[0] : i32 from vector<1xi32>
        %parallel_loop3A_324 = arith.constant 4 : i32
        %parallel_loop3A_325 = arith.addi %parallel_loop3A_78, %parallel_loop3A_324 : i32
        %parallel_loop3A_326 = arith.constant 0 : i32
        %parallel_loop3A_327 = arith.addi %parallel_loop3A_323, %parallel_loop3A_326 : i32
        %parallel_loop3A_328 = arith.index_cast %parallel_loop3A_325 : i32 to index
        %parallel_loop3A_329 = arith.index_cast %parallel_loop3A_327 : i32 to index
        %parallel_loop3A_330 = tpu.vector_load %arg8[%parallel_loop3A_328, %parallel_loop3A_329] {strides = array<i32>} : memref<160x128xf32, #tpu.memory_space<vmem>>, vector<1x16xf32>,
        %parallel_loop3A_331 = vector.shape_cast %parallel_loop3A_330 : vector<1x16xf32> to vector<16xf32>
        %parallel_loop3A_332 = arith.constant 8.000000e+00 : f32
        %parallel_loop3A_333 = vector.broadcast %parallel_loop3A_332 : f32 to vector<16xf32>
        %parallel_loop3A_334 = arith.mulf %parallel_loop3A_331, %parallel_loop3A_333 : vector<16xf32>
        %parallel_loop3A_335 = arith.index_cast %parallel_loop3A_325 : i32 to index
        %parallel_loop3A_336 = arith.constant 0 : index
        %parallel_loop3A_337 = tpu.vector_load %arg9[%parallel_loop3A_335, %parallel_loop3A_336] {strides = array<i32>} : memref<160x64xf32, #tpu.memory_space<vmem>>, vector<1x16xf32>,
        %parallel_loop3A_338 = vector.shape_cast %parallel_loop3A_337 : vector<1x16xf32> to vector<16xf32>
        %parallel_loop3A_339 = vector.shape_cast %parallel_loop3A_334 : vector<16xf32> to vector<1x16xf32>
        tpu.vector_store %arg9[%parallel_loop3A_335, %parallel_loop3A_336], %parallel_loop3A_339 {strides = array<i32>} : memref<160x64xf32, #tpu.memory_space<vmem>>, vector<1x16xf32>,
        %parallel_loop3A_340 = arith.constant 16 : i32
        %parallel_loop3A_341 = arith.addi %parallel_loop3A_323, %parallel_loop3A_340 : i32
        %parallel_loop3A_342 = arith.index_cast %parallel_loop3A_325 : i32 to index
        %parallel_loop3A_343 = arith.index_cast %parallel_loop3A_341 : i32 to index
        %parallel_loop3A_344 = tpu.vector_load %arg8[%parallel_loop3A_342, %parallel_loop3A_343] {strides = array<i32>} : memref<160x128xf32, #tpu.memory_space<vmem>>, vector<1x16xf32>,
        %parallel_loop3A_345 = vector.shape_cast %parallel_loop3A_344 : vector<1x16xf32> to vector<16xf32>
        %parallel_loop3A_346 = arith.constant 8.000000e+00 : f32
        %parallel_loop3A_347 = vector.broadcast %parallel_loop3A_346 : f32 to vector<16xf32>
        %parallel_loop3A_348 = arith.mulf %parallel_loop3A_345, %parallel_loop3A_347 : vector<16xf32>
        %parallel_loop3A_349 = arith.index_cast %parallel_loop3A_325 : i32 to index
        %parallel_loop3A_350 = arith.constant 16 : index
        %parallel_loop3A_351 = tpu.vector_load %arg9[%parallel_loop3A_349, %parallel_loop3A_350] {strides = array<i32>} : memref<160x64xf32, #tpu.memory_space<vmem>>, vector<1x16xf32>,
        %parallel_loop3A_352 = vector.shape_cast %parallel_loop3A_351 : vector<1x16xf32> to vector<16xf32>
        %parallel_loop3A_353 = vector.shape_cast %parallel_loop3A_348 : vector<16xf32> to vector<1x16xf32>
        tpu.vector_store %arg9[%parallel_loop3A_349, %parallel_loop3A_350], %parallel_loop3A_353 {strides = array<i32>} : memref<160x64xf32, #tpu.memory_space<vmem>>, vector<1x16xf32>,
        %parallel_loop3A_354 = arith.constant 32 : i32
        %parallel_loop3A_355 = arith.addi %parallel_loop3A_323, %parallel_loop3A_354 : i32
        %parallel_loop3A_356 = arith.index_cast %parallel_loop3A_325 : i32 to index
        %parallel_loop3A_357 = arith.index_cast %parallel_loop3A_355 : i32 to index
        %parallel_loop3A_358 = tpu.vector_load %arg8[%parallel_loop3A_356, %parallel_loop3A_357] {strides = array<i32>} : memref<160x128xf32, #tpu.memory_space<vmem>>, vector<1x16xf32>,
        %parallel_loop3A_359 = vector.shape_cast %parallel_loop3A_358 : vector<1x16xf32> to vector<16xf32>
        %parallel_loop3A_360 = arith.constant 8.000000e+00 : f32
        %parallel_loop3A_361 = vector.broadcast %parallel_loop3A_360 : f32 to vector<16xf32>
        %parallel_loop3A_362 = arith.mulf %parallel_loop3A_359, %parallel_loop3A_361 : vector<16xf32>
        %parallel_loop3A_363 = arith.index_cast %parallel_loop3A_325 : i32 to index
        %parallel_loop3A_364 = arith.constant 32 : index
        %parallel_loop3A_365 = tpu.vector_load %arg9[%parallel_loop3A_363, %parallel_loop3A_364] {strides = array<i32>} : memref<160x64xf32, #tpu.memory_space<vmem>>, vector<1x16xf32>,
        %parallel_loop3A_366 = vector.shape_cast %parallel_loop3A_365 : vector<1x16xf32> to vector<16xf32>
        %parallel_loop3A_367 = vector.shape_cast %parallel_loop3A_362 : vector<16xf32> to vector<1x16xf32>
        tpu.vector_store %arg9[%parallel_loop3A_363, %parallel_loop3A_364], %parallel_loop3A_367 {strides = array<i32>} : memref<160x64xf32, #tpu.memory_space<vmem>>, vector<1x16xf32>,
        %parallel_loop3A_368 = arith.constant 48 : i32
        %parallel_loop3A_369 = arith.addi %parallel_loop3A_323, %parallel_loop3A_368 : i32
        %parallel_loop3A_370 = arith.index_cast %parallel_loop3A_325 : i32 to index
        %parallel_loop3A_371 = arith.index_cast %parallel_loop3A_369 : i32 to index
        %parallel_loop3A_372 = tpu.vector_load %arg8[%parallel_loop3A_370, %parallel_loop3A_371] {strides = array<i32>} : memref<160x128xf32, #tpu.memory_space<vmem>>, vector<1x16xf32>,
        %parallel_loop3A_373 = vector.shape_cast %parallel_loop3A_372 : vector<1x16xf32> to vector<16xf32>
        %parallel_loop3A_374 = arith.constant 8.000000e+00 : f32
        %parallel_loop3A_375 = vector.broadcast %parallel_loop3A_374 : f32 to vector<16xf32>
        %parallel_loop3A_376 = arith.mulf %parallel_loop3A_373, %parallel_loop3A_375 : vector<16xf32>
        %parallel_loop3A_377 = arith.index_cast %parallel_loop3A_325 : i32 to index
        %parallel_loop3A_378 = arith.constant 48 : index
        %parallel_loop3A_379 = tpu.vector_load %arg9[%parallel_loop3A_377, %parallel_loop3A_378] {strides = array<i32>} : memref<160x64xf32, #tpu.memory_space<vmem>>, vector<1x16xf32>,
        %parallel_loop3A_380 = vector.shape_cast %parallel_loop3A_379 : vector<1x16xf32> to vector<16xf32>
        %parallel_loop3A_381 = vector.shape_cast %parallel_loop3A_376 : vector<16xf32> to vector<1x16xf32>
        tpu.vector_store %arg9[%parallel_loop3A_377, %parallel_loop3A_378], %parallel_loop3A_381 {strides = array<i32>} : memref<160x64xf32, #tpu.memory_space<vmem>>, vector<1x16xf32>,
        %parallel_loop3A_382 = vector.extract_strided_slice %parallel_loop3A_81 {offsets = [5], sizes = [1], strides = [1]} : vector<16xi32> to vector<1xi32>
        %parallel_loop3A_383 = vector.extract %parallel_loop3A_382[0] : i32 from vector<1xi32>
        %parallel_loop3A_384 = arith.constant 5 : i32
        %parallel_loop3A_385 = arith.addi %parallel_loop3A_78, %parallel_loop3A_384 : i32
        %parallel_loop3A_386 = arith.constant 0 : i32
        %parallel_loop3A_387 = arith.addi %parallel_loop3A_383, %parallel_loop3A_386 : i32
        %parallel_loop3A_388 = arith.index_cast %parallel_loop3A_385 : i32 to index
        %parallel_loop3A_389 = arith.index_cast %parallel_loop3A_387 : i32 to index
        %parallel_loop3A_390 = tpu.vector_load %arg8[%parallel_loop3A_388, %parallel_loop3A_389] {strides = array<i32>} : memref<160x128xf32, #tpu.memory_space<vmem>>, vector<1x16xf32>,
        %parallel_loop3A_391 = vector.shape_cast %parallel_loop3A_390 : vector<1x16xf32> to vector<16xf32>
        %parallel_loop3A_392 = arith.constant 8.000000e+00 : f32
        %parallel_loop3A_393 = vector.broadcast %parallel_loop3A_392 : f32 to vector<16xf32>
        %parallel_loop3A_394 = arith.mulf %parallel_loop3A_391, %parallel_loop3A_393 : vector<16xf32>
        %parallel_loop3A_395 = arith.index_cast %parallel_loop3A_385 : i32 to index
        %parallel_loop3A_396 = arith.constant 0 : index
        %parallel_loop3A_397 = tpu.vector_load %arg9[%parallel_loop3A_395, %parallel_loop3A_396] {strides = array<i32>} : memref<160x64xf32, #tpu.memory_space<vmem>>, vector<1x16xf32>,
        %parallel_loop3A_398 = vector.shape_cast %parallel_loop3A_397 : vector<1x16xf32> to vector<16xf32>
        %parallel_loop3A_399 = vector.shape_cast %parallel_loop3A_394 : vector<16xf32> to vector<1x16xf32>
        tpu.vector_store %arg9[%parallel_loop3A_395, %parallel_loop3A_396], %parallel_loop3A_399 {strides = array<i32>} : memref<160x64xf32, #tpu.memory_space<vmem>>, vector<1x16xf32>,
        %parallel_loop3A_400 = arith.constant 16 : i32
        %parallel_loop3A_401 = arith.addi %parallel_loop3A_383, %parallel_loop3A_400 : i32
        %parallel_loop3A_402 = arith.index_cast %parallel_loop3A_385 : i32 to index
        %parallel_loop3A_403 = arith.index_cast %parallel_loop3A_401 : i32 to index
        %parallel_loop3A_404 = tpu.vector_load %arg8[%parallel_loop3A_402, %parallel_loop3A_403] {strides = array<i32>} : memref<160x128xf32, #tpu.memory_space<vmem>>, vector<1x16xf32>,
        %parallel_loop3A_405 = vector.shape_cast %parallel_loop3A_404 : vector<1x16xf32> to vector<16xf32>
        %parallel_loop3A_406 = arith.constant 8.000000e+00 : f32
        %parallel_loop3A_407 = vector.broadcast %parallel_loop3A_406 : f32 to vector<16xf32>
        %parallel_loop3A_408 = arith.mulf %parallel_loop3A_405, %parallel_loop3A_407 : vector<16xf32>
        %parallel_loop3A_409 = arith.index_cast %parallel_loop3A_385 : i32 to index
        %parallel_loop3A_410 = arith.constant 16 : index
        %parallel_loop3A_411 = tpu.vector_load %arg9[%parallel_loop3A_409, %parallel_loop3A_410] {strides = array<i32>} : memref<160x64xf32, #tpu.memory_space<vmem>>, vector<1x16xf32>,
        %parallel_loop3A_412 = vector.shape_cast %parallel_loop3A_411 : vector<1x16xf32> to vector<16xf32>
        %parallel_loop3A_413 = vector.shape_cast %parallel_loop3A_408 : vector<16xf32> to vector<1x16xf32>
        tpu.vector_store %arg9[%parallel_loop3A_409, %parallel_loop3A_410], %parallel_loop3A_413 {strides = array<i32>} : memref<160x64xf32, #tpu.memory_space<vmem>>, vector<1x16xf32>,
        %parallel_loop3A_414 = arith.constant 32 : i32
        %parallel_loop3A_415 = arith.addi %parallel_loop3A_383, %parallel_loop3A_414 : i32
        %parallel_loop3A_416 = arith.index_cast %parallel_loop3A_385 : i32 to index
        %parallel_loop3A_417 = arith.index_cast %parallel_loop3A_415 : i32 to index
        %parallel_loop3A_418 = tpu.vector_load %arg8[%parallel_loop3A_416, %parallel_loop3A_417] {strides = array<i32>} : memref<160x128xf32, #tpu.memory_space<vmem>>, vector<1x16xf32>,
        %parallel_loop3A_419 = vector.shape_cast %parallel_loop3A_418 : vector<1x16xf32> to vector<16xf32>
        %parallel_loop3A_420 = arith.constant 8.000000e+00 : f32
        %parallel_loop3A_421 = vector.broadcast %parallel_loop3A_420 : f32 to vector<16xf32>
        %parallel_loop3A_422 = arith.mulf %parallel_loop3A_419, %parallel_loop3A_421 : vector<16xf32>
        %parallel_loop3A_423 = arith.index_cast %parallel_loop3A_385 : i32 to index
        %parallel_loop3A_424 = arith.constant 32 : index
        %parallel_loop3A_425 = tpu.vector_load %arg9[%parallel_loop3A_423, %parallel_loop3A_424] {strides = array<i32>} : memref<160x64xf32, #tpu.memory_space<vmem>>, vector<1x16xf32>,
        %parallel_loop3A_426 = vector.shape_cast %parallel_loop3A_425 : vector<1x16xf32> to vector<16xf32>
        %parallel_loop3A_427 = vector.shape_cast %parallel_loop3A_422 : vector<16xf32> to vector<1x16xf32>
        tpu.vector_store %arg9[%parallel_loop3A_423, %parallel_loop3A_424], %parallel_loop3A_427 {strides = array<i32>} : memref<160x64xf32, #tpu.memory_space<vmem>>, vector<1x16xf32>,
        %parallel_loop3A_428 = arith.constant 48 : i32
        %parallel_loop3A_429 = arith.addi %parallel_loop3A_383, %parallel_loop3A_428 : i32
        %parallel_loop3A_430 = arith.index_cast %parallel_loop3A_385 : i32 to index
        %parallel_loop3A_431 = arith.index_cast %parallel_loop3A_429 : i32 to index
        %parallel_loop3A_432 = tpu.vector_load %arg8[%parallel_loop3A_430, %parallel_loop3A_431] {strides = array<i32>} : memref<160x128xf32, #tpu.memory_space<vmem>>, vector<1x16xf32>,
        %parallel_loop3A_433 = vector.shape_cast %parallel_loop3A_432 : vector<1x16xf32> to vector<16xf32>
        %parallel_loop3A_434 = arith.constant 8.000000e+00 : f32
        %parallel_loop3A_435 = vector.broadcast %parallel_loop3A_434 : f32 to vector<16xf32>
        %parallel_loop3A_436 = arith.mulf %parallel_loop3A_433, %parallel_loop3A_435 : vector<16xf32>
        %parallel_loop3A_437 = arith.index_cast %parallel_loop3A_385 : i32 to index
        %parallel_loop3A_438 = arith.constant 48 : index
        %parallel_loop3A_439 = tpu.vector_load %arg9[%parallel_loop3A_437, %parallel_loop3A_438] {strides = array<i32>} : memref<160x64xf32, #tpu.memory_space<vmem>>, vector<1x16xf32>,
        %parallel_loop3A_440 = vector.shape_cast %parallel_loop3A_439 : vector<1x16xf32> to vector<16xf32>
        %parallel_loop3A_441 = vector.shape_cast %parallel_loop3A_436 : vector<16xf32> to vector<1x16xf32>
        tpu.vector_store %arg9[%parallel_loop3A_437, %parallel_loop3A_438], %parallel_loop3A_441 {strides = array<i32>} : memref<160x64xf32, #tpu.memory_space<vmem>>, vector<1x16xf32>,
        %parallel_loop3A_442 = vector.extract_strided_slice %parallel_loop3A_81 {offsets = [6], sizes = [1], strides = [1]} : vector<16xi32> to vector<1xi32>
        %parallel_loop3A_443 = vector.extract %parallel_loop3A_442[0] : i32 from vector<1xi32>
        %parallel_loop3A_444 = arith.constant 6 : i32
        %parallel_loop3A_445 = arith.addi %parallel_loop3A_78, %parallel_loop3A_444 : i32
        %parallel_loop3A_446 = arith.constant 0 : i32
        %parallel_loop3A_447 = arith.addi %parallel_loop3A_443, %parallel_loop3A_446 : i32
        %parallel_loop3A_448 = arith.index_cast %parallel_loop3A_445 : i32 to index
        %parallel_loop3A_449 = arith.index_cast %parallel_loop3A_447 : i32 to index
        %parallel_loop3A_450 = tpu.vector_load %arg8[%parallel_loop3A_448, %parallel_loop3A_449] {strides = array<i32>} : memref<160x128xf32, #tpu.memory_space<vmem>>, vector<1x16xf32>,
        %parallel_loop3A_451 = vector.shape_cast %parallel_loop3A_450 : vector<1x16xf32> to vector<16xf32>
        %parallel_loop3A_452 = arith.constant 8.000000e+00 : f32
        %parallel_loop3A_453 = vector.broadcast %parallel_loop3A_452 : f32 to vector<16xf32>
        %parallel_loop3A_454 = arith.mulf %parallel_loop3A_451, %parallel_loop3A_453 : vector<16xf32>
        %parallel_loop3A_455 = arith.index_cast %parallel_loop3A_445 : i32 to index
        %parallel_loop3A_456 = arith.constant 0 : index
        %parallel_loop3A_457 = tpu.vector_load %arg9[%parallel_loop3A_455, %parallel_loop3A_456] {strides = array<i32>} : memref<160x64xf32, #tpu.memory_space<vmem>>, vector<1x16xf32>,
        %parallel_loop3A_458 = vector.shape_cast %parallel_loop3A_457 : vector<1x16xf32> to vector<16xf32>
        %parallel_loop3A_459 = vector.shape_cast %parallel_loop3A_454 : vector<16xf32> to vector<1x16xf32>
        tpu.vector_store %arg9[%parallel_loop3A_455, %parallel_loop3A_456], %parallel_loop3A_459 {strides = array<i32>} : memref<160x64xf32, #tpu.memory_space<vmem>>, vector<1x16xf32>,
        %parallel_loop3A_460 = arith.constant 16 : i32
        %parallel_loop3A_461 = arith.addi %parallel_loop3A_443, %parallel_loop3A_460 : i32
        %parallel_loop3A_462 = arith.index_cast %parallel_loop3A_445 : i32 to index
        %parallel_loop3A_463 = arith.index_cast %parallel_loop3A_461 : i32 to index
        %parallel_loop3A_464 = tpu.vector_load %arg8[%parallel_loop3A_462, %parallel_loop3A_463] {strides = array<i32>} : memref<160x128xf32, #tpu.memory_space<vmem>>, vector<1x16xf32>,
        %parallel_loop3A_465 = vector.shape_cast %parallel_loop3A_464 : vector<1x16xf32> to vector<16xf32>
        %parallel_loop3A_466 = arith.constant 8.000000e+00 : f32
        %parallel_loop3A_467 = vector.broadcast %parallel_loop3A_466 : f32 to vector<16xf32>
        %parallel_loop3A_468 = arith.mulf %parallel_loop3A_465, %parallel_loop3A_467 : vector<16xf32>
        %parallel_loop3A_469 = arith.index_cast %parallel_loop3A_445 : i32 to index
        %parallel_loop3A_470 = arith.constant 16 : index
        %parallel_loop3A_471 = tpu.vector_load %arg9[%parallel_loop3A_469, %parallel_loop3A_470] {strides = array<i32>} : memref<160x64xf32, #tpu.memory_space<vmem>>, vector<1x16xf32>,
        %parallel_loop3A_472 = vector.shape_cast %parallel_loop3A_471 : vector<1x16xf32> to vector<16xf32>
        %parallel_loop3A_473 = vector.shape_cast %parallel_loop3A_468 : vector<16xf32> to vector<1x16xf32>
        tpu.vector_store %arg9[%parallel_loop3A_469, %parallel_loop3A_470], %parallel_loop3A_473 {strides = array<i32>} : memref<160x64xf32, #tpu.memory_space<vmem>>, vector<1x16xf32>,
        %parallel_loop3A_474 = arith.constant 32 : i32
        %parallel_loop3A_475 = arith.addi %parallel_loop3A_443, %parallel_loop3A_474 : i32
        %parallel_loop3A_476 = arith.index_cast %parallel_loop3A_445 : i32 to index
        %parallel_loop3A_477 = arith.index_cast %parallel_loop3A_475 : i32 to index
        %parallel_loop3A_478 = tpu.vector_load %arg8[%parallel_loop3A_476, %parallel_loop3A_477] {strides = array<i32>} : memref<160x128xf32, #tpu.memory_space<vmem>>, vector<1x16xf32>,
        %parallel_loop3A_479 = vector.shape_cast %parallel_loop3A_478 : vector<1x16xf32> to vector<16xf32>
        %parallel_loop3A_480 = arith.constant 8.000000e+00 : f32
        %parallel_loop3A_481 = vector.broadcast %parallel_loop3A_480 : f32 to vector<16xf32>
        %parallel_loop3A_482 = arith.mulf %parallel_loop3A_479, %parallel_loop3A_481 : vector<16xf32>
        %parallel_loop3A_483 = arith.index_cast %parallel_loop3A_445 : i32 to index
        %parallel_loop3A_484 = arith.constant 32 : index
        %parallel_loop3A_485 = tpu.vector_load %arg9[%parallel_loop3A_483, %parallel_loop3A_484] {strides = array<i32>} : memref<160x64xf32, #tpu.memory_space<vmem>>, vector<1x16xf32>,
        %parallel_loop3A_486 = vector.shape_cast %parallel_loop3A_485 : vector<1x16xf32> to vector<16xf32>
        %parallel_loop3A_487 = vector.shape_cast %parallel_loop3A_482 : vector<16xf32> to vector<1x16xf32>
        tpu.vector_store %arg9[%parallel_loop3A_483, %parallel_loop3A_484], %parallel_loop3A_487 {strides = array<i32>} : memref<160x64xf32, #tpu.memory_space<vmem>>, vector<1x16xf32>,
        %parallel_loop3A_488 = arith.constant 48 : i32
        %parallel_loop3A_489 = arith.addi %parallel_loop3A_443, %parallel_loop3A_488 : i32
        %parallel_loop3A_490 = arith.index_cast %parallel_loop3A_445 : i32 to index
        %parallel_loop3A_491 = arith.index_cast %parallel_loop3A_489 : i32 to index
        %parallel_loop3A_492 = tpu.vector_load %arg8[%parallel_loop3A_490, %parallel_loop3A_491] {strides = array<i32>} : memref<160x128xf32, #tpu.memory_space<vmem>>, vector<1x16xf32>,
        %parallel_loop3A_493 = vector.shape_cast %parallel_loop3A_492 : vector<1x16xf32> to vector<16xf32>
        %parallel_loop3A_494 = arith.constant 8.000000e+00 : f32
        %parallel_loop3A_495 = vector.broadcast %parallel_loop3A_494 : f32 to vector<16xf32>
        %parallel_loop3A_496 = arith.mulf %parallel_loop3A_493, %parallel_loop3A_495 : vector<16xf32>
        %parallel_loop3A_497 = arith.index_cast %parallel_loop3A_445 : i32 to index
        %parallel_loop3A_498 = arith.constant 48 : index
        %parallel_loop3A_499 = tpu.vector_load %arg9[%parallel_loop3A_497, %parallel_loop3A_498] {strides = array<i32>} : memref<160x64xf32, #tpu.memory_space<vmem>>, vector<1x16xf32>,
        %parallel_loop3A_500 = vector.shape_cast %parallel_loop3A_499 : vector<1x16xf32> to vector<16xf32>
        %parallel_loop3A_501 = vector.shape_cast %parallel_loop3A_496 : vector<16xf32> to vector<1x16xf32>
        tpu.vector_store %arg9[%parallel_loop3A_497, %parallel_loop3A_498], %parallel_loop3A_501 {strides = array<i32>} : memref<160x64xf32, #tpu.memory_space<vmem>>, vector<1x16xf32>,
        %parallel_loop3A_502 = vector.extract_strided_slice %parallel_loop3A_81 {offsets = [7], sizes = [1], strides = [1]} : vector<16xi32> to vector<1xi32>
        %parallel_loop3A_503 = vector.extract %parallel_loop3A_502[0] : i32 from vector<1xi32>
        %parallel_loop3A_504 = arith.constant 7 : i32
        %parallel_loop3A_505 = arith.addi %parallel_loop3A_78, %parallel_loop3A_504 : i32
        %parallel_loop3A_506 = arith.constant 0 : i32
        %parallel_loop3A_507 = arith.addi %parallel_loop3A_503, %parallel_loop3A_506 : i32
        %parallel_loop3A_508 = arith.index_cast %parallel_loop3A_505 : i32 to index
        %parallel_loop3A_509 = arith.index_cast %parallel_loop3A_507 : i32 to index
        %parallel_loop3A_510 = tpu.vector_load %arg8[%parallel_loop3A_508, %parallel_loop3A_509] {strides = array<i32>} : memref<160x128xf32, #tpu.memory_space<vmem>>, vector<1x16xf32>,
        %parallel_loop3A_511 = vector.shape_cast %parallel_loop3A_510 : vector<1x16xf32> to vector<16xf32>
        %parallel_loop3A_512 = arith.constant 8.000000e+00 : f32
        %parallel_loop3A_513 = vector.broadcast %parallel_loop3A_512 : f32 to vector<16xf32>
        %parallel_loop3A_514 = arith.mulf %parallel_loop3A_511, %parallel_loop3A_513 : vector<16xf32>
        %parallel_loop3A_515 = arith.index_cast %parallel_loop3A_505 : i32 to index
        %parallel_loop3A_516 = arith.constant 0 : index
        %parallel_loop3A_517 = tpu.vector_load %arg9[%parallel_loop3A_515, %parallel_loop3A_516] {strides = array<i32>} : memref<160x64xf32, #tpu.memory_space<vmem>>, vector<1x16xf32>,
        %parallel_loop3A_518 = vector.shape_cast %parallel_loop3A_517 : vector<1x16xf32> to vector<16xf32>
        %parallel_loop3A_519 = vector.shape_cast %parallel_loop3A_514 : vector<16xf32> to vector<1x16xf32>
        tpu.vector_store %arg9[%parallel_loop3A_515, %parallel_loop3A_516], %parallel_loop3A_519 {strides = array<i32>} : memref<160x64xf32, #tpu.memory_space<vmem>>, vector<1x16xf32>,
        %parallel_loop3A_520 = arith.constant 16 : i32
        %parallel_loop3A_521 = arith.addi %parallel_loop3A_503, %parallel_loop3A_520 : i32
        %parallel_loop3A_522 = arith.index_cast %parallel_loop3A_505 : i32 to index
        %parallel_loop3A_523 = arith.index_cast %parallel_loop3A_521 : i32 to index
        %parallel_loop3A_524 = tpu.vector_load %arg8[%parallel_loop3A_522, %parallel_loop3A_523] {strides = array<i32>} : memref<160x128xf32, #tpu.memory_space<vmem>>, vector<1x16xf32>,
        %parallel_loop3A_525 = vector.shape_cast %parallel_loop3A_524 : vector<1x16xf32> to vector<16xf32>
        %parallel_loop3A_526 = arith.constant 8.000000e+00 : f32
        %parallel_loop3A_527 = vector.broadcast %parallel_loop3A_526 : f32 to vector<16xf32>
        %parallel_loop3A_528 = arith.mulf %parallel_loop3A_525, %parallel_loop3A_527 : vector<16xf32>
        %parallel_loop3A_529 = arith.index_cast %parallel_loop3A_505 : i32 to index
        %parallel_loop3A_530 = arith.constant 16 : index
        %parallel_loop3A_531 = tpu.vector_load %arg9[%parallel_loop3A_529, %parallel_loop3A_530] {strides = array<i32>} : memref<160x64xf32, #tpu.memory_space<vmem>>, vector<1x16xf32>,
        %parallel_loop3A_532 = vector.shape_cast %parallel_loop3A_531 : vector<1x16xf32> to vector<16xf32>
        %parallel_loop3A_533 = vector.shape_cast %parallel_loop3A_528 : vector<16xf32> to vector<1x16xf32>
        tpu.vector_store %arg9[%parallel_loop3A_529, %parallel_loop3A_530], %parallel_loop3A_533 {strides = array<i32>} : memref<160x64xf32, #tpu.memory_space<vmem>>, vector<1x16xf32>,
        %parallel_loop3A_534 = arith.constant 32 : i32
        %parallel_loop3A_535 = arith.addi %parallel_loop3A_503, %parallel_loop3A_534 : i32
        %parallel_loop3A_536 = arith.index_cast %parallel_loop3A_505 : i32 to index
        %parallel_loop3A_537 = arith.index_cast %parallel_loop3A_535 : i32 to index
        %parallel_loop3A_538 = tpu.vector_load %arg8[%parallel_loop3A_536, %parallel_loop3A_537] {strides = array<i32>} : memref<160x128xf32, #tpu.memory_space<vmem>>, vector<1x16xf32>,
        %parallel_loop3A_539 = vector.shape_cast %parallel_loop3A_538 : vector<1x16xf32> to vector<16xf32>
        %parallel_loop3A_540 = arith.constant 8.000000e+00 : f32
        %parallel_loop3A_541 = vector.broadcast %parallel_loop3A_540 : f32 to vector<16xf32>
        %parallel_loop3A_542 = arith.mulf %parallel_loop3A_539, %parallel_loop3A_541 : vector<16xf32>
        %parallel_loop3A_543 = arith.index_cast %parallel_loop3A_505 : i32 to index
        %parallel_loop3A_544 = arith.constant 32 : index
        %parallel_loop3A_545 = tpu.vector_load %arg9[%parallel_loop3A_543, %parallel_loop3A_544] {strides = array<i32>} : memref<160x64xf32, #tpu.memory_space<vmem>>, vector<1x16xf32>,
        %parallel_loop3A_546 = vector.shape_cast %parallel_loop3A_545 : vector<1x16xf32> to vector<16xf32>
        %parallel_loop3A_547 = vector.shape_cast %parallel_loop3A_542 : vector<16xf32> to vector<1x16xf32>
        tpu.vector_store %arg9[%parallel_loop3A_543, %parallel_loop3A_544], %parallel_loop3A_547 {strides = array<i32>} : memref<160x64xf32, #tpu.memory_space<vmem>>, vector<1x16xf32>,
        %parallel_loop3A_548 = arith.constant 48 : i32
        %parallel_loop3A_549 = arith.addi %parallel_loop3A_503, %parallel_loop3A_548 : i32
        %parallel_loop3A_550 = arith.index_cast %parallel_loop3A_505 : i32 to index
        %parallel_loop3A_551 = arith.index_cast %parallel_loop3A_549 : i32 to index
        %parallel_loop3A_552 = tpu.vector_load %arg8[%parallel_loop3A_550, %parallel_loop3A_551] {strides = array<i32>} : memref<160x128xf32, #tpu.memory_space<vmem>>, vector<1x16xf32>,
        %parallel_loop3A_553 = vector.shape_cast %parallel_loop3A_552 : vector<1x16xf32> to vector<16xf32>
        %parallel_loop3A_554 = arith.constant 8.000000e+00 : f32
        %parallel_loop3A_555 = vector.broadcast %parallel_loop3A_554 : f32 to vector<16xf32>
        %parallel_loop3A_556 = arith.mulf %parallel_loop3A_553, %parallel_loop3A_555 : vector<16xf32>
        %parallel_loop3A_557 = arith.index_cast %parallel_loop3A_505 : i32 to index
        %parallel_loop3A_558 = arith.constant 48 : index
        %parallel_loop3A_559 = tpu.vector_load %arg9[%parallel_loop3A_557, %parallel_loop3A_558] {strides = array<i32>} : memref<160x64xf32, #tpu.memory_space<vmem>>, vector<1x16xf32>,
        %parallel_loop3A_560 = vector.shape_cast %parallel_loop3A_559 : vector<1x16xf32> to vector<16xf32>
        %parallel_loop3A_561 = vector.shape_cast %parallel_loop3A_556 : vector<16xf32> to vector<1x16xf32>
        tpu.vector_store %arg9[%parallel_loop3A_557, %parallel_loop3A_558], %parallel_loop3A_561 {strides = array<i32>} : memref<160x64xf32, #tpu.memory_space<vmem>>, vector<1x16xf32>,
        %parallel_loop3A_562 = vector.extract_strided_slice %parallel_loop3A_81 {offsets = [8], sizes = [1], strides = [1]} : vector<16xi32> to vector<1xi32>
        %parallel_loop3A_563 = vector.extract %parallel_loop3A_562[0] : i32 from vector<1xi32>
        %parallel_loop3A_564 = arith.constant 8 : i32
        %parallel_loop3A_565 = arith.addi %parallel_loop3A_78, %parallel_loop3A_564 : i32
        %parallel_loop3A_566 = arith.constant 0 : i32
        %parallel_loop3A_567 = arith.addi %parallel_loop3A_563, %parallel_loop3A_566 : i32
        %parallel_loop3A_568 = arith.index_cast %parallel_loop3A_565 : i32 to index
        %parallel_loop3A_569 = arith.index_cast %parallel_loop3A_567 : i32 to index
        %parallel_loop3A_570 = tpu.vector_load %arg8[%parallel_loop3A_568, %parallel_loop3A_569] {strides = array<i32>} : memref<160x128xf32, #tpu.memory_space<vmem>>, vector<1x16xf32>,
        %parallel_loop3A_571 = vector.shape_cast %parallel_loop3A_570 : vector<1x16xf32> to vector<16xf32>
        %parallel_loop3A_572 = arith.constant 8.000000e+00 : f32
        %parallel_loop3A_573 = vector.broadcast %parallel_loop3A_572 : f32 to vector<16xf32>
        %parallel_loop3A_574 = arith.mulf %parallel_loop3A_571, %parallel_loop3A_573 : vector<16xf32>
        %parallel_loop3A_575 = arith.index_cast %parallel_loop3A_565 : i32 to index
        %parallel_loop3A_576 = arith.constant 0 : index
        %parallel_loop3A_577 = tpu.vector_load %arg9[%parallel_loop3A_575, %parallel_loop3A_576] {strides = array<i32>} : memref<160x64xf32, #tpu.memory_space<vmem>>, vector<1x16xf32>,
        %parallel_loop3A_578 = vector.shape_cast %parallel_loop3A_577 : vector<1x16xf32> to vector<16xf32>
        %parallel_loop3A_579 = vector.shape_cast %parallel_loop3A_574 : vector<16xf32> to vector<1x16xf32>
        tpu.vector_store %arg9[%parallel_loop3A_575, %parallel_loop3A_576], %parallel_loop3A_579 {strides = array<i32>} : memref<160x64xf32, #tpu.memory_space<vmem>>, vector<1x16xf32>,
        %parallel_loop3A_580 = arith.constant 16 : i32
        %parallel_loop3A_581 = arith.addi %parallel_loop3A_563, %parallel_loop3A_580 : i32
        %parallel_loop3A_582 = arith.index_cast %parallel_loop3A_565 : i32 to index
        %parallel_loop3A_583 = arith.index_cast %parallel_loop3A_581 : i32 to index
        %parallel_loop3A_584 = tpu.vector_load %arg8[%parallel_loop3A_582, %parallel_loop3A_583] {strides = array<i32>} : memref<160x128xf32, #tpu.memory_space<vmem>>, vector<1x16xf32>,
        %parallel_loop3A_585 = vector.shape_cast %parallel_loop3A_584 : vector<1x16xf32> to vector<16xf32>
        %parallel_loop3A_586 = arith.constant 8.000000e+00 : f32
        %parallel_loop3A_587 = vector.broadcast %parallel_loop3A_586 : f32 to vector<16xf32>
        %parallel_loop3A_588 = arith.mulf %parallel_loop3A_585, %parallel_loop3A_587 : vector<16xf32>
        %parallel_loop3A_589 = arith.index_cast %parallel_loop3A_565 : i32 to index
        %parallel_loop3A_590 = arith.constant 16 : index
        %parallel_loop3A_591 = tpu.vector_load %arg9[%parallel_loop3A_589, %parallel_loop3A_590] {strides = array<i32>} : memref<160x64xf32, #tpu.memory_space<vmem>>, vector<1x16xf32>,
        %parallel_loop3A_592 = vector.shape_cast %parallel_loop3A_591 : vector<1x16xf32> to vector<16xf32>
        %parallel_loop3A_593 = vector.shape_cast %parallel_loop3A_588 : vector<16xf32> to vector<1x16xf32>
        tpu.vector_store %arg9[%parallel_loop3A_589, %parallel_loop3A_590], %parallel_loop3A_593 {strides = array<i32>} : memref<160x64xf32, #tpu.memory_space<vmem>>, vector<1x16xf32>,
        %parallel_loop3A_594 = arith.constant 32 : i32
        %parallel_loop3A_595 = arith.addi %parallel_loop3A_563, %parallel_loop3A_594 : i32
        %parallel_loop3A_596 = arith.index_cast %parallel_loop3A_565 : i32 to index
        %parallel_loop3A_597 = arith.index_cast %parallel_loop3A_595 : i32 to index
        %parallel_loop3A_598 = tpu.vector_load %arg8[%parallel_loop3A_596, %parallel_loop3A_597] {strides = array<i32>} : memref<160x128xf32, #tpu.memory_space<vmem>>, vector<1x16xf32>,
        %parallel_loop3A_599 = vector.shape_cast %parallel_loop3A_598 : vector<1x16xf32> to vector<16xf32>
        %parallel_loop3A_600 = arith.constant 8.000000e+00 : f32
        %parallel_loop3A_601 = vector.broadcast %parallel_loop3A_600 : f32 to vector<16xf32>
        %parallel_loop3A_602 = arith.mulf %parallel_loop3A_599, %parallel_loop3A_601 : vector<16xf32>
        %parallel_loop3A_603 = arith.index_cast %parallel_loop3A_565 : i32 to index
        %parallel_loop3A_604 = arith.constant 32 : index
        %parallel_loop3A_605 = tpu.vector_load %arg9[%parallel_loop3A_603, %parallel_loop3A_604] {strides = array<i32>} : memref<160x64xf32, #tpu.memory_space<vmem>>, vector<1x16xf32>,
        %parallel_loop3A_606 = vector.shape_cast %parallel_loop3A_605 : vector<1x16xf32> to vector<16xf32>
        %parallel_loop3A_607 = vector.shape_cast %parallel_loop3A_602 : vector<16xf32> to vector<1x16xf32>
        tpu.vector_store %arg9[%parallel_loop3A_603, %parallel_loop3A_604], %parallel_loop3A_607 {strides = array<i32>} : memref<160x64xf32, #tpu.memory_space<vmem>>, vector<1x16xf32>,
        %parallel_loop3A_608 = arith.constant 48 : i32
        %parallel_loop3A_609 = arith.addi %parallel_loop3A_563, %parallel_loop3A_608 : i32
        %parallel_loop3A_610 = arith.index_cast %parallel_loop3A_565 : i32 to index
        %parallel_loop3A_611 = arith.index_cast %parallel_loop3A_609 : i32 to index
        %parallel_loop3A_612 = tpu.vector_load %arg8[%parallel_loop3A_610, %parallel_loop3A_611] {strides = array<i32>} : memref<160x128xf32, #tpu.memory_space<vmem>>, vector<1x16xf32>,
        %parallel_loop3A_613 = vector.shape_cast %parallel_loop3A_612 : vector<1x16xf32> to vector<16xf32>
        %parallel_loop3A_614 = arith.constant 8.000000e+00 : f32
        %parallel_loop3A_615 = vector.broadcast %parallel_loop3A_614 : f32 to vector<16xf32>
        %parallel_loop3A_616 = arith.mulf %parallel_loop3A_613, %parallel_loop3A_615 : vector<16xf32>
        %parallel_loop3A_617 = arith.index_cast %parallel_loop3A_565 : i32 to index
        %parallel_loop3A_618 = arith.constant 48 : index
        %parallel_loop3A_619 = tpu.vector_load %arg9[%parallel_loop3A_617, %parallel_loop3A_618] {strides = array<i32>} : memref<160x64xf32, #tpu.memory_space<vmem>>, vector<1x16xf32>,
        %parallel_loop3A_620 = vector.shape_cast %parallel_loop3A_619 : vector<1x16xf32> to vector<16xf32>
        %parallel_loop3A_621 = vector.shape_cast %parallel_loop3A_616 : vector<16xf32> to vector<1x16xf32>
        tpu.vector_store %arg9[%parallel_loop3A_617, %parallel_loop3A_618], %parallel_loop3A_621 {strides = array<i32>} : memref<160x64xf32, #tpu.memory_space<vmem>>, vector<1x16xf32>,
        %parallel_loop3A_622 = vector.extract_strided_slice %parallel_loop3A_81 {offsets = [9], sizes = [1], strides = [1]} : vector<16xi32> to vector<1xi32>
        %parallel_loop3A_623 = vector.extract %parallel_loop3A_622[0] : i32 from vector<1xi32>
        %parallel_loop3A_624 = arith.constant 9 : i32
        %parallel_loop3A_625 = arith.addi %parallel_loop3A_78, %parallel_loop3A_624 : i32
        %parallel_loop3A_626 = arith.constant 0 : i32
        %parallel_loop3A_627 = arith.addi %parallel_loop3A_623, %parallel_loop3A_626 : i32
        %parallel_loop3A_628 = arith.index_cast %parallel_loop3A_625 : i32 to index
        %parallel_loop3A_629 = arith.index_cast %parallel_loop3A_627 : i32 to index
        %parallel_loop3A_630 = tpu.vector_load %arg8[%parallel_loop3A_628, %parallel_loop3A_629] {strides = array<i32>} : memref<160x128xf32, #tpu.memory_space<vmem>>, vector<1x16xf32>,
        %parallel_loop3A_631 = vector.shape_cast %parallel_loop3A_630 : vector<1x16xf32> to vector<16xf32>
        %parallel_loop3A_632 = arith.constant 8.000000e+00 : f32
        %parallel_loop3A_633 = vector.broadcast %parallel_loop3A_632 : f32 to vector<16xf32>
        %parallel_loop3A_634 = arith.mulf %parallel_loop3A_631, %parallel_loop3A_633 : vector<16xf32>
        %parallel_loop3A_635 = arith.index_cast %parallel_loop3A_625 : i32 to index
        %parallel_loop3A_636 = arith.constant 0 : index
        %parallel_loop3A_637 = tpu.vector_load %arg9[%parallel_loop3A_635, %parallel_loop3A_636] {strides = array<i32>} : memref<160x64xf32, #tpu.memory_space<vmem>>, vector<1x16xf32>,
        %parallel_loop3A_638 = vector.shape_cast %parallel_loop3A_637 : vector<1x16xf32> to vector<16xf32>
        %parallel_loop3A_639 = vector.shape_cast %parallel_loop3A_634 : vector<16xf32> to vector<1x16xf32>
        tpu.vector_store %arg9[%parallel_loop3A_635, %parallel_loop3A_636], %parallel_loop3A_639 {strides = array<i32>} : memref<160x64xf32, #tpu.memory_space<vmem>>, vector<1x16xf32>,
        %parallel_loop3A_640 = arith.constant 16 : i32
        %parallel_loop3A_641 = arith.addi %parallel_loop3A_623, %parallel_loop3A_640 : i32
        %parallel_loop3A_642 = arith.index_cast %parallel_loop3A_625 : i32 to index
        %parallel_loop3A_643 = arith.index_cast %parallel_loop3A_641 : i32 to index
        %parallel_loop3A_644 = tpu.vector_load %arg8[%parallel_loop3A_642, %parallel_loop3A_643] {strides = array<i32>} : memref<160x128xf32, #tpu.memory_space<vmem>>, vector<1x16xf32>,
        %parallel_loop3A_645 = vector.shape_cast %parallel_loop3A_644 : vector<1x16xf32> to vector<16xf32>
        %parallel_loop3A_646 = arith.constant 8.000000e+00 : f32
        %parallel_loop3A_647 = vector.broadcast %parallel_loop3A_646 : f32 to vector<16xf32>
        %parallel_loop3A_648 = arith.mulf %parallel_loop3A_645, %parallel_loop3A_647 : vector<16xf32>
        %parallel_loop3A_649 = arith.index_cast %parallel_loop3A_625 : i32 to index
        %parallel_loop3A_650 = arith.constant 16 : index
        %parallel_loop3A_651 = tpu.vector_load %arg9[%parallel_loop3A_649, %parallel_loop3A_650] {strides = array<i32>} : memref<160x64xf32, #tpu.memory_space<vmem>>, vector<1x16xf32>,
        %parallel_loop3A_652 = vector.shape_cast %parallel_loop3A_651 : vector<1x16xf32> to vector<16xf32>
        %parallel_loop3A_653 = vector.shape_cast %parallel_loop3A_648 : vector<16xf32> to vector<1x16xf32>
        tpu.vector_store %arg9[%parallel_loop3A_649, %parallel_loop3A_650], %parallel_loop3A_653 {strides = array<i32>} : memref<160x64xf32, #tpu.memory_space<vmem>>, vector<1x16xf32>,
        %parallel_loop3A_654 = arith.constant 32 : i32
        %parallel_loop3A_655 = arith.addi %parallel_loop3A_623, %parallel_loop3A_654 : i32
        %parallel_loop3A_656 = arith.index_cast %parallel_loop3A_625 : i32 to index
        %parallel_loop3A_657 = arith.index_cast %parallel_loop3A_655 : i32 to index
        %parallel_loop3A_658 = tpu.vector_load %arg8[%parallel_loop3A_656, %parallel_loop3A_657] {strides = array<i32>} : memref<160x128xf32, #tpu.memory_space<vmem>>, vector<1x16xf32>,
        %parallel_loop3A_659 = vector.shape_cast %parallel_loop3A_658 : vector<1x16xf32> to vector<16xf32>
        %parallel_loop3A_660 = arith.constant 8.000000e+00 : f32
        %parallel_loop3A_661 = vector.broadcast %parallel_loop3A_660 : f32 to vector<16xf32>
        %parallel_loop3A_662 = arith.mulf %parallel_loop3A_659, %parallel_loop3A_661 : vector<16xf32>
        %parallel_loop3A_663 = arith.index_cast %parallel_loop3A_625 : i32 to index
        %parallel_loop3A_664 = arith.constant 32 : index
        %parallel_loop3A_665 = tpu.vector_load %arg9[%parallel_loop3A_663, %parallel_loop3A_664] {strides = array<i32>} : memref<160x64xf32, #tpu.memory_space<vmem>>, vector<1x16xf32>,
        %parallel_loop3A_666 = vector.shape_cast %parallel_loop3A_665 : vector<1x16xf32> to vector<16xf32>
        %parallel_loop3A_667 = vector.shape_cast %parallel_loop3A_662 : vector<16xf32> to vector<1x16xf32>
        tpu.vector_store %arg9[%parallel_loop3A_663, %parallel_loop3A_664], %parallel_loop3A_667 {strides = array<i32>} : memref<160x64xf32, #tpu.memory_space<vmem>>, vector<1x16xf32>,
        %parallel_loop3A_668 = arith.constant 48 : i32
        %parallel_loop3A_669 = arith.addi %parallel_loop3A_623, %parallel_loop3A_668 : i32
        %parallel_loop3A_670 = arith.index_cast %parallel_loop3A_625 : i32 to index
        %parallel_loop3A_671 = arith.index_cast %parallel_loop3A_669 : i32 to index
        %parallel_loop3A_672 = tpu.vector_load %arg8[%parallel_loop3A_670, %parallel_loop3A_671] {strides = array<i32>} : memref<160x128xf32, #tpu.memory_space<vmem>>, vector<1x16xf32>,
        %parallel_loop3A_673 = vector.shape_cast %parallel_loop3A_672 : vector<1x16xf32> to vector<16xf32>
        %parallel_loop3A_674 = arith.constant 8.000000e+00 : f32
        %parallel_loop3A_675 = vector.broadcast %parallel_loop3A_674 : f32 to vector<16xf32>
        %parallel_loop3A_676 = arith.mulf %parallel_loop3A_673, %parallel_loop3A_675 : vector<16xf32>
        %parallel_loop3A_677 = arith.index_cast %parallel_loop3A_625 : i32 to index
        %parallel_loop3A_678 = arith.constant 48 : index
        %parallel_loop3A_679 = tpu.vector_load %arg9[%parallel_loop3A_677, %parallel_loop3A_678] {strides = array<i32>} : memref<160x64xf32, #tpu.memory_space<vmem>>, vector<1x16xf32>,
        %parallel_loop3A_680 = vector.shape_cast %parallel_loop3A_679 : vector<1x16xf32> to vector<16xf32>
        %parallel_loop3A_681 = vector.shape_cast %parallel_loop3A_676 : vector<16xf32> to vector<1x16xf32>
        tpu.vector_store %arg9[%parallel_loop3A_677, %parallel_loop3A_678], %parallel_loop3A_681 {strides = array<i32>} : memref<160x64xf32, #tpu.memory_space<vmem>>, vector<1x16xf32>,
        %parallel_loop3A_682 = vector.extract_strided_slice %parallel_loop3A_81 {offsets = [10], sizes = [1], strides = [1]} : vector<16xi32> to vector<1xi32>
        %parallel_loop3A_683 = vector.extract %parallel_loop3A_682[0] : i32 from vector<1xi32>
        %parallel_loop3A_684 = arith.constant 10 : i32
        %parallel_loop3A_685 = arith.addi %parallel_loop3A_78, %parallel_loop3A_684 : i32
        %parallel_loop3A_686 = arith.constant 0 : i32
        %parallel_loop3A_687 = arith.addi %parallel_loop3A_683, %parallel_loop3A_686 : i32
        %parallel_loop3A_688 = arith.index_cast %parallel_loop3A_685 : i32 to index
        %parallel_loop3A_689 = arith.index_cast %parallel_loop3A_687 : i32 to index
        %parallel_loop3A_690 = tpu.vector_load %arg8[%parallel_loop3A_688, %parallel_loop3A_689] {strides = array<i32>} : memref<160x128xf32, #tpu.memory_space<vmem>>, vector<1x16xf32>,
        %parallel_loop3A_691 = vector.shape_cast %parallel_loop3A_690 : vector<1x16xf32> to vector<16xf32>
        %parallel_loop3A_692 = arith.constant 8.000000e+00 : f32
        %parallel_loop3A_693 = vector.broadcast %parallel_loop3A_692 : f32 to vector<16xf32>
        %parallel_loop3A_694 = arith.mulf %parallel_loop3A_691, %parallel_loop3A_693 : vector<16xf32>
        %parallel_loop3A_695 = arith.index_cast %parallel_loop3A_685 : i32 to index
        %parallel_loop3A_696 = arith.constant 0 : index
        %parallel_loop3A_697 = tpu.vector_load %arg9[%parallel_loop3A_695, %parallel_loop3A_696] {strides = array<i32>} : memref<160x64xf32, #tpu.memory_space<vmem>>, vector<1x16xf32>,
        %parallel_loop3A_698 = vector.shape_cast %parallel_loop3A_697 : vector<1x16xf32> to vector<16xf32>
        %parallel_loop3A_699 = vector.shape_cast %parallel_loop3A_694 : vector<16xf32> to vector<1x16xf32>
        tpu.vector_store %arg9[%parallel_loop3A_695, %parallel_loop3A_696], %parallel_loop3A_699 {strides = array<i32>} : memref<160x64xf32, #tpu.memory_space<vmem>>, vector<1x16xf32>,
        %parallel_loop3A_700 = arith.constant 16 : i32
        %parallel_loop3A_701 = arith.addi %parallel_loop3A_683, %parallel_loop3A_700 : i32
        %parallel_loop3A_702 = arith.index_cast %parallel_loop3A_685 : i32 to index
        %parallel_loop3A_703 = arith.index_cast %parallel_loop3A_701 : i32 to index
        %parallel_loop3A_704 = tpu.vector_load %arg8[%parallel_loop3A_702, %parallel_loop3A_703] {strides = array<i32>} : memref<160x128xf32, #tpu.memory_space<vmem>>, vector<1x16xf32>,
        %parallel_loop3A_705 = vector.shape_cast %parallel_loop3A_704 : vector<1x16xf32> to vector<16xf32>
        %parallel_loop3A_706 = arith.constant 8.000000e+00 : f32
        %parallel_loop3A_707 = vector.broadcast %parallel_loop3A_706 : f32 to vector<16xf32>
        %parallel_loop3A_708 = arith.mulf %parallel_loop3A_705, %parallel_loop3A_707 : vector<16xf32>
        %parallel_loop3A_709 = arith.index_cast %parallel_loop3A_685 : i32 to index
        %parallel_loop3A_710 = arith.constant 16 : index
        %parallel_loop3A_711 = tpu.vector_load %arg9[%parallel_loop3A_709, %parallel_loop3A_710] {strides = array<i32>} : memref<160x64xf32, #tpu.memory_space<vmem>>, vector<1x16xf32>,
        %parallel_loop3A_712 = vector.shape_cast %parallel_loop3A_711 : vector<1x16xf32> to vector<16xf32>
        %parallel_loop3A_713 = vector.shape_cast %parallel_loop3A_708 : vector<16xf32> to vector<1x16xf32>
        tpu.vector_store %arg9[%parallel_loop3A_709, %parallel_loop3A_710], %parallel_loop3A_713 {strides = array<i32>} : memref<160x64xf32, #tpu.memory_space<vmem>>, vector<1x16xf32>,
        %parallel_loop3A_714 = arith.constant 32 : i32
        %parallel_loop3A_715 = arith.addi %parallel_loop3A_683, %parallel_loop3A_714 : i32
        %parallel_loop3A_716 = arith.index_cast %parallel_loop3A_685 : i32 to index
        %parallel_loop3A_717 = arith.index_cast %parallel_loop3A_715 : i32 to index
        %parallel_loop3A_718 = tpu.vector_load %arg8[%parallel_loop3A_716, %parallel_loop3A_717] {strides = array<i32>} : memref<160x128xf32, #tpu.memory_space<vmem>>, vector<1x16xf32>,
        %parallel_loop3A_719 = vector.shape_cast %parallel_loop3A_718 : vector<1x16xf32> to vector<16xf32>
        %parallel_loop3A_720 = arith.constant 8.000000e+00 : f32
        %parallel_loop3A_721 = vector.broadcast %parallel_loop3A_720 : f32 to vector<16xf32>
        %parallel_loop3A_722 = arith.mulf %parallel_loop3A_719, %parallel_loop3A_721 : vector<16xf32>
        %parallel_loop3A_723 = arith.index_cast %parallel_loop3A_685 : i32 to index
        %parallel_loop3A_724 = arith.constant 32 : index
        %parallel_loop3A_725 = tpu.vector_load %arg9[%parallel_loop3A_723, %parallel_loop3A_724] {strides = array<i32>} : memref<160x64xf32, #tpu.memory_space<vmem>>, vector<1x16xf32>,
        %parallel_loop3A_726 = vector.shape_cast %parallel_loop3A_725 : vector<1x16xf32> to vector<16xf32>
        %parallel_loop3A_727 = vector.shape_cast %parallel_loop3A_722 : vector<16xf32> to vector<1x16xf32>
        tpu.vector_store %arg9[%parallel_loop3A_723, %parallel_loop3A_724], %parallel_loop3A_727 {strides = array<i32>} : memref<160x64xf32, #tpu.memory_space<vmem>>, vector<1x16xf32>,
        %parallel_loop3A_728 = arith.constant 48 : i32
        %parallel_loop3A_729 = arith.addi %parallel_loop3A_683, %parallel_loop3A_728 : i32
        %parallel_loop3A_730 = arith.index_cast %parallel_loop3A_685 : i32 to index
        %parallel_loop3A_731 = arith.index_cast %parallel_loop3A_729 : i32 to index
        %parallel_loop3A_732 = tpu.vector_load %arg8[%parallel_loop3A_730, %parallel_loop3A_731] {strides = array<i32>} : memref<160x128xf32, #tpu.memory_space<vmem>>, vector<1x16xf32>,
        %parallel_loop3A_733 = vector.shape_cast %parallel_loop3A_732 : vector<1x16xf32> to vector<16xf32>
        %parallel_loop3A_734 = arith.constant 8.000000e+00 : f32
        %parallel_loop3A_735 = vector.broadcast %parallel_loop3A_734 : f32 to vector<16xf32>
        %parallel_loop3A_736 = arith.mulf %parallel_loop3A_733, %parallel_loop3A_735 : vector<16xf32>
        %parallel_loop3A_737 = arith.index_cast %parallel_loop3A_685 : i32 to index
        %parallel_loop3A_738 = arith.constant 48 : index
        %parallel_loop3A_739 = tpu.vector_load %arg9[%parallel_loop3A_737, %parallel_loop3A_738] {strides = array<i32>} : memref<160x64xf32, #tpu.memory_space<vmem>>, vector<1x16xf32>,
        %parallel_loop3A_740 = vector.shape_cast %parallel_loop3A_739 : vector<1x16xf32> to vector<16xf32>
        %parallel_loop3A_741 = vector.shape_cast %parallel_loop3A_736 : vector<16xf32> to vector<1x16xf32>
        tpu.vector_store %arg9[%parallel_loop3A_737, %parallel_loop3A_738], %parallel_loop3A_741 {strides = array<i32>} : memref<160x64xf32, #tpu.memory_space<vmem>>, vector<1x16xf32>,
        %parallel_loop3A_742 = vector.extract_strided_slice %parallel_loop3A_81 {offsets = [11], sizes = [1], strides = [1]} : vector<16xi32> to vector<1xi32>
        %parallel_loop3A_743 = vector.extract %parallel_loop3A_742[0] : i32 from vector<1xi32>
        %parallel_loop3A_744 = arith.constant 11 : i32
        %parallel_loop3A_745 = arith.addi %parallel_loop3A_78, %parallel_loop3A_744 : i32
        %parallel_loop3A_746 = arith.constant 0 : i32
        %parallel_loop3A_747 = arith.addi %parallel_loop3A_743, %parallel_loop3A_746 : i32
        %parallel_loop3A_748 = arith.index_cast %parallel_loop3A_745 : i32 to index
        %parallel_loop3A_749 = arith.index_cast %parallel_loop3A_747 : i32 to index
        %parallel_loop3A_750 = tpu.vector_load %arg8[%parallel_loop3A_748, %parallel_loop3A_749] {strides = array<i32>} : memref<160x128xf32, #tpu.memory_space<vmem>>, vector<1x16xf32>,
        %parallel_loop3A_751 = vector.shape_cast %parallel_loop3A_750 : vector<1x16xf32> to vector<16xf32>
        %parallel_loop3A_752 = arith.constant 8.000000e+00 : f32
        %parallel_loop3A_753 = vector.broadcast %parallel_loop3A_752 : f32 to vector<16xf32>
        %parallel_loop3A_754 = arith.mulf %parallel_loop3A_751, %parallel_loop3A_753 : vector<16xf32>
        %parallel_loop3A_755 = arith.index_cast %parallel_loop3A_745 : i32 to index
        %parallel_loop3A_756 = arith.constant 0 : index
        %parallel_loop3A_757 = tpu.vector_load %arg9[%parallel_loop3A_755, %parallel_loop3A_756] {strides = array<i32>} : memref<160x64xf32, #tpu.memory_space<vmem>>, vector<1x16xf32>,
        %parallel_loop3A_758 = vector.shape_cast %parallel_loop3A_757 : vector<1x16xf32> to vector<16xf32>
        %parallel_loop3A_759 = vector.shape_cast %parallel_loop3A_754 : vector<16xf32> to vector<1x16xf32>
        tpu.vector_store %arg9[%parallel_loop3A_755, %parallel_loop3A_756], %parallel_loop3A_759 {strides = array<i32>} : memref<160x64xf32, #tpu.memory_space<vmem>>, vector<1x16xf32>,
        %parallel_loop3A_760 = arith.constant 16 : i32
        %parallel_loop3A_761 = arith.addi %parallel_loop3A_743, %parallel_loop3A_760 : i32
        %parallel_loop3A_762 = arith.index_cast %parallel_loop3A_745 : i32 to index
        %parallel_loop3A_763 = arith.index_cast %parallel_loop3A_761 : i32 to index
        %parallel_loop3A_764 = tpu.vector_load %arg8[%parallel_loop3A_762, %parallel_loop3A_763] {strides = array<i32>} : memref<160x128xf32, #tpu.memory_space<vmem>>, vector<1x16xf32>,
        %parallel_loop3A_765 = vector.shape_cast %parallel_loop3A_764 : vector<1x16xf32> to vector<16xf32>
        %parallel_loop3A_766 = arith.constant 8.000000e+00 : f32
        %parallel_loop3A_767 = vector.broadcast %parallel_loop3A_766 : f32 to vector<16xf32>
        %parallel_loop3A_768 = arith.mulf %parallel_loop3A_765, %parallel_loop3A_767 : vector<16xf32>
        %parallel_loop3A_769 = arith.index_cast %parallel_loop3A_745 : i32 to index
        %parallel_loop3A_770 = arith.constant 16 : index
        %parallel_loop3A_771 = tpu.vector_load %arg9[%parallel_loop3A_769, %parallel_loop3A_770] {strides = array<i32>} : memref<160x64xf32, #tpu.memory_space<vmem>>, vector<1x16xf32>,
        %parallel_loop3A_772 = vector.shape_cast %parallel_loop3A_771 : vector<1x16xf32> to vector<16xf32>
        %parallel_loop3A_773 = vector.shape_cast %parallel_loop3A_768 : vector<16xf32> to vector<1x16xf32>
        tpu.vector_store %arg9[%parallel_loop3A_769, %parallel_loop3A_770], %parallel_loop3A_773 {strides = array<i32>} : memref<160x64xf32, #tpu.memory_space<vmem>>, vector<1x16xf32>,
        %parallel_loop3A_774 = arith.constant 32 : i32
        %parallel_loop3A_775 = arith.addi %parallel_loop3A_743, %parallel_loop3A_774 : i32
        %parallel_loop3A_776 = arith.index_cast %parallel_loop3A_745 : i32 to index
        %parallel_loop3A_777 = arith.index_cast %parallel_loop3A_775 : i32 to index
        %parallel_loop3A_778 = tpu.vector_load %arg8[%parallel_loop3A_776, %parallel_loop3A_777] {strides = array<i32>} : memref<160x128xf32, #tpu.memory_space<vmem>>, vector<1x16xf32>,
        %parallel_loop3A_779 = vector.shape_cast %parallel_loop3A_778 : vector<1x16xf32> to vector<16xf32>
        %parallel_loop3A_780 = arith.constant 8.000000e+00 : f32
        %parallel_loop3A_781 = vector.broadcast %parallel_loop3A_780 : f32 to vector<16xf32>
        %parallel_loop3A_782 = arith.mulf %parallel_loop3A_779, %parallel_loop3A_781 : vector<16xf32>
        %parallel_loop3A_783 = arith.index_cast %parallel_loop3A_745 : i32 to index
        %parallel_loop3A_784 = arith.constant 32 : index
        %parallel_loop3A_785 = tpu.vector_load %arg9[%parallel_loop3A_783, %parallel_loop3A_784] {strides = array<i32>} : memref<160x64xf32, #tpu.memory_space<vmem>>, vector<1x16xf32>,
        %parallel_loop3A_786 = vector.shape_cast %parallel_loop3A_785 : vector<1x16xf32> to vector<16xf32>
        %parallel_loop3A_787 = vector.shape_cast %parallel_loop3A_782 : vector<16xf32> to vector<1x16xf32>
        tpu.vector_store %arg9[%parallel_loop3A_783, %parallel_loop3A_784], %parallel_loop3A_787 {strides = array<i32>} : memref<160x64xf32, #tpu.memory_space<vmem>>, vector<1x16xf32>,
        %parallel_loop3A_788 = arith.constant 48 : i32
        %parallel_loop3A_789 = arith.addi %parallel_loop3A_743, %parallel_loop3A_788 : i32
        %parallel_loop3A_790 = arith.index_cast %parallel_loop3A_745 : i32 to index
        %parallel_loop3A_791 = arith.index_cast %parallel_loop3A_789 : i32 to index
        %parallel_loop3A_792 = tpu.vector_load %arg8[%parallel_loop3A_790, %parallel_loop3A_791] {strides = array<i32>} : memref<160x128xf32, #tpu.memory_space<vmem>>, vector<1x16xf32>,
        %parallel_loop3A_793 = vector.shape_cast %parallel_loop3A_792 : vector<1x16xf32> to vector<16xf32>
        %parallel_loop3A_794 = arith.constant 8.000000e+00 : f32
        %parallel_loop3A_795 = vector.broadcast %parallel_loop3A_794 : f32 to vector<16xf32>
        %parallel_loop3A_796 = arith.mulf %parallel_loop3A_793, %parallel_loop3A_795 : vector<16xf32>
        %parallel_loop3A_797 = arith.index_cast %parallel_loop3A_745 : i32 to index
        %parallel_loop3A_798 = arith.constant 48 : index
        %parallel_loop3A_799 = tpu.vector_load %arg9[%parallel_loop3A_797, %parallel_loop3A_798] {strides = array<i32>} : memref<160x64xf32, #tpu.memory_space<vmem>>, vector<1x16xf32>,
        %parallel_loop3A_800 = vector.shape_cast %parallel_loop3A_799 : vector<1x16xf32> to vector<16xf32>
        %parallel_loop3A_801 = vector.shape_cast %parallel_loop3A_796 : vector<16xf32> to vector<1x16xf32>
        tpu.vector_store %arg9[%parallel_loop3A_797, %parallel_loop3A_798], %parallel_loop3A_801 {strides = array<i32>} : memref<160x64xf32, #tpu.memory_space<vmem>>, vector<1x16xf32>,
        %parallel_loop3A_802 = vector.extract_strided_slice %parallel_loop3A_81 {offsets = [12], sizes = [1], strides = [1]} : vector<16xi32> to vector<1xi32>
        %parallel_loop3A_803 = vector.extract %parallel_loop3A_802[0] : i32 from vector<1xi32>
        %parallel_loop3A_804 = arith.constant 12 : i32
        %parallel_loop3A_805 = arith.addi %parallel_loop3A_78, %parallel_loop3A_804 : i32
        %parallel_loop3A_806 = arith.constant 0 : i32
        %parallel_loop3A_807 = arith.addi %parallel_loop3A_803, %parallel_loop3A_806 : i32
        %parallel_loop3A_808 = arith.index_cast %parallel_loop3A_805 : i32 to index
        %parallel_loop3A_809 = arith.index_cast %parallel_loop3A_807 : i32 to index
        %parallel_loop3A_810 = tpu.vector_load %arg8[%parallel_loop3A_808, %parallel_loop3A_809] {strides = array<i32>} : memref<160x128xf32, #tpu.memory_space<vmem>>, vector<1x16xf32>,
        %parallel_loop3A_811 = vector.shape_cast %parallel_loop3A_810 : vector<1x16xf32> to vector<16xf32>
        %parallel_loop3A_812 = arith.constant 8.000000e+00 : f32
        %parallel_loop3A_813 = vector.broadcast %parallel_loop3A_812 : f32 to vector<16xf32>
        %parallel_loop3A_814 = arith.mulf %parallel_loop3A_811, %parallel_loop3A_813 : vector<16xf32>
        %parallel_loop3A_815 = arith.index_cast %parallel_loop3A_805 : i32 to index
        %parallel_loop3A_816 = arith.constant 0 : index
        %parallel_loop3A_817 = tpu.vector_load %arg9[%parallel_loop3A_815, %parallel_loop3A_816] {strides = array<i32>} : memref<160x64xf32, #tpu.memory_space<vmem>>, vector<1x16xf32>,
        %parallel_loop3A_818 = vector.shape_cast %parallel_loop3A_817 : vector<1x16xf32> to vector<16xf32>
        %parallel_loop3A_819 = vector.shape_cast %parallel_loop3A_814 : vector<16xf32> to vector<1x16xf32>
        tpu.vector_store %arg9[%parallel_loop3A_815, %parallel_loop3A_816], %parallel_loop3A_819 {strides = array<i32>} : memref<160x64xf32, #tpu.memory_space<vmem>>, vector<1x16xf32>,
        %parallel_loop3A_820 = arith.constant 16 : i32
        %parallel_loop3A_821 = arith.addi %parallel_loop3A_803, %parallel_loop3A_820 : i32
        %parallel_loop3A_822 = arith.index_cast %parallel_loop3A_805 : i32 to index
        %parallel_loop3A_823 = arith.index_cast %parallel_loop3A_821 : i32 to index
        %parallel_loop3A_824 = tpu.vector_load %arg8[%parallel_loop3A_822, %parallel_loop3A_823] {strides = array<i32>} : memref<160x128xf32, #tpu.memory_space<vmem>>, vector<1x16xf32>,
        %parallel_loop3A_825 = vector.shape_cast %parallel_loop3A_824 : vector<1x16xf32> to vector<16xf32>
        %parallel_loop3A_826 = arith.constant 8.000000e+00 : f32
        %parallel_loop3A_827 = vector.broadcast %parallel_loop3A_826 : f32 to vector<16xf32>
        %parallel_loop3A_828 = arith.mulf %parallel_loop3A_825, %parallel_loop3A_827 : vector<16xf32>
        %parallel_loop3A_829 = arith.index_cast %parallel_loop3A_805 : i32 to index
        %parallel_loop3A_830 = arith.constant 16 : index
        %parallel_loop3A_831 = tpu.vector_load %arg9[%parallel_loop3A_829, %parallel_loop3A_830] {strides = array<i32>} : memref<160x64xf32, #tpu.memory_space<vmem>>, vector<1x16xf32>,
        %parallel_loop3A_832 = vector.shape_cast %parallel_loop3A_831 : vector<1x16xf32> to vector<16xf32>
        %parallel_loop3A_833 = vector.shape_cast %parallel_loop3A_828 : vector<16xf32> to vector<1x16xf32>
        tpu.vector_store %arg9[%parallel_loop3A_829, %parallel_loop3A_830], %parallel_loop3A_833 {strides = array<i32>} : memref<160x64xf32, #tpu.memory_space<vmem>>, vector<1x16xf32>,
        %parallel_loop3A_834 = arith.constant 32 : i32
        %parallel_loop3A_835 = arith.addi %parallel_loop3A_803, %parallel_loop3A_834 : i32
        %parallel_loop3A_836 = arith.index_cast %parallel_loop3A_805 : i32 to index
        %parallel_loop3A_837 = arith.index_cast %parallel_loop3A_835 : i32 to index
        %parallel_loop3A_838 = tpu.vector_load %arg8[%parallel_loop3A_836, %parallel_loop3A_837] {strides = array<i32>} : memref<160x128xf32, #tpu.memory_space<vmem>>, vector<1x16xf32>,
        %parallel_loop3A_839 = vector.shape_cast %parallel_loop3A_838 : vector<1x16xf32> to vector<16xf32>
        %parallel_loop3A_840 = arith.constant 8.000000e+00 : f32
        %parallel_loop3A_841 = vector.broadcast %parallel_loop3A_840 : f32 to vector<16xf32>
        %parallel_loop3A_842 = arith.mulf %parallel_loop3A_839, %parallel_loop3A_841 : vector<16xf32>
        %parallel_loop3A_843 = arith.index_cast %parallel_loop3A_805 : i32 to index
        %parallel_loop3A_844 = arith.constant 32 : index
        %parallel_loop3A_845 = tpu.vector_load %arg9[%parallel_loop3A_843, %parallel_loop3A_844] {strides = array<i32>} : memref<160x64xf32, #tpu.memory_space<vmem>>, vector<1x16xf32>,
        %parallel_loop3A_846 = vector.shape_cast %parallel_loop3A_845 : vector<1x16xf32> to vector<16xf32>
        %parallel_loop3A_847 = vector.shape_cast %parallel_loop3A_842 : vector<16xf32> to vector<1x16xf32>
        tpu.vector_store %arg9[%parallel_loop3A_843, %parallel_loop3A_844], %parallel_loop3A_847 {strides = array<i32>} : memref<160x64xf32, #tpu.memory_space<vmem>>, vector<1x16xf32>,
        %parallel_loop3A_848 = arith.constant 48 : i32
        %parallel_loop3A_849 = arith.addi %parallel_loop3A_803, %parallel_loop3A_848 : i32
        %parallel_loop3A_850 = arith.index_cast %parallel_loop3A_805 : i32 to index
        %parallel_loop3A_851 = arith.index_cast %parallel_loop3A_849 : i32 to index
        %parallel_loop3A_852 = tpu.vector_load %arg8[%parallel_loop3A_850, %parallel_loop3A_851] {strides = array<i32>} : memref<160x128xf32, #tpu.memory_space<vmem>>, vector<1x16xf32>,
        %parallel_loop3A_853 = vector.shape_cast %parallel_loop3A_852 : vector<1x16xf32> to vector<16xf32>
        %parallel_loop3A_854 = arith.constant 8.000000e+00 : f32
        %parallel_loop3A_855 = vector.broadcast %parallel_loop3A_854 : f32 to vector<16xf32>
        %parallel_loop3A_856 = arith.mulf %parallel_loop3A_853, %parallel_loop3A_855 : vector<16xf32>
        %parallel_loop3A_857 = arith.index_cast %parallel_loop3A_805 : i32 to index
        %parallel_loop3A_858 = arith.constant 48 : index
        %parallel_loop3A_859 = tpu.vector_load %arg9[%parallel_loop3A_857, %parallel_loop3A_858] {strides = array<i32>} : memref<160x64xf32, #tpu.memory_space<vmem>>, vector<1x16xf32>,
        %parallel_loop3A_860 = vector.shape_cast %parallel_loop3A_859 : vector<1x16xf32> to vector<16xf32>
        %parallel_loop3A_861 = vector.shape_cast %parallel_loop3A_856 : vector<16xf32> to vector<1x16xf32>
        tpu.vector_store %arg9[%parallel_loop3A_857, %parallel_loop3A_858], %parallel_loop3A_861 {strides = array<i32>} : memref<160x64xf32, #tpu.memory_space<vmem>>, vector<1x16xf32>,
        %parallel_loop3A_862 = vector.extract_strided_slice %parallel_loop3A_81 {offsets = [13], sizes = [1], strides = [1]} : vector<16xi32> to vector<1xi32>
        %parallel_loop3A_863 = vector.extract %parallel_loop3A_862[0] : i32 from vector<1xi32>
        %parallel_loop3A_864 = arith.constant 13 : i32
        %parallel_loop3A_865 = arith.addi %parallel_loop3A_78, %parallel_loop3A_864 : i32
        %parallel_loop3A_866 = arith.constant 0 : i32
        %parallel_loop3A_867 = arith.addi %parallel_loop3A_863, %parallel_loop3A_866 : i32
        %parallel_loop3A_868 = arith.index_cast %parallel_loop3A_865 : i32 to index
        %parallel_loop3A_869 = arith.index_cast %parallel_loop3A_867 : i32 to index
        %parallel_loop3A_870 = tpu.vector_load %arg8[%parallel_loop3A_868, %parallel_loop3A_869] {strides = array<i32>} : memref<160x128xf32, #tpu.memory_space<vmem>>, vector<1x16xf32>,
        %parallel_loop3A_871 = vector.shape_cast %parallel_loop3A_870 : vector<1x16xf32> to vector<16xf32>
        %parallel_loop3A_872 = arith.constant 8.000000e+00 : f32
        %parallel_loop3A_873 = vector.broadcast %parallel_loop3A_872 : f32 to vector<16xf32>
        %parallel_loop3A_874 = arith.mulf %parallel_loop3A_871, %parallel_loop3A_873 : vector<16xf32>
        %parallel_loop3A_875 = arith.index_cast %parallel_loop3A_865 : i32 to index
        %parallel_loop3A_876 = arith.constant 0 : index
        %parallel_loop3A_877 = tpu.vector_load %arg9[%parallel_loop3A_875, %parallel_loop3A_876] {strides = array<i32>} : memref<160x64xf32, #tpu.memory_space<vmem>>, vector<1x16xf32>,
        %parallel_loop3A_878 = vector.shape_cast %parallel_loop3A_877 : vector<1x16xf32> to vector<16xf32>
        %parallel_loop3A_879 = vector.shape_cast %parallel_loop3A_874 : vector<16xf32> to vector<1x16xf32>
        tpu.vector_store %arg9[%parallel_loop3A_875, %parallel_loop3A_876], %parallel_loop3A_879 {strides = array<i32>} : memref<160x64xf32, #tpu.memory_space<vmem>>, vector<1x16xf32>,
        %parallel_loop3A_880 = arith.constant 16 : i32
        %parallel_loop3A_881 = arith.addi %parallel_loop3A_863, %parallel_loop3A_880 : i32
        %parallel_loop3A_882 = arith.index_cast %parallel_loop3A_865 : i32 to index
        %parallel_loop3A_883 = arith.index_cast %parallel_loop3A_881 : i32 to index
        %parallel_loop3A_884 = tpu.vector_load %arg8[%parallel_loop3A_882, %parallel_loop3A_883] {strides = array<i32>} : memref<160x128xf32, #tpu.memory_space<vmem>>, vector<1x16xf32>,
        %parallel_loop3A_885 = vector.shape_cast %parallel_loop3A_884 : vector<1x16xf32> to vector<16xf32>
        %parallel_loop3A_886 = arith.constant 8.000000e+00 : f32
        %parallel_loop3A_887 = vector.broadcast %parallel_loop3A_886 : f32 to vector<16xf32>
        %parallel_loop3A_888 = arith.mulf %parallel_loop3A_885, %parallel_loop3A_887 : vector<16xf32>
        %parallel_loop3A_889 = arith.index_cast %parallel_loop3A_865 : i32 to index
        %parallel_loop3A_890 = arith.constant 16 : index
        %parallel_loop3A_891 = tpu.vector_load %arg9[%parallel_loop3A_889, %parallel_loop3A_890] {strides = array<i32>} : memref<160x64xf32, #tpu.memory_space<vmem>>, vector<1x16xf32>,
        %parallel_loop3A_892 = vector.shape_cast %parallel_loop3A_891 : vector<1x16xf32> to vector<16xf32>
        %parallel_loop3A_893 = vector.shape_cast %parallel_loop3A_888 : vector<16xf32> to vector<1x16xf32>
        tpu.vector_store %arg9[%parallel_loop3A_889, %parallel_loop3A_890], %parallel_loop3A_893 {strides = array<i32>} : memref<160x64xf32, #tpu.memory_space<vmem>>, vector<1x16xf32>,
        %parallel_loop3A_894 = arith.constant 32 : i32
        %parallel_loop3A_895 = arith.addi %parallel_loop3A_863, %parallel_loop3A_894 : i32
        %parallel_loop3A_896 = arith.index_cast %parallel_loop3A_865 : i32 to index
        %parallel_loop3A_897 = arith.index_cast %parallel_loop3A_895 : i32 to index
        %parallel_loop3A_898 = tpu.vector_load %arg8[%parallel_loop3A_896, %parallel_loop3A_897] {strides = array<i32>} : memref<160x128xf32, #tpu.memory_space<vmem>>, vector<1x16xf32>,
        %parallel_loop3A_899 = vector.shape_cast %parallel_loop3A_898 : vector<1x16xf32> to vector<16xf32>
        %parallel_loop3A_900 = arith.constant 8.000000e+00 : f32
        %parallel_loop3A_901 = vector.broadcast %parallel_loop3A_900 : f32 to vector<16xf32>
        %parallel_loop3A_902 = arith.mulf %parallel_loop3A_899, %parallel_loop3A_901 : vector<16xf32>
        %parallel_loop3A_903 = arith.index_cast %parallel_loop3A_865 : i32 to index
        %parallel_loop3A_904 = arith.constant 32 : index
        %parallel_loop3A_905 = tpu.vector_load %arg9[%parallel_loop3A_903, %parallel_loop3A_904] {strides = array<i32>} : memref<160x64xf32, #tpu.memory_space<vmem>>, vector<1x16xf32>,
        %parallel_loop3A_906 = vector.shape_cast %parallel_loop3A_905 : vector<1x16xf32> to vector<16xf32>
        %parallel_loop3A_907 = vector.shape_cast %parallel_loop3A_902 : vector<16xf32> to vector<1x16xf32>
        tpu.vector_store %arg9[%parallel_loop3A_903, %parallel_loop3A_904], %parallel_loop3A_907 {strides = array<i32>} : memref<160x64xf32, #tpu.memory_space<vmem>>, vector<1x16xf32>,
        %parallel_loop3A_908 = arith.constant 48 : i32
        %parallel_loop3A_909 = arith.addi %parallel_loop3A_863, %parallel_loop3A_908 : i32
        %parallel_loop3A_910 = arith.index_cast %parallel_loop3A_865 : i32 to index
        %parallel_loop3A_911 = arith.index_cast %parallel_loop3A_909 : i32 to index
        %parallel_loop3A_912 = tpu.vector_load %arg8[%parallel_loop3A_910, %parallel_loop3A_911] {strides = array<i32>} : memref<160x128xf32, #tpu.memory_space<vmem>>, vector<1x16xf32>,
        %parallel_loop3A_913 = vector.shape_cast %parallel_loop3A_912 : vector<1x16xf32> to vector<16xf32>
        %parallel_loop3A_914 = arith.constant 8.000000e+00 : f32
        %parallel_loop3A_915 = vector.broadcast %parallel_loop3A_914 : f32 to vector<16xf32>
        %parallel_loop3A_916 = arith.mulf %parallel_loop3A_913, %parallel_loop3A_915 : vector<16xf32>
        %parallel_loop3A_917 = arith.index_cast %parallel_loop3A_865 : i32 to index
        %parallel_loop3A_918 = arith.constant 48 : index
        %parallel_loop3A_919 = tpu.vector_load %arg9[%parallel_loop3A_917, %parallel_loop3A_918] {strides = array<i32>} : memref<160x64xf32, #tpu.memory_space<vmem>>, vector<1x16xf32>,
        %parallel_loop3A_920 = vector.shape_cast %parallel_loop3A_919 : vector<1x16xf32> to vector<16xf32>
        %parallel_loop3A_921 = vector.shape_cast %parallel_loop3A_916 : vector<16xf32> to vector<1x16xf32>
        tpu.vector_store %arg9[%parallel_loop3A_917, %parallel_loop3A_918], %parallel_loop3A_921 {strides = array<i32>} : memref<160x64xf32, #tpu.memory_space<vmem>>, vector<1x16xf32>,
        %parallel_loop3A_922 = vector.extract_strided_slice %parallel_loop3A_81 {offsets = [14], sizes = [1], strides = [1]} : vector<16xi32> to vector<1xi32>
        %parallel_loop3A_923 = vector.extract %parallel_loop3A_922[0] : i32 from vector<1xi32>
        %parallel_loop3A_924 = arith.constant 14 : i32
        %parallel_loop3A_925 = arith.addi %parallel_loop3A_78, %parallel_loop3A_924 : i32
        %parallel_loop3A_926 = arith.constant 0 : i32
        %parallel_loop3A_927 = arith.addi %parallel_loop3A_923, %parallel_loop3A_926 : i32
        %parallel_loop3A_928 = arith.index_cast %parallel_loop3A_925 : i32 to index
        %parallel_loop3A_929 = arith.index_cast %parallel_loop3A_927 : i32 to index
        %parallel_loop3A_930 = tpu.vector_load %arg8[%parallel_loop3A_928, %parallel_loop3A_929] {strides = array<i32>} : memref<160x128xf32, #tpu.memory_space<vmem>>, vector<1x16xf32>,
        %parallel_loop3A_931 = vector.shape_cast %parallel_loop3A_930 : vector<1x16xf32> to vector<16xf32>
        %parallel_loop3A_932 = arith.constant 8.000000e+00 : f32
        %parallel_loop3A_933 = vector.broadcast %parallel_loop3A_932 : f32 to vector<16xf32>
        %parallel_loop3A_934 = arith.mulf %parallel_loop3A_931, %parallel_loop3A_933 : vector<16xf32>
        %parallel_loop3A_935 = arith.index_cast %parallel_loop3A_925 : i32 to index
        %parallel_loop3A_936 = arith.constant 0 : index
        %parallel_loop3A_937 = tpu.vector_load %arg9[%parallel_loop3A_935, %parallel_loop3A_936] {strides = array<i32>} : memref<160x64xf32, #tpu.memory_space<vmem>>, vector<1x16xf32>,
        %parallel_loop3A_938 = vector.shape_cast %parallel_loop3A_937 : vector<1x16xf32> to vector<16xf32>
        %parallel_loop3A_939 = vector.shape_cast %parallel_loop3A_934 : vector<16xf32> to vector<1x16xf32>
        tpu.vector_store %arg9[%parallel_loop3A_935, %parallel_loop3A_936], %parallel_loop3A_939 {strides = array<i32>} : memref<160x64xf32, #tpu.memory_space<vmem>>, vector<1x16xf32>,
        %parallel_loop3A_940 = arith.constant 16 : i32
        %parallel_loop3A_941 = arith.addi %parallel_loop3A_923, %parallel_loop3A_940 : i32
        %parallel_loop3A_942 = arith.index_cast %parallel_loop3A_925 : i32 to index
        %parallel_loop3A_943 = arith.index_cast %parallel_loop3A_941 : i32 to index
        %parallel_loop3A_944 = tpu.vector_load %arg8[%parallel_loop3A_942, %parallel_loop3A_943] {strides = array<i32>} : memref<160x128xf32, #tpu.memory_space<vmem>>, vector<1x16xf32>,
        %parallel_loop3A_945 = vector.shape_cast %parallel_loop3A_944 : vector<1x16xf32> to vector<16xf32>
        %parallel_loop3A_946 = arith.constant 8.000000e+00 : f32
        %parallel_loop3A_947 = vector.broadcast %parallel_loop3A_946 : f32 to vector<16xf32>
        %parallel_loop3A_948 = arith.mulf %parallel_loop3A_945, %parallel_loop3A_947 : vector<16xf32>
        %parallel_loop3A_949 = arith.index_cast %parallel_loop3A_925 : i32 to index
        %parallel_loop3A_950 = arith.constant 16 : index
        %parallel_loop3A_951 = tpu.vector_load %arg9[%parallel_loop3A_949, %parallel_loop3A_950] {strides = array<i32>} : memref<160x64xf32, #tpu.memory_space<vmem>>, vector<1x16xf32>,
        %parallel_loop3A_952 = vector.shape_cast %parallel_loop3A_951 : vector<1x16xf32> to vector<16xf32>
        %parallel_loop3A_953 = vector.shape_cast %parallel_loop3A_948 : vector<16xf32> to vector<1x16xf32>
        tpu.vector_store %arg9[%parallel_loop3A_949, %parallel_loop3A_950], %parallel_loop3A_953 {strides = array<i32>} : memref<160x64xf32, #tpu.memory_space<vmem>>, vector<1x16xf32>,
        %parallel_loop3A_954 = arith.constant 32 : i32
        %parallel_loop3A_955 = arith.addi %parallel_loop3A_923, %parallel_loop3A_954 : i32
        %parallel_loop3A_956 = arith.index_cast %parallel_loop3A_925 : i32 to index
        %parallel_loop3A_957 = arith.index_cast %parallel_loop3A_955 : i32 to index
        %parallel_loop3A_958 = tpu.vector_load %arg8[%parallel_loop3A_956, %parallel_loop3A_957] {strides = array<i32>} : memref<160x128xf32, #tpu.memory_space<vmem>>, vector<1x16xf32>,
        %parallel_loop3A_959 = vector.shape_cast %parallel_loop3A_958 : vector<1x16xf32> to vector<16xf32>
        %parallel_loop3A_960 = arith.constant 8.000000e+00 : f32
        %parallel_loop3A_961 = vector.broadcast %parallel_loop3A_960 : f32 to vector<16xf32>
        %parallel_loop3A_962 = arith.mulf %parallel_loop3A_959, %parallel_loop3A_961 : vector<16xf32>
        %parallel_loop3A_963 = arith.index_cast %parallel_loop3A_925 : i32 to index
        %parallel_loop3A_964 = arith.constant 32 : index
        %parallel_loop3A_965 = tpu.vector_load %arg9[%parallel_loop3A_963, %parallel_loop3A_964] {strides = array<i32>} : memref<160x64xf32, #tpu.memory_space<vmem>>, vector<1x16xf32>,
        %parallel_loop3A_966 = vector.shape_cast %parallel_loop3A_965 : vector<1x16xf32> to vector<16xf32>
        %parallel_loop3A_967 = vector.shape_cast %parallel_loop3A_962 : vector<16xf32> to vector<1x16xf32>
        tpu.vector_store %arg9[%parallel_loop3A_963, %parallel_loop3A_964], %parallel_loop3A_967 {strides = array<i32>} : memref<160x64xf32, #tpu.memory_space<vmem>>, vector<1x16xf32>,
        %parallel_loop3A_968 = arith.constant 48 : i32
        %parallel_loop3A_969 = arith.addi %parallel_loop3A_923, %parallel_loop3A_968 : i32
        %parallel_loop3A_970 = arith.index_cast %parallel_loop3A_925 : i32 to index
        %parallel_loop3A_971 = arith.index_cast %parallel_loop3A_969 : i32 to index
        %parallel_loop3A_972 = tpu.vector_load %arg8[%parallel_loop3A_970, %parallel_loop3A_971] {strides = array<i32>} : memref<160x128xf32, #tpu.memory_space<vmem>>, vector<1x16xf32>,
        %parallel_loop3A_973 = vector.shape_cast %parallel_loop3A_972 : vector<1x16xf32> to vector<16xf32>
        %parallel_loop3A_974 = arith.constant 8.000000e+00 : f32
        %parallel_loop3A_975 = vector.broadcast %parallel_loop3A_974 : f32 to vector<16xf32>
        %parallel_loop3A_976 = arith.mulf %parallel_loop3A_973, %parallel_loop3A_975 : vector<16xf32>
        %parallel_loop3A_977 = arith.index_cast %parallel_loop3A_925 : i32 to index
        %parallel_loop3A_978 = arith.constant 48 : index
        %parallel_loop3A_979 = tpu.vector_load %arg9[%parallel_loop3A_977, %parallel_loop3A_978] {strides = array<i32>} : memref<160x64xf32, #tpu.memory_space<vmem>>, vector<1x16xf32>,
        %parallel_loop3A_980 = vector.shape_cast %parallel_loop3A_979 : vector<1x16xf32> to vector<16xf32>
        %parallel_loop3A_981 = vector.shape_cast %parallel_loop3A_976 : vector<16xf32> to vector<1x16xf32>
        tpu.vector_store %arg9[%parallel_loop3A_977, %parallel_loop3A_978], %parallel_loop3A_981 {strides = array<i32>} : memref<160x64xf32, #tpu.memory_space<vmem>>, vector<1x16xf32>,
        %parallel_loop3A_982 = vector.extract_strided_slice %parallel_loop3A_81 {offsets = [15], sizes = [1], strides = [1]} : vector<16xi32> to vector<1xi32>
        %parallel_loop3A_983 = vector.extract %parallel_loop3A_982[0] : i32 from vector<1xi32>
        %parallel_loop3A_984 = arith.constant 15 : i32
        %parallel_loop3A_985 = arith.addi %parallel_loop3A_78, %parallel_loop3A_984 : i32
        %parallel_loop3A_986 = arith.constant 0 : i32
        %parallel_loop3A_987 = arith.addi %parallel_loop3A_983, %parallel_loop3A_986 : i32
        %parallel_loop3A_988 = arith.index_cast %parallel_loop3A_985 : i32 to index
        %parallel_loop3A_989 = arith.index_cast %parallel_loop3A_987 : i32 to index
        %parallel_loop3A_990 = tpu.vector_load %arg8[%parallel_loop3A_988, %parallel_loop3A_989] {strides = array<i32>} : memref<160x128xf32, #tpu.memory_space<vmem>>, vector<1x16xf32>,
        %parallel_loop3A_991 = vector.shape_cast %parallel_loop3A_990 : vector<1x16xf32> to vector<16xf32>
        %parallel_loop3A_992 = arith.constant 8.000000e+00 : f32
        %parallel_loop3A_993 = vector.broadcast %parallel_loop3A_992 : f32 to vector<16xf32>
        %parallel_loop3A_994 = arith.mulf %parallel_loop3A_991, %parallel_loop3A_993 : vector<16xf32>
        %parallel_loop3A_995 = arith.index_cast %parallel_loop3A_985 : i32 to index
        %parallel_loop3A_996 = arith.constant 0 : index
        %parallel_loop3A_997 = tpu.vector_load %arg9[%parallel_loop3A_995, %parallel_loop3A_996] {strides = array<i32>} : memref<160x64xf32, #tpu.memory_space<vmem>>, vector<1x16xf32>,
        %parallel_loop3A_998 = vector.shape_cast %parallel_loop3A_997 : vector<1x16xf32> to vector<16xf32>
        %parallel_loop3A_999 = vector.shape_cast %parallel_loop3A_994 : vector<16xf32> to vector<1x16xf32>
        tpu.vector_store %arg9[%parallel_loop3A_995, %parallel_loop3A_996], %parallel_loop3A_999 {strides = array<i32>} : memref<160x64xf32, #tpu.memory_space<vmem>>, vector<1x16xf32>,
        %parallel_loop3A_1000 = arith.constant 16 : i32
        %parallel_loop3A_1001 = arith.addi %parallel_loop3A_983, %parallel_loop3A_1000 : i32
        %parallel_loop3A_1002 = arith.index_cast %parallel_loop3A_985 : i32 to index
        %parallel_loop3A_1003 = arith.index_cast %parallel_loop3A_1001 : i32 to index
        %parallel_loop3A_1004 = tpu.vector_load %arg8[%parallel_loop3A_1002, %parallel_loop3A_1003] {strides = array<i32>} : memref<160x128xf32, #tpu.memory_space<vmem>>, vector<1x16xf32>,
        %parallel_loop3A_1005 = vector.shape_cast %parallel_loop3A_1004 : vector<1x16xf32> to vector<16xf32>
        %parallel_loop3A_1006 = arith.constant 8.000000e+00 : f32
        %parallel_loop3A_1007 = vector.broadcast %parallel_loop3A_1006 : f32 to vector<16xf32>
        %parallel_loop3A_1008 = arith.mulf %parallel_loop3A_1005, %parallel_loop3A_1007 : vector<16xf32>
        %parallel_loop3A_1009 = arith.index_cast %parallel_loop3A_985 : i32 to index
        %parallel_loop3A_1010 = arith.constant 16 : index
        %parallel_loop3A_1011 = tpu.vector_load %arg9[%parallel_loop3A_1009, %parallel_loop3A_1010] {strides = array<i32>} : memref<160x64xf32, #tpu.memory_space<vmem>>, vector<1x16xf32>,
        %parallel_loop3A_1012 = vector.shape_cast %parallel_loop3A_1011 : vector<1x16xf32> to vector<16xf32>
        %parallel_loop3A_1013 = vector.shape_cast %parallel_loop3A_1008 : vector<16xf32> to vector<1x16xf32>
        tpu.vector_store %arg9[%parallel_loop3A_1009, %parallel_loop3A_1010], %parallel_loop3A_1013 {strides = array<i32>} : memref<160x64xf32, #tpu.memory_space<vmem>>, vector<1x16xf32>,
        %parallel_loop3A_1014 = arith.constant 32 : i32
        %parallel_loop3A_1015 = arith.addi %parallel_loop3A_983, %parallel_loop3A_1014 : i32
        %parallel_loop3A_1016 = arith.index_cast %parallel_loop3A_985 : i32 to index
        %parallel_loop3A_1017 = arith.index_cast %parallel_loop3A_1015 : i32 to index
        %parallel_loop3A_1018 = tpu.vector_load %arg8[%parallel_loop3A_1016, %parallel_loop3A_1017] {strides = array<i32>} : memref<160x128xf32, #tpu.memory_space<vmem>>, vector<1x16xf32>,
        %parallel_loop3A_1019 = vector.shape_cast %parallel_loop3A_1018 : vector<1x16xf32> to vector<16xf32>
        %parallel_loop3A_1020 = arith.constant 8.000000e+00 : f32
        %parallel_loop3A_1021 = vector.broadcast %parallel_loop3A_1020 : f32 to vector<16xf32>
        %parallel_loop3A_1022 = arith.mulf %parallel_loop3A_1019, %parallel_loop3A_1021 : vector<16xf32>
        %parallel_loop3A_1023 = arith.index_cast %parallel_loop3A_985 : i32 to index
        %parallel_loop3A_1024 = arith.constant 32 : index
        %parallel_loop3A_1025 = tpu.vector_load %arg9[%parallel_loop3A_1023, %parallel_loop3A_1024] {strides = array<i32>} : memref<160x64xf32, #tpu.memory_space<vmem>>, vector<1x16xf32>,
        %parallel_loop3A_1026 = vector.shape_cast %parallel_loop3A_1025 : vector<1x16xf32> to vector<16xf32>
        %parallel_loop3A_1027 = vector.shape_cast %parallel_loop3A_1022 : vector<16xf32> to vector<1x16xf32>
        tpu.vector_store %arg9[%parallel_loop3A_1023, %parallel_loop3A_1024], %parallel_loop3A_1027 {strides = array<i32>} : memref<160x64xf32, #tpu.memory_space<vmem>>, vector<1x16xf32>,
        %parallel_loop3A_1028 = arith.constant 48 : i32
        %parallel_loop3A_1029 = arith.addi %parallel_loop3A_983, %parallel_loop3A_1028 : i32
        %parallel_loop3A_1030 = arith.index_cast %parallel_loop3A_985 : i32 to index
        %parallel_loop3A_1031 = arith.index_cast %parallel_loop3A_1029 : i32 to index
        %parallel_loop3A_1032 = tpu.vector_load %arg8[%parallel_loop3A_1030, %parallel_loop3A_1031] {strides = array<i32>} : memref<160x128xf32, #tpu.memory_space<vmem>>, vector<1x16xf32>,
        %parallel_loop3A_1033 = vector.shape_cast %parallel_loop3A_1032 : vector<1x16xf32> to vector<16xf32>
        %parallel_loop3A_1034 = arith.constant 8.000000e+00 : f32
        %parallel_loop3A_1035 = vector.broadcast %parallel_loop3A_1034 : f32 to vector<16xf32>
        %parallel_loop3A_1036 = arith.mulf %parallel_loop3A_1033, %parallel_loop3A_1035 : vector<16xf32>
        %parallel_loop3A_1037 = arith.index_cast %parallel_loop3A_985 : i32 to index
        %parallel_loop3A_1038 = arith.constant 48 : index
        %parallel_loop3A_1039 = tpu.vector_load %arg9[%parallel_loop3A_1037, %parallel_loop3A_1038] {strides = array<i32>} : memref<160x64xf32, #tpu.memory_space<vmem>>, vector<1x16xf32>,
        %parallel_loop3A_1040 = vector.shape_cast %parallel_loop3A_1039 : vector<1x16xf32> to vector<16xf32>
        %parallel_loop3A_1041 = vector.shape_cast %parallel_loop3A_1036 : vector<16xf32> to vector<1x16xf32>
        tpu.vector_store %arg9[%parallel_loop3A_1037, %parallel_loop3A_1038], %parallel_loop3A_1041 {strides = array<i32>} : memref<160x64xf32, #tpu.memory_space<vmem>>, vector<1x16xf32>,
      } {sc.loop_unroll_factor = 2 : i64, sc.parallel_access}
      %mul3A_44 = arith.constant 160 : i32
      %mul3A_45 = arith.muli %mul3A_27, %mul3A_44 : i32
      %add3A_46 = arith.addi %multiple_of3A, %mul3A_45 : i32
      %multiple_of3A_47 = tpu.assume_multiple %add3A_46, 8 : i32
      %dma_start3A_48 = arith.constant 0 : i32
      %dma_start3A_49 = tpu.memref_slice %arg4[%multiple_of3A_47, %dma_start3A_48] : memref<819200x64xf32, #tpu.memory_space<hbm>> -> memref<160x64xf32, #tpu.memory_space<hbm>>
      %dma_start3A_50 = arith.constant 0 : i32
      %dma_start3A_51 = tpu.memref_slice %arg4[%multiple_of3A_47, %dma_start3A_50] : memref<819200x64xf32, #tpu.memory_space<hbm>> -> memref<160x64xf32, #tpu.memory_space<hbm>>
      tpu.enqueue_dma source(%arg9 : memref<160x64xf32, #tpu.memory_space<vmem>>) target(%dma_start3A_51 : memref<160x64xf32, #tpu.memory_space<hbm>>) target_semaphore(%arg11 : memref<!tpu.dma_semaphore, #tpu.memory_space<semaphore_mem>>)
      %add3A_52 = arith.constant 2 : i32
      %add3A_53 = arith.addi %mul3A_27, %add3A_52 : i32
      %lt3A = arith.constant 160 : i32
      %lt3A_54 = arith.cmpi slt, %add3A_53, %lt3A : i32
      %convert_element_type3A_55 = arith.extui %lt3A_54 : i1 to i32
      %cond3A_56 = arith.constant 0 : i32
      %cond3A_57 = arith.cmpi ne, %convert_element_type3A_55, %cond3A_56 : i32
      scf.if %cond3A_57 {
        %mul3A_74 = arith.constant 160 : i32
        %mul3A_75 = arith.muli %mul3A_27, %mul3A_74 : i32
        %add3A_76 = arith.addi %multiple_of3A, %mul3A_75 : i32
        %multiple_of3A_77 = tpu.assume_multiple %add3A_76, 8 : i32
        %dma_wait3A_78 = arith.constant 0 : i32
        %dma_wait3A_79 = tpu.memref_slice %arg4[%multiple_of3A_77, %dma_wait3A_78] : memref<819200x64xf32, #tpu.memory_space<hbm>> -> memref<160x64xf32, #tpu.memory_space<hbm>>
        %dma_wait3A_80 = arith.constant 0 : i32
        %dma_wait3A_81 = tpu.memref_slice %arg4[%multiple_of3A_77, %dma_wait3A_80] : memref<819200x64xf32, #tpu.memory_space<hbm>> -> memref<160x64xf32, #tpu.memory_space<hbm>>
        tpu.wait_dma2 semaphore(%arg11 : memref<!tpu.dma_semaphore, #tpu.memory_space<semaphore_mem>>) src(%arg9 : memref<160x64xf32, #tpu.memory_space<vmem>>) dst(%dma_wait3A_81 : memref<160x64xf32, #tpu.memory_space<hbm>>)
        %add3A_82 = arith.constant 2 : i32
        %add3A_83 = arith.addi %mul3A_27, %add3A_82 : i32
        %parallel_loop3A_84 = arith.constant 0 : i32
        %parallel_loop3A_85 = arith.constant 10 : i32
        %parallel_loop3A_86 = arith.constant 1 : i32
        scf.for %parallel_loop3A_90 = %parallel_loop3A_84 to %parallel_loop3A_85 step %parallel_loop3A_86  : i32 {
          %parallel_loop3A_91 = arith.constant 16 : i32
          %parallel_loop3A_92 = arith.muli %parallel_loop3A_90, %parallel_loop3A_91 : i32
          %parallel_loop3A_93 = arith.constant 144 : i32
          %parallel_loop3A_94 = arith.minsi %parallel_loop3A_92, %parallel_loop3A_93 : i32
          %parallel_loop3A_95 = arith.constant 160 : i32
          %parallel_loop3A_96 = arith.muli %add3A_83, %parallel_loop3A_95 : i32
          %parallel_loop3A_97 = arith.addi %parallel_loop3A_96, %parallel_loop3A_94 : i32
          %parallel_loop3A_98 = arith.index_cast %parallel_loop3A_97 : i32 to index
          %parallel_loop3A_99 = tpu.vector_load %arg5[%parallel_loop3A_98] {strides = array<i32>} : memref<25600xi32, #tpu.memory_space<vmem>>, vector<16xi32>,
          %parallel_loop3A_100 = vector.shape_cast %parallel_loop3A_99 : vector<16xi32> to vector<16xi32>
          %parallel_loop3A_101 = arith.constant 1 : i32
          %parallel_loop3A_102 = vector.broadcast %parallel_loop3A_101 : i32 to vector<16xi32>
          %parallel_loop3A_103 = arith.shrsi %parallel_loop3A_100, %parallel_loop3A_102 : vector<16xi32>
          %parallel_loop3A_104 = arith.index_cast %parallel_loop3A_94 : i32 to index
          %parallel_loop3A_105 = tpu.vector_load %arg6[%parallel_loop3A_104] {strides = array<i32>} : memref<160xi32, #tpu.memory_space<vmem>>, vector<16xi32>,
          %parallel_loop3A_106 = vector.shape_cast %parallel_loop3A_105 : vector<16xi32> to vector<16xi32>
          %parallel_loop3A_107 = vector.shape_cast %parallel_loop3A_103 : vector<16xi32> to vector<16xi32>
          tpu.vector_store %arg6[%parallel_loop3A_104], %parallel_loop3A_107 {strides = array<i32>} : memref<160xi32, #tpu.memory_space<vmem>>, vector<16xi32>,
          %parallel_loop3A_108 = arith.constant 1 : i32
          %parallel_loop3A_109 = vector.broadcast %parallel_loop3A_108 : i32 to vector<16xi32>
          %parallel_loop3A_110 = arith.andi %parallel_loop3A_100, %parallel_loop3A_109 : vector<16xi32>
          %parallel_loop3A_111 = arith.constant 64 : i32
          %parallel_loop3A_112 = vector.broadcast %parallel_loop3A_111 : i32 to vector<16xi32>
          %parallel_loop3A_113 = arith.muli %parallel_loop3A_110, %parallel_loop3A_112 : vector<16xi32>
          %parallel_loop3A_114 = arith.index_cast %parallel_loop3A_94 : i32 to index
          %parallel_loop3A_115 = tpu.vector_load %arg7[%parallel_loop3A_114] {strides = array<i32>} : memref<160xi32, #tpu.memory_space<vmem>>, vector<16xi32>,
          %parallel_loop3A_116 = vector.shape_cast %parallel_loop3A_115 : vector<16xi32> to vector<16xi32>
          %parallel_loop3A_117 = vector.shape_cast %parallel_loop3A_113 : vector<16xi32> to vector<16xi32>
          tpu.vector_store %arg7[%parallel_loop3A_114], %parallel_loop3A_117 {strides = array<i32>} : memref<160xi32, #tpu.memory_space<vmem>>, vector<16xi32>,
        } {sc.loop_unroll_factor = 4 : i64, sc.parallel_access}
        %dma_start3A_87 = arith.constant 0 : i32
        %dma_start3A_88 = arith.constant 0 : i32
        %dma_start3A_89 = tpu.memref_slice %arg2[%dma_start3A_87, %dma_start3A_88] : memref<500002x128xf32, #tpu.memory_space<hbm>> -> memref<500002x128xf32, #tpu.memory_space<hbm>>
        tpu.enqueue_indirect_dma source(%dma_start3A_89 : memref<500002x128xf32, #tpu.memory_space<hbm>>) target(%arg8 : memref<160x128xf32, #tpu.memory_space<vmem>>) offsets(%arg6 : memref<160xi32, #tpu.memory_space<vmem>>) semaphore(%arg10 : memref<!tpu.dma_semaphore, #tpu.memory_space<semaphore_mem>>)
      } else {
      }
      %add3A_58 = arith.constant 1 : i32
      %add3A_59 = arith.addi %mul3A_27, %add3A_58 : i32
      %dma_wait3A_60 = arith.constant 0 : i32
      %dma_wait3A_61 = arith.constant 0 : i32
      %dma_wait3A_62 = tpu.memref_slice %arg2[%dma_wait3A_60, %dma_wait3A_61] : memref<500002x128xf32, #tpu.memory_space<hbm>> -> memref<500002x128xf32, #tpu.memory_space<hbm>>
      tpu.wait_indirect_dma semaphore(%arg16 : memref<!tpu.dma_semaphore, #tpu.memory_space<semaphore_mem>>) src(%dma_wait3A_62 : memref<500002x128xf32, #tpu.memory_space<hbm>>) dst(%arg14 : memref<160x128xf32, #tpu.memory_space<vmem>>)
      %parallel_loop3A_63 = arith.constant 0 : i32
      %parallel_loop3A_64 = arith.constant 10 : i32
      %parallel_loop3A_65 = arith.constant 1 : i32
      scf.for %parallel_loop3A_74 = %parallel_loop3A_63 to %parallel_loop3A_64 step %parallel_loop3A_65  : i32 {
        %parallel_loop3A_75 = arith.constant 16 : i32
        %parallel_loop3A_76 = arith.muli %parallel_loop3A_74, %parallel_loop3A_75 : i32
        %parallel_loop3A_77 = arith.constant 144 : i32
        %parallel_loop3A_78 = arith.minsi %parallel_loop3A_76, %parallel_loop3A_77 : i32
        %parallel_loop3A_79 = arith.index_cast %parallel_loop3A_78 : i32 to index
        %parallel_loop3A_80 = tpu.vector_load %arg13[%parallel_loop3A_79] {strides = array<i32>} : memref<160xi32, #tpu.memory_space<vmem>>, vector<16xi32>,
        %parallel_loop3A_81 = vector.shape_cast %parallel_loop3A_80 : vector<16xi32> to vector<16xi32>
        %parallel_loop3A_82 = vector.extract_strided_slice %parallel_loop3A_81 {offsets = [0], sizes = [1], strides = [1]} : vector<16xi32> to vector<1xi32>
        %parallel_loop3A_83 = vector.extract %parallel_loop3A_82[0] : i32 from vector<1xi32>
        %parallel_loop3A_84 = arith.constant 0 : i32
        %parallel_loop3A_85 = arith.addi %parallel_loop3A_78, %parallel_loop3A_84 : i32
        %parallel_loop3A_86 = arith.constant 0 : i32
        %parallel_loop3A_87 = arith.addi %parallel_loop3A_83, %parallel_loop3A_86 : i32
        %parallel_loop3A_88 = arith.index_cast %parallel_loop3A_85 : i32 to index
        %parallel_loop3A_89 = arith.index_cast %parallel_loop3A_87 : i32 to index
        %parallel_loop3A_90 = tpu.vector_load %arg14[%parallel_loop3A_88, %parallel_loop3A_89] {strides = array<i32>} : memref<160x128xf32, #tpu.memory_space<vmem>>, vector<1x16xf32>,
        %parallel_loop3A_91 = vector.shape_cast %parallel_loop3A_90 : vector<1x16xf32> to vector<16xf32>
        %parallel_loop3A_92 = arith.constant 8.000000e+00 : f32
        %parallel_loop3A_93 = vector.broadcast %parallel_loop3A_92 : f32 to vector<16xf32>
        %parallel_loop3A_94 = arith.mulf %parallel_loop3A_91, %parallel_loop3A_93 : vector<16xf32>
        %parallel_loop3A_95 = arith.index_cast %parallel_loop3A_85 : i32 to index
        %parallel_loop3A_96 = arith.constant 0 : index
        %parallel_loop3A_97 = tpu.vector_load %arg15[%parallel_loop3A_95, %parallel_loop3A_96] {strides = array<i32>} : memref<160x64xf32, #tpu.memory_space<vmem>>, vector<1x16xf32>,
        %parallel_loop3A_98 = vector.shape_cast %parallel_loop3A_97 : vector<1x16xf32> to vector<16xf32>
        %parallel_loop3A_99 = vector.shape_cast %parallel_loop3A_94 : vector<16xf32> to vector<1x16xf32>
        tpu.vector_store %arg15[%parallel_loop3A_95, %parallel_loop3A_96], %parallel_loop3A_99 {strides = array<i32>} : memref<160x64xf32, #tpu.memory_space<vmem>>, vector<1x16xf32>,
        %parallel_loop3A_100 = arith.constant 16 : i32
        %parallel_loop3A_101 = arith.addi %parallel_loop3A_83, %parallel_loop3A_100 : i32
        %parallel_loop3A_102 = arith.index_cast %parallel_loop3A_85 : i32 to index
        %parallel_loop3A_103 = arith.index_cast %parallel_loop3A_101 : i32 to index
        %parallel_loop3A_104 = tpu.vector_load %arg14[%parallel_loop3A_102, %parallel_loop3A_103] {strides = array<i32>} : memref<160x128xf32, #tpu.memory_space<vmem>>, vector<1x16xf32>,
        %parallel_loop3A_105 = vector.shape_cast %parallel_loop3A_104 : vector<1x16xf32> to vector<16xf32>
        %parallel_loop3A_106 = arith.constant 8.000000e+00 : f32
        %parallel_loop3A_107 = vector.broadcast %parallel_loop3A_106 : f32 to vector<16xf32>
        %parallel_loop3A_108 = arith.mulf %parallel_loop3A_105, %parallel_loop3A_107 : vector<16xf32>
        %parallel_loop3A_109 = arith.index_cast %parallel_loop3A_85 : i32 to index
        %parallel_loop3A_110 = arith.constant 16 : index
        %parallel_loop3A_111 = tpu.vector_load %arg15[%parallel_loop3A_109, %parallel_loop3A_110] {strides = array<i32>} : memref<160x64xf32, #tpu.memory_space<vmem>>, vector<1x16xf32>,
        %parallel_loop3A_112 = vector.shape_cast %parallel_loop3A_111 : vector<1x16xf32> to vector<16xf32>
        %parallel_loop3A_113 = vector.shape_cast %parallel_loop3A_108 : vector<16xf32> to vector<1x16xf32>
        tpu.vector_store %arg15[%parallel_loop3A_109, %parallel_loop3A_110], %parallel_loop3A_113 {strides = array<i32>} : memref<160x64xf32, #tpu.memory_space<vmem>>, vector<1x16xf32>,
        %parallel_loop3A_114 = arith.constant 32 : i32
        %parallel_loop3A_115 = arith.addi %parallel_loop3A_83, %parallel_loop3A_114 : i32
        %parallel_loop3A_116 = arith.index_cast %parallel_loop3A_85 : i32 to index
        %parallel_loop3A_117 = arith.index_cast %parallel_loop3A_115 : i32 to index
        %parallel_loop3A_118 = tpu.vector_load %arg14[%parallel_loop3A_116, %parallel_loop3A_117] {strides = array<i32>} : memref<160x128xf32, #tpu.memory_space<vmem>>, vector<1x16xf32>,
        %parallel_loop3A_119 = vector.shape_cast %parallel_loop3A_118 : vector<1x16xf32> to vector<16xf32>
        %parallel_loop3A_120 = arith.constant 8.000000e+00 : f32
        %parallel_loop3A_121 = vector.broadcast %parallel_loop3A_120 : f32 to vector<16xf32>
        %parallel_loop3A_122 = arith.mulf %parallel_loop3A_119, %parallel_loop3A_121 : vector<16xf32>
        %parallel_loop3A_123 = arith.index_cast %parallel_loop3A_85 : i32 to index
        %parallel_loop3A_124 = arith.constant 32 : index
        %parallel_loop3A_125 = tpu.vector_load %arg15[%parallel_loop3A_123, %parallel_loop3A_124] {strides = array<i32>} : memref<160x64xf32, #tpu.memory_space<vmem>>, vector<1x16xf32>,
        %parallel_loop3A_126 = vector.shape_cast %parallel_loop3A_125 : vector<1x16xf32> to vector<16xf32>
        %parallel_loop3A_127 = vector.shape_cast %parallel_loop3A_122 : vector<16xf32> to vector<1x16xf32>
        tpu.vector_store %arg15[%parallel_loop3A_123, %parallel_loop3A_124], %parallel_loop3A_127 {strides = array<i32>} : memref<160x64xf32, #tpu.memory_space<vmem>>, vector<1x16xf32>,
        %parallel_loop3A_128 = arith.constant 48 : i32
        %parallel_loop3A_129 = arith.addi %parallel_loop3A_83, %parallel_loop3A_128 : i32
        %parallel_loop3A_130 = arith.index_cast %parallel_loop3A_85 : i32 to index
        %parallel_loop3A_131 = arith.index_cast %parallel_loop3A_129 : i32 to index
        %parallel_loop3A_132 = tpu.vector_load %arg14[%parallel_loop3A_130, %parallel_loop3A_131] {strides = array<i32>} : memref<160x128xf32, #tpu.memory_space<vmem>>, vector<1x16xf32>,
        %parallel_loop3A_133 = vector.shape_cast %parallel_loop3A_132 : vector<1x16xf32> to vector<16xf32>
        %parallel_loop3A_134 = arith.constant 8.000000e+00 : f32
        %parallel_loop3A_135 = vector.broadcast %parallel_loop3A_134 : f32 to vector<16xf32>
        %parallel_loop3A_136 = arith.mulf %parallel_loop3A_133, %parallel_loop3A_135 : vector<16xf32>
        %parallel_loop3A_137 = arith.index_cast %parallel_loop3A_85 : i32 to index
        %parallel_loop3A_138 = arith.constant 48 : index
        %parallel_loop3A_139 = tpu.vector_load %arg15[%parallel_loop3A_137, %parallel_loop3A_138] {strides = array<i32>} : memref<160x64xf32, #tpu.memory_space<vmem>>, vector<1x16xf32>,
        %parallel_loop3A_140 = vector.shape_cast %parallel_loop3A_139 : vector<1x16xf32> to vector<16xf32>
        %parallel_loop3A_141 = vector.shape_cast %parallel_loop3A_136 : vector<16xf32> to vector<1x16xf32>
        tpu.vector_store %arg15[%parallel_loop3A_137, %parallel_loop3A_138], %parallel_loop3A_141 {strides = array<i32>} : memref<160x64xf32, #tpu.memory_space<vmem>>, vector<1x16xf32>,
        %parallel_loop3A_142 = vector.extract_strided_slice %parallel_loop3A_81 {offsets = [1], sizes = [1], strides = [1]} : vector<16xi32> to vector<1xi32>
        %parallel_loop3A_143 = vector.extract %parallel_loop3A_142[0] : i32 from vector<1xi32>
        %parallel_loop3A_144 = arith.constant 1 : i32
        %parallel_loop3A_145 = arith.addi %parallel_loop3A_78, %parallel_loop3A_144 : i32
        %parallel_loop3A_146 = arith.constant 0 : i32
        %parallel_loop3A_147 = arith.addi %parallel_loop3A_143, %parallel_loop3A_146 : i32
        %parallel_loop3A_148 = arith.index_cast %parallel_loop3A_145 : i32 to index
        %parallel_loop3A_149 = arith.index_cast %parallel_loop3A_147 : i32 to index
        %parallel_loop3A_150 = tpu.vector_load %arg14[%parallel_loop3A_148, %parallel_loop3A_149] {strides = array<i32>} : memref<160x128xf32, #tpu.memory_space<vmem>>, vector<1x16xf32>,
        %parallel_loop3A_151 = vector.shape_cast %parallel_loop3A_150 : vector<1x16xf32> to vector<16xf32>
        %parallel_loop3A_152 = arith.constant 8.000000e+00 : f32
        %parallel_loop3A_153 = vector.broadcast %parallel_loop3A_152 : f32 to vector<16xf32>
        %parallel_loop3A_154 = arith.mulf %parallel_loop3A_151, %parallel_loop3A_153 : vector<16xf32>
        %parallel_loop3A_155 = arith.index_cast %parallel_loop3A_145 : i32 to index
        %parallel_loop3A_156 = arith.constant 0 : index
        %parallel_loop3A_157 = tpu.vector_load %arg15[%parallel_loop3A_155, %parallel_loop3A_156] {strides = array<i32>} : memref<160x64xf32, #tpu.memory_space<vmem>>, vector<1x16xf32>,
        %parallel_loop3A_158 = vector.shape_cast %parallel_loop3A_157 : vector<1x16xf32> to vector<16xf32>
        %parallel_loop3A_159 = vector.shape_cast %parallel_loop3A_154 : vector<16xf32> to vector<1x16xf32>
        tpu.vector_store %arg15[%parallel_loop3A_155, %parallel_loop3A_156], %parallel_loop3A_159 {strides = array<i32>} : memref<160x64xf32, #tpu.memory_space<vmem>>, vector<1x16xf32>,
        %parallel_loop3A_160 = arith.constant 16 : i32
        %parallel_loop3A_161 = arith.addi %parallel_loop3A_143, %parallel_loop3A_160 : i32
        %parallel_loop3A_162 = arith.index_cast %parallel_loop3A_145 : i32 to index
        %parallel_loop3A_163 = arith.index_cast %parallel_loop3A_161 : i32 to index
        %parallel_loop3A_164 = tpu.vector_load %arg14[%parallel_loop3A_162, %parallel_loop3A_163] {strides = array<i32>} : memref<160x128xf32, #tpu.memory_space<vmem>>, vector<1x16xf32>,
        %parallel_loop3A_165 = vector.shape_cast %parallel_loop3A_164 : vector<1x16xf32> to vector<16xf32>
        %parallel_loop3A_166 = arith.constant 8.000000e+00 : f32
        %parallel_loop3A_167 = vector.broadcast %parallel_loop3A_166 : f32 to vector<16xf32>
        %parallel_loop3A_168 = arith.mulf %parallel_loop3A_165, %parallel_loop3A_167 : vector<16xf32>
        %parallel_loop3A_169 = arith.index_cast %parallel_loop3A_145 : i32 to index
        %parallel_loop3A_170 = arith.constant 16 : index
        %parallel_loop3A_171 = tpu.vector_load %arg15[%parallel_loop3A_169, %parallel_loop3A_170] {strides = array<i32>} : memref<160x64xf32, #tpu.memory_space<vmem>>, vector<1x16xf32>,
        %parallel_loop3A_172 = vector.shape_cast %parallel_loop3A_171 : vector<1x16xf32> to vector<16xf32>
        %parallel_loop3A_173 = vector.shape_cast %parallel_loop3A_168 : vector<16xf32> to vector<1x16xf32>
        tpu.vector_store %arg15[%parallel_loop3A_169, %parallel_loop3A_170], %parallel_loop3A_173 {strides = array<i32>} : memref<160x64xf32, #tpu.memory_space<vmem>>, vector<1x16xf32>,
        %parallel_loop3A_174 = arith.constant 32 : i32
        %parallel_loop3A_175 = arith.addi %parallel_loop3A_143, %parallel_loop3A_174 : i32
        %parallel_loop3A_176 = arith.index_cast %parallel_loop3A_145 : i32 to index
        %parallel_loop3A_177 = arith.index_cast %parallel_loop3A_175 : i32 to index
        %parallel_loop3A_178 = tpu.vector_load %arg14[%parallel_loop3A_176, %parallel_loop3A_177] {strides = array<i32>} : memref<160x128xf32, #tpu.memory_space<vmem>>, vector<1x16xf32>,
        %parallel_loop3A_179 = vector.shape_cast %parallel_loop3A_178 : vector<1x16xf32> to vector<16xf32>
        %parallel_loop3A_180 = arith.constant 8.000000e+00 : f32
        %parallel_loop3A_181 = vector.broadcast %parallel_loop3A_180 : f32 to vector<16xf32>
        %parallel_loop3A_182 = arith.mulf %parallel_loop3A_179, %parallel_loop3A_181 : vector<16xf32>
        %parallel_loop3A_183 = arith.index_cast %parallel_loop3A_145 : i32 to index
        %parallel_loop3A_184 = arith.constant 32 : index
        %parallel_loop3A_185 = tpu.vector_load %arg15[%parallel_loop3A_183, %parallel_loop3A_184] {strides = array<i32>} : memref<160x64xf32, #tpu.memory_space<vmem>>, vector<1x16xf32>,
        %parallel_loop3A_186 = vector.shape_cast %parallel_loop3A_185 : vector<1x16xf32> to vector<16xf32>
        %parallel_loop3A_187 = vector.shape_cast %parallel_loop3A_182 : vector<16xf32> to vector<1x16xf32>
        tpu.vector_store %arg15[%parallel_loop3A_183, %parallel_loop3A_184], %parallel_loop3A_187 {strides = array<i32>} : memref<160x64xf32, #tpu.memory_space<vmem>>, vector<1x16xf32>,
        %parallel_loop3A_188 = arith.constant 48 : i32
        %parallel_loop3A_189 = arith.addi %parallel_loop3A_143, %parallel_loop3A_188 : i32
        %parallel_loop3A_190 = arith.index_cast %parallel_loop3A_145 : i32 to index
        %parallel_loop3A_191 = arith.index_cast %parallel_loop3A_189 : i32 to index
        %parallel_loop3A_192 = tpu.vector_load %arg14[%parallel_loop3A_190, %parallel_loop3A_191] {strides = array<i32>} : memref<160x128xf32, #tpu.memory_space<vmem>>, vector<1x16xf32>,
        %parallel_loop3A_193 = vector.shape_cast %parallel_loop3A_192 : vector<1x16xf32> to vector<16xf32>
        %parallel_loop3A_194 = arith.constant 8.000000e+00 : f32
        %parallel_loop3A_195 = vector.broadcast %parallel_loop3A_194 : f32 to vector<16xf32>
        %parallel_loop3A_196 = arith.mulf %parallel_loop3A_193, %parallel_loop3A_195 : vector<16xf32>
        %parallel_loop3A_197 = arith.index_cast %parallel_loop3A_145 : i32 to index
        %parallel_loop3A_198 = arith.constant 48 : index
        %parallel_loop3A_199 = tpu.vector_load %arg15[%parallel_loop3A_197, %parallel_loop3A_198] {strides = array<i32>} : memref<160x64xf32, #tpu.memory_space<vmem>>, vector<1x16xf32>,
        %parallel_loop3A_200 = vector.shape_cast %parallel_loop3A_199 : vector<1x16xf32> to vector<16xf32>
        %parallel_loop3A_201 = vector.shape_cast %parallel_loop3A_196 : vector<16xf32> to vector<1x16xf32>
        tpu.vector_store %arg15[%parallel_loop3A_197, %parallel_loop3A_198], %parallel_loop3A_201 {strides = array<i32>} : memref<160x64xf32, #tpu.memory_space<vmem>>, vector<1x16xf32>,
        %parallel_loop3A_202 = vector.extract_strided_slice %parallel_loop3A_81 {offsets = [2], sizes = [1], strides = [1]} : vector<16xi32> to vector<1xi32>
        %parallel_loop3A_203 = vector.extract %parallel_loop3A_202[0] : i32 from vector<1xi32>
        %parallel_loop3A_204 = arith.constant 2 : i32
        %parallel_loop3A_205 = arith.addi %parallel_loop3A_78, %parallel_loop3A_204 : i32
        %parallel_loop3A_206 = arith.constant 0 : i32
        %parallel_loop3A_207 = arith.addi %parallel_loop3A_203, %parallel_loop3A_206 : i32
        %parallel_loop3A_208 = arith.index_cast %parallel_loop3A_205 : i32 to index
        %parallel_loop3A_209 = arith.index_cast %parallel_loop3A_207 : i32 to index
        %parallel_loop3A_210 = tpu.vector_load %arg14[%parallel_loop3A_208, %parallel_loop3A_209] {strides = array<i32>} : memref<160x128xf32, #tpu.memory_space<vmem>>, vector<1x16xf32>,
        %parallel_loop3A_211 = vector.shape_cast %parallel_loop3A_210 : vector<1x16xf32> to vector<16xf32>
        %parallel_loop3A_212 = arith.constant 8.000000e+00 : f32
        %parallel_loop3A_213 = vector.broadcast %parallel_loop3A_212 : f32 to vector<16xf32>
        %parallel_loop3A_214 = arith.mulf %parallel_loop3A_211, %parallel_loop3A_213 : vector<16xf32>
        %parallel_loop3A_215 = arith.index_cast %parallel_loop3A_205 : i32 to index
        %parallel_loop3A_216 = arith.constant 0 : index
        %parallel_loop3A_217 = tpu.vector_load %arg15[%parallel_loop3A_215, %parallel_loop3A_216] {strides = array<i32>} : memref<160x64xf32, #tpu.memory_space<vmem>>, vector<1x16xf32>,
        %parallel_loop3A_218 = vector.shape_cast %parallel_loop3A_217 : vector<1x16xf32> to vector<16xf32>
        %parallel_loop3A_219 = vector.shape_cast %parallel_loop3A_214 : vector<16xf32> to vector<1x16xf32>
        tpu.vector_store %arg15[%parallel_loop3A_215, %parallel_loop3A_216], %parallel_loop3A_219 {strides = array<i32>} : memref<160x64xf32, #tpu.memory_space<vmem>>, vector<1x16xf32>,
        %parallel_loop3A_220 = arith.constant 16 : i32
        %parallel_loop3A_221 = arith.addi %parallel_loop3A_203, %parallel_loop3A_220 : i32
        %parallel_loop3A_222 = arith.index_cast %parallel_loop3A_205 : i32 to index
        %parallel_loop3A_223 = arith.index_cast %parallel_loop3A_221 : i32 to index
        %parallel_loop3A_224 = tpu.vector_load %arg14[%parallel_loop3A_222, %parallel_loop3A_223] {strides = array<i32>} : memref<160x128xf32, #tpu.memory_space<vmem>>, vector<1x16xf32>,
        %parallel_loop3A_225 = vector.shape_cast %parallel_loop3A_224 : vector<1x16xf32> to vector<16xf32>
        %parallel_loop3A_226 = arith.constant 8.000000e+00 : f32
        %parallel_loop3A_227 = vector.broadcast %parallel_loop3A_226 : f32 to vector<16xf32>
        %parallel_loop3A_228 = arith.mulf %parallel_loop3A_225, %parallel_loop3A_227 : vector<16xf32>
        %parallel_loop3A_229 = arith.index_cast %parallel_loop3A_205 : i32 to index
        %parallel_loop3A_230 = arith.constant 16 : index
        %parallel_loop3A_231 = tpu.vector_load %arg15[%parallel_loop3A_229, %parallel_loop3A_230] {strides = array<i32>} : memref<160x64xf32, #tpu.memory_space<vmem>>, vector<1x16xf32>,
        %parallel_loop3A_232 = vector.shape_cast %parallel_loop3A_231 : vector<1x16xf32> to vector<16xf32>
        %parallel_loop3A_233 = vector.shape_cast %parallel_loop3A_228 : vector<16xf32> to vector<1x16xf32>
        tpu.vector_store %arg15[%parallel_loop3A_229, %parallel_loop3A_230], %parallel_loop3A_233 {strides = array<i32>} : memref<160x64xf32, #tpu.memory_space<vmem>>, vector<1x16xf32>,
        %parallel_loop3A_234 = arith.constant 32 : i32
        %parallel_loop3A_235 = arith.addi %parallel_loop3A_203, %parallel_loop3A_234 : i32
        %parallel_loop3A_236 = arith.index_cast %parallel_loop3A_205 : i32 to index
        %parallel_loop3A_237 = arith.index_cast %parallel_loop3A_235 : i32 to index
        %parallel_loop3A_238 = tpu.vector_load %arg14[%parallel_loop3A_236, %parallel_loop3A_237] {strides = array<i32>} : memref<160x128xf32, #tpu.memory_space<vmem>>, vector<1x16xf32>,
        %parallel_loop3A_239 = vector.shape_cast %parallel_loop3A_238 : vector<1x16xf32> to vector<16xf32>
        %parallel_loop3A_240 = arith.constant 8.000000e+00 : f32
        %parallel_loop3A_241 = vector.broadcast %parallel_loop3A_240 : f32 to vector<16xf32>
        %parallel_loop3A_242 = arith.mulf %parallel_loop3A_239, %parallel_loop3A_241 : vector<16xf32>
        %parallel_loop3A_243 = arith.index_cast %parallel_loop3A_205 : i32 to index
        %parallel_loop3A_244 = arith.constant 32 : index
        %parallel_loop3A_245 = tpu.vector_load %arg15[%parallel_loop3A_243, %parallel_loop3A_244] {strides = array<i32>} : memref<160x64xf32, #tpu.memory_space<vmem>>, vector<1x16xf32>,
        %parallel_loop3A_246 = vector.shape_cast %parallel_loop3A_245 : vector<1x16xf32> to vector<16xf32>
        %parallel_loop3A_247 = vector.shape_cast %parallel_loop3A_242 : vector<16xf32> to vector<1x16xf32>
        tpu.vector_store %arg15[%parallel_loop3A_243, %parallel_loop3A_244], %parallel_loop3A_247 {strides = array<i32>} : memref<160x64xf32, #tpu.memory_space<vmem>>, vector<1x16xf32>,
        %parallel_loop3A_248 = arith.constant 48 : i32
        %parallel_loop3A_249 = arith.addi %parallel_loop3A_203, %parallel_loop3A_248 : i32
        %parallel_loop3A_250 = arith.index_cast %parallel_loop3A_205 : i32 to index
        %parallel_loop3A_251 = arith.index_cast %parallel_loop3A_249 : i32 to index
        %parallel_loop3A_252 = tpu.vector_load %arg14[%parallel_loop3A_250, %parallel_loop3A_251] {strides = array<i32>} : memref<160x128xf32, #tpu.memory_space<vmem>>, vector<1x16xf32>,
        %parallel_loop3A_253 = vector.shape_cast %parallel_loop3A_252 : vector<1x16xf32> to vector<16xf32>
        %parallel_loop3A_254 = arith.constant 8.000000e+00 : f32
        %parallel_loop3A_255 = vector.broadcast %parallel_loop3A_254 : f32 to vector<16xf32>
        %parallel_loop3A_256 = arith.mulf %parallel_loop3A_253, %parallel_loop3A_255 : vector<16xf32>
        %parallel_loop3A_257 = arith.index_cast %parallel_loop3A_205 : i32 to index
        %parallel_loop3A_258 = arith.constant 48 : index
        %parallel_loop3A_259 = tpu.vector_load %arg15[%parallel_loop3A_257, %parallel_loop3A_258] {strides = array<i32>} : memref<160x64xf32, #tpu.memory_space<vmem>>, vector<1x16xf32>,
        %parallel_loop3A_260 = vector.shape_cast %parallel_loop3A_259 : vector<1x16xf32> to vector<16xf32>
        %parallel_loop3A_261 = vector.shape_cast %parallel_loop3A_256 : vector<16xf32> to vector<1x16xf32>
        tpu.vector_store %arg15[%parallel_loop3A_257, %parallel_loop3A_258], %parallel_loop3A_261 {strides = array<i32>} : memref<160x64xf32, #tpu.memory_space<vmem>>, vector<1x16xf32>,
        %parallel_loop3A_262 = vector.extract_strided_slice %parallel_loop3A_81 {offsets = [3], sizes = [1], strides = [1]} : vector<16xi32> to vector<1xi32>
        %parallel_loop3A_263 = vector.extract %parallel_loop3A_262[0] : i32 from vector<1xi32>
        %parallel_loop3A_264 = arith.constant 3 : i32
        %parallel_loop3A_265 = arith.addi %parallel_loop3A_78, %parallel_loop3A_264 : i32
        %parallel_loop3A_266 = arith.constant 0 : i32
        %parallel_loop3A_267 = arith.addi %parallel_loop3A_263, %parallel_loop3A_266 : i32
        %parallel_loop3A_268 = arith.index_cast %parallel_loop3A_265 : i32 to index
        %parallel_loop3A_269 = arith.index_cast %parallel_loop3A_267 : i32 to index
        %parallel_loop3A_270 = tpu.vector_load %arg14[%parallel_loop3A_268, %parallel_loop3A_269] {strides = array<i32>} : memref<160x128xf32, #tpu.memory_space<vmem>>, vector<1x16xf32>,
        %parallel_loop3A_271 = vector.shape_cast %parallel_loop3A_270 : vector<1x16xf32> to vector<16xf32>
        %parallel_loop3A_272 = arith.constant 8.000000e+00 : f32
        %parallel_loop3A_273 = vector.broadcast %parallel_loop3A_272 : f32 to vector<16xf32>
        %parallel_loop3A_274 = arith.mulf %parallel_loop3A_271, %parallel_loop3A_273 : vector<16xf32>
        %parallel_loop3A_275 = arith.index_cast %parallel_loop3A_265 : i32 to index
        %parallel_loop3A_276 = arith.constant 0 : index
        %parallel_loop3A_277 = tpu.vector_load %arg15[%parallel_loop3A_275, %parallel_loop3A_276] {strides = array<i32>} : memref<160x64xf32, #tpu.memory_space<vmem>>, vector<1x16xf32>,
        %parallel_loop3A_278 = vector.shape_cast %parallel_loop3A_277 : vector<1x16xf32> to vector<16xf32>
        %parallel_loop3A_279 = vector.shape_cast %parallel_loop3A_274 : vector<16xf32> to vector<1x16xf32>
        tpu.vector_store %arg15[%parallel_loop3A_275, %parallel_loop3A_276], %parallel_loop3A_279 {strides = array<i32>} : memref<160x64xf32, #tpu.memory_space<vmem>>, vector<1x16xf32>,
        %parallel_loop3A_280 = arith.constant 16 : i32
        %parallel_loop3A_281 = arith.addi %parallel_loop3A_263, %parallel_loop3A_280 : i32
        %parallel_loop3A_282 = arith.index_cast %parallel_loop3A_265 : i32 to index
        %parallel_loop3A_283 = arith.index_cast %parallel_loop3A_281 : i32 to index
        %parallel_loop3A_284 = tpu.vector_load %arg14[%parallel_loop3A_282, %parallel_loop3A_283] {strides = array<i32>} : memref<160x128xf32, #tpu.memory_space<vmem>>, vector<1x16xf32>,
        %parallel_loop3A_285 = vector.shape_cast %parallel_loop3A_284 : vector<1x16xf32> to vector<16xf32>
        %parallel_loop3A_286 = arith.constant 8.000000e+00 : f32
        %parallel_loop3A_287 = vector.broadcast %parallel_loop3A_286 : f32 to vector<16xf32>
        %parallel_loop3A_288 = arith.mulf %parallel_loop3A_285, %parallel_loop3A_287 : vector<16xf32>
        %parallel_loop3A_289 = arith.index_cast %parallel_loop3A_265 : i32 to index
        %parallel_loop3A_290 = arith.constant 16 : index
        %parallel_loop3A_291 = tpu.vector_load %arg15[%parallel_loop3A_289, %parallel_loop3A_290] {strides = array<i32>} : memref<160x64xf32, #tpu.memory_space<vmem>>, vector<1x16xf32>,
        %parallel_loop3A_292 = vector.shape_cast %parallel_loop3A_291 : vector<1x16xf32> to vector<16xf32>
        %parallel_loop3A_293 = vector.shape_cast %parallel_loop3A_288 : vector<16xf32> to vector<1x16xf32>
        tpu.vector_store %arg15[%parallel_loop3A_289, %parallel_loop3A_290], %parallel_loop3A_293 {strides = array<i32>} : memref<160x64xf32, #tpu.memory_space<vmem>>, vector<1x16xf32>,
        %parallel_loop3A_294 = arith.constant 32 : i32
        %parallel_loop3A_295 = arith.addi %parallel_loop3A_263, %parallel_loop3A_294 : i32
        %parallel_loop3A_296 = arith.index_cast %parallel_loop3A_265 : i32 to index
        %parallel_loop3A_297 = arith.index_cast %parallel_loop3A_295 : i32 to index
        %parallel_loop3A_298 = tpu.vector_load %arg14[%parallel_loop3A_296, %parallel_loop3A_297] {strides = array<i32>} : memref<160x128xf32, #tpu.memory_space<vmem>>, vector<1x16xf32>,
        %parallel_loop3A_299 = vector.shape_cast %parallel_loop3A_298 : vector<1x16xf32> to vector<16xf32>
        %parallel_loop3A_300 = arith.constant 8.000000e+00 : f32
        %parallel_loop3A_301 = vector.broadcast %parallel_loop3A_300 : f32 to vector<16xf32>
        %parallel_loop3A_302 = arith.mulf %parallel_loop3A_299, %parallel_loop3A_301 : vector<16xf32>
        %parallel_loop3A_303 = arith.index_cast %parallel_loop3A_265 : i32 to index
        %parallel_loop3A_304 = arith.constant 32 : index
        %parallel_loop3A_305 = tpu.vector_load %arg15[%parallel_loop3A_303, %parallel_loop3A_304] {strides = array<i32>} : memref<160x64xf32, #tpu.memory_space<vmem>>, vector<1x16xf32>,
        %parallel_loop3A_306 = vector.shape_cast %parallel_loop3A_305 : vector<1x16xf32> to vector<16xf32>
        %parallel_loop3A_307 = vector.shape_cast %parallel_loop3A_302 : vector<16xf32> to vector<1x16xf32>
        tpu.vector_store %arg15[%parallel_loop3A_303, %parallel_loop3A_304], %parallel_loop3A_307 {strides = array<i32>} : memref<160x64xf32, #tpu.memory_space<vmem>>, vector<1x16xf32>,
        %parallel_loop3A_308 = arith.constant 48 : i32
        %parallel_loop3A_309 = arith.addi %parallel_loop3A_263, %parallel_loop3A_308 : i32
        %parallel_loop3A_310 = arith.index_cast %parallel_loop3A_265 : i32 to index
        %parallel_loop3A_311 = arith.index_cast %parallel_loop3A_309 : i32 to index
        %parallel_loop3A_312 = tpu.vector_load %arg14[%parallel_loop3A_310, %parallel_loop3A_311] {strides = array<i32>} : memref<160x128xf32, #tpu.memory_space<vmem>>, vector<1x16xf32>,
        %parallel_loop3A_313 = vector.shape_cast %parallel_loop3A_312 : vector<1x16xf32> to vector<16xf32>
        %parallel_loop3A_314 = arith.constant 8.000000e+00 : f32
        %parallel_loop3A_315 = vector.broadcast %parallel_loop3A_314 : f32 to vector<16xf32>
        %parallel_loop3A_316 = arith.mulf %parallel_loop3A_313, %parallel_loop3A_315 : vector<16xf32>
        %parallel_loop3A_317 = arith.index_cast %parallel_loop3A_265 : i32 to index
        %parallel_loop3A_318 = arith.constant 48 : index
        %parallel_loop3A_319 = tpu.vector_load %arg15[%parallel_loop3A_317, %parallel_loop3A_318] {strides = array<i32>} : memref<160x64xf32, #tpu.memory_space<vmem>>, vector<1x16xf32>,
        %parallel_loop3A_320 = vector.shape_cast %parallel_loop3A_319 : vector<1x16xf32> to vector<16xf32>
        %parallel_loop3A_321 = vector.shape_cast %parallel_loop3A_316 : vector<16xf32> to vector<1x16xf32>
        tpu.vector_store %arg15[%parallel_loop3A_317, %parallel_loop3A_318], %parallel_loop3A_321 {strides = array<i32>} : memref<160x64xf32, #tpu.memory_space<vmem>>, vector<1x16xf32>,
        %parallel_loop3A_322 = vector.extract_strided_slice %parallel_loop3A_81 {offsets = [4], sizes = [1], strides = [1]} : vector<16xi32> to vector<1xi32>
        %parallel_loop3A_323 = vector.extract %parallel_loop3A_322[0] : i32 from vector<1xi32>
        %parallel_loop3A_324 = arith.constant 4 : i32
        %parallel_loop3A_325 = arith.addi %parallel_loop3A_78, %parallel_loop3A_324 : i32
        %parallel_loop3A_326 = arith.constant 0 : i32
        %parallel_loop3A_327 = arith.addi %parallel_loop3A_323, %parallel_loop3A_326 : i32
        %parallel_loop3A_328 = arith.index_cast %parallel_loop3A_325 : i32 to index
        %parallel_loop3A_329 = arith.index_cast %parallel_loop3A_327 : i32 to index
        %parallel_loop3A_330 = tpu.vector_load %arg14[%parallel_loop3A_328, %parallel_loop3A_329] {strides = array<i32>} : memref<160x128xf32, #tpu.memory_space<vmem>>, vector<1x16xf32>,
        %parallel_loop3A_331 = vector.shape_cast %parallel_loop3A_330 : vector<1x16xf32> to vector<16xf32>
        %parallel_loop3A_332 = arith.constant 8.000000e+00 : f32
        %parallel_loop3A_333 = vector.broadcast %parallel_loop3A_332 : f32 to vector<16xf32>
        %parallel_loop3A_334 = arith.mulf %parallel_loop3A_331, %parallel_loop3A_333 : vector<16xf32>
        %parallel_loop3A_335 = arith.index_cast %parallel_loop3A_325 : i32 to index
        %parallel_loop3A_336 = arith.constant 0 : index
        %parallel_loop3A_337 = tpu.vector_load %arg15[%parallel_loop3A_335, %parallel_loop3A_336] {strides = array<i32>} : memref<160x64xf32, #tpu.memory_space<vmem>>, vector<1x16xf32>,
        %parallel_loop3A_338 = vector.shape_cast %parallel_loop3A_337 : vector<1x16xf32> to vector<16xf32>
        %parallel_loop3A_339 = vector.shape_cast %parallel_loop3A_334 : vector<16xf32> to vector<1x16xf32>
        tpu.vector_store %arg15[%parallel_loop3A_335, %parallel_loop3A_336], %parallel_loop3A_339 {strides = array<i32>} : memref<160x64xf32, #tpu.memory_space<vmem>>, vector<1x16xf32>,
        %parallel_loop3A_340 = arith.constant 16 : i32
        %parallel_loop3A_341 = arith.addi %parallel_loop3A_323, %parallel_loop3A_340 : i32
        %parallel_loop3A_342 = arith.index_cast %parallel_loop3A_325 : i32 to index
        %parallel_loop3A_343 = arith.index_cast %parallel_loop3A_341 : i32 to index
        %parallel_loop3A_344 = tpu.vector_load %arg14[%parallel_loop3A_342, %parallel_loop3A_343] {strides = array<i32>} : memref<160x128xf32, #tpu.memory_space<vmem>>, vector<1x16xf32>,
        %parallel_loop3A_345 = vector.shape_cast %parallel_loop3A_344 : vector<1x16xf32> to vector<16xf32>
        %parallel_loop3A_346 = arith.constant 8.000000e+00 : f32
        %parallel_loop3A_347 = vector.broadcast %parallel_loop3A_346 : f32 to vector<16xf32>
        %parallel_loop3A_348 = arith.mulf %parallel_loop3A_345, %parallel_loop3A_347 : vector<16xf32>
        %parallel_loop3A_349 = arith.index_cast %parallel_loop3A_325 : i32 to index
        %parallel_loop3A_350 = arith.constant 16 : index
        %parallel_loop3A_351 = tpu.vector_load %arg15[%parallel_loop3A_349, %parallel_loop3A_350] {strides = array<i32>} : memref<160x64xf32, #tpu.memory_space<vmem>>, vector<1x16xf32>,
        %parallel_loop3A_352 = vector.shape_cast %parallel_loop3A_351 : vector<1x16xf32> to vector<16xf32>
        %parallel_loop3A_353 = vector.shape_cast %parallel_loop3A_348 : vector<16xf32> to vector<1x16xf32>
        tpu.vector_store %arg15[%parallel_loop3A_349, %parallel_loop3A_350], %parallel_loop3A_353 {strides = array<i32>} : memref<160x64xf32, #tpu.memory_space<vmem>>, vector<1x16xf32>,
        %parallel_loop3A_354 = arith.constant 32 : i32
        %parallel_loop3A_355 = arith.addi %parallel_loop3A_323, %parallel_loop3A_354 : i32
        %parallel_loop3A_356 = arith.index_cast %parallel_loop3A_325 : i32 to index
        %parallel_loop3A_357 = arith.index_cast %parallel_loop3A_355 : i32 to index
        %parallel_loop3A_358 = tpu.vector_load %arg14[%parallel_loop3A_356, %parallel_loop3A_357] {strides = array<i32>} : memref<160x128xf32, #tpu.memory_space<vmem>>, vector<1x16xf32>,
        %parallel_loop3A_359 = vector.shape_cast %parallel_loop3A_358 : vector<1x16xf32> to vector<16xf32>
        %parallel_loop3A_360 = arith.constant 8.000000e+00 : f32
        %parallel_loop3A_361 = vector.broadcast %parallel_loop3A_360 : f32 to vector<16xf32>
        %parallel_loop3A_362 = arith.mulf %parallel_loop3A_359, %parallel_loop3A_361 : vector<16xf32>
        %parallel_loop3A_363 = arith.index_cast %parallel_loop3A_325 : i32 to index
        %parallel_loop3A_364 = arith.constant 32 : index
        %parallel_loop3A_365 = tpu.vector_load %arg15[%parallel_loop3A_363, %parallel_loop3A_364] {strides = array<i32>} : memref<160x64xf32, #tpu.memory_space<vmem>>, vector<1x16xf32>,
        %parallel_loop3A_366 = vector.shape_cast %parallel_loop3A_365 : vector<1x16xf32> to vector<16xf32>
        %parallel_loop3A_367 = vector.shape_cast %parallel_loop3A_362 : vector<16xf32> to vector<1x16xf32>
        tpu.vector_store %arg15[%parallel_loop3A_363, %parallel_loop3A_364], %parallel_loop3A_367 {strides = array<i32>} : memref<160x64xf32, #tpu.memory_space<vmem>>, vector<1x16xf32>,
        %parallel_loop3A_368 = arith.constant 48 : i32
        %parallel_loop3A_369 = arith.addi %parallel_loop3A_323, %parallel_loop3A_368 : i32
        %parallel_loop3A_370 = arith.index_cast %parallel_loop3A_325 : i32 to index
        %parallel_loop3A_371 = arith.index_cast %parallel_loop3A_369 : i32 to index
        %parallel_loop3A_372 = tpu.vector_load %arg14[%parallel_loop3A_370, %parallel_loop3A_371] {strides = array<i32>} : memref<160x128xf32, #tpu.memory_space<vmem>>, vector<1x16xf32>,
        %parallel_loop3A_373 = vector.shape_cast %parallel_loop3A_372 : vector<1x16xf32> to vector<16xf32>
        %parallel_loop3A_374 = arith.constant 8.000000e+00 : f32
        %parallel_loop3A_375 = vector.broadcast %parallel_loop3A_374 : f32 to vector<16xf32>
        %parallel_loop3A_376 = arith.mulf %parallel_loop3A_373, %parallel_loop3A_375 : vector<16xf32>
        %parallel_loop3A_377 = arith.index_cast %parallel_loop3A_325 : i32 to index
        %parallel_loop3A_378 = arith.constant 48 : index
        %parallel_loop3A_379 = tpu.vector_load %arg15[%parallel_loop3A_377, %parallel_loop3A_378] {strides = array<i32>} : memref<160x64xf32, #tpu.memory_space<vmem>>, vector<1x16xf32>,
        %parallel_loop3A_380 = vector.shape_cast %parallel_loop3A_379 : vector<1x16xf32> to vector<16xf32>
        %parallel_loop3A_381 = vector.shape_cast %parallel_loop3A_376 : vector<16xf32> to vector<1x16xf32>
        tpu.vector_store %arg15[%parallel_loop3A_377, %parallel_loop3A_378], %parallel_loop3A_381 {strides = array<i32>} : memref<160x64xf32, #tpu.memory_space<vmem>>, vector<1x16xf32>,
        %parallel_loop3A_382 = vector.extract_strided_slice %parallel_loop3A_81 {offsets = [5], sizes = [1], strides = [1]} : vector<16xi32> to vector<1xi32>
        %parallel_loop3A_383 = vector.extract %parallel_loop3A_382[0] : i32 from vector<1xi32>
        %parallel_loop3A_384 = arith.constant 5 : i32
        %parallel_loop3A_385 = arith.addi %parallel_loop3A_78, %parallel_loop3A_384 : i32
        %parallel_loop3A_386 = arith.constant 0 : i32
        %parallel_loop3A_387 = arith.addi %parallel_loop3A_383, %parallel_loop3A_386 : i32
        %parallel_loop3A_388 = arith.index_cast %parallel_loop3A_385 : i32 to index
        %parallel_loop3A_389 = arith.index_cast %parallel_loop3A_387 : i32 to index
        %parallel_loop3A_390 = tpu.vector_load %arg14[%parallel_loop3A_388, %parallel_loop3A_389] {strides = array<i32>} : memref<160x128xf32, #tpu.memory_space<vmem>>, vector<1x16xf32>,
        %parallel_loop3A_391 = vector.shape_cast %parallel_loop3A_390 : vector<1x16xf32> to vector<16xf32>
        %parallel_loop3A_392 = arith.constant 8.000000e+00 : f32
        %parallel_loop3A_393 = vector.broadcast %parallel_loop3A_392 : f32 to vector<16xf32>
        %parallel_loop3A_394 = arith.mulf %parallel_loop3A_391, %parallel_loop3A_393 : vector<16xf32>
        %parallel_loop3A_395 = arith.index_cast %parallel_loop3A_385 : i32 to index
        %parallel_loop3A_396 = arith.constant 0 : index
        %parallel_loop3A_397 = tpu.vector_load %arg15[%parallel_loop3A_395, %parallel_loop3A_396] {strides = array<i32>} : memref<160x64xf32, #tpu.memory_space<vmem>>, vector<1x16xf32>,
        %parallel_loop3A_398 = vector.shape_cast %parallel_loop3A_397 : vector<1x16xf32> to vector<16xf32>
        %parallel_loop3A_399 = vector.shape_cast %parallel_loop3A_394 : vector<16xf32> to vector<1x16xf32>
        tpu.vector_store %arg15[%parallel_loop3A_395, %parallel_loop3A_396], %parallel_loop3A_399 {strides = array<i32>} : memref<160x64xf32, #tpu.memory_space<vmem>>, vector<1x16xf32>,
        %parallel_loop3A_400 = arith.constant 16 : i32
        %parallel_loop3A_401 = arith.addi %parallel_loop3A_383, %parallel_loop3A_400 : i32
        %parallel_loop3A_402 = arith.index_cast %parallel_loop3A_385 : i32 to index
        %parallel_loop3A_403 = arith.index_cast %parallel_loop3A_401 : i32 to index
        %parallel_loop3A_404 = tpu.vector_load %arg14[%parallel_loop3A_402, %parallel_loop3A_403] {strides = array<i32>} : memref<160x128xf32, #tpu.memory_space<vmem>>, vector<1x16xf32>,
        %parallel_loop3A_405 = vector.shape_cast %parallel_loop3A_404 : vector<1x16xf32> to vector<16xf32>
        %parallel_loop3A_406 = arith.constant 8.000000e+00 : f32
        %parallel_loop3A_407 = vector.broadcast %parallel_loop3A_406 : f32 to vector<16xf32>
        %parallel_loop3A_408 = arith.mulf %parallel_loop3A_405, %parallel_loop3A_407 : vector<16xf32>
        %parallel_loop3A_409 = arith.index_cast %parallel_loop3A_385 : i32 to index
        %parallel_loop3A_410 = arith.constant 16 : index
        %parallel_loop3A_411 = tpu.vector_load %arg15[%parallel_loop3A_409, %parallel_loop3A_410] {strides = array<i32>} : memref<160x64xf32, #tpu.memory_space<vmem>>, vector<1x16xf32>,
        %parallel_loop3A_412 = vector.shape_cast %parallel_loop3A_411 : vector<1x16xf32> to vector<16xf32>
        %parallel_loop3A_413 = vector.shape_cast %parallel_loop3A_408 : vector<16xf32> to vector<1x16xf32>
        tpu.vector_store %arg15[%parallel_loop3A_409, %parallel_loop3A_410], %parallel_loop3A_413 {strides = array<i32>} : memref<160x64xf32, #tpu.memory_space<vmem>>, vector<1x16xf32>,
        %parallel_loop3A_414 = arith.constant 32 : i32
        %parallel_loop3A_415 = arith.addi %parallel_loop3A_383, %parallel_loop3A_414 : i32
        %parallel_loop3A_416 = arith.index_cast %parallel_loop3A_385 : i32 to index
        %parallel_loop3A_417 = arith.index_cast %parallel_loop3A_415 : i32 to index
        %parallel_loop3A_418 = tpu.vector_load %arg14[%parallel_loop3A_416, %parallel_loop3A_417] {strides = array<i32>} : memref<160x128xf32, #tpu.memory_space<vmem>>, vector<1x16xf32>,
        %parallel_loop3A_419 = vector.shape_cast %parallel_loop3A_418 : vector<1x16xf32> to vector<16xf32>
        %parallel_loop3A_420 = arith.constant 8.000000e+00 : f32
        %parallel_loop3A_421 = vector.broadcast %parallel_loop3A_420 : f32 to vector<16xf32>
        %parallel_loop3A_422 = arith.mulf %parallel_loop3A_419, %parallel_loop3A_421 : vector<16xf32>
        %parallel_loop3A_423 = arith.index_cast %parallel_loop3A_385 : i32 to index
        %parallel_loop3A_424 = arith.constant 32 : index
        %parallel_loop3A_425 = tpu.vector_load %arg15[%parallel_loop3A_423, %parallel_loop3A_424] {strides = array<i32>} : memref<160x64xf32, #tpu.memory_space<vmem>>, vector<1x16xf32>,
        %parallel_loop3A_426 = vector.shape_cast %parallel_loop3A_425 : vector<1x16xf32> to vector<16xf32>
        %parallel_loop3A_427 = vector.shape_cast %parallel_loop3A_422 : vector<16xf32> to vector<1x16xf32>
        tpu.vector_store %arg15[%parallel_loop3A_423, %parallel_loop3A_424], %parallel_loop3A_427 {strides = array<i32>} : memref<160x64xf32, #tpu.memory_space<vmem>>, vector<1x16xf32>,
        %parallel_loop3A_428 = arith.constant 48 : i32
        %parallel_loop3A_429 = arith.addi %parallel_loop3A_383, %parallel_loop3A_428 : i32
        %parallel_loop3A_430 = arith.index_cast %parallel_loop3A_385 : i32 to index
        %parallel_loop3A_431 = arith.index_cast %parallel_loop3A_429 : i32 to index
        %parallel_loop3A_432 = tpu.vector_load %arg14[%parallel_loop3A_430, %parallel_loop3A_431] {strides = array<i32>} : memref<160x128xf32, #tpu.memory_space<vmem>>, vector<1x16xf32>,
        %parallel_loop3A_433 = vector.shape_cast %parallel_loop3A_432 : vector<1x16xf32> to vector<16xf32>
        %parallel_loop3A_434 = arith.constant 8.000000e+00 : f32
        %parallel_loop3A_435 = vector.broadcast %parallel_loop3A_434 : f32 to vector<16xf32>
        %parallel_loop3A_436 = arith.mulf %parallel_loop3A_433, %parallel_loop3A_435 : vector<16xf32>
        %parallel_loop3A_437 = arith.index_cast %parallel_loop3A_385 : i32 to index
        %parallel_loop3A_438 = arith.constant 48 : index
        %parallel_loop3A_439 = tpu.vector_load %arg15[%parallel_loop3A_437, %parallel_loop3A_438] {strides = array<i32>} : memref<160x64xf32, #tpu.memory_space<vmem>>, vector<1x16xf32>,
        %parallel_loop3A_440 = vector.shape_cast %parallel_loop3A_439 : vector<1x16xf32> to vector<16xf32>
        %parallel_loop3A_441 = vector.shape_cast %parallel_loop3A_436 : vector<16xf32> to vector<1x16xf32>
        tpu.vector_store %arg15[%parallel_loop3A_437, %parallel_loop3A_438], %parallel_loop3A_441 {strides = array<i32>} : memref<160x64xf32, #tpu.memory_space<vmem>>, vector<1x16xf32>,
        %parallel_loop3A_442 = vector.extract_strided_slice %parallel_loop3A_81 {offsets = [6], sizes = [1], strides = [1]} : vector<16xi32> to vector<1xi32>
        %parallel_loop3A_443 = vector.extract %parallel_loop3A_442[0] : i32 from vector<1xi32>
        %parallel_loop3A_444 = arith.constant 6 : i32
        %parallel_loop3A_445 = arith.addi %parallel_loop3A_78, %parallel_loop3A_444 : i32
        %parallel_loop3A_446 = arith.constant 0 : i32
        %parallel_loop3A_447 = arith.addi %parallel_loop3A_443, %parallel_loop3A_446 : i32
        %parallel_loop3A_448 = arith.index_cast %parallel_loop3A_445 : i32 to index
        %parallel_loop3A_449 = arith.index_cast %parallel_loop3A_447 : i32 to index
        %parallel_loop3A_450 = tpu.vector_load %arg14[%parallel_loop3A_448, %parallel_loop3A_449] {strides = array<i32>} : memref<160x128xf32, #tpu.memory_space<vmem>>, vector<1x16xf32>,
        %parallel_loop3A_451 = vector.shape_cast %parallel_loop3A_450 : vector<1x16xf32> to vector<16xf32>
        %parallel_loop3A_452 = arith.constant 8.000000e+00 : f32
        %parallel_loop3A_453 = vector.broadcast %parallel_loop3A_452 : f32 to vector<16xf32>
        %parallel_loop3A_454 = arith.mulf %parallel_loop3A_451, %parallel_loop3A_453 : vector<16xf32>
        %parallel_loop3A_455 = arith.index_cast %parallel_loop3A_445 : i32 to index
        %parallel_loop3A_456 = arith.constant 0 : index
        %parallel_loop3A_457 = tpu.vector_load %arg15[%parallel_loop3A_455, %parallel_loop3A_456] {strides = array<i32>} : memref<160x64xf32, #tpu.memory_space<vmem>>, vector<1x16xf32>,
        %parallel_loop3A_458 = vector.shape_cast %parallel_loop3A_457 : vector<1x16xf32> to vector<16xf32>
        %parallel_loop3A_459 = vector.shape_cast %parallel_loop3A_454 : vector<16xf32> to vector<1x16xf32>
        tpu.vector_store %arg15[%parallel_loop3A_455, %parallel_loop3A_456], %parallel_loop3A_459 {strides = array<i32>} : memref<160x64xf32, #tpu.memory_space<vmem>>, vector<1x16xf32>,
        %parallel_loop3A_460 = arith.constant 16 : i32
        %parallel_loop3A_461 = arith.addi %parallel_loop3A_443, %parallel_loop3A_460 : i32
        %parallel_loop3A_462 = arith.index_cast %parallel_loop3A_445 : i32 to index
        %parallel_loop3A_463 = arith.index_cast %parallel_loop3A_461 : i32 to index
        %parallel_loop3A_464 = tpu.vector_load %arg14[%parallel_loop3A_462, %parallel_loop3A_463] {strides = array<i32>} : memref<160x128xf32, #tpu.memory_space<vmem>>, vector<1x16xf32>,
        %parallel_loop3A_465 = vector.shape_cast %parallel_loop3A_464 : vector<1x16xf32> to vector<16xf32>
        %parallel_loop3A_466 = arith.constant 8.000000e+00 : f32
        %parallel_loop3A_467 = vector.broadcast %parallel_loop3A_466 : f32 to vector<16xf32>
        %parallel_loop3A_468 = arith.mulf %parallel_loop3A_465, %parallel_loop3A_467 : vector<16xf32>
        %parallel_loop3A_469 = arith.index_cast %parallel_loop3A_445 : i32 to index
        %parallel_loop3A_470 = arith.constant 16 : index
        %parallel_loop3A_471 = tpu.vector_load %arg15[%parallel_loop3A_469, %parallel_loop3A_470] {strides = array<i32>} : memref<160x64xf32, #tpu.memory_space<vmem>>, vector<1x16xf32>,
        %parallel_loop3A_472 = vector.shape_cast %parallel_loop3A_471 : vector<1x16xf32> to vector<16xf32>
        %parallel_loop3A_473 = vector.shape_cast %parallel_loop3A_468 : vector<16xf32> to vector<1x16xf32>
        tpu.vector_store %arg15[%parallel_loop3A_469, %parallel_loop3A_470], %parallel_loop3A_473 {strides = array<i32>} : memref<160x64xf32, #tpu.memory_space<vmem>>, vector<1x16xf32>,
        %parallel_loop3A_474 = arith.constant 32 : i32
        %parallel_loop3A_475 = arith.addi %parallel_loop3A_443, %parallel_loop3A_474 : i32
        %parallel_loop3A_476 = arith.index_cast %parallel_loop3A_445 : i32 to index
        %parallel_loop3A_477 = arith.index_cast %parallel_loop3A_475 : i32 to index
        %parallel_loop3A_478 = tpu.vector_load %arg14[%parallel_loop3A_476, %parallel_loop3A_477] {strides = array<i32>} : memref<160x128xf32, #tpu.memory_space<vmem>>, vector<1x16xf32>,
        %parallel_loop3A_479 = vector.shape_cast %parallel_loop3A_478 : vector<1x16xf32> to vector<16xf32>
        %parallel_loop3A_480 = arith.constant 8.000000e+00 : f32
        %parallel_loop3A_481 = vector.broadcast %parallel_loop3A_480 : f32 to vector<16xf32>
        %parallel_loop3A_482 = arith.mulf %parallel_loop3A_479, %parallel_loop3A_481 : vector<16xf32>
        %parallel_loop3A_483 = arith.index_cast %parallel_loop3A_445 : i32 to index
        %parallel_loop3A_484 = arith.constant 32 : index
        %parallel_loop3A_485 = tpu.vector_load %arg15[%parallel_loop3A_483, %parallel_loop3A_484] {strides = array<i32>} : memref<160x64xf32, #tpu.memory_space<vmem>>, vector<1x16xf32>,
        %parallel_loop3A_486 = vector.shape_cast %parallel_loop3A_485 : vector<1x16xf32> to vector<16xf32>
        %parallel_loop3A_487 = vector.shape_cast %parallel_loop3A_482 : vector<16xf32> to vector<1x16xf32>
        tpu.vector_store %arg15[%parallel_loop3A_483, %parallel_loop3A_484], %parallel_loop3A_487 {strides = array<i32>} : memref<160x64xf32, #tpu.memory_space<vmem>>, vector<1x16xf32>,
        %parallel_loop3A_488 = arith.constant 48 : i32
        %parallel_loop3A_489 = arith.addi %parallel_loop3A_443, %parallel_loop3A_488 : i32
        %parallel_loop3A_490 = arith.index_cast %parallel_loop3A_445 : i32 to index
        %parallel_loop3A_491 = arith.index_cast %parallel_loop3A_489 : i32 to index
        %parallel_loop3A_492 = tpu.vector_load %arg14[%parallel_loop3A_490, %parallel_loop3A_491] {strides = array<i32>} : memref<160x128xf32, #tpu.memory_space<vmem>>, vector<1x16xf32>,
        %parallel_loop3A_493 = vector.shape_cast %parallel_loop3A_492 : vector<1x16xf32> to vector<16xf32>
        %parallel_loop3A_494 = arith.constant 8.000000e+00 : f32
        %parallel_loop3A_495 = vector.broadcast %parallel_loop3A_494 : f32 to vector<16xf32>
        %parallel_loop3A_496 = arith.mulf %parallel_loop3A_493, %parallel_loop3A_495 : vector<16xf32>
        %parallel_loop3A_497 = arith.index_cast %parallel_loop3A_445 : i32 to index
        %parallel_loop3A_498 = arith.constant 48 : index
        %parallel_loop3A_499 = tpu.vector_load %arg15[%parallel_loop3A_497, %parallel_loop3A_498] {strides = array<i32>} : memref<160x64xf32, #tpu.memory_space<vmem>>, vector<1x16xf32>,
        %parallel_loop3A_500 = vector.shape_cast %parallel_loop3A_499 : vector<1x16xf32> to vector<16xf32>
        %parallel_loop3A_501 = vector.shape_cast %parallel_loop3A_496 : vector<16xf32> to vector<1x16xf32>
        tpu.vector_store %arg15[%parallel_loop3A_497, %parallel_loop3A_498], %parallel_loop3A_501 {strides = array<i32>} : memref<160x64xf32, #tpu.memory_space<vmem>>, vector<1x16xf32>,
        %parallel_loop3A_502 = vector.extract_strided_slice %parallel_loop3A_81 {offsets = [7], sizes = [1], strides = [1]} : vector<16xi32> to vector<1xi32>
        %parallel_loop3A_503 = vector.extract %parallel_loop3A_502[0] : i32 from vector<1xi32>
        %parallel_loop3A_504 = arith.constant 7 : i32
        %parallel_loop3A_505 = arith.addi %parallel_loop3A_78, %parallel_loop3A_504 : i32
        %parallel_loop3A_506 = arith.constant 0 : i32
        %parallel_loop3A_507 = arith.addi %parallel_loop3A_503, %parallel_loop3A_506 : i32
        %parallel_loop3A_508 = arith.index_cast %parallel_loop3A_505 : i32 to index
        %parallel_loop3A_509 = arith.index_cast %parallel_loop3A_507 : i32 to index
        %parallel_loop3A_510 = tpu.vector_load %arg14[%parallel_loop3A_508, %parallel_loop3A_509] {strides = array<i32>} : memref<160x128xf32, #tpu.memory_space<vmem>>, vector<1x16xf32>,
        %parallel_loop3A_511 = vector.shape_cast %parallel_loop3A_510 : vector<1x16xf32> to vector<16xf32>
        %parallel_loop3A_512 = arith.constant 8.000000e+00 : f32
        %parallel_loop3A_513 = vector.broadcast %parallel_loop3A_512 : f32 to vector<16xf32>
        %parallel_loop3A_514 = arith.mulf %parallel_loop3A_511, %parallel_loop3A_513 : vector<16xf32>
        %parallel_loop3A_515 = arith.index_cast %parallel_loop3A_505 : i32 to index
        %parallel_loop3A_516 = arith.constant 0 : index
        %parallel_loop3A_517 = tpu.vector_load %arg15[%parallel_loop3A_515, %parallel_loop3A_516] {strides = array<i32>} : memref<160x64xf32, #tpu.memory_space<vmem>>, vector<1x16xf32>,
        %parallel_loop3A_518 = vector.shape_cast %parallel_loop3A_517 : vector<1x16xf32> to vector<16xf32>
        %parallel_loop3A_519 = vector.shape_cast %parallel_loop3A_514 : vector<16xf32> to vector<1x16xf32>
        tpu.vector_store %arg15[%parallel_loop3A_515, %parallel_loop3A_516], %parallel_loop3A_519 {strides = array<i32>} : memref<160x64xf32, #tpu.memory_space<vmem>>, vector<1x16xf32>,
        %parallel_loop3A_520 = arith.constant 16 : i32
        %parallel_loop3A_521 = arith.addi %parallel_loop3A_503, %parallel_loop3A_520 : i32
        %parallel_loop3A_522 = arith.index_cast %parallel_loop3A_505 : i32 to index
        %parallel_loop3A_523 = arith.index_cast %parallel_loop3A_521 : i32 to index
        %parallel_loop3A_524 = tpu.vector_load %arg14[%parallel_loop3A_522, %parallel_loop3A_523] {strides = array<i32>} : memref<160x128xf32, #tpu.memory_space<vmem>>, vector<1x16xf32>,
        %parallel_loop3A_525 = vector.shape_cast %parallel_loop3A_524 : vector<1x16xf32> to vector<16xf32>
        %parallel_loop3A_526 = arith.constant 8.000000e+00 : f32
        %parallel_loop3A_527 = vector.broadcast %parallel_loop3A_526 : f32 to vector<16xf32>
        %parallel_loop3A_528 = arith.mulf %parallel_loop3A_525, %parallel_loop3A_527 : vector<16xf32>
        %parallel_loop3A_529 = arith.index_cast %parallel_loop3A_505 : i32 to index
        %parallel_loop3A_530 = arith.constant 16 : index
        %parallel_loop3A_531 = tpu.vector_load %arg15[%parallel_loop3A_529, %parallel_loop3A_530] {strides = array<i32>} : memref<160x64xf32, #tpu.memory_space<vmem>>, vector<1x16xf32>,
        %parallel_loop3A_532 = vector.shape_cast %parallel_loop3A_531 : vector<1x16xf32> to vector<16xf32>
        %parallel_loop3A_533 = vector.shape_cast %parallel_loop3A_528 : vector<16xf32> to vector<1x16xf32>
        tpu.vector_store %arg15[%parallel_loop3A_529, %parallel_loop3A_530], %parallel_loop3A_533 {strides = array<i32>} : memref<160x64xf32, #tpu.memory_space<vmem>>, vector<1x16xf32>,
        %parallel_loop3A_534 = arith.constant 32 : i32
        %parallel_loop3A_535 = arith.addi %parallel_loop3A_503, %parallel_loop3A_534 : i32
        %parallel_loop3A_536 = arith.index_cast %parallel_loop3A_505 : i32 to index
        %parallel_loop3A_537 = arith.index_cast %parallel_loop3A_535 : i32 to index
        %parallel_loop3A_538 = tpu.vector_load %arg14[%parallel_loop3A_536, %parallel_loop3A_537] {strides = array<i32>} : memref<160x128xf32, #tpu.memory_space<vmem>>, vector<1x16xf32>,
        %parallel_loop3A_539 = vector.shape_cast %parallel_loop3A_538 : vector<1x16xf32> to vector<16xf32>
        %parallel_loop3A_540 = arith.constant 8.000000e+00 : f32
        %parallel_loop3A_541 = vector.broadcast %parallel_loop3A_540 : f32 to vector<16xf32>
        %parallel_loop3A_542 = arith.mulf %parallel_loop3A_539, %parallel_loop3A_541 : vector<16xf32>
        %parallel_loop3A_543 = arith.index_cast %parallel_loop3A_505 : i32 to index
        %parallel_loop3A_544 = arith.constant 32 : index
        %parallel_loop3A_545 = tpu.vector_load %arg15[%parallel_loop3A_543, %parallel_loop3A_544] {strides = array<i32>} : memref<160x64xf32, #tpu.memory_space<vmem>>, vector<1x16xf32>,
        %parallel_loop3A_546 = vector.shape_cast %parallel_loop3A_545 : vector<1x16xf32> to vector<16xf32>
        %parallel_loop3A_547 = vector.shape_cast %parallel_loop3A_542 : vector<16xf32> to vector<1x16xf32>
        tpu.vector_store %arg15[%parallel_loop3A_543, %parallel_loop3A_544], %parallel_loop3A_547 {strides = array<i32>} : memref<160x64xf32, #tpu.memory_space<vmem>>, vector<1x16xf32>,
        %parallel_loop3A_548 = arith.constant 48 : i32
        %parallel_loop3A_549 = arith.addi %parallel_loop3A_503, %parallel_loop3A_548 : i32
        %parallel_loop3A_550 = arith.index_cast %parallel_loop3A_505 : i32 to index
        %parallel_loop3A_551 = arith.index_cast %parallel_loop3A_549 : i32 to index
        %parallel_loop3A_552 = tpu.vector_load %arg14[%parallel_loop3A_550, %parallel_loop3A_551] {strides = array<i32>} : memref<160x128xf32, #tpu.memory_space<vmem>>, vector<1x16xf32>,
        %parallel_loop3A_553 = vector.shape_cast %parallel_loop3A_552 : vector<1x16xf32> to vector<16xf32>
        %parallel_loop3A_554 = arith.constant 8.000000e+00 : f32
        %parallel_loop3A_555 = vector.broadcast %parallel_loop3A_554 : f32 to vector<16xf32>
        %parallel_loop3A_556 = arith.mulf %parallel_loop3A_553, %parallel_loop3A_555 : vector<16xf32>
        %parallel_loop3A_557 = arith.index_cast %parallel_loop3A_505 : i32 to index
        %parallel_loop3A_558 = arith.constant 48 : index
        %parallel_loop3A_559 = tpu.vector_load %arg15[%parallel_loop3A_557, %parallel_loop3A_558] {strides = array<i32>} : memref<160x64xf32, #tpu.memory_space<vmem>>, vector<1x16xf32>,
        %parallel_loop3A_560 = vector.shape_cast %parallel_loop3A_559 : vector<1x16xf32> to vector<16xf32>
        %parallel_loop3A_561 = vector.shape_cast %parallel_loop3A_556 : vector<16xf32> to vector<1x16xf32>
        tpu.vector_store %arg15[%parallel_loop3A_557, %parallel_loop3A_558], %parallel_loop3A_561 {strides = array<i32>} : memref<160x64xf32, #tpu.memory_space<vmem>>, vector<1x16xf32>,
        %parallel_loop3A_562 = vector.extract_strided_slice %parallel_loop3A_81 {offsets = [8], sizes = [1], strides = [1]} : vector<16xi32> to vector<1xi32>
        %parallel_loop3A_563 = vector.extract %parallel_loop3A_562[0] : i32 from vector<1xi32>
        %parallel_loop3A_564 = arith.constant 8 : i32
        %parallel_loop3A_565 = arith.addi %parallel_loop3A_78, %parallel_loop3A_564 : i32
        %parallel_loop3A_566 = arith.constant 0 : i32
        %parallel_loop3A_567 = arith.addi %parallel_loop3A_563, %parallel_loop3A_566 : i32
        %parallel_loop3A_568 = arith.index_cast %parallel_loop3A_565 : i32 to index
        %parallel_loop3A_569 = arith.index_cast %parallel_loop3A_567 : i32 to index
        %parallel_loop3A_570 = tpu.vector_load %arg14[%parallel_loop3A_568, %parallel_loop3A_569] {strides = array<i32>} : memref<160x128xf32, #tpu.memory_space<vmem>>, vector<1x16xf32>,
        %parallel_loop3A_571 = vector.shape_cast %parallel_loop3A_570 : vector<1x16xf32> to vector<16xf32>
        %parallel_loop3A_572 = arith.constant 8.000000e+00 : f32
        %parallel_loop3A_573 = vector.broadcast %parallel_loop3A_572 : f32 to vector<16xf32>
        %parallel_loop3A_574 = arith.mulf %parallel_loop3A_571, %parallel_loop3A_573 : vector<16xf32>
        %parallel_loop3A_575 = arith.index_cast %parallel_loop3A_565 : i32 to index
        %parallel_loop3A_576 = arith.constant 0 : index
        %parallel_loop3A_577 = tpu.vector_load %arg15[%parallel_loop3A_575, %parallel_loop3A_576] {strides = array<i32>} : memref<160x64xf32, #tpu.memory_space<vmem>>, vector<1x16xf32>,
        %parallel_loop3A_578 = vector.shape_cast %parallel_loop3A_577 : vector<1x16xf32> to vector<16xf32>
        %parallel_loop3A_579 = vector.shape_cast %parallel_loop3A_574 : vector<16xf32> to vector<1x16xf32>
        tpu.vector_store %arg15[%parallel_loop3A_575, %parallel_loop3A_576], %parallel_loop3A_579 {strides = array<i32>} : memref<160x64xf32, #tpu.memory_space<vmem>>, vector<1x16xf32>,
        %parallel_loop3A_580 = arith.constant 16 : i32
        %parallel_loop3A_581 = arith.addi %parallel_loop3A_563, %parallel_loop3A_580 : i32
        %parallel_loop3A_582 = arith.index_cast %parallel_loop3A_565 : i32 to index
        %parallel_loop3A_583 = arith.index_cast %parallel_loop3A_581 : i32 to index
        %parallel_loop3A_584 = tpu.vector_load %arg14[%parallel_loop3A_582, %parallel_loop3A_583] {strides = array<i32>} : memref<160x128xf32, #tpu.memory_space<vmem>>, vector<1x16xf32>,
        %parallel_loop3A_585 = vector.shape_cast %parallel_loop3A_584 : vector<1x16xf32> to vector<16xf32>
        %parallel_loop3A_586 = arith.constant 8.000000e+00 : f32
        %parallel_loop3A_587 = vector.broadcast %parallel_loop3A_586 : f32 to vector<16xf32>
        %parallel_loop3A_588 = arith.mulf %parallel_loop3A_585, %parallel_loop3A_587 : vector<16xf32>
        %parallel_loop3A_589 = arith.index_cast %parallel_loop3A_565 : i32 to index
        %parallel_loop3A_590 = arith.constant 16 : index
        %parallel_loop3A_591 = tpu.vector_load %arg15[%parallel_loop3A_589, %parallel_loop3A_590] {strides = array<i32>} : memref<160x64xf32, #tpu.memory_space<vmem>>, vector<1x16xf32>,
        %parallel_loop3A_592 = vector.shape_cast %parallel_loop3A_591 : vector<1x16xf32> to vector<16xf32>
        %parallel_loop3A_593 = vector.shape_cast %parallel_loop3A_588 : vector<16xf32> to vector<1x16xf32>
        tpu.vector_store %arg15[%parallel_loop3A_589, %parallel_loop3A_590], %parallel_loop3A_593 {strides = array<i32>} : memref<160x64xf32, #tpu.memory_space<vmem>>, vector<1x16xf32>,
        %parallel_loop3A_594 = arith.constant 32 : i32
        %parallel_loop3A_595 = arith.addi %parallel_loop3A_563, %parallel_loop3A_594 : i32
        %parallel_loop3A_596 = arith.index_cast %parallel_loop3A_565 : i32 to index
        %parallel_loop3A_597 = arith.index_cast %parallel_loop3A_595 : i32 to index
        %parallel_loop3A_598 = tpu.vector_load %arg14[%parallel_loop3A_596, %parallel_loop3A_597] {strides = array<i32>} : memref<160x128xf32, #tpu.memory_space<vmem>>, vector<1x16xf32>,
        %parallel_loop3A_599 = vector.shape_cast %parallel_loop3A_598 : vector<1x16xf32> to vector<16xf32>
        %parallel_loop3A_600 = arith.constant 8.000000e+00 : f32
        %parallel_loop3A_601 = vector.broadcast %parallel_loop3A_600 : f32 to vector<16xf32>
        %parallel_loop3A_602 = arith.mulf %parallel_loop3A_599, %parallel_loop3A_601 : vector<16xf32>
        %parallel_loop3A_603 = arith.index_cast %parallel_loop3A_565 : i32 to index
        %parallel_loop3A_604 = arith.constant 32 : index
        %parallel_loop3A_605 = tpu.vector_load %arg15[%parallel_loop3A_603, %parallel_loop3A_604] {strides = array<i32>} : memref<160x64xf32, #tpu.memory_space<vmem>>, vector<1x16xf32>,
        %parallel_loop3A_606 = vector.shape_cast %parallel_loop3A_605 : vector<1x16xf32> to vector<16xf32>
        %parallel_loop3A_607 = vector.shape_cast %parallel_loop3A_602 : vector<16xf32> to vector<1x16xf32>
        tpu.vector_store %arg15[%parallel_loop3A_603, %parallel_loop3A_604], %parallel_loop3A_607 {strides = array<i32>} : memref<160x64xf32, #tpu.memory_space<vmem>>, vector<1x16xf32>,
        %parallel_loop3A_608 = arith.constant 48 : i32
        %parallel_loop3A_609 = arith.addi %parallel_loop3A_563, %parallel_loop3A_608 : i32
        %parallel_loop3A_610 = arith.index_cast %parallel_loop3A_565 : i32 to index
        %parallel_loop3A_611 = arith.index_cast %parallel_loop3A_609 : i32 to index
        %parallel_loop3A_612 = tpu.vector_load %arg14[%parallel_loop3A_610, %parallel_loop3A_611] {strides = array<i32>} : memref<160x128xf32, #tpu.memory_space<vmem>>, vector<1x16xf32>,
        %parallel_loop3A_613 = vector.shape_cast %parallel_loop3A_612 : vector<1x16xf32> to vector<16xf32>
        %parallel_loop3A_614 = arith.constant 8.000000e+00 : f32
        %parallel_loop3A_615 = vector.broadcast %parallel_loop3A_614 : f32 to vector<16xf32>
        %parallel_loop3A_616 = arith.mulf %parallel_loop3A_613, %parallel_loop3A_615 : vector<16xf32>
        %parallel_loop3A_617 = arith.index_cast %parallel_loop3A_565 : i32 to index
        %parallel_loop3A_618 = arith.constant 48 : index
        %parallel_loop3A_619 = tpu.vector_load %arg15[%parallel_loop3A_617, %parallel_loop3A_618] {strides = array<i32>} : memref<160x64xf32, #tpu.memory_space<vmem>>, vector<1x16xf32>,
        %parallel_loop3A_620 = vector.shape_cast %parallel_loop3A_619 : vector<1x16xf32> to vector<16xf32>
        %parallel_loop3A_621 = vector.shape_cast %parallel_loop3A_616 : vector<16xf32> to vector<1x16xf32>
        tpu.vector_store %arg15[%parallel_loop3A_617, %parallel_loop3A_618], %parallel_loop3A_621 {strides = array<i32>} : memref<160x64xf32, #tpu.memory_space<vmem>>, vector<1x16xf32>,
        %parallel_loop3A_622 = vector.extract_strided_slice %parallel_loop3A_81 {offsets = [9], sizes = [1], strides = [1]} : vector<16xi32> to vector<1xi32>
        %parallel_loop3A_623 = vector.extract %parallel_loop3A_622[0] : i32 from vector<1xi32>
        %parallel_loop3A_624 = arith.constant 9 : i32
        %parallel_loop3A_625 = arith.addi %parallel_loop3A_78, %parallel_loop3A_624 : i32
        %parallel_loop3A_626 = arith.constant 0 : i32
        %parallel_loop3A_627 = arith.addi %parallel_loop3A_623, %parallel_loop3A_626 : i32
        %parallel_loop3A_628 = arith.index_cast %parallel_loop3A_625 : i32 to index
        %parallel_loop3A_629 = arith.index_cast %parallel_loop3A_627 : i32 to index
        %parallel_loop3A_630 = tpu.vector_load %arg14[%parallel_loop3A_628, %parallel_loop3A_629] {strides = array<i32>} : memref<160x128xf32, #tpu.memory_space<vmem>>, vector<1x16xf32>,
        %parallel_loop3A_631 = vector.shape_cast %parallel_loop3A_630 : vector<1x16xf32> to vector<16xf32>
        %parallel_loop3A_632 = arith.constant 8.000000e+00 : f32
        %parallel_loop3A_633 = vector.broadcast %parallel_loop3A_632 : f32 to vector<16xf32>
        %parallel_loop3A_634 = arith.mulf %parallel_loop3A_631, %parallel_loop3A_633 : vector<16xf32>
        %parallel_loop3A_635 = arith.index_cast %parallel_loop3A_625 : i32 to index
        %parallel_loop3A_636 = arith.constant 0 : index
        %parallel_loop3A_637 = tpu.vector_load %arg15[%parallel_loop3A_635, %parallel_loop3A_636] {strides = array<i32>} : memref<160x64xf32, #tpu.memory_space<vmem>>, vector<1x16xf32>,
        %parallel_loop3A_638 = vector.shape_cast %parallel_loop3A_637 : vector<1x16xf32> to vector<16xf32>
        %parallel_loop3A_639 = vector.shape_cast %parallel_loop3A_634 : vector<16xf32> to vector<1x16xf32>
        tpu.vector_store %arg15[%parallel_loop3A_635, %parallel_loop3A_636], %parallel_loop3A_639 {strides = array<i32>} : memref<160x64xf32, #tpu.memory_space<vmem>>, vector<1x16xf32>,
        %parallel_loop3A_640 = arith.constant 16 : i32
        %parallel_loop3A_641 = arith.addi %parallel_loop3A_623, %parallel_loop3A_640 : i32
        %parallel_loop3A_642 = arith.index_cast %parallel_loop3A_625 : i32 to index
        %parallel_loop3A_643 = arith.index_cast %parallel_loop3A_641 : i32 to index
        %parallel_loop3A_644 = tpu.vector_load %arg14[%parallel_loop3A_642, %parallel_loop3A_643] {strides = array<i32>} : memref<160x128xf32, #tpu.memory_space<vmem>>, vector<1x16xf32>,
        %parallel_loop3A_645 = vector.shape_cast %parallel_loop3A_644 : vector<1x16xf32> to vector<16xf32>
        %parallel_loop3A_646 = arith.constant 8.000000e+00 : f32
        %parallel_loop3A_647 = vector.broadcast %parallel_loop3A_646 : f32 to vector<16xf32>
        %parallel_loop3A_648 = arith.mulf %parallel_loop3A_645, %parallel_loop3A_647 : vector<16xf32>
        %parallel_loop3A_649 = arith.index_cast %parallel_loop3A_625 : i32 to index
        %parallel_loop3A_650 = arith.constant 16 : index
        %parallel_loop3A_651 = tpu.vector_load %arg15[%parallel_loop3A_649, %parallel_loop3A_650] {strides = array<i32>} : memref<160x64xf32, #tpu.memory_space<vmem>>, vector<1x16xf32>,
        %parallel_loop3A_652 = vector.shape_cast %parallel_loop3A_651 : vector<1x16xf32> to vector<16xf32>
        %parallel_loop3A_653 = vector.shape_cast %parallel_loop3A_648 : vector<16xf32> to vector<1x16xf32>
        tpu.vector_store %arg15[%parallel_loop3A_649, %parallel_loop3A_650], %parallel_loop3A_653 {strides = array<i32>} : memref<160x64xf32, #tpu.memory_space<vmem>>, vector<1x16xf32>,
        %parallel_loop3A_654 = arith.constant 32 : i32
        %parallel_loop3A_655 = arith.addi %parallel_loop3A_623, %parallel_loop3A_654 : i32
        %parallel_loop3A_656 = arith.index_cast %parallel_loop3A_625 : i32 to index
        %parallel_loop3A_657 = arith.index_cast %parallel_loop3A_655 : i32 to index
        %parallel_loop3A_658 = tpu.vector_load %arg14[%parallel_loop3A_656, %parallel_loop3A_657] {strides = array<i32>} : memref<160x128xf32, #tpu.memory_space<vmem>>, vector<1x16xf32>,
        %parallel_loop3A_659 = vector.shape_cast %parallel_loop3A_658 : vector<1x16xf32> to vector<16xf32>
        %parallel_loop3A_660 = arith.constant 8.000000e+00 : f32
        %parallel_loop3A_661 = vector.broadcast %parallel_loop3A_660 : f32 to vector<16xf32>
        %parallel_loop3A_662 = arith.mulf %parallel_loop3A_659, %parallel_loop3A_661 : vector<16xf32>
        %parallel_loop3A_663 = arith.index_cast %parallel_loop3A_625 : i32 to index
        %parallel_loop3A_664 = arith.constant 32 : index
        %parallel_loop3A_665 = tpu.vector_load %arg15[%parallel_loop3A_663, %parallel_loop3A_664] {strides = array<i32>} : memref<160x64xf32, #tpu.memory_space<vmem>>, vector<1x16xf32>,
        %parallel_loop3A_666 = vector.shape_cast %parallel_loop3A_665 : vector<1x16xf32> to vector<16xf32>
        %parallel_loop3A_667 = vector.shape_cast %parallel_loop3A_662 : vector<16xf32> to vector<1x16xf32>
        tpu.vector_store %arg15[%parallel_loop3A_663, %parallel_loop3A_664], %parallel_loop3A_667 {strides = array<i32>} : memref<160x64xf32, #tpu.memory_space<vmem>>, vector<1x16xf32>,
        %parallel_loop3A_668 = arith.constant 48 : i32
        %parallel_loop3A_669 = arith.addi %parallel_loop3A_623, %parallel_loop3A_668 : i32
        %parallel_loop3A_670 = arith.index_cast %parallel_loop3A_625 : i32 to index
        %parallel_loop3A_671 = arith.index_cast %parallel_loop3A_669 : i32 to index
        %parallel_loop3A_672 = tpu.vector_load %arg14[%parallel_loop3A_670, %parallel_loop3A_671] {strides = array<i32>} : memref<160x128xf32, #tpu.memory_space<vmem>>, vector<1x16xf32>,
        %parallel_loop3A_673 = vector.shape_cast %parallel_loop3A_672 : vector<1x16xf32> to vector<16xf32>
        %parallel_loop3A_674 = arith.constant 8.000000e+00 : f32
        %parallel_loop3A_675 = vector.broadcast %parallel_loop3A_674 : f32 to vector<16xf32>
        %parallel_loop3A_676 = arith.mulf %parallel_loop3A_673, %parallel_loop3A_675 : vector<16xf32>
        %parallel_loop3A_677 = arith.index_cast %parallel_loop3A_625 : i32 to index
        %parallel_loop3A_678 = arith.constant 48 : index
        %parallel_loop3A_679 = tpu.vector_load %arg15[%parallel_loop3A_677, %parallel_loop3A_678] {strides = array<i32>} : memref<160x64xf32, #tpu.memory_space<vmem>>, vector<1x16xf32>,
        %parallel_loop3A_680 = vector.shape_cast %parallel_loop3A_679 : vector<1x16xf32> to vector<16xf32>
        %parallel_loop3A_681 = vector.shape_cast %parallel_loop3A_676 : vector<16xf32> to vector<1x16xf32>
        tpu.vector_store %arg15[%parallel_loop3A_677, %parallel_loop3A_678], %parallel_loop3A_681 {strides = array<i32>} : memref<160x64xf32, #tpu.memory_space<vmem>>, vector<1x16xf32>,
        %parallel_loop3A_682 = vector.extract_strided_slice %parallel_loop3A_81 {offsets = [10], sizes = [1], strides = [1]} : vector<16xi32> to vector<1xi32>
        %parallel_loop3A_683 = vector.extract %parallel_loop3A_682[0] : i32 from vector<1xi32>
        %parallel_loop3A_684 = arith.constant 10 : i32
        %parallel_loop3A_685 = arith.addi %parallel_loop3A_78, %parallel_loop3A_684 : i32
        %parallel_loop3A_686 = arith.constant 0 : i32
        %parallel_loop3A_687 = arith.addi %parallel_loop3A_683, %parallel_loop3A_686 : i32
        %parallel_loop3A_688 = arith.index_cast %parallel_loop3A_685 : i32 to index
        %parallel_loop3A_689 = arith.index_cast %parallel_loop3A_687 : i32 to index
        %parallel_loop3A_690 = tpu.vector_load %arg14[%parallel_loop3A_688, %parallel_loop3A_689] {strides = array<i32>} : memref<160x128xf32, #tpu.memory_space<vmem>>, vector<1x16xf32>,
        %parallel_loop3A_691 = vector.shape_cast %parallel_loop3A_690 : vector<1x16xf32> to vector<16xf32>
        %parallel_loop3A_692 = arith.constant 8.000000e+00 : f32
        %parallel_loop3A_693 = vector.broadcast %parallel_loop3A_692 : f32 to vector<16xf32>
        %parallel_loop3A_694 = arith.mulf %parallel_loop3A_691, %parallel_loop3A_693 : vector<16xf32>
        %parallel_loop3A_695 = arith.index_cast %parallel_loop3A_685 : i32 to index
        %parallel_loop3A_696 = arith.constant 0 : index
        %parallel_loop3A_697 = tpu.vector_load %arg15[%parallel_loop3A_695, %parallel_loop3A_696] {strides = array<i32>} : memref<160x64xf32, #tpu.memory_space<vmem>>, vector<1x16xf32>,
        %parallel_loop3A_698 = vector.shape_cast %parallel_loop3A_697 : vector<1x16xf32> to vector<16xf32>
        %parallel_loop3A_699 = vector.shape_cast %parallel_loop3A_694 : vector<16xf32> to vector<1x16xf32>
        tpu.vector_store %arg15[%parallel_loop3A_695, %parallel_loop3A_696], %parallel_loop3A_699 {strides = array<i32>} : memref<160x64xf32, #tpu.memory_space<vmem>>, vector<1x16xf32>,
        %parallel_loop3A_700 = arith.constant 16 : i32
        %parallel_loop3A_701 = arith.addi %parallel_loop3A_683, %parallel_loop3A_700 : i32
        %parallel_loop3A_702 = arith.index_cast %parallel_loop3A_685 : i32 to index
        %parallel_loop3A_703 = arith.index_cast %parallel_loop3A_701 : i32 to index
        %parallel_loop3A_704 = tpu.vector_load %arg14[%parallel_loop3A_702, %parallel_loop3A_703] {strides = array<i32>} : memref<160x128xf32, #tpu.memory_space<vmem>>, vector<1x16xf32>,
        %parallel_loop3A_705 = vector.shape_cast %parallel_loop3A_704 : vector<1x16xf32> to vector<16xf32>
        %parallel_loop3A_706 = arith.constant 8.000000e+00 : f32
        %parallel_loop3A_707 = vector.broadcast %parallel_loop3A_706 : f32 to vector<16xf32>
        %parallel_loop3A_708 = arith.mulf %parallel_loop3A_705, %parallel_loop3A_707 : vector<16xf32>
        %parallel_loop3A_709 = arith.index_cast %parallel_loop3A_685 : i32 to index
        %parallel_loop3A_710 = arith.constant 16 : index
        %parallel_loop3A_711 = tpu.vector_load %arg15[%parallel_loop3A_709, %parallel_loop3A_710] {strides = array<i32>} : memref<160x64xf32, #tpu.memory_space<vmem>>, vector<1x16xf32>,
        %parallel_loop3A_712 = vector.shape_cast %parallel_loop3A_711 : vector<1x16xf32> to vector<16xf32>
        %parallel_loop3A_713 = vector.shape_cast %parallel_loop3A_708 : vector<16xf32> to vector<1x16xf32>
        tpu.vector_store %arg15[%parallel_loop3A_709, %parallel_loop3A_710], %parallel_loop3A_713 {strides = array<i32>} : memref<160x64xf32, #tpu.memory_space<vmem>>, vector<1x16xf32>,
        %parallel_loop3A_714 = arith.constant 32 : i32
        %parallel_loop3A_715 = arith.addi %parallel_loop3A_683, %parallel_loop3A_714 : i32
        %parallel_loop3A_716 = arith.index_cast %parallel_loop3A_685 : i32 to index
        %parallel_loop3A_717 = arith.index_cast %parallel_loop3A_715 : i32 to index
        %parallel_loop3A_718 = tpu.vector_load %arg14[%parallel_loop3A_716, %parallel_loop3A_717] {strides = array<i32>} : memref<160x128xf32, #tpu.memory_space<vmem>>, vector<1x16xf32>,
        %parallel_loop3A_719 = vector.shape_cast %parallel_loop3A_718 : vector<1x16xf32> to vector<16xf32>
        %parallel_loop3A_720 = arith.constant 8.000000e+00 : f32
        %parallel_loop3A_721 = vector.broadcast %parallel_loop3A_720 : f32 to vector<16xf32>
        %parallel_loop3A_722 = arith.mulf %parallel_loop3A_719, %parallel_loop3A_721 : vector<16xf32>
        %parallel_loop3A_723 = arith.index_cast %parallel_loop3A_685 : i32 to index
        %parallel_loop3A_724 = arith.constant 32 : index
        %parallel_loop3A_725 = tpu.vector_load %arg15[%parallel_loop3A_723, %parallel_loop3A_724] {strides = array<i32>} : memref<160x64xf32, #tpu.memory_space<vmem>>, vector<1x16xf32>,
        %parallel_loop3A_726 = vector.shape_cast %parallel_loop3A_725 : vector<1x16xf32> to vector<16xf32>
        %parallel_loop3A_727 = vector.shape_cast %parallel_loop3A_722 : vector<16xf32> to vector<1x16xf32>
        tpu.vector_store %arg15[%parallel_loop3A_723, %parallel_loop3A_724], %parallel_loop3A_727 {strides = array<i32>} : memref<160x64xf32, #tpu.memory_space<vmem>>, vector<1x16xf32>,
        %parallel_loop3A_728 = arith.constant 48 : i32
        %parallel_loop3A_729 = arith.addi %parallel_loop3A_683, %parallel_loop3A_728 : i32
        %parallel_loop3A_730 = arith.index_cast %parallel_loop3A_685 : i32 to index
        %parallel_loop3A_731 = arith.index_cast %parallel_loop3A_729 : i32 to index
        %parallel_loop3A_732 = tpu.vector_load %arg14[%parallel_loop3A_730, %parallel_loop3A_731] {strides = array<i32>} : memref<160x128xf32, #tpu.memory_space<vmem>>, vector<1x16xf32>,
        %parallel_loop3A_733 = vector.shape_cast %parallel_loop3A_732 : vector<1x16xf32> to vector<16xf32>
        %parallel_loop3A_734 = arith.constant 8.000000e+00 : f32
        %parallel_loop3A_735 = vector.broadcast %parallel_loop3A_734 : f32 to vector<16xf32>
        %parallel_loop3A_736 = arith.mulf %parallel_loop3A_733, %parallel_loop3A_735 : vector<16xf32>
        %parallel_loop3A_737 = arith.index_cast %parallel_loop3A_685 : i32 to index
        %parallel_loop3A_738 = arith.constant 48 : index
        %parallel_loop3A_739 = tpu.vector_load %arg15[%parallel_loop3A_737, %parallel_loop3A_738] {strides = array<i32>} : memref<160x64xf32, #tpu.memory_space<vmem>>, vector<1x16xf32>,
        %parallel_loop3A_740 = vector.shape_cast %parallel_loop3A_739 : vector<1x16xf32> to vector<16xf32>
        %parallel_loop3A_741 = vector.shape_cast %parallel_loop3A_736 : vector<16xf32> to vector<1x16xf32>
        tpu.vector_store %arg15[%parallel_loop3A_737, %parallel_loop3A_738], %parallel_loop3A_741 {strides = array<i32>} : memref<160x64xf32, #tpu.memory_space<vmem>>, vector<1x16xf32>,
        %parallel_loop3A_742 = vector.extract_strided_slice %parallel_loop3A_81 {offsets = [11], sizes = [1], strides = [1]} : vector<16xi32> to vector<1xi32>
        %parallel_loop3A_743 = vector.extract %parallel_loop3A_742[0] : i32 from vector<1xi32>
        %parallel_loop3A_744 = arith.constant 11 : i32
        %parallel_loop3A_745 = arith.addi %parallel_loop3A_78, %parallel_loop3A_744 : i32
        %parallel_loop3A_746 = arith.constant 0 : i32
        %parallel_loop3A_747 = arith.addi %parallel_loop3A_743, %parallel_loop3A_746 : i32
        %parallel_loop3A_748 = arith.index_cast %parallel_loop3A_745 : i32 to index
        %parallel_loop3A_749 = arith.index_cast %parallel_loop3A_747 : i32 to index
        %parallel_loop3A_750 = tpu.vector_load %arg14[%parallel_loop3A_748, %parallel_loop3A_749] {strides = array<i32>} : memref<160x128xf32, #tpu.memory_space<vmem>>, vector<1x16xf32>,
        %parallel_loop3A_751 = vector.shape_cast %parallel_loop3A_750 : vector<1x16xf32> to vector<16xf32>
        %parallel_loop3A_752 = arith.constant 8.000000e+00 : f32
        %parallel_loop3A_753 = vector.broadcast %parallel_loop3A_752 : f32 to vector<16xf32>
        %parallel_loop3A_754 = arith.mulf %parallel_loop3A_751, %parallel_loop3A_753 : vector<16xf32>
        %parallel_loop3A_755 = arith.index_cast %parallel_loop3A_745 : i32 to index
        %parallel_loop3A_756 = arith.constant 0 : index
        %parallel_loop3A_757 = tpu.vector_load %arg15[%parallel_loop3A_755, %parallel_loop3A_756] {strides = array<i32>} : memref<160x64xf32, #tpu.memory_space<vmem>>, vector<1x16xf32>,
        %parallel_loop3A_758 = vector.shape_cast %parallel_loop3A_757 : vector<1x16xf32> to vector<16xf32>
        %parallel_loop3A_759 = vector.shape_cast %parallel_loop3A_754 : vector<16xf32> to vector<1x16xf32>
        tpu.vector_store %arg15[%parallel_loop3A_755, %parallel_loop3A_756], %parallel_loop3A_759 {strides = array<i32>} : memref<160x64xf32, #tpu.memory_space<vmem>>, vector<1x16xf32>,
        %parallel_loop3A_760 = arith.constant 16 : i32
        %parallel_loop3A_761 = arith.addi %parallel_loop3A_743, %parallel_loop3A_760 : i32
        %parallel_loop3A_762 = arith.index_cast %parallel_loop3A_745 : i32 to index
        %parallel_loop3A_763 = arith.index_cast %parallel_loop3A_761 : i32 to index
        %parallel_loop3A_764 = tpu.vector_load %arg14[%parallel_loop3A_762, %parallel_loop3A_763] {strides = array<i32>} : memref<160x128xf32, #tpu.memory_space<vmem>>, vector<1x16xf32>,
        %parallel_loop3A_765 = vector.shape_cast %parallel_loop3A_764 : vector<1x16xf32> to vector<16xf32>
        %parallel_loop3A_766 = arith.constant 8.000000e+00 : f32
        %parallel_loop3A_767 = vector.broadcast %parallel_loop3A_766 : f32 to vector<16xf32>
        %parallel_loop3A_768 = arith.mulf %parallel_loop3A_765, %parallel_loop3A_767 : vector<16xf32>
        %parallel_loop3A_769 = arith.index_cast %parallel_loop3A_745 : i32 to index
        %parallel_loop3A_770 = arith.constant 16 : index
        %parallel_loop3A_771 = tpu.vector_load %arg15[%parallel_loop3A_769, %parallel_loop3A_770] {strides = array<i32>} : memref<160x64xf32, #tpu.memory_space<vmem>>, vector<1x16xf32>,
        %parallel_loop3A_772 = vector.shape_cast %parallel_loop3A_771 : vector<1x16xf32> to vector<16xf32>
        %parallel_loop3A_773 = vector.shape_cast %parallel_loop3A_768 : vector<16xf32> to vector<1x16xf32>
        tpu.vector_store %arg15[%parallel_loop3A_769, %parallel_loop3A_770], %parallel_loop3A_773 {strides = array<i32>} : memref<160x64xf32, #tpu.memory_space<vmem>>, vector<1x16xf32>,
        %parallel_loop3A_774 = arith.constant 32 : i32
        %parallel_loop3A_775 = arith.addi %parallel_loop3A_743, %parallel_loop3A_774 : i32
        %parallel_loop3A_776 = arith.index_cast %parallel_loop3A_745 : i32 to index
        %parallel_loop3A_777 = arith.index_cast %parallel_loop3A_775 : i32 to index
        %parallel_loop3A_778 = tpu.vector_load %arg14[%parallel_loop3A_776, %parallel_loop3A_777] {strides = array<i32>} : memref<160x128xf32, #tpu.memory_space<vmem>>, vector<1x16xf32>,
        %parallel_loop3A_779 = vector.shape_cast %parallel_loop3A_778 : vector<1x16xf32> to vector<16xf32>
        %parallel_loop3A_780 = arith.constant 8.000000e+00 : f32
        %parallel_loop3A_781 = vector.broadcast %parallel_loop3A_780 : f32 to vector<16xf32>
        %parallel_loop3A_782 = arith.mulf %parallel_loop3A_779, %parallel_loop3A_781 : vector<16xf32>
        %parallel_loop3A_783 = arith.index_cast %parallel_loop3A_745 : i32 to index
        %parallel_loop3A_784 = arith.constant 32 : index
        %parallel_loop3A_785 = tpu.vector_load %arg15[%parallel_loop3A_783, %parallel_loop3A_784] {strides = array<i32>} : memref<160x64xf32, #tpu.memory_space<vmem>>, vector<1x16xf32>,
        %parallel_loop3A_786 = vector.shape_cast %parallel_loop3A_785 : vector<1x16xf32> to vector<16xf32>
        %parallel_loop3A_787 = vector.shape_cast %parallel_loop3A_782 : vector<16xf32> to vector<1x16xf32>
        tpu.vector_store %arg15[%parallel_loop3A_783, %parallel_loop3A_784], %parallel_loop3A_787 {strides = array<i32>} : memref<160x64xf32, #tpu.memory_space<vmem>>, vector<1x16xf32>,
        %parallel_loop3A_788 = arith.constant 48 : i32
        %parallel_loop3A_789 = arith.addi %parallel_loop3A_743, %parallel_loop3A_788 : i32
        %parallel_loop3A_790 = arith.index_cast %parallel_loop3A_745 : i32 to index
        %parallel_loop3A_791 = arith.index_cast %parallel_loop3A_789 : i32 to index
        %parallel_loop3A_792 = tpu.vector_load %arg14[%parallel_loop3A_790, %parallel_loop3A_791] {strides = array<i32>} : memref<160x128xf32, #tpu.memory_space<vmem>>, vector<1x16xf32>,
        %parallel_loop3A_793 = vector.shape_cast %parallel_loop3A_792 : vector<1x16xf32> to vector<16xf32>
        %parallel_loop3A_794 = arith.constant 8.000000e+00 : f32
        %parallel_loop3A_795 = vector.broadcast %parallel_loop3A_794 : f32 to vector<16xf32>
        %parallel_loop3A_796 = arith.mulf %parallel_loop3A_793, %parallel_loop3A_795 : vector<16xf32>
        %parallel_loop3A_797 = arith.index_cast %parallel_loop3A_745 : i32 to index
        %parallel_loop3A_798 = arith.constant 48 : index
        %parallel_loop3A_799 = tpu.vector_load %arg15[%parallel_loop3A_797, %parallel_loop3A_798] {strides = array<i32>} : memref<160x64xf32, #tpu.memory_space<vmem>>, vector<1x16xf32>,
        %parallel_loop3A_800 = vector.shape_cast %parallel_loop3A_799 : vector<1x16xf32> to vector<16xf32>
        %parallel_loop3A_801 = vector.shape_cast %parallel_loop3A_796 : vector<16xf32> to vector<1x16xf32>
        tpu.vector_store %arg15[%parallel_loop3A_797, %parallel_loop3A_798], %parallel_loop3A_801 {strides = array<i32>} : memref<160x64xf32, #tpu.memory_space<vmem>>, vector<1x16xf32>,
        %parallel_loop3A_802 = vector.extract_strided_slice %parallel_loop3A_81 {offsets = [12], sizes = [1], strides = [1]} : vector<16xi32> to vector<1xi32>
        %parallel_loop3A_803 = vector.extract %parallel_loop3A_802[0] : i32 from vector<1xi32>
        %parallel_loop3A_804 = arith.constant 12 : i32
        %parallel_loop3A_805 = arith.addi %parallel_loop3A_78, %parallel_loop3A_804 : i32
        %parallel_loop3A_806 = arith.constant 0 : i32
        %parallel_loop3A_807 = arith.addi %parallel_loop3A_803, %parallel_loop3A_806 : i32
        %parallel_loop3A_808 = arith.index_cast %parallel_loop3A_805 : i32 to index
        %parallel_loop3A_809 = arith.index_cast %parallel_loop3A_807 : i32 to index
        %parallel_loop3A_810 = tpu.vector_load %arg14[%parallel_loop3A_808, %parallel_loop3A_809] {strides = array<i32>} : memref<160x128xf32, #tpu.memory_space<vmem>>, vector<1x16xf32>,
        %parallel_loop3A_811 = vector.shape_cast %parallel_loop3A_810 : vector<1x16xf32> to vector<16xf32>
        %parallel_loop3A_812 = arith.constant 8.000000e+00 : f32
        %parallel_loop3A_813 = vector.broadcast %parallel_loop3A_812 : f32 to vector<16xf32>
        %parallel_loop3A_814 = arith.mulf %parallel_loop3A_811, %parallel_loop3A_813 : vector<16xf32>
        %parallel_loop3A_815 = arith.index_cast %parallel_loop3A_805 : i32 to index
        %parallel_loop3A_816 = arith.constant 0 : index
        %parallel_loop3A_817 = tpu.vector_load %arg15[%parallel_loop3A_815, %parallel_loop3A_816] {strides = array<i32>} : memref<160x64xf32, #tpu.memory_space<vmem>>, vector<1x16xf32>,
        %parallel_loop3A_818 = vector.shape_cast %parallel_loop3A_817 : vector<1x16xf32> to vector<16xf32>
        %parallel_loop3A_819 = vector.shape_cast %parallel_loop3A_814 : vector<16xf32> to vector<1x16xf32>
        tpu.vector_store %arg15[%parallel_loop3A_815, %parallel_loop3A_816], %parallel_loop3A_819 {strides = array<i32>} : memref<160x64xf32, #tpu.memory_space<vmem>>, vector<1x16xf32>,
        %parallel_loop3A_820 = arith.constant 16 : i32
        %parallel_loop3A_821 = arith.addi %parallel_loop3A_803, %parallel_loop3A_820 : i32
        %parallel_loop3A_822 = arith.index_cast %parallel_loop3A_805 : i32 to index
        %parallel_loop3A_823 = arith.index_cast %parallel_loop3A_821 : i32 to index
        %parallel_loop3A_824 = tpu.vector_load %arg14[%parallel_loop3A_822, %parallel_loop3A_823] {strides = array<i32>} : memref<160x128xf32, #tpu.memory_space<vmem>>, vector<1x16xf32>,
        %parallel_loop3A_825 = vector.shape_cast %parallel_loop3A_824 : vector<1x16xf32> to vector<16xf32>
        %parallel_loop3A_826 = arith.constant 8.000000e+00 : f32
        %parallel_loop3A_827 = vector.broadcast %parallel_loop3A_826 : f32 to vector<16xf32>
        %parallel_loop3A_828 = arith.mulf %parallel_loop3A_825, %parallel_loop3A_827 : vector<16xf32>
        %parallel_loop3A_829 = arith.index_cast %parallel_loop3A_805 : i32 to index
        %parallel_loop3A_830 = arith.constant 16 : index
        %parallel_loop3A_831 = tpu.vector_load %arg15[%parallel_loop3A_829, %parallel_loop3A_830] {strides = array<i32>} : memref<160x64xf32, #tpu.memory_space<vmem>>, vector<1x16xf32>,
        %parallel_loop3A_832 = vector.shape_cast %parallel_loop3A_831 : vector<1x16xf32> to vector<16xf32>
        %parallel_loop3A_833 = vector.shape_cast %parallel_loop3A_828 : vector<16xf32> to vector<1x16xf32>
        tpu.vector_store %arg15[%parallel_loop3A_829, %parallel_loop3A_830], %parallel_loop3A_833 {strides = array<i32>} : memref<160x64xf32, #tpu.memory_space<vmem>>, vector<1x16xf32>,
        %parallel_loop3A_834 = arith.constant 32 : i32
        %parallel_loop3A_835 = arith.addi %parallel_loop3A_803, %parallel_loop3A_834 : i32
        %parallel_loop3A_836 = arith.index_cast %parallel_loop3A_805 : i32 to index
        %parallel_loop3A_837 = arith.index_cast %parallel_loop3A_835 : i32 to index
        %parallel_loop3A_838 = tpu.vector_load %arg14[%parallel_loop3A_836, %parallel_loop3A_837] {strides = array<i32>} : memref<160x128xf32, #tpu.memory_space<vmem>>, vector<1x16xf32>,
        %parallel_loop3A_839 = vector.shape_cast %parallel_loop3A_838 : vector<1x16xf32> to vector<16xf32>
        %parallel_loop3A_840 = arith.constant 8.000000e+00 : f32
        %parallel_loop3A_841 = vector.broadcast %parallel_loop3A_840 : f32 to vector<16xf32>
        %parallel_loop3A_842 = arith.mulf %parallel_loop3A_839, %parallel_loop3A_841 : vector<16xf32>
        %parallel_loop3A_843 = arith.index_cast %parallel_loop3A_805 : i32 to index
        %parallel_loop3A_844 = arith.constant 32 : index
        %parallel_loop3A_845 = tpu.vector_load %arg15[%parallel_loop3A_843, %parallel_loop3A_844] {strides = array<i32>} : memref<160x64xf32, #tpu.memory_space<vmem>>, vector<1x16xf32>,
        %parallel_loop3A_846 = vector.shape_cast %parallel_loop3A_845 : vector<1x16xf32> to vector<16xf32>
        %parallel_loop3A_847 = vector.shape_cast %parallel_loop3A_842 : vector<16xf32> to vector<1x16xf32>
        tpu.vector_store %arg15[%parallel_loop3A_843, %parallel_loop3A_844], %parallel_loop3A_847 {strides = array<i32>} : memref<160x64xf32, #tpu.memory_space<vmem>>, vector<1x16xf32>,
        %parallel_loop3A_848 = arith.constant 48 : i32
        %parallel_loop3A_849 = arith.addi %parallel_loop3A_803, %parallel_loop3A_848 : i32
        %parallel_loop3A_850 = arith.index_cast %parallel_loop3A_805 : i32 to index
        %parallel_loop3A_851 = arith.index_cast %parallel_loop3A_849 : i32 to index
        %parallel_loop3A_852 = tpu.vector_load %arg14[%parallel_loop3A_850, %parallel_loop3A_851] {strides = array<i32>} : memref<160x128xf32, #tpu.memory_space<vmem>>, vector<1x16xf32>,
        %parallel_loop3A_853 = vector.shape_cast %parallel_loop3A_852 : vector<1x16xf32> to vector<16xf32>
        %parallel_loop3A_854 = arith.constant 8.000000e+00 : f32
        %parallel_loop3A_855 = vector.broadcast %parallel_loop3A_854 : f32 to vector<16xf32>
        %parallel_loop3A_856 = arith.mulf %parallel_loop3A_853, %parallel_loop3A_855 : vector<16xf32>
        %parallel_loop3A_857 = arith.index_cast %parallel_loop3A_805 : i32 to index
        %parallel_loop3A_858 = arith.constant 48 : index
        %parallel_loop3A_859 = tpu.vector_load %arg15[%parallel_loop3A_857, %parallel_loop3A_858] {strides = array<i32>} : memref<160x64xf32, #tpu.memory_space<vmem>>, vector<1x16xf32>,
        %parallel_loop3A_860 = vector.shape_cast %parallel_loop3A_859 : vector<1x16xf32> to vector<16xf32>
        %parallel_loop3A_861 = vector.shape_cast %parallel_loop3A_856 : vector<16xf32> to vector<1x16xf32>
        tpu.vector_store %arg15[%parallel_loop3A_857, %parallel_loop3A_858], %parallel_loop3A_861 {strides = array<i32>} : memref<160x64xf32, #tpu.memory_space<vmem>>, vector<1x16xf32>,
        %parallel_loop3A_862 = vector.extract_strided_slice %parallel_loop3A_81 {offsets = [13], sizes = [1], strides = [1]} : vector<16xi32> to vector<1xi32>
        %parallel_loop3A_863 = vector.extract %parallel_loop3A_862[0] : i32 from vector<1xi32>
        %parallel_loop3A_864 = arith.constant 13 : i32
        %parallel_loop3A_865 = arith.addi %parallel_loop3A_78, %parallel_loop3A_864 : i32
        %parallel_loop3A_866 = arith.constant 0 : i32
        %parallel_loop3A_867 = arith.addi %parallel_loop3A_863, %parallel_loop3A_866 : i32
        %parallel_loop3A_868 = arith.index_cast %parallel_loop3A_865 : i32 to index
        %parallel_loop3A_869 = arith.index_cast %parallel_loop3A_867 : i32 to index
        %parallel_loop3A_870 = tpu.vector_load %arg14[%parallel_loop3A_868, %parallel_loop3A_869] {strides = array<i32>} : memref<160x128xf32, #tpu.memory_space<vmem>>, vector<1x16xf32>,
        %parallel_loop3A_871 = vector.shape_cast %parallel_loop3A_870 : vector<1x16xf32> to vector<16xf32>
        %parallel_loop3A_872 = arith.constant 8.000000e+00 : f32
        %parallel_loop3A_873 = vector.broadcast %parallel_loop3A_872 : f32 to vector<16xf32>
        %parallel_loop3A_874 = arith.mulf %parallel_loop3A_871, %parallel_loop3A_873 : vector<16xf32>
        %parallel_loop3A_875 = arith.index_cast %parallel_loop3A_865 : i32 to index
        %parallel_loop3A_876 = arith.constant 0 : index
        %parallel_loop3A_877 = tpu.vector_load %arg15[%parallel_loop3A_875, %parallel_loop3A_876] {strides = array<i32>} : memref<160x64xf32, #tpu.memory_space<vmem>>, vector<1x16xf32>,
        %parallel_loop3A_878 = vector.shape_cast %parallel_loop3A_877 : vector<1x16xf32> to vector<16xf32>
        %parallel_loop3A_879 = vector.shape_cast %parallel_loop3A_874 : vector<16xf32> to vector<1x16xf32>
        tpu.vector_store %arg15[%parallel_loop3A_875, %parallel_loop3A_876], %parallel_loop3A_879 {strides = array<i32>} : memref<160x64xf32, #tpu.memory_space<vmem>>, vector<1x16xf32>,
        %parallel_loop3A_880 = arith.constant 16 : i32
        %parallel_loop3A_881 = arith.addi %parallel_loop3A_863, %parallel_loop3A_880 : i32
        %parallel_loop3A_882 = arith.index_cast %parallel_loop3A_865 : i32 to index
        %parallel_loop3A_883 = arith.index_cast %parallel_loop3A_881 : i32 to index
        %parallel_loop3A_884 = tpu.vector_load %arg14[%parallel_loop3A_882, %parallel_loop3A_883] {strides = array<i32>} : memref<160x128xf32, #tpu.memory_space<vmem>>, vector<1x16xf32>,
        %parallel_loop3A_885 = vector.shape_cast %parallel_loop3A_884 : vector<1x16xf32> to vector<16xf32>
        %parallel_loop3A_886 = arith.constant 8.000000e+00 : f32
        %parallel_loop3A_887 = vector.broadcast %parallel_loop3A_886 : f32 to vector<16xf32>
        %parallel_loop3A_888 = arith.mulf %parallel_loop3A_885, %parallel_loop3A_887 : vector<16xf32>
        %parallel_loop3A_889 = arith.index_cast %parallel_loop3A_865 : i32 to index
        %parallel_loop3A_890 = arith.constant 16 : index
        %parallel_loop3A_891 = tpu.vector_load %arg15[%parallel_loop3A_889, %parallel_loop3A_890] {strides = array<i32>} : memref<160x64xf32, #tpu.memory_space<vmem>>, vector<1x16xf32>,
        %parallel_loop3A_892 = vector.shape_cast %parallel_loop3A_891 : vector<1x16xf32> to vector<16xf32>
        %parallel_loop3A_893 = vector.shape_cast %parallel_loop3A_888 : vector<16xf32> to vector<1x16xf32>
        tpu.vector_store %arg15[%parallel_loop3A_889, %parallel_loop3A_890], %parallel_loop3A_893 {strides = array<i32>} : memref<160x64xf32, #tpu.memory_space<vmem>>, vector<1x16xf32>,
        %parallel_loop3A_894 = arith.constant 32 : i32
        %parallel_loop3A_895 = arith.addi %parallel_loop3A_863, %parallel_loop3A_894 : i32
        %parallel_loop3A_896 = arith.index_cast %parallel_loop3A_865 : i32 to index
        %parallel_loop3A_897 = arith.index_cast %parallel_loop3A_895 : i32 to index
        %parallel_loop3A_898 = tpu.vector_load %arg14[%parallel_loop3A_896, %parallel_loop3A_897] {strides = array<i32>} : memref<160x128xf32, #tpu.memory_space<vmem>>, vector<1x16xf32>,
        %parallel_loop3A_899 = vector.shape_cast %parallel_loop3A_898 : vector<1x16xf32> to vector<16xf32>
        %parallel_loop3A_900 = arith.constant 8.000000e+00 : f32
        %parallel_loop3A_901 = vector.broadcast %parallel_loop3A_900 : f32 to vector<16xf32>
        %parallel_loop3A_902 = arith.mulf %parallel_loop3A_899, %parallel_loop3A_901 : vector<16xf32>
        %parallel_loop3A_903 = arith.index_cast %parallel_loop3A_865 : i32 to index
        %parallel_loop3A_904 = arith.constant 32 : index
        %parallel_loop3A_905 = tpu.vector_load %arg15[%parallel_loop3A_903, %parallel_loop3A_904] {strides = array<i32>} : memref<160x64xf32, #tpu.memory_space<vmem>>, vector<1x16xf32>,
        %parallel_loop3A_906 = vector.shape_cast %parallel_loop3A_905 : vector<1x16xf32> to vector<16xf32>
        %parallel_loop3A_907 = vector.shape_cast %parallel_loop3A_902 : vector<16xf32> to vector<1x16xf32>
        tpu.vector_store %arg15[%parallel_loop3A_903, %parallel_loop3A_904], %parallel_loop3A_907 {strides = array<i32>} : memref<160x64xf32, #tpu.memory_space<vmem>>, vector<1x16xf32>,
        %parallel_loop3A_908 = arith.constant 48 : i32
        %parallel_loop3A_909 = arith.addi %parallel_loop3A_863, %parallel_loop3A_908 : i32
        %parallel_loop3A_910 = arith.index_cast %parallel_loop3A_865 : i32 to index
        %parallel_loop3A_911 = arith.index_cast %parallel_loop3A_909 : i32 to index
        %parallel_loop3A_912 = tpu.vector_load %arg14[%parallel_loop3A_910, %parallel_loop3A_911] {strides = array<i32>} : memref<160x128xf32, #tpu.memory_space<vmem>>, vector<1x16xf32>,
        %parallel_loop3A_913 = vector.shape_cast %parallel_loop3A_912 : vector<1x16xf32> to vector<16xf32>
        %parallel_loop3A_914 = arith.constant 8.000000e+00 : f32
        %parallel_loop3A_915 = vector.broadcast %parallel_loop3A_914 : f32 to vector<16xf32>
        %parallel_loop3A_916 = arith.mulf %parallel_loop3A_913, %parallel_loop3A_915 : vector<16xf32>
        %parallel_loop3A_917 = arith.index_cast %parallel_loop3A_865 : i32 to index
        %parallel_loop3A_918 = arith.constant 48 : index
        %parallel_loop3A_919 = tpu.vector_load %arg15[%parallel_loop3A_917, %parallel_loop3A_918] {strides = array<i32>} : memref<160x64xf32, #tpu.memory_space<vmem>>, vector<1x16xf32>,
        %parallel_loop3A_920 = vector.shape_cast %parallel_loop3A_919 : vector<1x16xf32> to vector<16xf32>
        %parallel_loop3A_921 = vector.shape_cast %parallel_loop3A_916 : vector<16xf32> to vector<1x16xf32>
        tpu.vector_store %arg15[%parallel_loop3A_917, %parallel_loop3A_918], %parallel_loop3A_921 {strides = array<i32>} : memref<160x64xf32, #tpu.memory_space<vmem>>, vector<1x16xf32>,
        %parallel_loop3A_922 = vector.extract_strided_slice %parallel_loop3A_81 {offsets = [14], sizes = [1], strides = [1]} : vector<16xi32> to vector<1xi32>
        %parallel_loop3A_923 = vector.extract %parallel_loop3A_922[0] : i32 from vector<1xi32>
        %parallel_loop3A_924 = arith.constant 14 : i32
        %parallel_loop3A_925 = arith.addi %parallel_loop3A_78, %parallel_loop3A_924 : i32
        %parallel_loop3A_926 = arith.constant 0 : i32
        %parallel_loop3A_927 = arith.addi %parallel_loop3A_923, %parallel_loop3A_926 : i32
        %parallel_loop3A_928 = arith.index_cast %parallel_loop3A_925 : i32 to index
        %parallel_loop3A_929 = arith.index_cast %parallel_loop3A_927 : i32 to index
        %parallel_loop3A_930 = tpu.vector_load %arg14[%parallel_loop3A_928, %parallel_loop3A_929] {strides = array<i32>} : memref<160x128xf32, #tpu.memory_space<vmem>>, vector<1x16xf32>,
        %parallel_loop3A_931 = vector.shape_cast %parallel_loop3A_930 : vector<1x16xf32> to vector<16xf32>
        %parallel_loop3A_932 = arith.constant 8.000000e+00 : f32
        %parallel_loop3A_933 = vector.broadcast %parallel_loop3A_932 : f32 to vector<16xf32>
        %parallel_loop3A_934 = arith.mulf %parallel_loop3A_931, %parallel_loop3A_933 : vector<16xf32>
        %parallel_loop3A_935 = arith.index_cast %parallel_loop3A_925 : i32 to index
        %parallel_loop3A_936 = arith.constant 0 : index
        %parallel_loop3A_937 = tpu.vector_load %arg15[%parallel_loop3A_935, %parallel_loop3A_936] {strides = array<i32>} : memref<160x64xf32, #tpu.memory_space<vmem>>, vector<1x16xf32>,
        %parallel_loop3A_938 = vector.shape_cast %parallel_loop3A_937 : vector<1x16xf32> to vector<16xf32>
        %parallel_loop3A_939 = vector.shape_cast %parallel_loop3A_934 : vector<16xf32> to vector<1x16xf32>
        tpu.vector_store %arg15[%parallel_loop3A_935, %parallel_loop3A_936], %parallel_loop3A_939 {strides = array<i32>} : memref<160x64xf32, #tpu.memory_space<vmem>>, vector<1x16xf32>,
        %parallel_loop3A_940 = arith.constant 16 : i32
        %parallel_loop3A_941 = arith.addi %parallel_loop3A_923, %parallel_loop3A_940 : i32
        %parallel_loop3A_942 = arith.index_cast %parallel_loop3A_925 : i32 to index
        %parallel_loop3A_943 = arith.index_cast %parallel_loop3A_941 : i32 to index
        %parallel_loop3A_944 = tpu.vector_load %arg14[%parallel_loop3A_942, %parallel_loop3A_943] {strides = array<i32>} : memref<160x128xf32, #tpu.memory_space<vmem>>, vector<1x16xf32>,
        %parallel_loop3A_945 = vector.shape_cast %parallel_loop3A_944 : vector<1x16xf32> to vector<16xf32>
        %parallel_loop3A_946 = arith.constant 8.000000e+00 : f32
        %parallel_loop3A_947 = vector.broadcast %parallel_loop3A_946 : f32 to vector<16xf32>
        %parallel_loop3A_948 = arith.mulf %parallel_loop3A_945, %parallel_loop3A_947 : vector<16xf32>
        %parallel_loop3A_949 = arith.index_cast %parallel_loop3A_925 : i32 to index
        %parallel_loop3A_950 = arith.constant 16 : index
        %parallel_loop3A_951 = tpu.vector_load %arg15[%parallel_loop3A_949, %parallel_loop3A_950] {strides = array<i32>} : memref<160x64xf32, #tpu.memory_space<vmem>>, vector<1x16xf32>,
        %parallel_loop3A_952 = vector.shape_cast %parallel_loop3A_951 : vector<1x16xf32> to vector<16xf32>
        %parallel_loop3A_953 = vector.shape_cast %parallel_loop3A_948 : vector<16xf32> to vector<1x16xf32>
        tpu.vector_store %arg15[%parallel_loop3A_949, %parallel_loop3A_950], %parallel_loop3A_953 {strides = array<i32>} : memref<160x64xf32, #tpu.memory_space<vmem>>, vector<1x16xf32>,
        %parallel_loop3A_954 = arith.constant 32 : i32
        %parallel_loop3A_955 = arith.addi %parallel_loop3A_923, %parallel_loop3A_954 : i32
        %parallel_loop3A_956 = arith.index_cast %parallel_loop3A_925 : i32 to index
        %parallel_loop3A_957 = arith.index_cast %parallel_loop3A_955 : i32 to index
        %parallel_loop3A_958 = tpu.vector_load %arg14[%parallel_loop3A_956, %parallel_loop3A_957] {strides = array<i32>} : memref<160x128xf32, #tpu.memory_space<vmem>>, vector<1x16xf32>,
        %parallel_loop3A_959 = vector.shape_cast %parallel_loop3A_958 : vector<1x16xf32> to vector<16xf32>
        %parallel_loop3A_960 = arith.constant 8.000000e+00 : f32
        %parallel_loop3A_961 = vector.broadcast %parallel_loop3A_960 : f32 to vector<16xf32>
        %parallel_loop3A_962 = arith.mulf %parallel_loop3A_959, %parallel_loop3A_961 : vector<16xf32>
        %parallel_loop3A_963 = arith.index_cast %parallel_loop3A_925 : i32 to index
        %parallel_loop3A_964 = arith.constant 32 : index
        %parallel_loop3A_965 = tpu.vector_load %arg15[%parallel_loop3A_963, %parallel_loop3A_964] {strides = array<i32>} : memref<160x64xf32, #tpu.memory_space<vmem>>, vector<1x16xf32>,
        %parallel_loop3A_966 = vector.shape_cast %parallel_loop3A_965 : vector<1x16xf32> to vector<16xf32>
        %parallel_loop3A_967 = vector.shape_cast %parallel_loop3A_962 : vector<16xf32> to vector<1x16xf32>
        tpu.vector_store %arg15[%parallel_loop3A_963, %parallel_loop3A_964], %parallel_loop3A_967 {strides = array<i32>} : memref<160x64xf32, #tpu.memory_space<vmem>>, vector<1x16xf32>,
        %parallel_loop3A_968 = arith.constant 48 : i32
        %parallel_loop3A_969 = arith.addi %parallel_loop3A_923, %parallel_loop3A_968 : i32
        %parallel_loop3A_970 = arith.index_cast %parallel_loop3A_925 : i32 to index
        %parallel_loop3A_971 = arith.index_cast %parallel_loop3A_969 : i32 to index
        %parallel_loop3A_972 = tpu.vector_load %arg14[%parallel_loop3A_970, %parallel_loop3A_971] {strides = array<i32>} : memref<160x128xf32, #tpu.memory_space<vmem>>, vector<1x16xf32>,
        %parallel_loop3A_973 = vector.shape_cast %parallel_loop3A_972 : vector<1x16xf32> to vector<16xf32>
        %parallel_loop3A_974 = arith.constant 8.000000e+00 : f32
        %parallel_loop3A_975 = vector.broadcast %parallel_loop3A_974 : f32 to vector<16xf32>
        %parallel_loop3A_976 = arith.mulf %parallel_loop3A_973, %parallel_loop3A_975 : vector<16xf32>
        %parallel_loop3A_977 = arith.index_cast %parallel_loop3A_925 : i32 to index
        %parallel_loop3A_978 = arith.constant 48 : index
        %parallel_loop3A_979 = tpu.vector_load %arg15[%parallel_loop3A_977, %parallel_loop3A_978] {strides = array<i32>} : memref<160x64xf32, #tpu.memory_space<vmem>>, vector<1x16xf32>,
        %parallel_loop3A_980 = vector.shape_cast %parallel_loop3A_979 : vector<1x16xf32> to vector<16xf32>
        %parallel_loop3A_981 = vector.shape_cast %parallel_loop3A_976 : vector<16xf32> to vector<1x16xf32>
        tpu.vector_store %arg15[%parallel_loop3A_977, %parallel_loop3A_978], %parallel_loop3A_981 {strides = array<i32>} : memref<160x64xf32, #tpu.memory_space<vmem>>, vector<1x16xf32>,
        %parallel_loop3A_982 = vector.extract_strided_slice %parallel_loop3A_81 {offsets = [15], sizes = [1], strides = [1]} : vector<16xi32> to vector<1xi32>
        %parallel_loop3A_983 = vector.extract %parallel_loop3A_982[0] : i32 from vector<1xi32>
        %parallel_loop3A_984 = arith.constant 15 : i32
        %parallel_loop3A_985 = arith.addi %parallel_loop3A_78, %parallel_loop3A_984 : i32
        %parallel_loop3A_986 = arith.constant 0 : i32
        %parallel_loop3A_987 = arith.addi %parallel_loop3A_983, %parallel_loop3A_986 : i32
        %parallel_loop3A_988 = arith.index_cast %parallel_loop3A_985 : i32 to index
        %parallel_loop3A_989 = arith.index_cast %parallel_loop3A_987 : i32 to index
        %parallel_loop3A_990 = tpu.vector_load %arg14[%parallel_loop3A_988, %parallel_loop3A_989] {strides = array<i32>} : memref<160x128xf32, #tpu.memory_space<vmem>>, vector<1x16xf32>,
        %parallel_loop3A_991 = vector.shape_cast %parallel_loop3A_990 : vector<1x16xf32> to vector<16xf32>
        %parallel_loop3A_992 = arith.constant 8.000000e+00 : f32
        %parallel_loop3A_993 = vector.broadcast %parallel_loop3A_992 : f32 to vector<16xf32>
        %parallel_loop3A_994 = arith.mulf %parallel_loop3A_991, %parallel_loop3A_993 : vector<16xf32>
        %parallel_loop3A_995 = arith.index_cast %parallel_loop3A_985 : i32 to index
        %parallel_loop3A_996 = arith.constant 0 : index
        %parallel_loop3A_997 = tpu.vector_load %arg15[%parallel_loop3A_995, %parallel_loop3A_996] {strides = array<i32>} : memref<160x64xf32, #tpu.memory_space<vmem>>, vector<1x16xf32>,
        %parallel_loop3A_998 = vector.shape_cast %parallel_loop3A_997 : vector<1x16xf32> to vector<16xf32>
        %parallel_loop3A_999 = vector.shape_cast %parallel_loop3A_994 : vector<16xf32> to vector<1x16xf32>
        tpu.vector_store %arg15[%parallel_loop3A_995, %parallel_loop3A_996], %parallel_loop3A_999 {strides = array<i32>} : memref<160x64xf32, #tpu.memory_space<vmem>>, vector<1x16xf32>,
        %parallel_loop3A_1000 = arith.constant 16 : i32
        %parallel_loop3A_1001 = arith.addi %parallel_loop3A_983, %parallel_loop3A_1000 : i32
        %parallel_loop3A_1002 = arith.index_cast %parallel_loop3A_985 : i32 to index
        %parallel_loop3A_1003 = arith.index_cast %parallel_loop3A_1001 : i32 to index
        %parallel_loop3A_1004 = tpu.vector_load %arg14[%parallel_loop3A_1002, %parallel_loop3A_1003] {strides = array<i32>} : memref<160x128xf32, #tpu.memory_space<vmem>>, vector<1x16xf32>,
        %parallel_loop3A_1005 = vector.shape_cast %parallel_loop3A_1004 : vector<1x16xf32> to vector<16xf32>
        %parallel_loop3A_1006 = arith.constant 8.000000e+00 : f32
        %parallel_loop3A_1007 = vector.broadcast %parallel_loop3A_1006 : f32 to vector<16xf32>
        %parallel_loop3A_1008 = arith.mulf %parallel_loop3A_1005, %parallel_loop3A_1007 : vector<16xf32>
        %parallel_loop3A_1009 = arith.index_cast %parallel_loop3A_985 : i32 to index
        %parallel_loop3A_1010 = arith.constant 16 : index
        %parallel_loop3A_1011 = tpu.vector_load %arg15[%parallel_loop3A_1009, %parallel_loop3A_1010] {strides = array<i32>} : memref<160x64xf32, #tpu.memory_space<vmem>>, vector<1x16xf32>,
        %parallel_loop3A_1012 = vector.shape_cast %parallel_loop3A_1011 : vector<1x16xf32> to vector<16xf32>
        %parallel_loop3A_1013 = vector.shape_cast %parallel_loop3A_1008 : vector<16xf32> to vector<1x16xf32>
        tpu.vector_store %arg15[%parallel_loop3A_1009, %parallel_loop3A_1010], %parallel_loop3A_1013 {strides = array<i32>} : memref<160x64xf32, #tpu.memory_space<vmem>>, vector<1x16xf32>,
        %parallel_loop3A_1014 = arith.constant 32 : i32
        %parallel_loop3A_1015 = arith.addi %parallel_loop3A_983, %parallel_loop3A_1014 : i32
        %parallel_loop3A_1016 = arith.index_cast %parallel_loop3A_985 : i32 to index
        %parallel_loop3A_1017 = arith.index_cast %parallel_loop3A_1015 : i32 to index
        %parallel_loop3A_1018 = tpu.vector_load %arg14[%parallel_loop3A_1016, %parallel_loop3A_1017] {strides = array<i32>} : memref<160x128xf32, #tpu.memory_space<vmem>>, vector<1x16xf32>,
        %parallel_loop3A_1019 = vector.shape_cast %parallel_loop3A_1018 : vector<1x16xf32> to vector<16xf32>
        %parallel_loop3A_1020 = arith.constant 8.000000e+00 : f32
        %parallel_loop3A_1021 = vector.broadcast %parallel_loop3A_1020 : f32 to vector<16xf32>
        %parallel_loop3A_1022 = arith.mulf %parallel_loop3A_1019, %parallel_loop3A_1021 : vector<16xf32>
        %parallel_loop3A_1023 = arith.index_cast %parallel_loop3A_985 : i32 to index
        %parallel_loop3A_1024 = arith.constant 32 : index
        %parallel_loop3A_1025 = tpu.vector_load %arg15[%parallel_loop3A_1023, %parallel_loop3A_1024] {strides = array<i32>} : memref<160x64xf32, #tpu.memory_space<vmem>>, vector<1x16xf32>,
        %parallel_loop3A_1026 = vector.shape_cast %parallel_loop3A_1025 : vector<1x16xf32> to vector<16xf32>
        %parallel_loop3A_1027 = vector.shape_cast %parallel_loop3A_1022 : vector<16xf32> to vector<1x16xf32>
        tpu.vector_store %arg15[%parallel_loop3A_1023, %parallel_loop3A_1024], %parallel_loop3A_1027 {strides = array<i32>} : memref<160x64xf32, #tpu.memory_space<vmem>>, vector<1x16xf32>,
        %parallel_loop3A_1028 = arith.constant 48 : i32
        %parallel_loop3A_1029 = arith.addi %parallel_loop3A_983, %parallel_loop3A_1028 : i32
        %parallel_loop3A_1030 = arith.index_cast %parallel_loop3A_985 : i32 to index
        %parallel_loop3A_1031 = arith.index_cast %parallel_loop3A_1029 : i32 to index
        %parallel_loop3A_1032 = tpu.vector_load %arg14[%parallel_loop3A_1030, %parallel_loop3A_1031] {strides = array<i32>} : memref<160x128xf32, #tpu.memory_space<vmem>>, vector<1x16xf32>,
        %parallel_loop3A_1033 = vector.shape_cast %parallel_loop3A_1032 : vector<1x16xf32> to vector<16xf32>
        %parallel_loop3A_1034 = arith.constant 8.000000e+00 : f32
        %parallel_loop3A_1035 = vector.broadcast %parallel_loop3A_1034 : f32 to vector<16xf32>
        %parallel_loop3A_1036 = arith.mulf %parallel_loop3A_1033, %parallel_loop3A_1035 : vector<16xf32>
        %parallel_loop3A_1037 = arith.index_cast %parallel_loop3A_985 : i32 to index
        %parallel_loop3A_1038 = arith.constant 48 : index
        %parallel_loop3A_1039 = tpu.vector_load %arg15[%parallel_loop3A_1037, %parallel_loop3A_1038] {strides = array<i32>} : memref<160x64xf32, #tpu.memory_space<vmem>>, vector<1x16xf32>,
        %parallel_loop3A_1040 = vector.shape_cast %parallel_loop3A_1039 : vector<1x16xf32> to vector<16xf32>
        %parallel_loop3A_1041 = vector.shape_cast %parallel_loop3A_1036 : vector<16xf32> to vector<1x16xf32>
        tpu.vector_store %arg15[%parallel_loop3A_1037, %parallel_loop3A_1038], %parallel_loop3A_1041 {strides = array<i32>} : memref<160x64xf32, #tpu.memory_space<vmem>>, vector<1x16xf32>,
      } {sc.loop_unroll_factor = 2 : i64, sc.parallel_access}
      %mul3A_66 = arith.constant 160 : i32
      %mul3A_67 = arith.muli %add3A_59, %mul3A_66 : i32
      %add3A_68 = arith.addi %multiple_of3A, %mul3A_67 : i32
      %multiple_of3A_69 = tpu.assume_multiple %add3A_68, 8 : i32
      %dma_start3A_70 = arith.constant 0 : i32
      %dma_start3A_71 = tpu.memref_slice %arg4[%multiple_of3A_69, %dma_start3A_70] : memref<819200x64xf32, #tpu.memory_space<hbm>> -> memref<160x64xf32, #tpu.memory_space<hbm>>
      %dma_start3A_72 = arith.constant 0 : i32
      %dma_start3A_73 = tpu.memref_slice %arg4[%multiple_of3A_69, %dma_start3A_72] : memref<819200x64xf32, #tpu.memory_space<hbm>> -> memref<160x64xf32, #tpu.memory_space<hbm>>
      tpu.enqueue_dma source(%arg15 : memref<160x64xf32, #tpu.memory_space<vmem>>) target(%dma_start3A_73 : memref<160x64xf32, #tpu.memory_space<hbm>>) target_semaphore(%arg17 : memref<!tpu.dma_semaphore, #tpu.memory_space<semaphore_mem>>)
    }
    %scan3A_11 = arith.constant 80 : i32
    %add3A_12 = arith.constant 25280 : i32
    %add3A_13 = arith.addi %multiple_of3A, %add3A_12 : i32
    %multiple_of3A_14 = tpu.assume_multiple %add3A_13, 8 : i32
    %dma_wait3A = arith.constant 0 : i32
    %dma_wait3A_15 = tpu.memref_slice %arg4[%multiple_of3A_14, %dma_wait3A] : memref<819200x64xf32, #tpu.memory_space<hbm>> -> memref<160x64xf32, #tpu.memory_space<hbm>>
    %dma_wait3A_16 = arith.constant 0 : i32
    %dma_wait3A_17 = tpu.memref_slice %arg4[%multiple_of3A_14, %dma_wait3A_16] : memref<819200x64xf32, #tpu.memory_space<hbm>> -> memref<160x64xf32, #tpu.memory_space<hbm>>
    tpu.wait_dma2 semaphore(%arg11 : memref<!tpu.dma_semaphore, #tpu.memory_space<semaphore_mem>>) src(%arg9 : memref<160x64xf32, #tpu.memory_space<vmem>>) dst(%dma_wait3A_17 : memref<160x64xf32, #tpu.memory_space<hbm>>)
    %add3A_18 = arith.constant 25440 : i32
    %add3A_19 = arith.addi %multiple_of3A, %add3A_18 : i32
    %multiple_of3A_20 = tpu.assume_multiple %add3A_19, 8 : i32
    %dma_wait3A_21 = arith.constant 0 : i32
    %dma_wait3A_22 = tpu.memref_slice %arg4[%multiple_of3A_20, %dma_wait3A_21] : memref<819200x64xf32, #tpu.memory_space<hbm>> -> memref<160x64xf32, #tpu.memory_space<hbm>>
    %dma_wait3A_23 = arith.constant 0 : i32
    %dma_wait3A_24 = tpu.memref_slice %arg4[%multiple_of3A_20, %dma_wait3A_23] : memref<819200x64xf32, #tpu.memory_space<hbm>> -> memref<160x64xf32, #tpu.memory_space<hbm>>
    tpu.wait_dma2 semaphore(%arg17 : memref<!tpu.dma_semaphore, #tpu.memory_space<semaphore_mem>>) src(%arg15 : memref<160x64xf32, #tpu.memory_space<vmem>>) dst(%dma_wait3A_24 : memref<160x64xf32, #tpu.memory_space<hbm>>)
    return
  }
}

</mosaic_0001>

<sc_bundles>
// kernel: kernel.3.cloned.1.call-start
scs
__scs_entry_jumppad:
0x0: {  	(pc) =	sbr.rel $0x88, $3  }
0x1: {  	(tag) =	ssettag $0x0;
	lr =	simm.s32 $0x1  }
0x2: {  	[smem:$0x3F9F] =	sst lr;
	_ =	strace $0xD0000000  }
0x3: {  	_ = 	snop  }
0x4: {  	_ = 	snop  }
0x5: {  	_ = 	snop  }
0x6: {  	_ = 	snop  }
0x7: {  	_ = 	snop  }
__scs_overlays_trampoline_lowered:
0x8: {  	[smem:$0x3FAE] =	sst s0  }
0x9: {  	[smem:$0x3FAF] =	sst s1  }
0xa: {  	[smem:$0x3FB0] =	sst s2  }
0xb: {  	[smem:$0x3FB1] =	sst s3  }
0xc: {  	[smem:$0x3FB2] =	sst s4  }
0xd: {  	[smem:$0x3FB3] =	sst s5  }
0xe: {  	[smem:$0x3FB4] =	sst s6  }
0xf: {  	[smem:$0x3FB5] =	sst s7  }
0x10: {  	[smem:$0x3FB6] =	sst s8  }
0x11: {  	[smem:$0x3FB7] =	sst s9;
	s0 =	simm.s32 @!p0 $0x0  }
0x12: {  	s1 =	sld [smem:$0x3F9D];
	s0 =	simm.s32 @p0 $0x1  }
0x13: {  	[smem:$0x3FB8] =	sst s0;
	s0 =	simm.s32 @!p1 $0x0  }
0x14: {  	s2 =	sld [smem:$0x3F9C];
	s0 =	simm.s32 @p1 $0x1  }
0x15: {  	[smem:$0x3FB9] =	sst s0;
	s0 =	simm.s32 @!p2 $0x0  }
0x16: {  	s3 =	sld [smem:$0x3FDB];
	s0 =	simm.s32 @p2 $0x1  }
0x17: {  	s4 =	simm.s32 $0x1BF5;
	[smem:$0x3FBB] =	sst s0  }
0x18: {  	s0 =	sld [smem:$0x3F9E];
	_ =	swait.ge [sflag:s4], $0x0  }
0x19: {  	s7 =	sld [smem:$0x3F9F]  }
0x1a: {  	s8 =	sadd.s32 $0xFFFFE003, lr  }
0x1b: {  	s9 =	sadd.s32 $0xFFFFFEF7, lr;
	s5 =	simm.s32 $0xFFFFFFFF;
	p2 =	slt.u32 s8, $0xFFFFF086  }
0x1c: {  	p1 =	slt.u32 s9, $0xF7A;
	s5 =	simm.s32 @!p2 $0x0  }
0x1d: {  	s5 =	simm.s32 @p1 $0x1;
	p0 =	seq.s32 s7, s2  }
0x1e: {  	s7 =	smul.u32 @!p0 $0xF7A, s2;
	p2 =	seq.s32 @!p0 s5, $0x0  }
0x1f: {  	s9 =	smul.u32 $0xF7A, s1;
	s8 =	simm.s32 @!p0 $0x1BF5;
	p2 =	por !p2, p0  }
0x20: {  	[sflag:s8] =	ssyncset.s32 @!p0 $0xFFFFF086;
	s6 =	sadd.s32 @!p0 s3, s7;
	s7 =	simm.s32 @!p0 $0x108  }
0x21: {  	s3 =	sadd.s32 s3, s9;
	s6 =	sadd.s32 @!p0 $0x88, s6;
	s7 =	simm.s32 @p2 $0x1082  }
0x22: {  	[simem:s7], [sflag:s8] =	dma.local @!p0 [hbm:s6], $0xF7A  }
0x23: {  	s9 =	sor.u32 $0xD0000000, s2;
	s6 =	simm.s32 $0x108;
	_ =	swait.ge @!p0 [sflag:s8], $0x0  }
0x24: {  	s3 =	sadd.s32 $0x88, s3;
	s6 =	simm.s32 @!p1 $0x1082;
	[sflag:s4] =	ssyncset.s32 $0xFFFFF086  }
0x25: {  	[simem:s6], [sflag:s4] =	dma.local [hbm:s3], $0xF7A  }
0x26: {  	[smem:$0x3F9F] =	sst s1;
	(tag) =	ssettag s2;
	_ =	strace s9  }
0x27: {  	s1 =	sld [smem:$0x3FAF]  }
0x28: {  	s2 =	sld [smem:$0x3FB0]  }
0x29: {  	s4 =	sld [smem:$0x3FB2]  }
0x2a: {  	p0 =	seq.s32 s5, $0x0;
	s5 =	sld [smem:$0x3FB3]  }
0x2b: {  	s6 =	sld [smem:$0x3FB4]  }
0x2c: {  	s7 =	sld [smem:$0x3FB5]  }
0x2d: {  	s3 =	simm.s32 $0x108;
	s8 =	sld [smem:$0x3FB6]  }
0x2e: {  	s3 =	simm.s32 @!p0 $0x1082;
	s9 =	sld [smem:$0x3FB7]  }
0x2f: {  	lr =	sadd.s32 s0, s3;
	s0 =	sld [smem:$0x3FAE]  }
0x30: {  	s3 =	sld [smem:$0x3FB1]  }
0x31: {  	[smem:$0x3FBA] =	sst s10  }
0x32: {  	s10 =	sld [smem:$0x3FB8];
	_ =	sdelay $0x3  }
0x33: {  	p0 =	seq.s32 s10, $0x1;
	s10 =	sld [smem:$0x3FBA];
	_ =	sdelay $0x3  }
0x34: {  	[smem:$0x3FBA] =	sst s10  }
0x35: {  	s10 =	sld [smem:$0x3FB9];
	_ =	sdelay $0x3  }
0x36: {  	p1 =	seq.s32 s10, $0x1;
	s10 =	sld [smem:$0x3FBA];
	_ =	sdelay $0x3  }
0x37: {  	[smem:$0x3FBA] =	sst s10  }
0x38: {  	s10 =	sld [smem:$0x3FBB]  }
0x39: {  	_ = 	snop;
	(pc) =	sbr.ind lr, $3  }
0x3a: {  	_ = 	snop  }
0x3b: {  	_ = 	snop  }
0x3c: {  	p2 =	seq.s32 s10, $0x1;
	s10 =	sld [smem:$0x3FBA]  }
0x3d: {  	_ =	shalt  }
0x3e: {  	_ =	shalt  }
0x3f: {  	_ =	shalt  }
0x40: {  	_ =	shalt  }
0x41: {  	_ =	shalt  }
0x42: {  	_ =	shalt  }
0x43: {  	_ =	shalt  }
0x44: {  	_ =	shalt  }
0x45: {  	_ =	shalt  }
0x46: {  	_ =	shalt  }
0x47: {  	_ =	shalt  }
0x48: {  	_ =	shalt  }
0x49: {  	_ =	shalt  }
0x4a: {  	_ =	shalt  }
0x4b: {  	_ =	shalt  }
0x4c: {  	_ =	shalt  }
0x4d: {  	_ =	shalt  }
0x4e: {  	_ =	shalt  }
0x4f: {  	_ =	shalt  }
0x50: {  	_ =	shalt  }
0x51: {  	_ =	shalt  }
0x52: {  	_ =	shalt  }
0x53: {  	_ =	shalt  }
0x54: {  	_ =	shalt  }
0x55: {  	_ =	shalt  }
0x56: {  	_ =	shalt  }
0x57: {  	_ =	shalt  }
0x58: {  	_ =	shalt  }
0x59: {  	_ =	shalt  }
0x5a: {  	_ =	shalt  }
0x5b: {  	_ =	shalt  }
0x5c: {  	_ =	shalt  }
0x5d: {  	_ =	shalt  }
0x5e: {  	_ =	shalt  }
0x5f: {  	_ =	shalt  }
0x60: {  	_ =	shalt  }
0x61: {  	_ =	shalt  }
0x62: {  	_ =	shalt  }
0x63: {  	_ =	shalt  }
0x64: {  	_ =	shalt  }
0x65: {  	_ =	shalt  }
0x66: {  	_ =	shalt  }
0x67: {  	_ =	shalt  }
0x68: {  	_ =	shalt  }
0x69: {  	_ =	shalt  }
0x6a: {  	_ =	shalt  }
0x6b: {  	_ =	shalt  }
0x6c: {  	_ =	shalt  }
0x6d: {  	_ =	shalt  }
0x6e: {  	_ =	shalt  }
0x6f: {  	_ =	shalt  }
0x70: {  	_ =	shalt  }
0x71: {  	_ =	shalt  }
0x72: {  	_ =	shalt  }
0x73: {  	_ =	shalt  }
0x74: {  	_ =	shalt  }
0x75: {  	_ =	shalt  }
0x76: {  	_ =	shalt  }
0x77: {  	_ =	shalt  }
0x78: {  	_ =	shalt  }
0x79: {  	_ =	shalt  }
0x7a: {  	_ =	shalt  }
0x7b: {  	_ =	shalt  }
0x7c: {  	_ =	shalt  }
0x7d: {  	_ =	shalt  }
0x7e: {  	_ =	shalt  }
0x7f: {  	_ =	shalt  }
0x80: {  	_ =	shalt  }
0x81: {  	_ =	shalt  }
0x82: {  	_ =	shalt  }
0x83: {  	_ =	shalt  }
0x84: {  	_ =	shalt  }
0x85: {  	_ =	shalt  }
0x86: {  	_ =	shalt  }
0x87: {  	_ =	shalt  }
.Lfunc_end0:
.L_simem_size_0:
called_computation.1_lowered:
.L_overlay_start_0:
0x88: {  	s2 =	sld [smem:$0x3FD9]  }
0x89: {  	s3 =	sld [smem:$0x3FFE];
	_ =	sdelay $0x1  }
0x8a: {  	s1 =	srdreg.scid  }
0x8b: {  	s0 =	sand.u32 $0x1, s1  }
0x8c: {  	s17 =	sshll.u32 s0, $0xA;
	s2 =	sadd.s32 s3, s2  }
0x8d: {  	s2 =	sadd.s32 s2, s17  }
0x8e: {  	[smem:$0x3FC6] =	sst s2  }
0x8f: {  	_ = 	snop  }
0x90: {  	s2 =	sld [smem:$0x3FD0];
	(tm) =	ssettm $0x1  }
0x91: {  	s18 =	sld [smem:$0x3FFB];
	_ =	sdelay $0x3  }
0x92: {  	_ =	strace s18  }
0x93: {  	s3 =	sld [smem:$0x3FFC];
	_ =	sdelay $0x3  }
0x94: {  	_ =	strace s3  }
0x95: {  	s3 =	sld [smem:$0x3FFD];
	_ =	sdelay $0x3  }
0x96: {  	_ =	strace s3  }
0x97: {  	_ =	strace $0x8FFFFFFF  }
0x98: {  	s19 =	sld [smem:$0x3FDB];
	_ =	sdelay $0x1  }
0x99: {  	s4 =	simm.s32 $_scs_section_size  }
0x9a: {  	s5 =	simm.s32 $_size__tile_overlayer_lowered;
	s6 =	simm.s32 $_tile_overlayer_lowered  }
0x9b: {  	s22 =	simm.s32 $0x1BFF;
	s21 =	sshll.u32 s6, $0x1;
	s3 =	sadd.s32 s4, s19  }
0x9c: {  	s7 =	simm.s32 $0x0;
	s20 =	sshll.u32 s5, $0x1;
	s5 =	sadd.s32 s21, s3  }
0x9d: {  	[timem:s7], [sflag:s22] =	dma.local [hbm:s5], s20  }
0x9e: {  	_ =	swait.ge [sflag:s22], s20  }
0x9f: {  	s4 =	ssub.s32 $0x0, s20;
	[sflag:s22] =	ssyncset.done $0x0  }
0xa0: {  	[sflag:s22] =	ssyncadd.s32 s4;
	_ =	sdelay $0x1  }
0xa1: {  	s23 =	simm.s32 $0x1B8B  }
0xa2: {  	_ =	swait.ge [sflag:s23], $0x1  }
0xa3: {  	[sflag:s23] =	ssyncset.done $0x0  }
0xa4: {  	s25 =	simm.s32 $0x1B8E;
	s24 =	sld [smem:$0x3FFE];
	[sflag:s23] =	ssyncadd.s32 $0xFFFFFFFF  }
0xa5: {  	s26 =	simm.s32 $execute0_lowered;
	[smem:$0x3FD2] =	sst s25  }
0xa6: {  	s5 =	sshll.u32 s26, $0x1;
	_ =	strace $0x80000046;
	[dreg:$0x1] =	wrdreg $0xFFFFFFFF  }
0xa7: {  	s28 =	simm.s32 $_size_execute0_lowered;
	s3 =	sadd.s32 s3, s5;
	[dreg:$0x0] =	wrdreg $0x0  }
0xa8: {  	s5 =	sshll.u32 s28, $0x1;
	[dreg:$0x2] =	wrdreg s3  }
0xa9: {  	[dreg:$0x3] =	wrdreg s5  }
0xaa: {  	[dreg:$0x4] =	wrdreg $0xC0  }
0xab: {  	_ =	task [dreg:s7], $0x5FFFF  }
0xac: {  	[dreg:$0x1] =	wrdreg $0xFFFFFFFF  }
0xad: {  	[dreg:$0x0] =	wrdreg $0x60  }
0xae: {  	[dreg:$0x2] =	wrdreg s24  }
0xaf: {  	[dreg:$0x3] =	wrdreg s2  }
0xb0: {  	[dreg:$0x4] =	wrdreg $0x9  }
0xb1: {  	_ =	task.clear_ibuf [dreg:s7], $0x5FFFF;
	_ =	strace $0x90000046  }
0xb2: {  	s29 =	simm.s32 $0x9;
	_ =	strace $0x80000048  }
0xb3: {  	_ =	swait.ge [sflag:s29], $0x1  }
0xb4: {  	[sflag:s29] =	ssyncadd.s32 $0xFFFFFFFF  }
0xb5: {  	_ =	strace $0x90000048  }
0xb6: {  	_ =	sfence  }
0xb7: {  	s30 =	sld [smem:$0x0];
	_ =	sdelay $0x2  }
0xb8: {  	s31 =	sshll.u32 s1, $0xD;
	s1 =	sshrl.u32 s1, $0x2  }
0xb9: {  	s3 =	sand.u32 $0x4000, s31;
	s1 =	sadd.s32 s1, s30  }
0xba: {  	s0 =	sor.u32 s3, s0;
	s1 =	sshll.u32 s1, $0x11  }
0xbb: {  	s0 =	sor.u32 s1, s0  }
0xbc: {  	s0 =	sadd.s32 $0x8F2B, s0  }
0xbd: {  	[sflag:s0] =	ssyncadd.remote.s32 $0x1  }
0xbe: {  	_ =	sfence.sel $0xFFFF  }
0xbf: {  	[dreg:$0x0] =	wrdreg $0xFFFFFFFF;
	(pc) =	sbr.abs _section_cstart, $3  }
0xc0: {  	[dreg:$0x1] =	wrdreg $0xFFFFFFFF  }
0xc1: {  	_ =	task.clear_ibuf [dreg:s7], $0x2FFFF;
	_ =	strace $0x9FFFFFFF  }
0xc2: {  	(tm) =	ssettm $0x7FFFFFFF  }
0xc3: {  	_ =	shalt  }
tec
execute0_lowered:
.L_overlay_start_1:
0x0: {  	(tag) =	ssettag $0x1  }
0x1: {  	s0 =	rddreg [dreg:$0x0];
	s1 =	srdreg.scid  }
0x2: {  	s2 =	stileid.u32;
	s6 =	rddreg [dreg:$0x1]  }
0x3: {  	s28 =	simm.s32 $0x0;
	s1 =	sand.u32 $0x1, s1;
	s3 =	sshll.u32 s2, $0x1  }
0x4: {  	[smem:$0x7FF] =	sst s28;
	s3 =	sor.u32 s1, s3;
	s1 =	ssub.s32 $0x2, s1  }
0x5: {  	s29 =	sadd.s32 $0xF43000, s0;
	s3 =	smul.u32 $0x6400, s3;
	s7 =	sshrl.u32 s1, $0x1  }
0x6: {  	s5 =	sadd.s32 $0xA00, s0;
	_ =	strace $0x80000047;
	s30 =	ssub.s32 s1, s7  }
0x7: {  	[dreg:$0x3] =	wrdreg s29;
	s31 =	sshrl.u32 s3, $0x3;
	s0 =	smax.u32 s30, $0x1  }
0x8: {  	s1 =	sadd.s32 s6, s31;
	[dreg:$0x5] =	wrdreg s0  }
0x9: {  	s2 =	simm.s32 $0x0;
	[dreg:$0x4] =	wrdreg s1  }
.LBB2_1:
0xa: {  	[dreg:$0x6] =	wrdreg s2  }
0xb: {  	s0 =	simm.s32 $0x0;
	s1 =	rddreg [dreg:$0x4];
	s31 =	simm.s32 $0x5  }
0xc: {  	[tilespmem:s0], [sflag:$0x5] =	stream.linear.gather [hbm4b:s1+s0], $0x6400, $0x38;
	[tilespmem:$0x1A800] =	vst v63  }
0xd: {  	_ =	swait.ge [sflag:s31], $0x6400  }
0xe: {  	[sflag:s31] =	ssyncset.done $0x0  }
0xf: {  	p0 =	por $0x1, $0x1;
	s0 =	simm.s32 $0x0;
	[sflag:s31] =	ssyncadd.s32 $0xFFFF9C00  }
.LBB2_2:
0x10: {  	v0 =	vld [tilespmem:s0+$0x0]  }
0x11: {  	s1 =	sor.u32 $0x10, s0  }
0x12: {  	s30 =	sor.u32 $0x20, s0;
	v1 =	vld [tilespmem:s1+$0x0]  }
0x13: {  	s31 =	sor.u32 $0x30, s0;
	v2 =	vld [tilespmem:s30+$0x0]  }
0x14: {  	v55 =	vld [tilespmem:s31+$0x0]  }
0x15: {  	v3 =	vshra.s32 v0, $0x1;
	v0 =	vshll.u32 v0, $0x6  }
0x16: {  	[tilespmem:s0+$0x6400] =	vst v3;
	v0 =	vand.u32 $0x40, v0  }
0x17: {  	v56 =	vshra.s32 v1, $0x1;
	[tilespmem:s0+$0x6500] =	vst v0  }
0x18: {  	p1 =	por p0, p0;
	v58 =	vshra.s32 v2, $0x1;
	[tilespmem:s0+$0x6410] =	vst v56  }
.Ltmp0:
0x19: {  	v1 =	vshll.u32 v1, $0x6;
	v61 =	vshra.s32 v55, $0x1;
	[tilespmem:s0+$0x6420] =	vst v58;
	(pc) =	sbr.rel @p1 .LBB2_2-.Ltmp0, $4  }
0x1a: {  	v59 =	vshll.u32 v2, $0x6;
	v57 =	vand.u32 $0x40, v1;
	[tilespmem:s0+$0x6430] =	vst v61  }
0x1b: {  	v62 =	vshll.u32 v55, $0x6;
	v60 =	vand.u32 $0x40, v59;
	[tilespmem:s0+$0x6510] =	vst v57  }
0x1c: {  	v63 =	vand.u32 $0x40, v62;
	[tilespmem:s0+$0x6520] =	vst v60  }
0x1d: {  	p0 =	por $0x0, $0x0;
	s1 =	simm.s32 $0x0;
	[tilespmem:s0+$0x6530] =	vst v63;
	s0 =	simm.s32 $0x40  }
.LBB2_3:
0x1e: {  	s0 =	sshra.s32 s1, $0x2  }
0x1f: {  	v0 =	vld [tilespmem:s0+$0x80];
	_ =	sdelay $0x1  }
0x20: {  	p0 =	sne.s32 s1, $0x40  }
.Ltmp1:
0x21: {  	_ = 	snop;
	(pc) =	sbr.rel @p0 .LBB2_3-.Ltmp1, $4  }
0x22: {  	_ = 	snop  }
0x23: {  	v1 =	vshra.s32 v0, $0x1;
	v0 =	vshll.u32 v0, $0x6  }
0x24: {  	[tilespmem:s0+$0x6480] =	vst v1;
	v0 =	vand.u32 $0x40, v0  }
0x25: {  	s1 =	sadd.s32 $0x40, s1;
	[tilespmem:s0+$0x6580] =	vst v0  }
0x26: {  	s0 =	rddreg [dreg:$0x3]  }
0x27: {  	s1 =	simm.s32 $0xA0;
	s2 =	simm.s32 $0x6400;
	s4 =	simm.s32 $0x6600  }
0x28: {  	s21 =	simm.s32 $0x0;
	s22 =	simm.s32 $0x120;
	s23 =	simm.s32 $0x1C0  }
0x29: {  	[tilespmem:s4], [sflag:$0x1] =	stream.indirect.gather [hbm4b:s0+s1], $0x80, s2, s1, $0xb8;
	[tilespmem:$0x1A800] =	vst v63  }
.LBB2_5:
0x2a: {  	s0 =	sshll.u32 s21, $0x1  }
0x2b: {  	s24 =	sor.u32 $0x1, s0  }
0x2c: {  	s1 =	smul.u32 $0x280, s24;
	_ =	sdelay $0x1  }
0x2d: {  	s1 =	sshra.s32 s1, $0x2  }
0x2e: {  	p0 =	seq.s32 s21, $0x0;
	v0 =	vmov s1  }
0x2f: {  	s0 =	simm.s32 @!p0 $0x4  }
0x30: {  	_ =	swait.ge @!p0 [sflag:s0], $0x5000  }
0x31: {  	[sflag:s0] =	ssyncset.done @!p0 $0x0  }
0x32: {  	[sflag:s0] =	ssyncadd.s32 @!p0 $0xFFFFB000;
	p0 =	por $0x1, $0x1;
	s0 =	simm.s32 $0x0  }
.LBB2_6:
0x33: {  	v1 =	vld.idx.msk [tilespmem:v0+s0+$0x0 ss:$0x1], $0xffff;
	_ =	sdelay $0x1  }
0x34: {  	v2 =	vld.idx.msk [tilespmem:v0+s0+$0x10 ss:$0x1], $0xffff;
	_ =	sdelay $0x1  }
0x35: {  	v3 =	vld.idx.msk [tilespmem:v0+s0+$0x20 ss:$0x1], $0xffff  }
0x36: {  	v4 =	vshra.s32 v1, $0x1;
	v1 =	vshll.u32 v1, $0x6  }
0x37: {  	v63 =	vld.idx.msk [tilespmem:v0+s0+$0x30 ss:$0x1], $0xffff;
	[tilespmem:s0+$0x10600] =	vst v4;
	v1 =	vand.u32 $0x40, v1  }
0x38: {  	[tilespmem:s0+$0x10700] =	vst v1;
	v1 =	vshra.s32 v2, $0x1;
	v2 =	vshll.u32 v2, $0x6  }
0x39: {  	p1 =	por p0, p0;
	[tilespmem:s0+$0x10610] =	vst v1;
	v1 =	vand.u32 $0x40, v2  }
.Ltmp2:
0x3a: {  	v2 =	vshll.u32 v3, $0x6;
	[tilespmem:s0+$0x10710] =	vst v1;
	v1 =	vshra.s32 v3, $0x1;
	(pc) =	sbr.rel @p1 .LBB2_6-.Ltmp2, $4  }
0x3b: {  	[tilespmem:s0+$0x10620] =	vst v1;
	v1 =	vand.u32 $0x40, v2  }
0x3c: {  	v2 =	vshll.u32 v63, $0x6;
	[tilespmem:s0+$0x10720] =	vst v1;
	v1 =	vshra.s32 v63, $0x1  }
0x3d: {  	[tilespmem:s0+$0x10630] =	vst v1;
	v1 =	vand.u32 $0x40, v2  }
0x3e: {  	s1 =	simm.s32 $0x0;
	p0 =	por $0x0, $0x0;
	[tilespmem:s0+$0x10730] =	vst v1;
	s0 =	simm.s32 $0x40  }
.LBB2_7:
0x3f: {  	s0 =	sshra.s32 s1, $0x2  }
0x40: {  	s6 =	sadd.s32 s0, s22  }
0x41: {  	v0 =	vld [tilespmem:s6+$0x0];
	_ =	sdelay $0x1  }
0x42: {  	p0 =	sne.s32 s1, $0x40  }
.Ltmp3:
0x43: {  	_ = 	snop;
	(pc) =	sbr.rel @p0 .LBB2_7-.Ltmp3, $4  }
0x44: {  	_ = 	snop  }
0x45: {  	v1 =	vshra.s32 v0, $0x1;
	v0 =	vshll.u32 v0, $0x6  }
0x46: {  	[tilespmem:s0+$0x10680] =	vst v1;
	v0 =	vand.u32 $0x40, v0  }
0x47: {  	s1 =	sadd.s32 $0x40, s1;
	[tilespmem:s0+$0x10780] =	vst v0  }
0x48: {  	s0 =	rddreg [dreg:$0x3];
	s1 =	simm.s32 $0xA0  }
0x49: {  	s2 =	simm.s32 $0x10600;
	s4 =	simm.s32 $0x10800;
	s31 =	simm.s32 $0x1  }
0x4a: {  	[tilespmem:s4], [sflag:$0x3] =	stream.indirect.gather [hbm4b:s0+s1], $0x80, s2, s1, $0xb8;
	[tilespmem:$0x1A800] =	vst v63  }
0x4b: {  	_ =	swait.ge [sflag:s31], $0x5000  }
0x4c: {  	[sflag:s31] =	ssyncset.done $0x0  }
0x4d: {  	s25 =	simm.s32 $0x0;
	[sflag:s31] =	ssyncadd.s32 $0xFFFFB000  }
.LBB2_9:
0x4e: {  	s0 =	sshll.u32 s25, $0x4  }
0x4f: {  	v1 =	vld [tilespmem:s0+$0x6500];
	_ =	sdelay $0x4  }
0x50: {  	(v2sf) =	vpush v1, $0x0  }
0x51: {  	(v2sf) =	vpush v1, $0x1  }
0x52: {  	(v2sf) =	vpush v1, $0x2  }
0x53: {  	(v2sf) =	vpush v1, $0x3  }
0x54: {  	(v2sf) =	vpush v1, $0x4  }
0x55: {  	(v2sf) =	vpush v1, $0x5  }
0x56: {  	(v2sf) =	vpush v1, $0x6  }
0x57: {  	(v2sf) =	vpush v1, $0x7  }
0x58: {  	(v2sf) =	vpush v1, $0x8  }
0x59: {  	(v2sf) =	vpush v1, $0x9  }
0x5a: {  	(v2sf) =	vpush v1, $0xA  }
0x5b: {  	v0 =	vld [tilespmem:s0+$0x6510];
	(v2sf) =	vpush v1, $0xB  }
0x5c: {  	(v2sf) =	vpush v1, $0xC  }
0x5d: {  	(v2sf) =	vpush v1, $0xD  }
0x5e: {  	(v2sf) =	vpush v1, $0xE  }
0x5f: {  	s15 =	spop (v2sf);
	(v2sf) =	vpush v1, $0xF  }
0x60: {  	s13 =	spop (v2sf);
	(v2sf) =	vpush v0, $0x0  }
0x61: {  	s12 =	spop (v2sf)  }
0x62: {  	s11 =	spop (v2sf)  }
0x63: {  	s10 =	spop (v2sf)  }
0x64: {  	s20 =	spop (v2sf)  }
0x65: {  	s19 =	spop (v2sf)  }
0x66: {  	s8 =	spop (v2sf)  }
0x67: {  	s7 =	spop (v2sf)  }
0x68: {  	s6 =	spop (v2sf)  }
0x69: {  	s0 =	spop (v2sf)  }
0x6a: {  	s1 =	spop (v2sf)  }
0x6b: {  	s31 =	spop (v2sf)  }
0x6c: {  	s30 =	spop (v2sf)  }
0x6d: {  	s26 =	sshll.u32 s25, $0xB;
	s29 =	spop (v2sf)  }
0x6e: {  	s18 =	sadd.s32 $0x6600, s26;
	s28 =	spop (v2sf)  }
0x6f: {  	s16 =	sadd.s32 $0x6E00, s26;
	s17 =	sand.u32 $0xFFFFFF80, s15;
	s2 =	spop (v2sf)  }
0x70: {  	s9 =	sand.u32 $0x7F, s15;
	s17 =	sadd.s32 s17, s18;
	s14 =	sand.u32 $0xFFFFFF80, s2  }
0x71: {  	s9 =	sor.u32 s9, s17;
	s4 =	sand.u32 $0x7F, s2;
	s14 =	sadd.s32 s14, s16  }
0x72: {  	v62 =	vld [tilespmem:s9+$0x0];
	s4 =	sor.u32 s4, s14  }
0x73: {  	v2 =	vld [tilespmem:s4+$0x0];
	_ =	sdelay $0x2  }
0x74: {  	s14 =	sadd.s32 $0x10, s15  }
0x75: {  	v1 =	vmul.f32 $8.000000000e+00, v62;
	s17 =	sadd.s32 $0x10, s2;
	s4 =	sand.u32 $0xFFFFFF80, s14  }
0x76: {  	s9 =	sand.u32 $0x7F, s14;
	s14 =	sadd.s32 s4, s18;
	s4 =	sand.u32 $0xFFFFFF80, s17;
	v2 =	vmul.f32 $8.000000000e+00, v2  }
0x77: {  	[tilespmem:s26+$0xB600] =	vst v1;
	s17 =	sand.u32 $0x7F, s17;
	s9 =	sor.u32 s9, s14;
	s4 =	sadd.s32 s4, s16  }
0x78: {  	v1 =	vld [tilespmem:s9+$0x0];
	s4 =	sor.u32 s17, s4;
	[tilespmem:s26+$0xBE00] =	vst v2  }
0x79: {  	v2 =	vld [tilespmem:s4+$0x0];
	_ =	sdelay $0x2  }
0x7a: {  	s9 =	sadd.s32 $0x20, s15  }
0x7b: {  	s14 =	sadd.s32 $0x20, s2;
	s17 =	sand.u32 $0xFFFFFF80, s9;
	v1 =	vmul.f32 $8.000000000e+00, v1  }
0x7c: {  	(v2sf) =	vpush v0, $0x1;
	s4 =	sand.u32 $0x7F, s9;
	s9 =	sadd.s32 s17, s18;
	s17 =	sand.u32 $0xFFFFFF80, s14;
	v2 =	vmul.f32 $8.000000000e+00, v2  }
0x7d: {  	s14 =	sand.u32 $0x7F, s14;
	s4 =	sor.u32 s4, s9;
	s17 =	sadd.s32 s17, s16;
	[tilespmem:s26+$0xB610] =	vst v1  }
0x7e: {  	s14 =	sor.u32 s14, s17;
	v1 =	vld [tilespmem:s4+$0x0];
	[tilespmem:s26+$0xBE10] =	vst v2  }
0x7f: {  	v2 =	vld [tilespmem:s14+$0x0];
	_ =	sdelay $0x2  }
0x80: {  	s15 =	sadd.s32 $0x30, s15  }
0x81: {  	s2 =	sadd.s32 $0x30, s2;
	s17 =	sand.u32 $0xFFFFFF80, s15;
	v1 =	vmul.f32 $8.000000000e+00, v1  }
0x82: {  	s4 =	sand.u32 $0x7F, s15;
	s9 =	sadd.s32 s17, s18;
	s18 =	sand.u32 $0xFFFFFF80, s2;
	v2 =	vmul.f32 $8.000000000e+00, v2  }
0x83: {  	s2 =	sand.u32 $0x7F, s2;
	s4 =	sor.u32 s4, s9;
	s15 =	sadd.s32 s18, s16;
	[tilespmem:s26+$0xB620] =	vst v1  }
0x84: {  	s2 =	sor.u32 s2, s15;
	v1 =	vld [tilespmem:s4+$0x0];
	[tilespmem:s26+$0xBE20] =	vst v2  }
0x85: {  	v2 =	vld [tilespmem:s2+$0x0];
	_ =	sdelay $0x2  }
0x86: {  	s17 =	sand.u32 $0x7F, s13  }
0x87: {  	s16 =	sand.u32 $0xFFFFFF80, s13;
	s9 =	sadd.s32 $0x6680, s26;
	s14 =	spop (v2sf);
	v1 =	vmul.f32 $8.000000000e+00, v1  }
0x88: {  	s18 =	sand.u32 $0xFFFFFF80, s14;
	s2 =	sadd.s32 s16, s9;
	s16 =	sadd.s32 $0x6E80, s26;
	v2 =	vmul.f32 $8.000000000e+00, v2  }
0x89: {  	s2 =	sor.u32 s17, s2;
	s17 =	sand.u32 $0x7F, s14;
	s15 =	sadd.s32 s18, s16;
	[tilespmem:s26+$0xB630] =	vst v1  }
0x8a: {  	s18 =	sor.u32 s17, s15;
	v1 =	vld [tilespmem:s2+$0x0];
	[tilespmem:s26+$0xBE30] =	vst v2  }
0x8b: {  	v2 =	vld [tilespmem:s18+$0x0];
	_ =	sdelay $0x2  }
0x8c: {  	s4 =	sadd.s32 $0x10, s13  }
0x8d: {  	s15 =	sand.u32 $0xFFFFFF80, s4;
	s17 =	sadd.s32 $0x10, s14;
	v1 =	vmul.f32 $8.000000000e+00, v1  }
0x8e: {  	s2 =	sand.u32 $0x7F, s4;
	s4 =	sadd.s32 s15, s9;
	s18 =	sand.u32 $0xFFFFFF80, s17;
	v2 =	vmul.f32 $8.000000000e+00, v2  }
0x8f: {  	s15 =	sand.u32 $0x7F, s17;
	s2 =	sor.u32 s2, s4;
	s17 =	sadd.s32 s18, s16;
	[tilespmem:s26+$0xB680] =	vst v1  }
0x90: {  	s18 =	sor.u32 s15, s17;
	v1 =	vld [tilespmem:s2+$0x0];
	[tilespmem:s26+$0xBE80] =	vst v2  }
0x91: {  	v2 =	vld [tilespmem:s18+$0x0];
	_ =	sdelay $0x2  }
0x92: {  	s4 =	sadd.s32 $0x20, s13  }
0x93: {  	s15 =	sand.u32 $0xFFFFFF80, s4;
	s17 =	sadd.s32 $0x20, s14;
	v1 =	vmul.f32 $8.000000000e+00, v1  }
0x94: {  	(v2sf) =	vpush v0, $0x2;
	s2 =	sand.u32 $0x7F, s4;
	s4 =	sadd.s32 s15, s9;
	s18 =	sand.u32 $0xFFFFFF80, s17;
	v2 =	vmul.f32 $8.000000000e+00, v2  }
0x95: {  	s15 =	sand.u32 $0x7F, s17;
	s2 =	sor.u32 s2, s4;
	s18 =	sadd.s32 s18, s16;
	[tilespmem:s26+$0xB690] =	vst v1  }
0x96: {  	s4 =	sor.u32 s15, s18;
	v1 =	vld [tilespmem:s2+$0x0];
	[tilespmem:s26+$0xBE90] =	vst v2  }
0x97: {  	v2 =	vld [tilespmem:s4+$0x0];
	_ =	sdelay $0x2  }
0x98: {  	s13 =	sadd.s32 $0x30, s13  }
0x99: {  	s17 =	sadd.s32 $0x30, s14;
	s15 =	sand.u32 $0xFFFFFF80, s13;
	v1 =	vmul.f32 $8.000000000e+00, v1  }
0x9a: {  	s18 =	sand.u32 $0xFFFFFF80, s17;
	s2 =	sand.u32 $0x7F, s13;
	s4 =	sadd.s32 s15, s9;
	v2 =	vmul.f32 $8.000000000e+00, v2  }
0x9b: {  	s13 =	sand.u32 $0x7F, s17;
	s9 =	sadd.s32 s18, s16;
	s2 =	sor.u32 s2, s4;
	[tilespmem:s26+$0xB6A0] =	vst v1  }
0x9c: {  	s14 =	sor.u32 s13, s9;
	v1 =	vld [tilespmem:s2+$0x0];
	[tilespmem:s26+$0xBEA0] =	vst v2  }
0x9d: {  	v2 =	vld [tilespmem:s14+$0x0];
	_ =	sdelay $0x2  }
0x9e: {  	s15 =	sand.u32 $0xFFFFFF80, s12  }
0x9f: {  	s16 =	sand.u32 $0x7F, s12;
	s9 =	sadd.s32 $0x6700, s26;
	s13 =	spop (v2sf);
	v1 =	vmul.f32 $8.000000000e+00, v1  }
0xa0: {  	s17 =	sand.u32 $0xFFFFFF80, s13;
	s2 =	sadd.s32 s15, s9;
	s15 =	sadd.s32 $0x6F00, s26;
	v2 =	vmul.f32 $8.000000000e+00, v2  }
0xa1: {  	s18 =	sand.u32 $0x7F, s13;
	s2 =	sor.u32 s16, s2;
	s14 =	sadd.s32 s17, s15;
	[tilespmem:s26+$0xB6B0] =	vst v1  }
0xa2: {  	s4 =	sor.u32 s18, s14;
	v1 =	vld [tilespmem:s2+$0x0];
	[tilespmem:s26+$0xBEB0] =	vst v2  }
0xa3: {  	v2 =	vld [tilespmem:s4+$0x0];
	_ =	sdelay $0x2  }
0xa4: {  	s14 =	sadd.s32 $0x10, s12  }
0xa5: {  	s17 =	sadd.s32 $0x10, s13;
	s16 =	sand.u32 $0xFFFFFF80, s14;
	v1 =	vmul.f32 $8.000000000e+00, v1  }
0xa6: {  	s18 =	sand.u32 $0xFFFFFF80, s17;
	s2 =	sand.u32 $0x7F, s14;
	s4 =	sadd.s32 s16, s9;
	v2 =	vmul.f32 $8.000000000e+00, v2  }
0xa7: {  	s17 =	sand.u32 $0x7F, s17;
	s18 =	sadd.s32 s18, s15;
	s2 =	sor.u32 s2, s4;
	[tilespmem:s26+$0xB700] =	vst v1  }
0xa8: {  	s4 =	sor.u32 s17, s18;
	v1 =	vld [tilespmem:s2+$0x0];
	[tilespmem:s26+$0xBF00] =	vst v2  }
0xa9: {  	v2 =	vld [tilespmem:s4+$0x0];
	_ =	sdelay $0x2  }
0xaa: {  	s14 =	sadd.s32 $0x20, s12  }
0xab: {  	(v2sf) =	vpush v0, $0x3;
	s16 =	sand.u32 $0xFFFFFF80, s14;
	s17 =	sadd.s32 $0x20, s13;
	v1 =	vmul.f32 $8.000000000e+00, v1  }
0xac: {  	s18 =	sand.u32 $0xFFFFFF80, s17;
	s2 =	sand.u32 $0x7F, s14;
	s4 =	sadd.s32 s16, s9;
	v2 =	vmul.f32 $8.000000000e+00, v2  }
0xad: {  	s17 =	sand.u32 $0x7F, s17;
	s18 =	sadd.s32 s18, s15;
	s2 =	sor.u32 s2, s4;
	[tilespmem:s26+$0xB710] =	vst v1  }
0xae: {  	s4 =	sor.u32 s17, s18;
	v1 =	vld [tilespmem:s2+$0x0];
	[tilespmem:s26+$0xBF10] =	vst v2  }
0xaf: {  	v2 =	vld [tilespmem:s4+$0x0];
	_ =	sdelay $0x2  }
0xb0: {  	s14 =	sadd.s32 $0x30, s12  }
0xb1: {  	s16 =	sand.u32 $0xFFFFFF80, s14;
	s17 =	sadd.s32 $0x30, s13;
	v1 =	vmul.f32 $8.000000000e+00, v1  }
0xb2: {  	s18 =	sand.u32 $0xFFFFFF80, s17;
	s2 =	sand.u32 $0x7F, s14;
	s4 =	sadd.s32 s16, s9;
	v2 =	vmul.f32 $8.000000000e+00, v2  }
0xb3: {  	s13 =	sand.u32 $0x7F, s17;
	s9 =	sadd.s32 s18, s15;
	s2 =	sor.u32 s2, s4;
	[tilespmem:s26+$0xB720] =	vst v1  }
0xb4: {  	s14 =	sor.u32 s13, s9;
	v1 =	vld [tilespmem:s2+$0x0];
	[tilespmem:s26+$0xBF20] =	vst v2  }
0xb5: {  	v2 =	vld [tilespmem:s14+$0x0];
	_ =	sdelay $0x2  }
0xb6: {  	s12 =	spop (v2sf)  }
0xb7: {  	s17 =	sand.u32 $0xFFFFFF80, s12;
	s15 =	sand.u32 $0xFFFFFF80, s11;
	s9 =	sadd.s32 $0x6780, s26;
	v1 =	vmul.f32 $8.000000000e+00, v1  }
0xb8: {  	s16 =	sand.u32 $0x7F, s11;
	s2 =	sadd.s32 s15, s9;
	s14 =	sadd.s32 $0x6F80, s26;
	v2 =	vmul.f32 $8.000000000e+00, v2  }
0xb9: {  	s18 =	sand.u32 $0x7F, s12;
	s2 =	sor.u32 s16, s2;
	s13 =	sadd.s32 s17, s14;
	[tilespmem:s26+$0xB730] =	vst v1  }
0xba: {  	s13 =	sor.u32 s18, s13;
	v1 =	vld [tilespmem:s2+$0x0];
	[tilespmem:s26+$0xBF30] =	vst v2  }
0xbb: {  	v2 =	vld [tilespmem:s13+$0x0];
	_ =	sdelay $0x2  }
0xbc: {  	s15 =	sadd.s32 $0x10, s11  }
0xbd: {  	s16 =	sand.u32 $0xFFFFFF80, s15;
	s17 =	sadd.s32 $0x10, s12;
	v1 =	vmul.f32 $8.000000000e+00, v1  }
0xbe: {  	s4 =	sadd.s32 s16, s9;
	s18 =	sand.u32 $0xFFFFFF80, s17;
	s2 =	sand.u32 $0x7F, s15;
	v2 =	vmul.f32 $8.000000000e+00, v2  }
0xbf: {  	s16 =	sand.u32 $0x7F, s17;
	s17 =	sadd.s32 s18, s14;
	s2 =	sor.u32 s2, s4;
	[tilespmem:s26+$0xB780] =	vst v1  }
0xc0: {  	s18 =	sor.u32 s16, s17;
	v1 =	vld [tilespmem:s2+$0x0];
	[tilespmem:s26+$0xBF80] =	vst v2  }
0xc1: {  	v2 =	vld [tilespmem:s18+$0x0];
	_ =	sdelay $0x2  }
0xc2: {  	s4 =	sadd.s32 $0x20, s11  }
0xc3: {  	(v2sf) =	vpush v0, $0x4;
	s15 =	sadd.s32 $0x20, s12;
	s13 =	sand.u32 $0xFFFFFF80, s4;
	v1 =	vmul.f32 $8.000000000e+00, v1  }
0xc4: {  	s16 =	sand.u32 $0xFFFFFF80, s15;
	s2 =	sand.u32 $0x7F, s4;
	s4 =	sadd.s32 s13, s9;
	v2 =	vmul.f32 $8.000000000e+00, v2  }
0xc5: {  	s17 =	sand.u32 $0x7F, s15;
	s2 =	sor.u32 s2, s4;
	s18 =	sadd.s32 s16, s14;
	[tilespmem:s26+$0xB790] =	vst v1  }
0xc6: {  	s15 =	sor.u32 s17, s18;
	v1 =	vld [tilespmem:s2+$0x0];
	[tilespmem:s26+$0xBF90] =	vst v2  }
0xc7: {  	v2 =	vld [tilespmem:s15+$0x0];
	_ =	sdelay $0x2  }
0xc8: {  	s16 =	sadd.s32 $0x30, s11  }
0xc9: {  	s17 =	sand.u32 $0xFFFFFF80, s16;
	s18 =	sadd.s32 $0x30, s12;
	v1 =	vmul.f32 $8.000000000e+00, v1  }
0xca: {  	s4 =	sadd.s32 s17, s9;
	s12 =	sand.u32 $0xFFFFFF80, s18;
	s2 =	sand.u32 $0x7F, s16;
	v2 =	vmul.f32 $8.000000000e+00, v2  }
0xcb: {  	s13 =	sand.u32 $0x7F, s18;
	s9 =	sadd.s32 s12, s14;
	s2 =	sor.u32 s2, s4;
	[tilespmem:s26+$0xB7A0] =	vst v1  }
0xcc: {  	s14 =	sor.u32 s13, s9;
	v1 =	vld [tilespmem:s2+$0x0];
	[tilespmem:s26+$0xBFA0] =	vst v2  }
0xcd: {  	v2 =	vld [tilespmem:s14+$0x0];
	_ =	sdelay $0x2  }
0xce: {  	s11 =	spop (v2sf)  }
0xcf: {  	s17 =	sand.u32 $0xFFFFFF80, s11;
	s9 =	sadd.s32 $0x6800, s26;
	s15 =	sand.u32 $0xFFFFFF80, s10;
	v1 =	vmul.f32 $8.000000000e+00, v1  }
0xd0: {  	s16 =	sand.u32 $0x7F, s10;
	s13 =	sadd.s32 $0x7000, s26;
	s2 =	sadd.s32 s15, s9;
	v2 =	vmul.f32 $8.000000000e+00, v2  }
0xd1: {  	s18 =	sand.u32 $0x7F, s11;
	s12 =	sadd.s32 s17, s13;
	s2 =	sor.u32 s16, s2;
	[tilespmem:s26+$0xB7B0] =	vst v1  }
0xd2: {  	s4 =	sor.u32 s18, s12;
	v1 =	vld [tilespmem:s2+$0x0];
	[tilespmem:s26+$0xBFB0] =	vst v2  }
0xd3: {  	v2 =	vld [tilespmem:s4+$0x0];
	_ =	sdelay $0x2  }
0xd4: {  	s12 =	sadd.s32 $0x10, s10  }
0xd5: {  	s15 =	sadd.s32 $0x10, s11;
	s14 =	sand.u32 $0xFFFFFF80, s12;
	v1 =	vmul.f32 $8.000000000e+00, v1  }
0xd6: {  	s16 =	sand.u32 $0xFFFFFF80, s15;
	s2 =	sand.u32 $0x7F, s12;
	s4 =	sadd.s32 s14, s9;
	v2 =	vmul.f32 $8.000000000e+00, v2  }
0xd7: {  	s17 =	sand.u32 $0x7F, s15;
	s18 =	sadd.s32 s16, s13;
	s2 =	sor.u32 s2, s4;
	[tilespmem:s26+$0xB800] =	vst v1  }
0xd8: {  	s14 =	sor.u32 s17, s18;
	v1 =	vld [tilespmem:s2+$0x0];
	[tilespmem:s26+$0xC000] =	vst v2  }
0xd9: {  	v2 =	vld [tilespmem:s14+$0x0];
	_ =	sdelay $0x2  }
0xda: {  	s15 =	sadd.s32 $0x20, s10  }
0xdb: {  	(v2sf) =	vpush v0, $0x5;
	s16 =	sand.u32 $0xFFFFFF80, s15;
	s17 =	sadd.s32 $0x20, s11;
	v1 =	vmul.f32 $8.000000000e+00, v1  }
0xdc: {  	s4 =	sadd.s32 s16, s9;
	s18 =	sand.u32 $0xFFFFFF80, s17;
	s2 =	sand.u32 $0x7F, s15;
	v2 =	vmul.f32 $8.000000000e+00, v2  }
0xdd: {  	s12 =	sand.u32 $0x7F, s17;
	s2 =	sor.u32 s2, s4;
	s14 =	sadd.s32 s18, s13;
	[tilespmem:s26+$0xB810] =	vst v1  }
0xde: {  	s15 =	sor.u32 s12, s14;
	v1 =	vld [tilespmem:s2+$0x0];
	[tilespmem:s26+$0xC010] =	vst v2  }
0xdf: {  	v2 =	vld [tilespmem:s15+$0x0];
	_ =	sdelay $0x2  }
0xe0: {  	s16 =	sadd.s32 $0x30, s10  }
0xe1: {  	s17 =	sand.u32 $0xFFFFFF80, s16;
	s18 =	sadd.s32 $0x30, s11;
	v1 =	vmul.f32 $8.000000000e+00, v1  }
0xe2: {  	s4 =	sadd.s32 s17, s9;
	s11 =	sand.u32 $0xFFFFFF80, s18;
	s2 =	sand.u32 $0x7F, s16;
	v2 =	vmul.f32 $8.000000000e+00, v2  }
0xe3: {  	s12 =	sand.u32 $0x7F, s18;
	s9 =	sadd.s32 s11, s13;
	s2 =	sor.u32 s2, s4;
	[tilespmem:s26+$0xB820] =	vst v1  }
0xe4: {  	s14 =	sor.u32 s12, s9;
	v1 =	vld [tilespmem:s2+$0x0];
	[tilespmem:s26+$0xC020] =	vst v2  }
0xe5: {  	v2 =	vld [tilespmem:s14+$0x0];
	_ =	sdelay $0x2  }
0xe6: {  	s10 =	spop (v2sf)  }
0xe7: {  	s17 =	sand.u32 $0xFFFFFF80, s10;
	s9 =	sadd.s32 $0x6880, s26;
	s15 =	sand.u32 $0xFFFFFF80, s20;
	v1 =	vmul.f32 $8.000000000e+00, v1  }
0xe8: {  	s16 =	sand.u32 $0x7F, s20;
	s12 =	sadd.s32 $0x7080, s26;
	s2 =	sadd.s32 s15, s9;
	v2 =	vmul.f32 $8.000000000e+00, v2  }
0xe9: {  	s18 =	sand.u32 $0x7F, s10;
	s11 =	sadd.s32 s17, s12;
	s2 =	sor.u32 s16, s2;
	[tilespmem:s26+$0xB830] =	vst v1  }
0xea: {  	s11 =	sor.u32 s18, s11;
	v1 =	vld [tilespmem:s2+$0x0];
	[tilespmem:s26+$0xC030] =	vst v2  }
0xeb: {  	v2 =	vld [tilespmem:s11+$0x0];
	_ =	sdelay $0x2  }
0xec: {  	s13 =	sadd.s32 $0x10, s20  }
0xed: {  	s15 =	sadd.s32 $0x10, s10;
	s14 =	sand.u32 $0xFFFFFF80, s13;
	v1 =	vmul.f32 $8.000000000e+00, v1  }
0xee: {  	s16 =	sand.u32 $0xFFFFFF80, s15;
	s4 =	sadd.s32 s14, s9;
	s2 =	sand.u32 $0x7F, s13;
	v2 =	vmul.f32 $8.000000000e+00, v2  }
0xef: {  	s17 =	sand.u32 $0x7F, s15;
	s18 =	sadd.s32 s16, s12;
	s2 =	sor.u32 s2, s4;
	[tilespmem:s26+$0xB880] =	vst v1  }
0xf0: {  	s4 =	sor.u32 s17, s18;
	v1 =	vld [tilespmem:s2+$0x0];
	[tilespmem:s26+$0xC080] =	vst v2  }
0xf1: {  	v2 =	vld [tilespmem:s4+$0x0];
	_ =	sdelay $0x2  }
0xf2: {  	s11 =	sadd.s32 $0x20, s20  }
0xf3: {  	s14 =	sadd.s32 $0x20, s10;
	s13 =	sand.u32 $0xFFFFFF80, s11;
	v1 =	vmul.f32 $8.000000000e+00, v1  }
0xf4: {  	(v2sf) =	vpush v0, $0x6;
	s15 =	sand.u32 $0xFFFFFF80, s14;
	s2 =	sand.u32 $0x7F, s11;
	s4 =	sadd.s32 s13, s9;
	v2 =	vmul.f32 $8.000000000e+00, v2  }
0xf5: {  	s16 =	sand.u32 $0x7F, s14;
	s17 =	sadd.s32 s15, s12;
	s2 =	sor.u32 s2, s4;
	[tilespmem:s26+$0xB890] =	vst v1  }
0xf6: {  	s18 =	sor.u32 s16, s17;
	v1 =	vld [tilespmem:s2+$0x0];
	[tilespmem:s26+$0xC090] =	vst v2  }
0xf7: {  	v2 =	vld [tilespmem:s18+$0x0];
	_ =	sdelay $0x2  }
0xf8: {  	s4 =	sadd.s32 $0x30, s20  }
0xf9: {  	s10 =	sadd.s32 $0x30, s10;
	s11 =	sand.u32 $0xFFFFFF80, s4;
	v1 =	vmul.f32 $8.000000000e+00, v1  }
0xfa: {  	s13 =	sand.u32 $0xFFFFFF80, s10;
	s2 =	sand.u32 $0x7F, s4;
	s4 =	sadd.s32 s11, s9;
	v2 =	vmul.f32 $8.000000000e+00, v2  }
0xfb: {  	s14 =	sand.u32 $0x7F, s10;
	s9 =	sadd.s32 s13, s12;
	s2 =	sor.u32 s2, s4;
	[tilespmem:s26+$0xB8A0] =	vst v1  }
0xfc: {  	s15 =	sor.u32 s14, s9;
	v1 =	vld [tilespmem:s2+$0x0];
	[tilespmem:s26+$0xC0A0] =	vst v2  }
0xfd: {  	v2 =	vld [tilespmem:s15+$0x0];
	_ =	sdelay $0x2  }
0xfe: {  	s16 =	sand.u32 $0xFFFFFF80, s19  }
0xff: {  	s17 =	sand.u32 $0x7F, s19;
	s10 =	spop (v2sf);
	s9 =	sadd.s32 $0x6900, s26;
	v1 =	vmul.f32 $8.000000000e+00, v1  }
0x100: {  	s12 =	sadd.s32 $0x7100, s26;
	s18 =	sand.u32 $0xFFFFFF80, s10;
	s2 =	sadd.s32 s16, s9;
	v2 =	vmul.f32 $8.000000000e+00, v2  }
0x101: {  	s20 =	sand.u32 $0x7F, s10;
	s11 =	sadd.s32 s18, s12;
	s2 =	sor.u32 s17, s2;
	[tilespmem:s26+$0xB8B0] =	vst v1  }
0x102: {  	s11 =	sor.u32 s20, s11;
	v1 =	vld [tilespmem:s2+$0x0];
	[tilespmem:s26+$0xC0B0] =	vst v2  }
0x103: {  	v2 =	vld [tilespmem:s11+$0x0];
	_ =	sdelay $0x2  }
0x104: {  	s13 =	sadd.s32 $0x10, s19  }
0x105: {  	s14 =	sand.u32 $0xFFFFFF80, s13;
	s15 =	sadd.s32 $0x10, s10;
	v1 =	vmul.f32 $8.000000000e+00, v1  }
0x106: {  	s4 =	sadd.s32 s14, s9;
	s16 =	sand.u32 $0xFFFFFF80, s15;
	s2 =	sand.u32 $0x7F, s13;
	v2 =	vmul.f32 $8.000000000e+00, v2  }
0x107: {  	s17 =	sand.u32 $0x7F, s15;
	s18 =	sadd.s32 s16, s12;
	s2 =	sor.u32 s2, s4;
	[tilespmem:s26+$0xB900] =	vst v1  }
0x108: {  	s20 =	sor.u32 s17, s18;
	v1 =	vld [tilespmem:s2+$0x0];
	[tilespmem:s26+$0xC100] =	vst v2  }
0x109: {  	v2 =	vld [tilespmem:s20+$0x0];
	_ =	sdelay $0x2  }
0x10a: {  	s4 =	sadd.s32 $0x20, s19  }
0x10b: {  	s13 =	sadd.s32 $0x20, s10;
	s11 =	sand.u32 $0xFFFFFF80, s4;
	v1 =	vmul.f32 $8.000000000e+00, v1  }
0x10c: {  	(v2sf) =	vpush v0, $0x7;
	s14 =	sand.u32 $0xFFFFFF80, s13;
	s2 =	sand.u32 $0x7F, s4;
	s4 =	sadd.s32 s11, s9;
	v2 =	vmul.f32 $8.000000000e+00, v2  }
0x10d: {  	s15 =	sand.u32 $0x7F, s13;
	s16 =	sadd.s32 s14, s12;
	s2 =	sor.u32 s2, s4;
	[tilespmem:s26+$0xB910] =	vst v1  }
0x10e: {  	s17 =	sor.u32 s15, s16;
	v1 =	vld [tilespmem:s2+$0x0];
	[tilespmem:s26+$0xC110] =	vst v2  }
0x10f: {  	v2 =	vld [tilespmem:s17+$0x0];
	_ =	sdelay $0x2  }
0x110: {  	s18 =	sadd.s32 $0x30, s19  }
0x111: {  	s10 =	sadd.s32 $0x30, s10;
	s19 =	sand.u32 $0xFFFFFF80, s18;
	v1 =	vmul.f32 $8.000000000e+00, v1  }
0x112: {  	s4 =	sadd.s32 s19, s9;
	s20 =	sand.u32 $0xFFFFFF80, s10;
	s2 =	sand.u32 $0x7F, s18;
	v2 =	vmul.f32 $8.000000000e+00, v2  }
0x113: {  	s10 =	sand.u32 $0x7F, s10;
	s9 =	sadd.s32 s20, s12;
	s2 =	sor.u32 s2, s4;
	[tilespmem:s26+$0xB920] =	vst v1  }
0x114: {  	s11 =	sor.u32 s10, s9;
	v1 =	vld [tilespmem:s2+$0x0];
	[tilespmem:s26+$0xC120] =	vst v2  }
0x115: {  	v2 =	vld [tilespmem:s11+$0x0];
	_ =	sdelay $0x2  }
0x116: {  	s13 =	sand.u32 $0x7F, s8  }
0x117: {  	s12 =	sand.u32 $0xFFFFFF80, s8;
	s9 =	sadd.s32 $0x6980, s26;
	s10 =	spop (v2sf);
	v1 =	vmul.f32 $8.000000000e+00, v1  }
0x118: {  	s14 =	sand.u32 $0xFFFFFF80, s10;
	s2 =	sadd.s32 s12, s9;
	s12 =	sadd.s32 $0x7180, s26;
	v2 =	vmul.f32 $8.000000000e+00, v2  }
0x119: {  	s15 =	sand.u32 $0x7F, s10;
	s2 =	sor.u32 s13, s2;
	s11 =	sadd.s32 s14, s12;
	[tilespmem:s26+$0xB930] =	vst v1  }
0x11a: {  	s16 =	sor.u32 s15, s11;
	v1 =	vld [tilespmem:s2+$0x0];
	[tilespmem:s26+$0xC130] =	vst v2  }
0x11b: {  	v2 =	vld [tilespmem:s16+$0x0];
	_ =	sdelay $0x2  }
0x11c: {  	s17 =	sadd.s32 $0x10, s8  }
0x11d: {  	s19 =	sadd.s32 $0x10, s10;
	s18 =	sand.u32 $0xFFFFFF80, s17;
	v1 =	vmul.f32 $8.000000000e+00, v1  }
0x11e: {  	s20 =	sand.u32 $0xFFFFFF80, s19;
	s4 =	sadd.s32 s18, s9;
	s2 =	sand.u32 $0x7F, s17;
	v2 =	vmul.f32 $8.000000000e+00, v2  }
0x11f: {  	s13 =	sadd.s32 s20, s12;
	s11 =	sand.u32 $0x7F, s19;
	s2 =	sor.u32 s2, s4;
	[tilespmem:s26+$0xB980] =	vst v1  }
0x120: {  	s14 =	sor.u32 s11, s13;
	v1 =	vld [tilespmem:s2+$0x0];
	[tilespmem:s26+$0xC180] =	vst v2  }
0x121: {  	v2 =	vld [tilespmem:s14+$0x0];
	_ =	sdelay $0x2  }
0x122: {  	s15 =	sadd.s32 $0x20, s8  }
0x123: {  	s17 =	sadd.s32 $0x20, s10;
	s16 =	sand.u32 $0xFFFFFF80, s15;
	v1 =	vmul.f32 $8.000000000e+00, v1  }
0x124: {  	(v2sf) =	vpush v0, $0x8;
	s18 =	sand.u32 $0xFFFFFF80, s17;
	s4 =	sadd.s32 s16, s9;
	s2 =	sand.u32 $0x7F, s15;
	v2 =	vmul.f32 $8.000000000e+00, v2  }
0x125: {  	s19 =	sand.u32 $0x7F, s17;
	s20 =	sadd.s32 s18, s12;
	s2 =	sor.u32 s2, s4;
	[tilespmem:s26+$0xB990] =	vst v1  }
0x126: {  	s4 =	sor.u32 s19, s20;
	v1 =	vld [tilespmem:s2+$0x0];
	[tilespmem:s26+$0xC190] =	vst v2  }
0x127: {  	v2 =	vld [tilespmem:s4+$0x0];
	_ =	sdelay $0x2  }
0x128: {  	s8 =	sadd.s32 $0x30, s8  }
0x129: {  	s11 =	sand.u32 $0xFFFFFF80, s8;
	s13 =	sadd.s32 $0x30, s10;
	v1 =	vmul.f32 $8.000000000e+00, v1  }
0x12a: {  	s14 =	sand.u32 $0xFFFFFF80, s13;
	s2 =	sand.u32 $0x7F, s8;
	s4 =	sadd.s32 s11, s9;
	v2 =	vmul.f32 $8.000000000e+00, v2  }
0x12b: {  	s15 =	sand.u32 $0x7F, s13;
	s16 =	sadd.s32 s14, s12;
	s2 =	sor.u32 s2, s4;
	[tilespmem:s26+$0xB9A0] =	vst v1  }
0x12c: {  	s17 =	sor.u32 s15, s16;
	v1 =	vld [tilespmem:s2+$0x0];
	[tilespmem:s26+$0xC1A0] =	vst v2  }
0x12d: {  	v2 =	vld [tilespmem:s17+$0x0];
	_ =	sdelay $0x2  }
0x12e: {  	s18 =	sand.u32 $0xFFFFFF80, s7  }
0x12f: {  	s19 =	sand.u32 $0x7F, s7;
	s8 =	sadd.s32 $0x6A00, s26;
	s9 =	spop (v2sf);
	v1 =	vmul.f32 $8.000000000e+00, v1  }
0x130: {  	s11 =	sadd.s32 $0x7200, s26;
	s20 =	sand.u32 $0xFFFFFF80, s9;
	s2 =	sadd.s32 s18, s8;
	v2 =	vmul.f32 $8.000000000e+00, v2  }
0x131: {  	s12 =	sand.u32 $0x7F, s9;
	s10 =	sadd.s32 s20, s11;
	s2 =	sor.u32 s19, s2;
	[tilespmem:s26+$0xB9B0] =	vst v1  }
0x132: {  	s13 =	sor.u32 s12, s10;
	v1 =	vld [tilespmem:s2+$0x0];
	[tilespmem:s26+$0xC1B0] =	vst v2  }
0x133: {  	v2 =	vld [tilespmem:s13+$0x0];
	_ =	sdelay $0x2  }
0x134: {  	s14 =	sadd.s32 $0x10, s7  }
0x135: {  	s15 =	sand.u32 $0xFFFFFF80, s14;
	s16 =	sadd.s32 $0x10, s9;
	v1 =	vmul.f32 $8.000000000e+00, v1  }
0x136: {  	s4 =	sadd.s32 s15, s8;
	s17 =	sand.u32 $0xFFFFFF80, s16;
	s2 =	sand.u32 $0x7F, s14;
	v2 =	vmul.f32 $8.000000000e+00, v2  }
0x137: {  	s18 =	sand.u32 $0x7F, s16;
	s19 =	sadd.s32 s17, s11;
	s2 =	sor.u32 s2, s4;
	[tilespmem:s26+$0xBA00] =	vst v1  }
0x138: {  	s20 =	sor.u32 s18, s19;
	v1 =	vld [tilespmem:s2+$0x0];
	[tilespmem:s26+$0xC200] =	vst v2  }
0x139: {  	v2 =	vld [tilespmem:s20+$0x0];
	_ =	sdelay $0x2  }
0x13a: {  	s4 =	sadd.s32 $0x20, s7  }
0x13b: {  	s12 =	sadd.s32 $0x20, s9;
	s10 =	sand.u32 $0xFFFFFF80, s4;
	v1 =	vmul.f32 $8.000000000e+00, v1  }
0x13c: {  	(v2sf) =	vpush v0, $0x9;
	s13 =	sand.u32 $0xFFFFFF80, s12;
	s2 =	sand.u32 $0x7F, s4;
	s4 =	sadd.s32 s10, s8;
	v2 =	vmul.f32 $8.000000000e+00, v2  }
0x13d: {  	s14 =	sand.u32 $0x7F, s12;
	s15 =	sadd.s32 s13, s11;
	s2 =	sor.u32 s2, s4;
	[tilespmem:s26+$0xBA10] =	vst v1  }
0x13e: {  	s16 =	sor.u32 s14, s15;
	v1 =	vld [tilespmem:s2+$0x0];
	[tilespmem:s26+$0xC210] =	vst v2  }
0x13f: {  	v2 =	vld [tilespmem:s16+$0x0];
	_ =	sdelay $0x2  }
0x140: {  	s17 =	sadd.s32 $0x30, s7  }
0x141: {  	s18 =	sand.u32 $0xFFFFFF80, s17;
	s19 =	sadd.s32 $0x30, s9;
	v1 =	vmul.f32 $8.000000000e+00, v1  }
0x142: {  	s4 =	sadd.s32 s18, s8;
	s20 =	sand.u32 $0xFFFFFF80, s19;
	s2 =	sand.u32 $0x7F, s17;
	v2 =	vmul.f32 $8.000000000e+00, v2  }
0x143: {  	s9 =	sand.u32 $0x7F, s19;
	s10 =	sadd.s32 s20, s11;
	s2 =	sor.u32 s2, s4;
	[tilespmem:s26+$0xBA20] =	vst v1  }
0x144: {  	s11 =	sor.u32 s9, s10;
	v1 =	vld [tilespmem:s2+$0x0];
	[tilespmem:s26+$0xC220] =	vst v2  }
0x145: {  	v2 =	vld [tilespmem:s11+$0x0];
	_ =	sdelay $0x2  }
0x146: {  	s7 =	sadd.s32 $0x6A80, s26  }
0x147: {  	s12 =	sand.u32 $0xFFFFFF80, s6;
	s13 =	sand.u32 $0x7F, s6;
	s8 =	spop (v2sf);
	v1 =	vmul.f32 $8.000000000e+00, v1  }
0x148: {  	s14 =	sand.u32 $0xFFFFFF80, s8;
	s10 =	sadd.s32 $0x7280, s26;
	s2 =	sadd.s32 s12, s7;
	v2 =	vmul.f32 $8.000000000e+00, v2  }
0x149: {  	s15 =	sand.u32 $0x7F, s8;
	s9 =	sadd.s32 s14, s10;
	s2 =	sor.u32 s13, s2;
	[tilespmem:s26+$0xBA30] =	vst v1  }
0x14a: {  	s16 =	sor.u32 s15, s9;
	v1 =	vld [tilespmem:s2+$0x0];
	[tilespmem:s26+$0xC230] =	vst v2  }
0x14b: {  	v2 =	vld [tilespmem:s16+$0x0];
	_ =	sdelay $0x2  }
0x14c: {  	s17 =	sadd.s32 $0x10, s6  }
0x14d: {  	s19 =	sadd.s32 $0x10, s8;
	s18 =	sand.u32 $0xFFFFFF80, s17;
	v1 =	vmul.f32 $8.000000000e+00, v1  }
0x14e: {  	s20 =	sand.u32 $0xFFFFFF80, s19;
	s4 =	sadd.s32 s18, s7;
	s2 =	sand.u32 $0x7F, s17;
	v2 =	vmul.f32 $8.000000000e+00, v2  }
0x14f: {  	s12 =	sand.u32 $0x7F, s19;
	s13 =	sadd.s32 s20, s10;
	s2 =	sor.u32 s2, s4;
	[tilespmem:s26+$0xBA80] =	vst v1  }
0x150: {  	s14 =	sor.u32 s12, s13;
	v1 =	vld [tilespmem:s2+$0x0];
	[tilespmem:s26+$0xC280] =	vst v2  }
0x151: {  	v2 =	vld [tilespmem:s14+$0x0];
	_ =	sdelay $0x2  }
0x152: {  	s15 =	sadd.s32 $0x20, s6  }
0x153: {  	s17 =	sadd.s32 $0x20, s8;
	s16 =	sand.u32 $0xFFFFFF80, s15;
	v1 =	vmul.f32 $8.000000000e+00, v1  }
0x154: {  	(v2sf) =	vpush v0, $0xA;
	s18 =	sand.u32 $0xFFFFFF80, s17;
	s4 =	sadd.s32 s16, s7;
	s2 =	sand.u32 $0x7F, s15;
	v2 =	vmul.f32 $8.000000000e+00, v2  }
0x155: {  	s19 =	sand.u32 $0x7F, s17;
	s20 =	sadd.s32 s18, s10;
	s2 =	sor.u32 s2, s4;
	[tilespmem:s26+$0xBA90] =	vst v1  }
0x156: {  	s4 =	sor.u32 s19, s20;
	v1 =	vld [tilespmem:s2+$0x0];
	[tilespmem:s26+$0xC290] =	vst v2  }
0x157: {  	v2 =	vld [tilespmem:s4+$0x0];
	_ =	sdelay $0x2  }
0x158: {  	s6 =	sadd.s32 $0x30, s6  }
0x159: {  	s9 =	sand.u32 $0xFFFFFF80, s6;
	s11 =	sadd.s32 $0x30, s8;
	v1 =	vmul.f32 $8.000000000e+00, v1  }
0x15a: {  	s12 =	sand.u32 $0xFFFFFF80, s11;
	s2 =	sand.u32 $0x7F, s6;
	s4 =	sadd.s32 s9, s7;
	v2 =	vmul.f32 $8.000000000e+00, v2  }
0x15b: {  	s13 =	sand.u32 $0x7F, s11;
	s14 =	sadd.s32 s12, s10;
	s2 =	sor.u32 s2, s4;
	[tilespmem:s26+$0xBAA0] =	vst v1  }
0x15c: {  	s15 =	sor.u32 s13, s14;
	v1 =	vld [tilespmem:s2+$0x0];
	[tilespmem:s26+$0xC2A0] =	vst v2  }
0x15d: {  	v2 =	vld [tilespmem:s15+$0x0];
	_ =	sdelay $0x2  }
0x15e: {  	s17 =	sand.u32 $0x7F, s0  }
0x15f: {  	s16 =	sand.u32 $0xFFFFFF80, s0;
	s6 =	sadd.s32 $0x6B00, s26;
	s7 =	spop (v2sf);
	v1 =	vmul.f32 $8.000000000e+00, v1  }
0x160: {  	s9 =	sadd.s32 $0x7300, s26;
	s18 =	sand.u32 $0xFFFFFF80, s7;
	s2 =	sadd.s32 s16, s6;
	v2 =	vmul.f32 $8.000000000e+00, v2  }
0x161: {  	s19 =	sand.u32 $0x7F, s7;
	s8 =	sadd.s32 s18, s9;
	s2 =	sor.u32 s17, s2;
	[tilespmem:s26+$0xBAB0] =	vst v1  }
0x162: {  	s20 =	sor.u32 s19, s8;
	v1 =	vld [tilespmem:s2+$0x0];
	[tilespmem:s26+$0xC2B0] =	vst v2  }
0x163: {  	v2 =	vld [tilespmem:s20+$0x0];
	_ =	sdelay $0x2  }
0x164: {  	s4 =	sadd.s32 $0x10, s0  }
0x165: {  	s10 =	sadd.s32 $0x10, s7;
	s8 =	sand.u32 $0xFFFFFF80, s4;
	v1 =	vmul.f32 $8.000000000e+00, v1  }
0x166: {  	s11 =	sand.u32 $0xFFFFFF80, s10;
	s2 =	sand.u32 $0x7F, s4;
	s4 =	sadd.s32 s8, s6;
	v2 =	vmul.f32 $8.000000000e+00, v2  }
0x167: {  	s12 =	sand.u32 $0x7F, s10;
	s13 =	sadd.s32 s11, s9;
	s2 =	sor.u32 s2, s4;
	[tilespmem:s26+$0xBB00] =	vst v1  }
0x168: {  	s14 =	sor.u32 s12, s13;
	v1 =	vld [tilespmem:s2+$0x0];
	[tilespmem:s26+$0xC300] =	vst v2  }
0x169: {  	v2 =	vld [tilespmem:s14+$0x0];
	_ =	sdelay $0x2  }
0x16a: {  	s15 =	sadd.s32 $0x20, s0  }
0x16b: {  	s17 =	sadd.s32 $0x20, s7;
	s16 =	sand.u32 $0xFFFFFF80, s15;
	v1 =	vmul.f32 $8.000000000e+00, v1  }
0x16c: {  	(v2sf) =	vpush v0, $0xB;
	s18 =	sand.u32 $0xFFFFFF80, s17;
	s4 =	sadd.s32 s16, s6;
	s2 =	sand.u32 $0x7F, s15;
	v2 =	vmul.f32 $8.000000000e+00, v2  }
0x16d: {  	s19 =	sand.u32 $0x7F, s17;
	s20 =	sadd.s32 s18, s9;
	s2 =	sor.u32 s2, s4;
	[tilespmem:s26+$0xBB10] =	vst v1  }
0x16e: {  	s10 =	sor.u32 s19, s20;
	v1 =	vld [tilespmem:s2+$0x0];
	[tilespmem:s26+$0xC310] =	vst v2  }
0x16f: {  	v2 =	vld [tilespmem:s10+$0x0];
	_ =	sdelay $0x2  }
0x170: {  	s0 =	sadd.s32 $0x30, s0  }
0x171: {  	s12 =	sadd.s32 $0x30, s7;
	s11 =	sand.u32 $0xFFFFFF80, s0;
	v1 =	vmul.f32 $8.000000000e+00, v1  }
0x172: {  	s13 =	sand.u32 $0xFFFFFF80, s12;
	s0 =	sand.u32 $0x7F, s0;
	s2 =	sadd.s32 s11, s6;
	v2 =	vmul.f32 $8.000000000e+00, v2  }
0x173: {  	s15 =	sadd.s32 s13, s9;
	s14 =	sand.u32 $0x7F, s12;
	s0 =	sor.u32 s0, s2;
	[tilespmem:s26+$0xBB20] =	vst v1  }
0x174: {  	s16 =	sor.u32 s14, s15;
	v1 =	vld [tilespmem:s0+$0x0];
	[tilespmem:s26+$0xC320] =	vst v2  }
0x175: {  	v2 =	vld [tilespmem:s16+$0x0];
	_ =	sdelay $0x2  }
0x176: {  	s17 =	sand.u32 $0xFFFFFF80, s1  }
0x177: {  	s8 =	sadd.s32 $0x7380, s26;
	s4 =	sadd.s32 $0x6B80, s26;
	s6 =	spop (v2sf);
	v1 =	vmul.f32 $8.000000000e+00, v1  }
0x178: {  	s18 =	sand.u32 $0x7F, s1;
	s19 =	sand.u32 $0xFFFFFF80, s6;
	s0 =	sadd.s32 s17, s4;
	v2 =	vmul.f32 $8.000000000e+00, v2  }
0x179: {  	s20 =	sand.u32 $0x7F, s6;
	s7 =	sadd.s32 s19, s8;
	s0 =	sor.u32 s18, s0;
	[tilespmem:s26+$0xBB30] =	vst v1  }
0x17a: {  	s9 =	sor.u32 s20, s7;
	v1 =	vld [tilespmem:s0+$0x0];
	[tilespmem:s26+$0xC330] =	vst v2  }
0x17b: {  	v2 =	vld [tilespmem:s9+$0x0];
	_ =	sdelay $0x2  }
0x17c: {  	s10 =	sadd.s32 $0x10, s1  }
0x17d: {  	s12 =	sadd.s32 $0x10, s6;
	s11 =	sand.u32 $0xFFFFFF80, s10;
	v1 =	vmul.f32 $8.000000000e+00, v1  }
0x17e: {  	s13 =	sand.u32 $0xFFFFFF80, s12;
	s2 =	sadd.s32 s11, s4;
	s0 =	sand.u32 $0x7F, s10;
	v2 =	vmul.f32 $8.000000000e+00, v2  }
0x17f: {  	s14 =	sand.u32 $0x7F, s12;
	s15 =	sadd.s32 s13, s8;
	s0 =	sor.u32 s0, s2;
	[tilespmem:s26+$0xBB80] =	vst v1  }
0x180: {  	s16 =	sor.u32 s14, s15;
	v1 =	vld [tilespmem:s0+$0x0];
	[tilespmem:s26+$0xC380] =	vst v2  }
0x181: {  	v2 =	vld [tilespmem:s16+$0x0];
	_ =	sdelay $0x2  }
0x182: {  	s17 =	sadd.s32 $0x20, s1  }
0x183: {  	s19 =	sadd.s32 $0x20, s6;
	s18 =	sand.u32 $0xFFFFFF80, s17;
	v1 =	vmul.f32 $8.000000000e+00, v1  }
0x184: {  	(v2sf) =	vpush v0, $0xC;
	s20 =	sand.u32 $0xFFFFFF80, s19;
	s2 =	sadd.s32 s18, s4;
	s0 =	sand.u32 $0x7F, s17;
	v2 =	vmul.f32 $8.000000000e+00, v2  }
0x185: {  	s7 =	sand.u32 $0x7F, s19;
	s10 =	sadd.s32 s20, s8;
	s0 =	sor.u32 s0, s2;
	[tilespmem:s26+$0xBB90] =	vst v1  }
0x186: {  	s11 =	sor.u32 s7, s10;
	v1 =	vld [tilespmem:s0+$0x0];
	[tilespmem:s26+$0xC390] =	vst v2  }
0x187: {  	v2 =	vld [tilespmem:s11+$0x0];
	_ =	sdelay $0x2  }
0x188: {  	s12 =	sadd.s32 $0x30, s1  }
0x189: {  	s13 =	sadd.s32 $0x30, s6;
	s1 =	sand.u32 $0xFFFFFF80, s12;
	v1 =	vmul.f32 $8.000000000e+00, v1  }
0x18a: {  	s1 =	sadd.s32 s1, s4;
	s14 =	sand.u32 $0xFFFFFF80, s13;
	s0 =	sand.u32 $0x7F, s12;
	v2 =	vmul.f32 $8.000000000e+00, v2  }
0x18b: {  	s15 =	sand.u32 $0x7F, s13;
	s16 =	sadd.s32 s14, s8;
	s0 =	sor.u32 s0, s1;
	[tilespmem:s26+$0xBBA0] =	vst v1  }
0x18c: {  	s17 =	sor.u32 s15, s16;
	v1 =	vld [tilespmem:s0+$0x0];
	[tilespmem:s26+$0xC3A0] =	vst v2  }
0x18d: {  	v2 =	vld [tilespmem:s17+$0x0];
	_ =	sdelay $0x2  }
0x18e: {  	s19 =	sand.u32 $0x7F, s31  }
0x18f: {  	s18 =	sand.u32 $0xFFFFFF80, s31;
	s4 =	spop (v2sf);
	s2 =	sadd.s32 $0x6C00, s26;
	v1 =	vmul.f32 $8.000000000e+00, v1  }
0x190: {  	s7 =	sadd.s32 $0x7400, s26;
	s20 =	sand.u32 $0xFFFFFF80, s4;
	s0 =	sadd.s32 s18, s2;
	v2 =	vmul.f32 $8.000000000e+00, v2  }
0x191: {  	s6 =	sadd.s32 s20, s7;
	s8 =	sand.u32 $0x7F, s4;
	s0 =	sor.u32 s19, s0;
	[tilespmem:s26+$0xBBB0] =	vst v1  }
0x192: {  	s9 =	sor.u32 s8, s6;
	v1 =	vld [tilespmem:s0+$0x0];
	[tilespmem:s26+$0xC3B0] =	vst v2  }
0x193: {  	v2 =	vld [tilespmem:s9+$0x0];
	_ =	sdelay $0x2  }
0x194: {  	s10 =	sadd.s32 $0x10, s31  }
0x195: {  	s12 =	sadd.s32 $0x10, s4;
	s11 =	sand.u32 $0xFFFFFF80, s10;
	v1 =	vmul.f32 $8.000000000e+00, v1  }
0x196: {  	s13 =	sand.u32 $0xFFFFFF80, s12;
	s1 =	sadd.s32 s11, s2;
	s0 =	sand.u32 $0x7F, s10;
	v2 =	vmul.f32 $8.000000000e+00, v2  }
0x197: {  	s14 =	sand.u32 $0x7F, s12;
	s15 =	sadd.s32 s13, s7;
	s0 =	sor.u32 s0, s1;
	[tilespmem:s26+$0xBC00] =	vst v1  }
0x198: {  	s16 =	sor.u32 s14, s15;
	v1 =	vld [tilespmem:s0+$0x0];
	[tilespmem:s26+$0xC400] =	vst v2  }
0x199: {  	v2 =	vld [tilespmem:s16+$0x0];
	_ =	sdelay $0x2  }
0x19a: {  	s17 =	sadd.s32 $0x20, s31  }
0x19b: {  	(v2sf) =	vpush v0, $0xD;
	s19 =	sadd.s32 $0x20, s4;
	s18 =	sand.u32 $0xFFFFFF80, s17;
	v1 =	vmul.f32 $8.000000000e+00, v1  }
0x19c: {  	s20 =	sand.u32 $0xFFFFFF80, s19;
	s1 =	sadd.s32 s18, s2;
	s0 =	sand.u32 $0x7F, s17;
	v2 =	vmul.f32 $8.000000000e+00, v2  }
0x19d: {  	s10 =	sadd.s32 s20, s7;
	s9 =	sand.u32 $0x7F, s19;
	s0 =	sor.u32 s0, s1;
	[tilespmem:s26+$0xBC10] =	vst v1  }
0x19e: {  	s11 =	sor.u32 s9, s10;
	v1 =	vld [tilespmem:s0+$0x0];
	[tilespmem:s26+$0xC410] =	vst v2  }
0x19f: {  	v2 =	vld [tilespmem:s11+$0x0];
	_ =	sdelay $0x2  }
0x1a0: {  	s12 =	sadd.s32 $0x30, s31  }
0x1a1: {  	s13 =	sand.u32 $0xFFFFFF80, s12;
	s4 =	sadd.s32 $0x30, s4;
	v1 =	vmul.f32 $8.000000000e+00, v1  }
0x1a2: {  	s14 =	sand.u32 $0xFFFFFF80, s4;
	s1 =	sadd.s32 s13, s2;
	s0 =	sand.u32 $0x7F, s12;
	v2 =	vmul.f32 $8.000000000e+00, v2  }
0x1a3: {  	s15 =	sand.u32 $0x7F, s4;
	s2 =	sadd.s32 s14, s7;
	s0 =	sor.u32 s0, s1;
	[tilespmem:s26+$0xBC20] =	vst v1  }
0x1a4: {  	s16 =	sor.u32 s15, s2;
	v1 =	vld [tilespmem:s0+$0x0];
	[tilespmem:s26+$0xC420] =	vst v2  }
0x1a5: {  	v2 =	vld [tilespmem:s16+$0x0];
	_ =	sdelay $0x2  }
0x1a6: {  	s4 =	spop (v2sf)  }
0x1a7: {  	s18 =	sand.u32 $0x7F, s30;
	s17 =	sand.u32 $0xFFFFFF80, s30;
	s2 =	sadd.s32 $0x6C80, s26;
	v1 =	vmul.f32 $8.000000000e+00, v1  }
0x1a8: {  	s19 =	sand.u32 $0xFFFFFF80, s4;
	s7 =	sadd.s32 $0x7480, s26;
	s0 =	sadd.s32 s17, s2;
	v2 =	vmul.f32 $8.000000000e+00, v2  }
0x1a9: {  	s20 =	sand.u32 $0x7F, s4;
	s6 =	sadd.s32 s19, s7;
	s0 =	sor.u32 s18, s0;
	[tilespmem:s26+$0xBC30] =	vst v1  }
0x1aa: {  	s31 =	sor.u32 s20, s6;
	v1 =	vld [tilespmem:s0+$0x0];
	[tilespmem:s26+$0xC430] =	vst v2  }
0x1ab: {  	v2 =	vld [tilespmem:s31+$0x0];
	_ =	sdelay $0x2  }
0x1ac: {  	s1 =	sadd.s32 $0x10, s30  }
0x1ad: {  	s8 =	sadd.s32 $0x10, s4;
	s6 =	sand.u32 $0xFFFFFF80, s1;
	v1 =	vmul.f32 $8.000000000e+00, v1  }
0x1ae: {  	s9 =	sand.u32 $0xFFFFFF80, s8;
	s0 =	sand.u32 $0x7F, s1;
	s1 =	sadd.s32 s6, s2;
	v2 =	vmul.f32 $8.000000000e+00, v2  }
0x1af: {  	s10 =	sand.u32 $0x7F, s8;
	s11 =	sadd.s32 s9, s7;
	s0 =	sor.u32 s0, s1;
	[tilespmem:s26+$0xBC80] =	vst v1  }
0x1b0: {  	s12 =	sor.u32 s10, s11;
	v1 =	vld [tilespmem:s0+$0x0];
	[tilespmem:s26+$0xC480] =	vst v2  }
0x1b1: {  	v2 =	vld [tilespmem:s12+$0x0];
	_ =	sdelay $0x2  }
0x1b2: {  	s13 =	sadd.s32 $0x20, s30  }
0x1b3: {  	s14 =	sand.u32 $0xFFFFFF80, s13;
	s15 =	sadd.s32 $0x20, s4;
	v1 =	vmul.f32 $8.000000000e+00, v1  }
0x1b4: {  	(v2sf) =	vpush v0, $0xE;
	s16 =	sand.u32 $0xFFFFFF80, s15;
	s1 =	sadd.s32 s14, s2;
	s0 =	sand.u32 $0x7F, s13;
	v2 =	vmul.f32 $8.000000000e+00, v2  }
0x1b5: {  	s17 =	sand.u32 $0x7F, s15;
	s18 =	sadd.s32 s16, s7;
	s0 =	sor.u32 s0, s1;
	[tilespmem:s26+$0xBC90] =	vst v1  }
0x1b6: {  	s19 =	sor.u32 s17, s18;
	v1 =	vld [tilespmem:s0+$0x0];
	[tilespmem:s26+$0xC490] =	vst v2  }
0x1b7: {  	v2 =	vld [tilespmem:s19+$0x0];
	_ =	sdelay $0x2  }
0x1b8: {  	s20 =	sadd.s32 $0x30, s30  }
0x1b9: {  	s4 =	sadd.s32 $0x30, s4;
	s30 =	sand.u32 $0xFFFFFF80, s20;
	v1 =	vmul.f32 $8.000000000e+00, v1  }
0x1ba: {  	s31 =	sand.u32 $0xFFFFFF80, s4;
	s1 =	sadd.s32 s30, s2;
	s0 =	sand.u32 $0x7F, s20;
	v2 =	vmul.f32 $8.000000000e+00, v2  }
0x1bb: {  	s4 =	sand.u32 $0x7F, s4;
	s2 =	sadd.s32 s31, s7;
	s0 =	sor.u32 s0, s1;
	[tilespmem:s26+$0xBCA0] =	vst v1  }
0x1bc: {  	s6 =	sor.u32 s4, s2;
	v1 =	vld [tilespmem:s0+$0x0];
	[tilespmem:s26+$0xC4A0] =	vst v2  }
0x1bd: {  	v2 =	vld [tilespmem:s6+$0x0];
	_ =	sdelay $0x2  }
0x1be: {  	s8 =	sand.u32 $0x7F, s29  }
0x1bf: {  	s7 =	sand.u32 $0xFFFFFF80, s29;
	s2 =	sadd.s32 $0x6D00, s26;
	s4 =	spop (v2sf);
	v1 =	vmul.f32 $8.000000000e+00, v1  }
0x1c0: {  	s9 =	sand.u32 $0xFFFFFF80, s4;
	s0 =	sadd.s32 s7, s2;
	s7 =	sadd.s32 $0x7500, s26;
	v2 =	vmul.f32 $8.000000000e+00, v2  }
0x1c1: {  	s10 =	sand.u32 $0x7F, s4;
	s0 =	sor.u32 s8, s0;
	s6 =	sadd.s32 s9, s7;
	[tilespmem:s26+$0xBCB0] =	vst v1  }
0x1c2: {  	s11 =	sor.u32 s10, s6;
	v1 =	vld [tilespmem:s0+$0x0];
	[tilespmem:s26+$0xC4B0] =	vst v2  }
0x1c3: {  	v2 =	vld [tilespmem:s11+$0x0];
	_ =	sdelay $0x2  }
0x1c4: {  	s12 =	sadd.s32 $0x10, s29  }
0x1c5: {  	s14 =	sadd.s32 $0x10, s4;
	s13 =	sand.u32 $0xFFFFFF80, s12;
	v1 =	vmul.f32 $8.000000000e+00, v1  }
0x1c6: {  	s15 =	sand.u32 $0xFFFFFF80, s14;
	s1 =	sadd.s32 s13, s2;
	s0 =	sand.u32 $0x7F, s12;
	v2 =	vmul.f32 $8.000000000e+00, v2  }
0x1c7: {  	s16 =	sand.u32 $0x7F, s14;
	s17 =	sadd.s32 s15, s7;
	s0 =	sor.u32 s0, s1;
	[tilespmem:s26+$0xBD00] =	vst v1  }
0x1c8: {  	s18 =	sor.u32 s16, s17;
	v1 =	vld [tilespmem:s0+$0x0];
	[tilespmem:s26+$0xC500] =	vst v2  }
0x1c9: {  	v2 =	vld [tilespmem:s18+$0x0];
	_ =	sdelay $0x2  }
0x1ca: {  	s19 =	sadd.s32 $0x20, s29  }
0x1cb: {  	s30 =	sadd.s32 $0x20, s4;
	s20 =	sand.u32 $0xFFFFFF80, s19;
	v1 =	vmul.f32 $8.000000000e+00, v1  }
0x1cc: {  	(v2sf) =	vpush v0, $0xF;
	s31 =	sand.u32 $0xFFFFFF80, s30;
	s1 =	sadd.s32 s20, s2;
	s0 =	sand.u32 $0x7F, s19;
	v63 =	vmul.f32 $8.000000000e+00, v2  }
0x1cd: {  	s8 =	sadd.s32 s31, s7;
	s6 =	sand.u32 $0x7F, s30;
	s0 =	sor.u32 s0, s1;
	[tilespmem:s26+$0xBD10] =	vst v1  }
0x1ce: {  	s9 =	sor.u32 s6, s8;
	v1 =	vld [tilespmem:s0+$0x0];
	[tilespmem:s26+$0xC510] =	vst v63  }
0x1cf: {  	v0 =	vld [tilespmem:s9+$0x0];
	_ =	sdelay $0x2  }
0x1d0: {  	s10 =	sadd.s32 $0x30, s29  }
0x1d1: {  	s4 =	sadd.s32 $0x30, s4;
	s11 =	sand.u32 $0xFFFFFF80, s10;
	v1 =	vmul.f32 $8.000000000e+00, v1  }
0x1d2: {  	s12 =	sand.u32 $0xFFFFFF80, s4;
	s1 =	sadd.s32 s11, s2;
	s0 =	sand.u32 $0x7F, s10;
	v0 =	vmul.f32 $8.000000000e+00, v0  }
0x1d3: {  	s13 =	sand.u32 $0x7F, s4;
	s2 =	sadd.s32 s12, s7;
	s0 =	sor.u32 s0, s1;
	[tilespmem:s26+$0xBD20] =	vst v1  }
0x1d4: {  	s14 =	sor.u32 s13, s2;
	v1 =	vld [tilespmem:s0+$0x0];
	[tilespmem:s26+$0xC520] =	vst v0  }
0x1d5: {  	v0 =	vld [tilespmem:s14+$0x0];
	_ =	sdelay $0x2  }
0x1d6: {  	s15 =	sand.u32 $0xFFFFFF80, s28  }
0x1d7: {  	s16 =	sand.u32 $0x7F, s28;
	s4 =	spop (v2sf);
	s2 =	sadd.s32 $0x6D80, s26;
	v1 =	vmul.f32 $8.000000000e+00, v1  }
0x1d8: {  	s17 =	sand.u32 $0xFFFFFF80, s4;
	s7 =	sadd.s32 $0x7580, s26;
	s0 =	sadd.s32 s15, s2;
	v0 =	vmul.f32 $8.000000000e+00, v0  }
0x1d9: {  	s6 =	sadd.s32 s17, s7;
	s18 =	sand.u32 $0x7F, s4;
	s0 =	sor.u32 s16, s0;
	[tilespmem:s26+$0xBD30] =	vst v1  }
0x1da: {  	s19 =	sor.u32 s18, s6;
	v1 =	vld [tilespmem:s0+$0x0];
	[tilespmem:s26+$0xC530] =	vst v0  }
0x1db: {  	v0 =	vld [tilespmem:s19+$0x0];
	_ =	sdelay $0x2  }
0x1dc: {  	s20 =	sadd.s32 $0x10, s28  }
0x1dd: {  	s30 =	sadd.s32 $0x10, s4;
	s29 =	sand.u32 $0xFFFFFF80, s20;
	v1 =	vmul.f32 $8.000000000e+00, v1  }
0x1de: {  	s31 =	sand.u32 $0xFFFFFF80, s30;
	s1 =	sadd.s32 s29, s2;
	s0 =	sand.u32 $0x7F, s20;
	v0 =	vmul.f32 $8.000000000e+00, v0  }
0x1df: {  	s10 =	sadd.s32 s31, s7;
	s9 =	sand.u32 $0x7F, s30;
	s0 =	sor.u32 s0, s1;
	[tilespmem:s26+$0xBD80] =	vst v1  }
0x1e0: {  	s11 =	sor.u32 s9, s10;
	v1 =	vld [tilespmem:s0+$0x0];
	[tilespmem:s26+$0xC580] =	vst v0  }
0x1e1: {  	v0 =	vld [tilespmem:s11+$0x0];
	_ =	sdelay $0x2  }
0x1e2: {  	s12 =	sadd.s32 $0x20, s28  }
0x1e3: {  	s13 =	sand.u32 $0xFFFFFF80, s12;
	s14 =	sadd.s32 $0x20, s4;
	v1 =	vmul.f32 $8.000000000e+00, v1  }
0x1e4: {  	s15 =	sand.u32 $0xFFFFFF80, s14;
	s1 =	sadd.s32 s13, s2;
	s0 =	sand.u32 $0x7F, s12;
	v0 =	vmul.f32 $8.000000000e+00, v0  }
0x1e5: {  	s16 =	sand.u32 $0x7F, s14;
	s17 =	sadd.s32 s15, s7;
	s0 =	sor.u32 s0, s1;
	[tilespmem:s26+$0xBD90] =	vst v1  }
0x1e6: {  	s18 =	sor.u32 s16, s17;
	v1 =	vld [tilespmem:s0+$0x0];
	[tilespmem:s26+$0xC590] =	vst v0  }
0x1e7: {  	v0 =	vld [tilespmem:s18+$0x0];
	_ =	sdelay $0x2  }
0x1e8: {  	s19 =	sadd.s32 $0x30, s28  }
0x1e9: {  	s4 =	sadd.s32 $0x30, s4;
	s20 =	sand.u32 $0xFFFFFF80, s19;
	v1 =	vmul.f32 $8.000000000e+00, v1  }
0x1ea: {  	s28 =	sand.u32 $0xFFFFFF80, s4;
	s1 =	sadd.s32 s20, s2;
	s0 =	sand.u32 $0x7F, s19;
	v0 =	vmul.f32 $8.000000000e+00, v0  }
0x1eb: {  	s29 =	sand.u32 $0x7F, s4;
	s2 =	sadd.s32 s28, s7;
	s0 =	sor.u32 s0, s1;
	[tilespmem:s26+$0xBDA0] =	vst v1  }
0x1ec: {  	s30 =	sor.u32 s29, s2;
	v1 =	vld [tilespmem:s0+$0x0];
	[tilespmem:s26+$0xC5A0] =	vst v0  }
0x1ed: {  	v0 =	vld [tilespmem:s30+$0x0];
	_ =	sdelay $0x1  }
0x1ee: {  	p0 =	slt.u32 s25, $0x8  }
.Ltmp4:
0x1ef: {  	_ = 	snop;
	(pc) =	sbr.rel @p0 .LBB2_9-.Ltmp4, $4  }
0x1f0: {  	v1 =	vmul.f32 $8.000000000e+00, v1  }
0x1f1: {  	v0 =	vmul.f32 $8.000000000e+00, v0  }
0x1f2: {  	s31 =	sadd.s32 $0x2, s25;
	[tilespmem:s26+$0xBDB0] =	vst v1  }
0x1f3: {  	s25 =	smov.u32 s31;
	[tilespmem:s26+$0xC5B0] =	vst v0  }
0x1f4: {  	s0 =	smul.u32 $0x140, s21;
	p0 =	seq.s32 s21, $0x4F  }
.Ltmp5:
0x1f5: {  	_ = 	snop;
	(pc) =	sbr.rel @p0 .LBB2_15-.Ltmp5, $4  }
0x1f6: {  	s0 =	sadd.s32 s3, s0  }
0x1f7: {  	s0 =	sshll.u32 s0, $0x4  }
0x1f8: {  	s1 =	simm.s32 $0x0;
	s2 =	simm.s32 $0xB600;
	s0 =	sadd.s32 s5, s0  }
0x1f9: {  	[hbm4b:s0+s1] =	stream.linear.scatter [tilespmem:s2], [sflag:$0x2], $0x5000, $0x38;
	[tilespmem:$0x1A800] =	vst v63  }
0x1fa: {  	s0 =	smul.u32 $0x500, s21;
	_ =	sdelay $0x1  }
0x1fb: {  	s0 =	sshra.s32 s0, $0x2  }
0x1fc: {  	s31 =	sadd.s32 $0x140, s0  }
0x1fd: {  	v0 =	vmov s31  }
0x1fe: {  	s1 =	simm.s32 $0x2  }
0x1ff: {  	_ =	swait.ge [sflag:s1], $0x5000  }
0x200: {  	p0 =	por $0x1, $0x1;
	[sflag:s1] =	ssyncset.done $0x0  }
0x201: {  	[sflag:s1] =	ssyncadd.s32 $0xFFFFB000;
	s0 =	simm.s32 $0x0;
	s1 =	simm.s32 $0x0  }
.LBB2_12:
0x202: {  	v1 =	vld.idx.msk [tilespmem:v0+s1+$0x0 ss:$0x1], $0xffff;
	_ =	sdelay $0x1  }
0x203: {  	v2 =	vld.idx.msk [tilespmem:v0+s1+$0x10 ss:$0x1], $0xffff;
	_ =	sdelay $0x1  }
0x204: {  	v3 =	vld.idx.msk [tilespmem:v0+s1+$0x20 ss:$0x1], $0xffff  }
0x205: {  	v4 =	vshra.s32 v1, $0x1;
	v1 =	vshll.u32 v1, $0x6  }
0x206: {  	v63 =	vld.idx.msk [tilespmem:v0+s1+$0x30 ss:$0x1], $0xffff;
	[tilespmem:s1+$0x6400] =	vst v4;
	v1 =	vand.u32 $0x40, v1  }
0x207: {  	[tilespmem:s1+$0x6500] =	vst v1;
	v1 =	vshra.s32 v2, $0x1;
	v2 =	vshll.u32 v2, $0x6  }
0x208: {  	p1 =	por p0, p0;
	[tilespmem:s1+$0x6410] =	vst v1;
	v1 =	vand.u32 $0x40, v2  }
.Ltmp6:
0x209: {  	v2 =	vshll.u32 v3, $0x6;
	[tilespmem:s1+$0x6510] =	vst v1;
	v1 =	vshra.s32 v3, $0x1;
	(pc) =	sbr.rel @p1 .LBB2_12-.Ltmp6, $4  }
0x20a: {  	[tilespmem:s1+$0x6420] =	vst v1;
	v1 =	vand.u32 $0x40, v2  }
0x20b: {  	v2 =	vshll.u32 v63, $0x6;
	[tilespmem:s1+$0x6520] =	vst v1;
	v1 =	vshra.s32 v63, $0x1  }
0x20c: {  	[tilespmem:s1+$0x6430] =	vst v1;
	v1 =	vand.u32 $0x40, v2  }
0x20d: {  	p0 =	por $0x0, $0x0;
	[tilespmem:s1+$0x6530] =	vst v1;
	s1 =	simm.s32 $0x40  }
.LBB2_13:
0x20e: {  	s1 =	sshra.s32 s0, $0x2  }
0x20f: {  	s2 =	sadd.s32 s1, s23  }
0x210: {  	v0 =	vld [tilespmem:s2+$0x0];
	_ =	sdelay $0x1  }
0x211: {  	p0 =	sne.s32 s0, $0x40  }
.Ltmp7:
0x212: {  	_ = 	snop;
	(pc) =	sbr.rel @p0 .LBB2_13-.Ltmp7, $4  }
0x213: {  	_ = 	snop  }
0x214: {  	v1 =	vshra.s32 v0, $0x1;
	v0 =	vshll.u32 v0, $0x6  }
0x215: {  	[tilespmem:s1+$0x6480] =	vst v1;
	v0 =	vand.u32 $0x40, v0  }
0x216: {  	s0 =	sadd.s32 $0x40, s0;
	[tilespmem:s1+$0x6580] =	vst v0  }
0x217: {  	s0 =	rddreg [dreg:$0x3]  }
0x218: {  	s1 =	simm.s32 $0xA0;
	s2 =	simm.s32 $0x6400;
	s4 =	simm.s32 $0x6600  }
0x219: {  	[tilespmem:s4], [sflag:$0x1] =	stream.indirect.gather [hbm4b:s0+s1], $0x80, s2, s1, $0xb8;
	[tilespmem:$0x1A800] =	vst v63  }
.LBB2_15:
0x21a: {  	s0 =	simm.s32 $0x3  }
0x21b: {  	_ =	swait.ge [sflag:s0], $0x5000  }
0x21c: {  	[sflag:s0] =	ssyncset.done $0x0  }
0x21d: {  	s25 =	simm.s32 $0x0;
	[sflag:s0] =	ssyncadd.s32 $0xFFFFB000  }
.LBB2_16:
0x21e: {  	s0 =	sshll.u32 s25, $0x4  }
0x21f: {  	v1 =	vld [tilespmem:s0+$0x10700];
	_ =	sdelay $0x4  }
0x220: {  	(v2sf) =	vpush v1, $0x0  }
0x221: {  	(v2sf) =	vpush v1, $0x1  }
0x222: {  	(v2sf) =	vpush v1, $0x2  }
0x223: {  	(v2sf) =	vpush v1, $0x3  }
0x224: {  	(v2sf) =	vpush v1, $0x4  }
0x225: {  	(v2sf) =	vpush v1, $0x5  }
0x226: {  	(v2sf) =	vpush v1, $0x6  }
0x227: {  	(v2sf) =	vpush v1, $0x7  }
0x228: {  	(v2sf) =	vpush v1, $0x8  }
0x229: {  	(v2sf) =	vpush v1, $0x9  }
0x22a: {  	(v2sf) =	vpush v1, $0xA  }
0x22b: {  	v0 =	vld [tilespmem:s0+$0x10710];
	(v2sf) =	vpush v1, $0xB  }
0x22c: {  	(v2sf) =	vpush v1, $0xC  }
0x22d: {  	(v2sf) =	vpush v1, $0xD  }
0x22e: {  	(v2sf) =	vpush v1, $0xE  }
0x22f: {  	s15 =	spop (v2sf);
	(v2sf) =	vpush v1, $0xF  }
0x230: {  	s13 =	spop (v2sf);
	(v2sf) =	vpush v0, $0x0  }
0x231: {  	s12 =	spop (v2sf)  }
0x232: {  	s11 =	spop (v2sf)  }
0x233: {  	s10 =	spop (v2sf)  }
0x234: {  	s20 =	spop (v2sf)  }
0x235: {  	s19 =	spop (v2sf)  }
0x236: {  	s8 =	spop (v2sf)  }
0x237: {  	s7 =	spop (v2sf)  }
0x238: {  	s6 =	spop (v2sf)  }
0x239: {  	s0 =	spop (v2sf)  }
0x23a: {  	s1 =	spop (v2sf)  }
0x23b: {  	s31 =	spop (v2sf)  }
0x23c: {  	s30 =	spop (v2sf)  }
0x23d: {  	s26 =	sshll.u32 s25, $0xB;
	s29 =	spop (v2sf)  }
0x23e: {  	s9 =	sadd.s32 $0x10800, s26;
	s28 =	spop (v2sf)  }
0x23f: {  	s17 =	sadd.s32 $0x11000, s26;
	s2 =	sand.u32 $0xFFFFFF80, s15;
	s14 =	spop (v2sf)  }
0x240: {  	s4 =	sand.u32 $0x7F, s15;
	s2 =	sadd.s32 s2, s9;
	s16 =	sand.u32 $0xFFFFFF80, s14  }
0x241: {  	s2 =	sor.u32 s4, s2;
	s18 =	sand.u32 $0x7F, s14;
	s16 =	sadd.s32 s16, s17  }
0x242: {  	v62 =	vld [tilespmem:s2+$0x0];
	s18 =	sor.u32 s18, s16  }
0x243: {  	v2 =	vld [tilespmem:s18+$0x0];
	_ =	sdelay $0x2  }
0x244: {  	s4 =	sadd.s32 $0x10, s15  }
0x245: {  	v1 =	vmul.f32 $8.000000000e+00, v62;
	s16 =	sadd.s32 $0x10, s14;
	s18 =	sand.u32 $0xFFFFFF80, s4  }
0x246: {  	s2 =	sand.u32 $0x7F, s4;
	s4 =	sadd.s32 s18, s9;
	s18 =	sand.u32 $0xFFFFFF80, s16;
	v2 =	vmul.f32 $8.000000000e+00, v2  }
0x247: {  	[tilespmem:s26+$0x15800] =	vst v1;
	s16 =	sand.u32 $0x7F, s16;
	s2 =	sor.u32 s2, s4;
	s18 =	sadd.s32 s18, s17  }
0x248: {  	v1 =	vld [tilespmem:s2+$0x0];
	s18 =	sor.u32 s16, s18;
	[tilespmem:s26+$0x16000] =	vst v2  }
0x249: {  	v2 =	vld [tilespmem:s18+$0x0];
	_ =	sdelay $0x2  }
0x24a: {  	s4 =	sadd.s32 $0x20, s15  }
0x24b: {  	s16 =	sadd.s32 $0x20, s14;
	v1 =	vmul.f32 $8.000000000e+00, v1;
	s18 =	sand.u32 $0xFFFFFF80, s4  }
0x24c: {  	(v2sf) =	vpush v0, $0x1;
	s2 =	sand.u32 $0x7F, s4;
	s4 =	sadd.s32 s18, s9;
	s18 =	sand.u32 $0xFFFFFF80, s16;
	v2 =	vmul.f32 $8.000000000e+00, v2  }
0x24d: {  	s16 =	sand.u32 $0x7F, s16;
	s2 =	sor.u32 s2, s4;
	[tilespmem:s26+$0x15810] =	vst v1;
	s18 =	sadd.s32 s18, s17  }
0x24e: {  	v1 =	vld [tilespmem:s2+$0x0];
	s4 =	sor.u32 s16, s18;
	[tilespmem:s26+$0x16010] =	vst v2  }
0x24f: {  	v2 =	vld [tilespmem:s4+$0x0];
	_ =	sdelay $0x2  }
0x250: {  	s15 =	sadd.s32 $0x30, s15  }
0x251: {  	s14 =	sadd.s32 $0x30, s14;
	s16 =	sand.u32 $0xFFFFFF80, s15;
	v1 =	vmul.f32 $8.000000000e+00, v1  }
0x252: {  	s2 =	sand.u32 $0x7F, s15;
	s18 =	sand.u32 $0xFFFFFF80, s14;
	s4 =	sadd.s32 s16, s9;
	v2 =	vmul.f32 $8.000000000e+00, v2  }
0x253: {  	s14 =	sand.u32 $0x7F, s14;
	s9 =	sadd.s32 s18, s17;
	s2 =	sor.u32 s2, s4;
	[tilespmem:s26+$0x15820] =	vst v1  }
0x254: {  	s15 =	sor.u32 s14, s9;
	v1 =	vld [tilespmem:s2+$0x0];
	[tilespmem:s26+$0x16020] =	vst v2  }
0x255: {  	v2 =	vld [tilespmem:s15+$0x0];
	_ =	sdelay $0x2  }
0x256: {  	s16 =	sand.u32 $0xFFFFFF80, s13  }
0x257: {  	s17 =	sand.u32 $0x7F, s13;
	s9 =	sadd.s32 $0x10880, s26;
	s14 =	spop (v2sf);
	v1 =	vmul.f32 $8.000000000e+00, v1  }
0x258: {  	s18 =	sand.u32 $0xFFFFFF80, s14;
	s2 =	sadd.s32 s16, s9;
	s16 =	sadd.s32 $0x11080, s26;
	v2 =	vmul.f32 $8.000000000e+00, v2  }
0x259: {  	s2 =	sor.u32 s17, s2;
	s17 =	sand.u32 $0x7F, s14;
	s15 =	sadd.s32 s18, s16;
	[tilespmem:s26+$0x15830] =	vst v1  }
0x25a: {  	s18 =	sor.u32 s17, s15;
	v1 =	vld [tilespmem:s2+$0x0];
	[tilespmem:s26+$0x16030] =	vst v2  }
0x25b: {  	v2 =	vld [tilespmem:s18+$0x0];
	_ =	sdelay $0x2  }
0x25c: {  	s4 =	sadd.s32 $0x10, s13  }
0x25d: {  	s15 =	sand.u32 $0xFFFFFF80, s4;
	s17 =	sadd.s32 $0x10, s14;
	v1 =	vmul.f32 $8.000000000e+00, v1  }
0x25e: {  	s2 =	sand.u32 $0x7F, s4;
	s4 =	sadd.s32 s15, s9;
	s18 =	sand.u32 $0xFFFFFF80, s17;
	v2 =	vmul.f32 $8.000000000e+00, v2  }
0x25f: {  	s15 =	sand.u32 $0x7F, s17;
	s2 =	sor.u32 s2, s4;
	s17 =	sadd.s32 s18, s16;
	[tilespmem:s26+$0x15880] =	vst v1  }
0x260: {  	s18 =	sor.u32 s15, s17;
	v1 =	vld [tilespmem:s2+$0x0];
	[tilespmem:s26+$0x16080] =	vst v2  }
0x261: {  	v2 =	vld [tilespmem:s18+$0x0];
	_ =	sdelay $0x2  }
0x262: {  	s4 =	sadd.s32 $0x20, s13  }
0x263: {  	s15 =	sand.u32 $0xFFFFFF80, s4;
	s17 =	sadd.s32 $0x20, s14;
	v1 =	vmul.f32 $8.000000000e+00, v1  }
0x264: {  	(v2sf) =	vpush v0, $0x2;
	s2 =	sand.u32 $0x7F, s4;
	s4 =	sadd.s32 s15, s9;
	s18 =	sand.u32 $0xFFFFFF80, s17;
	v2 =	vmul.f32 $8.000000000e+00, v2  }
0x265: {  	s15 =	sand.u32 $0x7F, s17;
	s2 =	sor.u32 s2, s4;
	s18 =	sadd.s32 s18, s16;
	[tilespmem:s26+$0x15890] =	vst v1  }
0x266: {  	s4 =	sor.u32 s15, s18;
	v1 =	vld [tilespmem:s2+$0x0];
	[tilespmem:s26+$0x16090] =	vst v2  }
0x267: {  	v2 =	vld [tilespmem:s4+$0x0];
	_ =	sdelay $0x2  }
0x268: {  	s13 =	sadd.s32 $0x30, s13  }
0x269: {  	s17 =	sadd.s32 $0x30, s14;
	s15 =	sand.u32 $0xFFFFFF80, s13;
	v1 =	vmul.f32 $8.000000000e+00, v1  }
0x26a: {  	s18 =	sand.u32 $0xFFFFFF80, s17;
	s2 =	sand.u32 $0x7F, s13;
	s4 =	sadd.s32 s15, s9;
	v2 =	vmul.f32 $8.000000000e+00, v2  }
0x26b: {  	s13 =	sand.u32 $0x7F, s17;
	s9 =	sadd.s32 s18, s16;
	s2 =	sor.u32 s2, s4;
	[tilespmem:s26+$0x158A0] =	vst v1  }
0x26c: {  	s14 =	sor.u32 s13, s9;
	v1 =	vld [tilespmem:s2+$0x0];
	[tilespmem:s26+$0x160A0] =	vst v2  }
0x26d: {  	v2 =	vld [tilespmem:s14+$0x0];
	_ =	sdelay $0x2  }
0x26e: {  	s15 =	sand.u32 $0xFFFFFF80, s12  }
0x26f: {  	s16 =	sand.u32 $0x7F, s12;
	s9 =	sadd.s32 $0x10900, s26;
	s13 =	spop (v2sf);
	v1 =	vmul.f32 $8.000000000e+00, v1  }
0x270: {  	s17 =	sand.u32 $0xFFFFFF80, s13;
	s2 =	sadd.s32 s15, s9;
	s15 =	sadd.s32 $0x11100, s26;
	v2 =	vmul.f32 $8.000000000e+00, v2  }
0x271: {  	s18 =	sand.u32 $0x7F, s13;
	s2 =	sor.u32 s16, s2;
	s14 =	sadd.s32 s17, s15;
	[tilespmem:s26+$0x158B0] =	vst v1  }
0x272: {  	s4 =	sor.u32 s18, s14;
	v1 =	vld [tilespmem:s2+$0x0];
	[tilespmem:s26+$0x160B0] =	vst v2  }
0x273: {  	v2 =	vld [tilespmem:s4+$0x0];
	_ =	sdelay $0x2  }
0x274: {  	s14 =	sadd.s32 $0x10, s12  }
0x275: {  	s17 =	sadd.s32 $0x10, s13;
	s16 =	sand.u32 $0xFFFFFF80, s14;
	v1 =	vmul.f32 $8.000000000e+00, v1  }
0x276: {  	s18 =	sand.u32 $0xFFFFFF80, s17;
	s2 =	sand.u32 $0x7F, s14;
	s4 =	sadd.s32 s16, s9;
	v2 =	vmul.f32 $8.000000000e+00, v2  }
0x277: {  	s17 =	sand.u32 $0x7F, s17;
	s18 =	sadd.s32 s18, s15;
	s2 =	sor.u32 s2, s4;
	[tilespmem:s26+$0x15900] =	vst v1  }
0x278: {  	s4 =	sor.u32 s17, s18;
	v1 =	vld [tilespmem:s2+$0x0];
	[tilespmem:s26+$0x16100] =	vst v2  }
0x279: {  	v2 =	vld [tilespmem:s4+$0x0];
	_ =	sdelay $0x2  }
0x27a: {  	s14 =	sadd.s32 $0x20, s12  }
0x27b: {  	(v2sf) =	vpush v0, $0x3;
	s16 =	sand.u32 $0xFFFFFF80, s14;
	s17 =	sadd.s32 $0x20, s13;
	v1 =	vmul.f32 $8.000000000e+00, v1  }
0x27c: {  	s18 =	sand.u32 $0xFFFFFF80, s17;
	s2 =	sand.u32 $0x7F, s14;
	s4 =	sadd.s32 s16, s9;
	v2 =	vmul.f32 $8.000000000e+00, v2  }
0x27d: {  	s17 =	sand.u32 $0x7F, s17;
	s18 =	sadd.s32 s18, s15;
	s2 =	sor.u32 s2, s4;
	[tilespmem:s26+$0x15910] =	vst v1  }
0x27e: {  	s4 =	sor.u32 s17, s18;
	v1 =	vld [tilespmem:s2+$0x0];
	[tilespmem:s26+$0x16110] =	vst v2  }
0x27f: {  	v2 =	vld [tilespmem:s4+$0x0];
	_ =	sdelay $0x2  }
0x280: {  	s14 =	sadd.s32 $0x30, s12  }
0x281: {  	s16 =	sand.u32 $0xFFFFFF80, s14;
	s17 =	sadd.s32 $0x30, s13;
	v1 =	vmul.f32 $8.000000000e+00, v1  }
0x282: {  	s18 =	sand.u32 $0xFFFFFF80, s17;
	s2 =	sand.u32 $0x7F, s14;
	s4 =	sadd.s32 s16, s9;
	v2 =	vmul.f32 $8.000000000e+00, v2  }
0x283: {  	s13 =	sand.u32 $0x7F, s17;
	s9 =	sadd.s32 s18, s15;
	s2 =	sor.u32 s2, s4;
	[tilespmem:s26+$0x15920] =	vst v1  }
0x284: {  	s14 =	sor.u32 s13, s9;
	v1 =	vld [tilespmem:s2+$0x0];
	[tilespmem:s26+$0x16120] =	vst v2  }
0x285: {  	v2 =	vld [tilespmem:s14+$0x0];
	_ =	sdelay $0x2  }
0x286: {  	s12 =	spop (v2sf)  }
0x287: {  	s17 =	sand.u32 $0xFFFFFF80, s12;
	s15 =	sand.u32 $0xFFFFFF80, s11;
	s9 =	sadd.s32 $0x10980, s26;
	v1 =	vmul.f32 $8.000000000e+00, v1  }
0x288: {  	s16 =	sand.u32 $0x7F, s11;
	s2 =	sadd.s32 s15, s9;
	s14 =	sadd.s32 $0x11180, s26;
	v2 =	vmul.f32 $8.000000000e+00, v2  }
0x289: {  	s18 =	sand.u32 $0x7F, s12;
	s2 =	sor.u32 s16, s2;
	s13 =	sadd.s32 s17, s14;
	[tilespmem:s26+$0x15930] =	vst v1  }
0x28a: {  	s13 =	sor.u32 s18, s13;
	v1 =	vld [tilespmem:s2+$0x0];
	[tilespmem:s26+$0x16130] =	vst v2  }
0x28b: {  	v2 =	vld [tilespmem:s13+$0x0];
	_ =	sdelay $0x2  }
0x28c: {  	s15 =	sadd.s32 $0x10, s11  }
0x28d: {  	s16 =	sand.u32 $0xFFFFFF80, s15;
	s17 =	sadd.s32 $0x10, s12;
	v1 =	vmul.f32 $8.000000000e+00, v1  }
0x28e: {  	s4 =	sadd.s32 s16, s9;
	s18 =	sand.u32 $0xFFFFFF80, s17;
	s2 =	sand.u32 $0x7F, s15;
	v2 =	vmul.f32 $8.000000000e+00, v2  }
0x28f: {  	s16 =	sand.u32 $0x7F, s17;
	s17 =	sadd.s32 s18, s14;
	s2 =	sor.u32 s2, s4;
	[tilespmem:s26+$0x15980] =	vst v1  }
0x290: {  	s18 =	sor.u32 s16, s17;
	v1 =	vld [tilespmem:s2+$0x0];
	[tilespmem:s26+$0x16180] =	vst v2  }
0x291: {  	v2 =	vld [tilespmem:s18+$0x0];
	_ =	sdelay $0x2  }
0x292: {  	s4 =	sadd.s32 $0x20, s11  }
0x293: {  	(v2sf) =	vpush v0, $0x4;
	s15 =	sadd.s32 $0x20, s12;
	s13 =	sand.u32 $0xFFFFFF80, s4;
	v1 =	vmul.f32 $8.000000000e+00, v1  }
0x294: {  	s16 =	sand.u32 $0xFFFFFF80, s15;
	s2 =	sand.u32 $0x7F, s4;
	s4 =	sadd.s32 s13, s9;
	v2 =	vmul.f32 $8.000000000e+00, v2  }
0x295: {  	s17 =	sand.u32 $0x7F, s15;
	s2 =	sor.u32 s2, s4;
	s18 =	sadd.s32 s16, s14;
	[tilespmem:s26+$0x15990] =	vst v1  }
0x296: {  	s15 =	sor.u32 s17, s18;
	v1 =	vld [tilespmem:s2+$0x0];
	[tilespmem:s26+$0x16190] =	vst v2  }
0x297: {  	v2 =	vld [tilespmem:s15+$0x0];
	_ =	sdelay $0x2  }
0x298: {  	s16 =	sadd.s32 $0x30, s11  }
0x299: {  	s17 =	sand.u32 $0xFFFFFF80, s16;
	s18 =	sadd.s32 $0x30, s12;
	v1 =	vmul.f32 $8.000000000e+00, v1  }
0x29a: {  	s4 =	sadd.s32 s17, s9;
	s12 =	sand.u32 $0xFFFFFF80, s18;
	s2 =	sand.u32 $0x7F, s16;
	v2 =	vmul.f32 $8.000000000e+00, v2  }
0x29b: {  	s13 =	sand.u32 $0x7F, s18;
	s9 =	sadd.s32 s12, s14;
	s2 =	sor.u32 s2, s4;
	[tilespmem:s26+$0x159A0] =	vst v1  }
0x29c: {  	s14 =	sor.u32 s13, s9;
	v1 =	vld [tilespmem:s2+$0x0];
	[tilespmem:s26+$0x161A0] =	vst v2  }
0x29d: {  	v2 =	vld [tilespmem:s14+$0x0];
	_ =	sdelay $0x2  }
0x29e: {  	s11 =	spop (v2sf)  }
0x29f: {  	s17 =	sand.u32 $0xFFFFFF80, s11;
	s9 =	sadd.s32 $0x10A00, s26;
	s15 =	sand.u32 $0xFFFFFF80, s10;
	v1 =	vmul.f32 $8.000000000e+00, v1  }
0x2a0: {  	s16 =	sand.u32 $0x7F, s10;
	s13 =	sadd.s32 $0x11200, s26;
	s2 =	sadd.s32 s15, s9;
	v2 =	vmul.f32 $8.000000000e+00, v2  }
0x2a1: {  	s18 =	sand.u32 $0x7F, s11;
	s12 =	sadd.s32 s17, s13;
	s2 =	sor.u32 s16, s2;
	[tilespmem:s26+$0x159B0] =	vst v1  }
0x2a2: {  	s4 =	sor.u32 s18, s12;
	v1 =	vld [tilespmem:s2+$0x0];
	[tilespmem:s26+$0x161B0] =	vst v2  }
0x2a3: {  	v2 =	vld [tilespmem:s4+$0x0];
	_ =	sdelay $0x2  }
0x2a4: {  	s12 =	sadd.s32 $0x10, s10  }
0x2a5: {  	s15 =	sadd.s32 $0x10, s11;
	s14 =	sand.u32 $0xFFFFFF80, s12;
	v1 =	vmul.f32 $8.000000000e+00, v1  }
0x2a6: {  	s16 =	sand.u32 $0xFFFFFF80, s15;
	s2 =	sand.u32 $0x7F, s12;
	s4 =	sadd.s32 s14, s9;
	v2 =	vmul.f32 $8.000000000e+00, v2  }
0x2a7: {  	s17 =	sand.u32 $0x7F, s15;
	s18 =	sadd.s32 s16, s13;
	s2 =	sor.u32 s2, s4;
	[tilespmem:s26+$0x15A00] =	vst v1  }
0x2a8: {  	s14 =	sor.u32 s17, s18;
	v1 =	vld [tilespmem:s2+$0x0];
	[tilespmem:s26+$0x16200] =	vst v2  }
0x2a9: {  	v2 =	vld [tilespmem:s14+$0x0];
	_ =	sdelay $0x2  }
0x2aa: {  	s15 =	sadd.s32 $0x20, s10  }
0x2ab: {  	(v2sf) =	vpush v0, $0x5;
	s16 =	sand.u32 $0xFFFFFF80, s15;
	s17 =	sadd.s32 $0x20, s11;
	v1 =	vmul.f32 $8.000000000e+00, v1  }
0x2ac: {  	s4 =	sadd.s32 s16, s9;
	s18 =	sand.u32 $0xFFFFFF80, s17;
	s2 =	sand.u32 $0x7F, s15;
	v2 =	vmul.f32 $8.000000000e+00, v2  }
0x2ad: {  	s12 =	sand.u32 $0x7F, s17;
	s2 =	sor.u32 s2, s4;
	s14 =	sadd.s32 s18, s13;
	[tilespmem:s26+$0x15A10] =	vst v1  }
0x2ae: {  	s15 =	sor.u32 s12, s14;
	v1 =	vld [tilespmem:s2+$0x0];
	[tilespmem:s26+$0x16210] =	vst v2  }
0x2af: {  	v2 =	vld [tilespmem:s15+$0x0];
	_ =	sdelay $0x2  }
0x2b0: {  	s16 =	sadd.s32 $0x30, s10  }
0x2b1: {  	s17 =	sand.u32 $0xFFFFFF80, s16;
	s18 =	sadd.s32 $0x30, s11;
	v1 =	vmul.f32 $8.000000000e+00, v1  }
0x2b2: {  	s4 =	sadd.s32 s17, s9;
	s11 =	sand.u32 $0xFFFFFF80, s18;
	s2 =	sand.u32 $0x7F, s16;
	v2 =	vmul.f32 $8.000000000e+00, v2  }
0x2b3: {  	s12 =	sand.u32 $0x7F, s18;
	s9 =	sadd.s32 s11, s13;
	s2 =	sor.u32 s2, s4;
	[tilespmem:s26+$0x15A20] =	vst v1  }
0x2b4: {  	s14 =	sor.u32 s12, s9;
	v1 =	vld [tilespmem:s2+$0x0];
	[tilespmem:s26+$0x16220] =	vst v2  }
0x2b5: {  	v2 =	vld [tilespmem:s14+$0x0];
	_ =	sdelay $0x2  }
0x2b6: {  	s10 =	spop (v2sf)  }
0x2b7: {  	s17 =	sand.u32 $0xFFFFFF80, s10;
	s9 =	sadd.s32 $0x10A80, s26;
	s15 =	sand.u32 $0xFFFFFF80, s20;
	v1 =	vmul.f32 $8.000000000e+00, v1  }
0x2b8: {  	s16 =	sand.u32 $0x7F, s20;
	s12 =	sadd.s32 $0x11280, s26;
	s2 =	sadd.s32 s15, s9;
	v2 =	vmul.f32 $8.000000000e+00, v2  }
0x2b9: {  	s18 =	sand.u32 $0x7F, s10;
	s11 =	sadd.s32 s17, s12;
	s2 =	sor.u32 s16, s2;
	[tilespmem:s26+$0x15A30] =	vst v1  }
0x2ba: {  	s11 =	sor.u32 s18, s11;
	v1 =	vld [tilespmem:s2+$0x0];
	[tilespmem:s26+$0x16230] =	vst v2  }
0x2bb: {  	v2 =	vld [tilespmem:s11+$0x0];
	_ =	sdelay $0x2  }
0x2bc: {  	s13 =	sadd.s32 $0x10, s20  }
0x2bd: {  	s15 =	sadd.s32 $0x10, s10;
	s14 =	sand.u32 $0xFFFFFF80, s13;
	v1 =	vmul.f32 $8.000000000e+00, v1  }
0x2be: {  	s16 =	sand.u32 $0xFFFFFF80, s15;
	s4 =	sadd.s32 s14, s9;
	s2 =	sand.u32 $0x7F, s13;
	v2 =	vmul.f32 $8.000000000e+00, v2  }
0x2bf: {  	s17 =	sand.u32 $0x7F, s15;
	s18 =	sadd.s32 s16, s12;
	s2 =	sor.u32 s2, s4;
	[tilespmem:s26+$0x15A80] =	vst v1  }
0x2c0: {  	s4 =	sor.u32 s17, s18;
	v1 =	vld [tilespmem:s2+$0x0];
	[tilespmem:s26+$0x16280] =	vst v2  }
0x2c1: {  	v2 =	vld [tilespmem:s4+$0x0];
	_ =	sdelay $0x2  }
0x2c2: {  	s11 =	sadd.s32 $0x20, s20  }
0x2c3: {  	s14 =	sadd.s32 $0x20, s10;
	s13 =	sand.u32 $0xFFFFFF80, s11;
	v1 =	vmul.f32 $8.000000000e+00, v1  }
0x2c4: {  	(v2sf) =	vpush v0, $0x6;
	s15 =	sand.u32 $0xFFFFFF80, s14;
	s2 =	sand.u32 $0x7F, s11;
	s4 =	sadd.s32 s13, s9;
	v2 =	vmul.f32 $8.000000000e+00, v2  }
0x2c5: {  	s16 =	sand.u32 $0x7F, s14;
	s17 =	sadd.s32 s15, s12;
	s2 =	sor.u32 s2, s4;
	[tilespmem:s26+$0x15A90] =	vst v1  }
0x2c6: {  	s18 =	sor.u32 s16, s17;
	v1 =	vld [tilespmem:s2+$0x0];
	[tilespmem:s26+$0x16290] =	vst v2  }
0x2c7: {  	v2 =	vld [tilespmem:s18+$0x0];
	_ =	sdelay $0x2  }
0x2c8: {  	s4 =	sadd.s32 $0x30, s20  }
0x2c9: {  	s10 =	sadd.s32 $0x30, s10;
	s11 =	sand.u32 $0xFFFFFF80, s4;
	v1 =	vmul.f32 $8.000000000e+00, v1  }
0x2ca: {  	s13 =	sand.u32 $0xFFFFFF80, s10;
	s2 =	sand.u32 $0x7F, s4;
	s4 =	sadd.s32 s11, s9;
	v2 =	vmul.f32 $8.000000000e+00, v2  }
0x2cb: {  	s14 =	sand.u32 $0x7F, s10;
	s9 =	sadd.s32 s13, s12;
	s2 =	sor.u32 s2, s4;
	[tilespmem:s26+$0x15AA0] =	vst v1  }
0x2cc: {  	s15 =	sor.u32 s14, s9;
	v1 =	vld [tilespmem:s2+$0x0];
	[tilespmem:s26+$0x162A0] =	vst v2  }
0x2cd: {  	v2 =	vld [tilespmem:s15+$0x0];
	_ =	sdelay $0x2  }
0x2ce: {  	s16 =	sand.u32 $0xFFFFFF80, s19  }
0x2cf: {  	s17 =	sand.u32 $0x7F, s19;
	s10 =	spop (v2sf);
	s9 =	sadd.s32 $0x10B00, s26;
	v1 =	vmul.f32 $8.000000000e+00, v1  }
0x2d0: {  	s12 =	sadd.s32 $0x11300, s26;
	s18 =	sand.u32 $0xFFFFFF80, s10;
	s2 =	sadd.s32 s16, s9;
	v2 =	vmul.f32 $8.000000000e+00, v2  }
0x2d1: {  	s20 =	sand.u32 $0x7F, s10;
	s11 =	sadd.s32 s18, s12;
	s2 =	sor.u32 s17, s2;
	[tilespmem:s26+$0x15AB0] =	vst v1  }
0x2d2: {  	s11 =	sor.u32 s20, s11;
	v1 =	vld [tilespmem:s2+$0x0];
	[tilespmem:s26+$0x162B0] =	vst v2  }
0x2d3: {  	v2 =	vld [tilespmem:s11+$0x0];
	_ =	sdelay $0x2  }
0x2d4: {  	s13 =	sadd.s32 $0x10, s19  }
0x2d5: {  	s14 =	sand.u32 $0xFFFFFF80, s13;
	s15 =	sadd.s32 $0x10, s10;
	v1 =	vmul.f32 $8.000000000e+00, v1  }
0x2d6: {  	s4 =	sadd.s32 s14, s9;
	s16 =	sand.u32 $0xFFFFFF80, s15;
	s2 =	sand.u32 $0x7F, s13;
	v2 =	vmul.f32 $8.000000000e+00, v2  }
0x2d7: {  	s17 =	sand.u32 $0x7F, s15;
	s18 =	sadd.s32 s16, s12;
	s2 =	sor.u32 s2, s4;
	[tilespmem:s26+$0x15B00] =	vst v1  }
0x2d8: {  	s20 =	sor.u32 s17, s18;
	v1 =	vld [tilespmem:s2+$0x0];
	[tilespmem:s26+$0x16300] =	vst v2  }
0x2d9: {  	v2 =	vld [tilespmem:s20+$0x0];
	_ =	sdelay $0x2  }
0x2da: {  	s4 =	sadd.s32 $0x20, s19  }
0x2db: {  	s13 =	sadd.s32 $0x20, s10;
	s11 =	sand.u32 $0xFFFFFF80, s4;
	v1 =	vmul.f32 $8.000000000e+00, v1  }
0x2dc: {  	(v2sf) =	vpush v0, $0x7;
	s14 =	sand.u32 $0xFFFFFF80, s13;
	s2 =	sand.u32 $0x7F, s4;
	s4 =	sadd.s32 s11, s9;
	v2 =	vmul.f32 $8.000000000e+00, v2  }
0x2dd: {  	s15 =	sand.u32 $0x7F, s13;
	s16 =	sadd.s32 s14, s12;
	s2 =	sor.u32 s2, s4;
	[tilespmem:s26+$0x15B10] =	vst v1  }
0x2de: {  	s17 =	sor.u32 s15, s16;
	v1 =	vld [tilespmem:s2+$0x0];
	[tilespmem:s26+$0x16310] =	vst v2  }
0x2df: {  	v2 =	vld [tilespmem:s17+$0x0];
	_ =	sdelay $0x2  }
0x2e0: {  	s18 =	sadd.s32 $0x30, s19  }
0x2e1: {  	s10 =	sadd.s32 $0x30, s10;
	s19 =	sand.u32 $0xFFFFFF80, s18;
	v1 =	vmul.f32 $8.000000000e+00, v1  }
0x2e2: {  	s4 =	sadd.s32 s19, s9;
	s20 =	sand.u32 $0xFFFFFF80, s10;
	s2 =	sand.u32 $0x7F, s18;
	v2 =	vmul.f32 $8.000000000e+00, v2  }
0x2e3: {  	s10 =	sand.u32 $0x7F, s10;
	s9 =	sadd.s32 s20, s12;
	s2 =	sor.u32 s2, s4;
	[tilespmem:s26+$0x15B20] =	vst v1  }
0x2e4: {  	s11 =	sor.u32 s10, s9;
	v1 =	vld [tilespmem:s2+$0x0];
	[tilespmem:s26+$0x16320] =	vst v2  }
0x2e5: {  	v2 =	vld [tilespmem:s11+$0x0];
	_ =	sdelay $0x2  }
0x2e6: {  	s13 =	sand.u32 $0x7F, s8  }
0x2e7: {  	s12 =	sand.u32 $0xFFFFFF80, s8;
	s9 =	sadd.s32 $0x10B80, s26;
	s10 =	spop (v2sf);
	v1 =	vmul.f32 $8.000000000e+00, v1  }
0x2e8: {  	s14 =	sand.u32 $0xFFFFFF80, s10;
	s2 =	sadd.s32 s12, s9;
	s12 =	sadd.s32 $0x11380, s26;
	v2 =	vmul.f32 $8.000000000e+00, v2  }
0x2e9: {  	s15 =	sand.u32 $0x7F, s10;
	s2 =	sor.u32 s13, s2;
	s11 =	sadd.s32 s14, s12;
	[tilespmem:s26+$0x15B30] =	vst v1  }
0x2ea: {  	s16 =	sor.u32 s15, s11;
	v1 =	vld [tilespmem:s2+$0x0];
	[tilespmem:s26+$0x16330] =	vst v2  }
0x2eb: {  	v2 =	vld [tilespmem:s16+$0x0];
	_ =	sdelay $0x2  }
0x2ec: {  	s17 =	sadd.s32 $0x10, s8  }
0x2ed: {  	s19 =	sadd.s32 $0x10, s10;
	s18 =	sand.u32 $0xFFFFFF80, s17;
	v1 =	vmul.f32 $8.000000000e+00, v1  }
0x2ee: {  	s20 =	sand.u32 $0xFFFFFF80, s19;
	s4 =	sadd.s32 s18, s9;
	s2 =	sand.u32 $0x7F, s17;
	v2 =	vmul.f32 $8.000000000e+00, v2  }
0x2ef: {  	s13 =	sadd.s32 s20, s12;
	s11 =	sand.u32 $0x7F, s19;
	s2 =	sor.u32 s2, s4;
	[tilespmem:s26+$0x15B80] =	vst v1  }
0x2f0: {  	s14 =	sor.u32 s11, s13;
	v1 =	vld [tilespmem:s2+$0x0];
	[tilespmem:s26+$0x16380] =	vst v2  }
0x2f1: {  	v2 =	vld [tilespmem:s14+$0x0];
	_ =	sdelay $0x2  }
0x2f2: {  	s15 =	sadd.s32 $0x20, s8  }
0x2f3: {  	s17 =	sadd.s32 $0x20, s10;
	s16 =	sand.u32 $0xFFFFFF80, s15;
	v1 =	vmul.f32 $8.000000000e+00, v1  }
0x2f4: {  	(v2sf) =	vpush v0, $0x8;
	s18 =	sand.u32 $0xFFFFFF80, s17;
	s4 =	sadd.s32 s16, s9;
	s2 =	sand.u32 $0x7F, s15;
	v2 =	vmul.f32 $8.000000000e+00, v2  }
0x2f5: {  	s19 =	sand.u32 $0x7F, s17;
	s20 =	sadd.s32 s18, s12;
	s2 =	sor.u32 s2, s4;
	[tilespmem:s26+$0x15B90] =	vst v1  }
0x2f6: {  	s4 =	sor.u32 s19, s20;
	v1 =	vld [tilespmem:s2+$0x0];
	[tilespmem:s26+$0x16390] =	vst v2  }
0x2f7: {  	v2 =	vld [tilespmem:s4+$0x0];
	_ =	sdelay $0x2  }
0x2f8: {  	s8 =	sadd.s32 $0x30, s8  }
0x2f9: {  	s11 =	sand.u32 $0xFFFFFF80, s8;
	s13 =	sadd.s32 $0x30, s10;
	v1 =	vmul.f32 $8.000000000e+00, v1  }
0x2fa: {  	s14 =	sand.u32 $0xFFFFFF80, s13;
	s2 =	sand.u32 $0x7F, s8;
	s4 =	sadd.s32 s11, s9;
	v2 =	vmul.f32 $8.000000000e+00, v2  }
0x2fb: {  	s15 =	sand.u32 $0x7F, s13;
	s16 =	sadd.s32 s14, s12;
	s2 =	sor.u32 s2, s4;
	[tilespmem:s26+$0x15BA0] =	vst v1  }
0x2fc: {  	s17 =	sor.u32 s15, s16;
	v1 =	vld [tilespmem:s2+$0x0];
	[tilespmem:s26+$0x163A0] =	vst v2  }
0x2fd: {  	v2 =	vld [tilespmem:s17+$0x0];
	_ =	sdelay $0x2  }
0x2fe: {  	s18 =	sand.u32 $0xFFFFFF80, s7  }
0x2ff: {  	s19 =	sand.u32 $0x7F, s7;
	s8 =	sadd.s32 $0x10C00, s26;
	s9 =	spop (v2sf);
	v1 =	vmul.f32 $8.000000000e+00, v1  }
0x300: {  	s11 =	sadd.s32 $0x11400, s26;
	s20 =	sand.u32 $0xFFFFFF80, s9;
	s2 =	sadd.s32 s18, s8;
	v2 =	vmul.f32 $8.000000000e+00, v2  }
0x301: {  	s12 =	sand.u32 $0x7F, s9;
	s10 =	sadd.s32 s20, s11;
	s2 =	sor.u32 s19, s2;
	[tilespmem:s26+$0x15BB0] =	vst v1  }
0x302: {  	s13 =	sor.u32 s12, s10;
	v1 =	vld [tilespmem:s2+$0x0];
	[tilespmem:s26+$0x163B0] =	vst v2  }
0x303: {  	v2 =	vld [tilespmem:s13+$0x0];
	_ =	sdelay $0x2  }
0x304: {  	s14 =	sadd.s32 $0x10, s7  }
0x305: {  	s15 =	sand.u32 $0xFFFFFF80, s14;
	s16 =	sadd.s32 $0x10, s9;
	v1 =	vmul.f32 $8.000000000e+00, v1  }
0x306: {  	s4 =	sadd.s32 s15, s8;
	s17 =	sand.u32 $0xFFFFFF80, s16;
	s2 =	sand.u32 $0x7F, s14;
	v2 =	vmul.f32 $8.000000000e+00, v2  }
0x307: {  	s18 =	sand.u32 $0x7F, s16;
	s19 =	sadd.s32 s17, s11;
	s2 =	sor.u32 s2, s4;
	[tilespmem:s26+$0x15C00] =	vst v1  }
0x308: {  	s20 =	sor.u32 s18, s19;
	v1 =	vld [tilespmem:s2+$0x0];
	[tilespmem:s26+$0x16400] =	vst v2  }
0x309: {  	v2 =	vld [tilespmem:s20+$0x0];
	_ =	sdelay $0x2  }
0x30a: {  	s4 =	sadd.s32 $0x20, s7  }
0x30b: {  	s12 =	sadd.s32 $0x20, s9;
	s10 =	sand.u32 $0xFFFFFF80, s4;
	v1 =	vmul.f32 $8.000000000e+00, v1  }
0x30c: {  	(v2sf) =	vpush v0, $0x9;
	s13 =	sand.u32 $0xFFFFFF80, s12;
	s2 =	sand.u32 $0x7F, s4;
	s4 =	sadd.s32 s10, s8;
	v2 =	vmul.f32 $8.000000000e+00, v2  }
0x30d: {  	s14 =	sand.u32 $0x7F, s12;
	s15 =	sadd.s32 s13, s11;
	s2 =	sor.u32 s2, s4;
	[tilespmem:s26+$0x15C10] =	vst v1  }
0x30e: {  	s16 =	sor.u32 s14, s15;
	v1 =	vld [tilespmem:s2+$0x0];
	[tilespmem:s26+$0x16410] =	vst v2  }
0x30f: {  	v2 =	vld [tilespmem:s16+$0x0];
	_ =	sdelay $0x2  }
0x310: {  	s17 =	sadd.s32 $0x30, s7  }
0x311: {  	s18 =	sand.u32 $0xFFFFFF80, s17;
	s19 =	sadd.s32 $0x30, s9;
	v1 =	vmul.f32 $8.000000000e+00, v1  }
0x312: {  	s4 =	sadd.s32 s18, s8;
	s20 =	sand.u32 $0xFFFFFF80, s19;
	s2 =	sand.u32 $0x7F, s17;
	v2 =	vmul.f32 $8.000000000e+00, v2  }
0x313: {  	s9 =	sand.u32 $0x7F, s19;
	s10 =	sadd.s32 s20, s11;
	s2 =	sor.u32 s2, s4;
	[tilespmem:s26+$0x15C20] =	vst v1  }
0x314: {  	s11 =	sor.u32 s9, s10;
	v1 =	vld [tilespmem:s2+$0x0];
	[tilespmem:s26+$0x16420] =	vst v2  }
0x315: {  	v2 =	vld [tilespmem:s11+$0x0];
	_ =	sdelay $0x2  }
0x316: {  	s7 =	sadd.s32 $0x10C80, s26  }
0x317: {  	s12 =	sand.u32 $0xFFFFFF80, s6;
	s13 =	sand.u32 $0x7F, s6;
	s8 =	spop (v2sf);
	v1 =	vmul.f32 $8.000000000e+00, v1  }
0x318: {  	s14 =	sand.u32 $0xFFFFFF80, s8;
	s10 =	sadd.s32 $0x11480, s26;
	s2 =	sadd.s32 s12, s7;
	v2 =	vmul.f32 $8.000000000e+00, v2  }
0x319: {  	s15 =	sand.u32 $0x7F, s8;
	s9 =	sadd.s32 s14, s10;
	s2 =	sor.u32 s13, s2;
	[tilespmem:s26+$0x15C30] =	vst v1  }
0x31a: {  	s16 =	sor.u32 s15, s9;
	v1 =	vld [tilespmem:s2+$0x0];
	[tilespmem:s26+$0x16430] =	vst v2  }
0x31b: {  	v2 =	vld [tilespmem:s16+$0x0];
	_ =	sdelay $0x2  }
0x31c: {  	s17 =	sadd.s32 $0x10, s6  }
0x31d: {  	s19 =	sadd.s32 $0x10, s8;
	s18 =	sand.u32 $0xFFFFFF80, s17;
	v1 =	vmul.f32 $8.000000000e+00, v1  }
0x31e: {  	s20 =	sand.u32 $0xFFFFFF80, s19;
	s4 =	sadd.s32 s18, s7;
	s2 =	sand.u32 $0x7F, s17;
	v2 =	vmul.f32 $8.000000000e+00, v2  }
0x31f: {  	s12 =	sand.u32 $0x7F, s19;
	s13 =	sadd.s32 s20, s10;
	s2 =	sor.u32 s2, s4;
	[tilespmem:s26+$0x15C80] =	vst v1  }
0x320: {  	s14 =	sor.u32 s12, s13;
	v1 =	vld [tilespmem:s2+$0x0];
	[tilespmem:s26+$0x16480] =	vst v2  }
0x321: {  	v2 =	vld [tilespmem:s14+$0x0];
	_ =	sdelay $0x2  }
0x322: {  	s15 =	sadd.s32 $0x20, s6  }
0x323: {  	s17 =	sadd.s32 $0x20, s8;
	s16 =	sand.u32 $0xFFFFFF80, s15;
	v1 =	vmul.f32 $8.000000000e+00, v1  }
0x324: {  	(v2sf) =	vpush v0, $0xA;
	s18 =	sand.u32 $0xFFFFFF80, s17;
	s4 =	sadd.s32 s16, s7;
	s2 =	sand.u32 $0x7F, s15;
	v2 =	vmul.f32 $8.000000000e+00, v2  }
0x325: {  	s19 =	sand.u32 $0x7F, s17;
	s20 =	sadd.s32 s18, s10;
	s2 =	sor.u32 s2, s4;
	[tilespmem:s26+$0x15C90] =	vst v1  }
0x326: {  	s4 =	sor.u32 s19, s20;
	v1 =	vld [tilespmem:s2+$0x0];
	[tilespmem:s26+$0x16490] =	vst v2  }
0x327: {  	v2 =	vld [tilespmem:s4+$0x0];
	_ =	sdelay $0x2  }
0x328: {  	s6 =	sadd.s32 $0x30, s6  }
0x329: {  	s9 =	sand.u32 $0xFFFFFF80, s6;
	s11 =	sadd.s32 $0x30, s8;
	v1 =	vmul.f32 $8.000000000e+00, v1  }
0x32a: {  	s12 =	sand.u32 $0xFFFFFF80, s11;
	s2 =	sand.u32 $0x7F, s6;
	s4 =	sadd.s32 s9, s7;
	v2 =	vmul.f32 $8.000000000e+00, v2  }
0x32b: {  	s13 =	sand.u32 $0x7F, s11;
	s14 =	sadd.s32 s12, s10;
	s2 =	sor.u32 s2, s4;
	[tilespmem:s26+$0x15CA0] =	vst v1  }
0x32c: {  	s15 =	sor.u32 s13, s14;
	v1 =	vld [tilespmem:s2+$0x0];
	[tilespmem:s26+$0x164A0] =	vst v2  }
0x32d: {  	v2 =	vld [tilespmem:s15+$0x0];
	_ =	sdelay $0x2  }
0x32e: {  	s17 =	sand.u32 $0x7F, s0  }
0x32f: {  	s16 =	sand.u32 $0xFFFFFF80, s0;
	s6 =	sadd.s32 $0x10D00, s26;
	s7 =	spop (v2sf);
	v1 =	vmul.f32 $8.000000000e+00, v1  }
0x330: {  	s9 =	sadd.s32 $0x11500, s26;
	s18 =	sand.u32 $0xFFFFFF80, s7;
	s2 =	sadd.s32 s16, s6;
	v2 =	vmul.f32 $8.000000000e+00, v2  }
0x331: {  	s19 =	sand.u32 $0x7F, s7;
	s8 =	sadd.s32 s18, s9;
	s2 =	sor.u32 s17, s2;
	[tilespmem:s26+$0x15CB0] =	vst v1  }
0x332: {  	s20 =	sor.u32 s19, s8;
	v1 =	vld [tilespmem:s2+$0x0];
	[tilespmem:s26+$0x164B0] =	vst v2  }
0x333: {  	v2 =	vld [tilespmem:s20+$0x0];
	_ =	sdelay $0x2  }
0x334: {  	s4 =	sadd.s32 $0x10, s0  }
0x335: {  	s10 =	sadd.s32 $0x10, s7;
	s8 =	sand.u32 $0xFFFFFF80, s4;
	v1 =	vmul.f32 $8.000000000e+00, v1  }
0x336: {  	s11 =	sand.u32 $0xFFFFFF80, s10;
	s2 =	sand.u32 $0x7F, s4;
	s4 =	sadd.s32 s8, s6;
	v2 =	vmul.f32 $8.000000000e+00, v2  }
0x337: {  	s12 =	sand.u32 $0x7F, s10;
	s13 =	sadd.s32 s11, s9;
	s2 =	sor.u32 s2, s4;
	[tilespmem:s26+$0x15D00] =	vst v1  }
0x338: {  	s14 =	sor.u32 s12, s13;
	v1 =	vld [tilespmem:s2+$0x0];
	[tilespmem:s26+$0x16500] =	vst v2  }
0x339: {  	v2 =	vld [tilespmem:s14+$0x0];
	_ =	sdelay $0x2  }
0x33a: {  	s15 =	sadd.s32 $0x20, s0  }
0x33b: {  	s17 =	sadd.s32 $0x20, s7;
	s16 =	sand.u32 $0xFFFFFF80, s15;
	v1 =	vmul.f32 $8.000000000e+00, v1  }
0x33c: {  	(v2sf) =	vpush v0, $0xB;
	s18 =	sand.u32 $0xFFFFFF80, s17;
	s4 =	sadd.s32 s16, s6;
	s2 =	sand.u32 $0x7F, s15;
	v2 =	vmul.f32 $8.000000000e+00, v2  }
0x33d: {  	s19 =	sand.u32 $0x7F, s17;
	s20 =	sadd.s32 s18, s9;
	s2 =	sor.u32 s2, s4;
	[tilespmem:s26+$0x15D10] =	vst v1  }
0x33e: {  	s10 =	sor.u32 s19, s20;
	v1 =	vld [tilespmem:s2+$0x0];
	[tilespmem:s26+$0x16510] =	vst v2  }
0x33f: {  	v2 =	vld [tilespmem:s10+$0x0];
	_ =	sdelay $0x2  }
0x340: {  	s0 =	sadd.s32 $0x30, s0  }
0x341: {  	s12 =	sadd.s32 $0x30, s7;
	s11 =	sand.u32 $0xFFFFFF80, s0;
	v1 =	vmul.f32 $8.000000000e+00, v1  }
0x342: {  	s13 =	sand.u32 $0xFFFFFF80, s12;
	s0 =	sand.u32 $0x7F, s0;
	s2 =	sadd.s32 s11, s6;
	v2 =	vmul.f32 $8.000000000e+00, v2  }
0x343: {  	s15 =	sadd.s32 s13, s9;
	s14 =	sand.u32 $0x7F, s12;
	s0 =	sor.u32 s0, s2;
	[tilespmem:s26+$0x15D20] =	vst v1  }
0x344: {  	s16 =	sor.u32 s14, s15;
	v1 =	vld [tilespmem:s0+$0x0];
	[tilespmem:s26+$0x16520] =	vst v2  }
0x345: {  	v2 =	vld [tilespmem:s16+$0x0];
	_ =	sdelay $0x2  }
0x346: {  	s17 =	sand.u32 $0xFFFFFF80, s1  }
0x347: {  	s8 =	sadd.s32 $0x11580, s26;
	s4 =	sadd.s32 $0x10D80, s26;
	s6 =	spop (v2sf);
	v1 =	vmul.f32 $8.000000000e+00, v1  }
0x348: {  	s18 =	sand.u32 $0x7F, s1;
	s19 =	sand.u32 $0xFFFFFF80, s6;
	s0 =	sadd.s32 s17, s4;
	v2 =	vmul.f32 $8.000000000e+00, v2  }
0x349: {  	s20 =	sand.u32 $0x7F, s6;
	s7 =	sadd.s32 s19, s8;
	s0 =	sor.u32 s18, s0;
	[tilespmem:s26+$0x15D30] =	vst v1  }
0x34a: {  	s9 =	sor.u32 s20, s7;
	v1 =	vld [tilespmem:s0+$0x0];
	[tilespmem:s26+$0x16530] =	vst v2  }
0x34b: {  	v2 =	vld [tilespmem:s9+$0x0];
	_ =	sdelay $0x2  }
0x34c: {  	s10 =	sadd.s32 $0x10, s1  }
0x34d: {  	s12 =	sadd.s32 $0x10, s6;
	s11 =	sand.u32 $0xFFFFFF80, s10;
	v1 =	vmul.f32 $8.000000000e+00, v1  }
0x34e: {  	s13 =	sand.u32 $0xFFFFFF80, s12;
	s2 =	sadd.s32 s11, s4;
	s0 =	sand.u32 $0x7F, s10;
	v2 =	vmul.f32 $8.000000000e+00, v2  }
0x34f: {  	s14 =	sand.u32 $0x7F, s12;
	s15 =	sadd.s32 s13, s8;
	s0 =	sor.u32 s0, s2;
	[tilespmem:s26+$0x15D80] =	vst v1  }
0x350: {  	s16 =	sor.u32 s14, s15;
	v1 =	vld [tilespmem:s0+$0x0];
	[tilespmem:s26+$0x16580] =	vst v2  }
0x351: {  	v2 =	vld [tilespmem:s16+$0x0];
	_ =	sdelay $0x2  }
0x352: {  	s17 =	sadd.s32 $0x20, s1  }
0x353: {  	s19 =	sadd.s32 $0x20, s6;
	s18 =	sand.u32 $0xFFFFFF80, s17;
	v1 =	vmul.f32 $8.000000000e+00, v1  }
0x354: {  	(v2sf) =	vpush v0, $0xC;
	s20 =	sand.u32 $0xFFFFFF80, s19;
	s2 =	sadd.s32 s18, s4;
	s0 =	sand.u32 $0x7F, s17;
	v2 =	vmul.f32 $8.000000000e+00, v2  }
0x355: {  	s7 =	sand.u32 $0x7F, s19;
	s10 =	sadd.s32 s20, s8;
	s0 =	sor.u32 s0, s2;
	[tilespmem:s26+$0x15D90] =	vst v1  }
0x356: {  	s11 =	sor.u32 s7, s10;
	v1 =	vld [tilespmem:s0+$0x0];
	[tilespmem:s26+$0x16590] =	vst v2  }
0x357: {  	v2 =	vld [tilespmem:s11+$0x0];
	_ =	sdelay $0x2  }
0x358: {  	s12 =	sadd.s32 $0x30, s1  }
0x359: {  	s13 =	sadd.s32 $0x30, s6;
	s1 =	sand.u32 $0xFFFFFF80, s12;
	v1 =	vmul.f32 $8.000000000e+00, v1  }
0x35a: {  	s1 =	sadd.s32 s1, s4;
	s14 =	sand.u32 $0xFFFFFF80, s13;
	s0 =	sand.u32 $0x7F, s12;
	v2 =	vmul.f32 $8.000000000e+00, v2  }
0x35b: {  	s15 =	sand.u32 $0x7F, s13;
	s16 =	sadd.s32 s14, s8;
	s0 =	sor.u32 s0, s1;
	[tilespmem:s26+$0x15DA0] =	vst v1  }
0x35c: {  	s17 =	sor.u32 s15, s16;
	v1 =	vld [tilespmem:s0+$0x0];
	[tilespmem:s26+$0x165A0] =	vst v2  }
0x35d: {  	v2 =	vld [tilespmem:s17+$0x0];
	_ =	sdelay $0x2  }
0x35e: {  	s19 =	sand.u32 $0x7F, s31  }
0x35f: {  	s18 =	sand.u32 $0xFFFFFF80, s31;
	s4 =	spop (v2sf);
	s2 =	sadd.s32 $0x10E00, s26;
	v1 =	vmul.f32 $8.000000000e+00, v1  }
0x360: {  	s7 =	sadd.s32 $0x11600, s26;
	s20 =	sand.u32 $0xFFFFFF80, s4;
	s0 =	sadd.s32 s18, s2;
	v2 =	vmul.f32 $8.000000000e+00, v2  }
0x361: {  	s6 =	sadd.s32 s20, s7;
	s8 =	sand.u32 $0x7F, s4;
	s0 =	sor.u32 s19, s0;
	[tilespmem:s26+$0x15DB0] =	vst v1  }
0x362: {  	s9 =	sor.u32 s8, s6;
	v1 =	vld [tilespmem:s0+$0x0];
	[tilespmem:s26+$0x165B0] =	vst v2  }
0x363: {  	v2 =	vld [tilespmem:s9+$0x0];
	_ =	sdelay $0x2  }
0x364: {  	s10 =	sadd.s32 $0x10, s31  }
0x365: {  	s12 =	sadd.s32 $0x10, s4;
	s11 =	sand.u32 $0xFFFFFF80, s10;
	v1 =	vmul.f32 $8.000000000e+00, v1  }
0x366: {  	s13 =	sand.u32 $0xFFFFFF80, s12;
	s1 =	sadd.s32 s11, s2;
	s0 =	sand.u32 $0x7F, s10;
	v2 =	vmul.f32 $8.000000000e+00, v2  }
0x367: {  	s14 =	sand.u32 $0x7F, s12;
	s15 =	sadd.s32 s13, s7;
	s0 =	sor.u32 s0, s1;
	[tilespmem:s26+$0x15E00] =	vst v1  }
0x368: {  	s16 =	sor.u32 s14, s15;
	v1 =	vld [tilespmem:s0+$0x0];
	[tilespmem:s26+$0x16600] =	vst v2  }
0x369: {  	v2 =	vld [tilespmem:s16+$0x0];
	_ =	sdelay $0x2  }
0x36a: {  	s17 =	sadd.s32 $0x20, s31  }
0x36b: {  	(v2sf) =	vpush v0, $0xD;
	s19 =	sadd.s32 $0x20, s4;
	s18 =	sand.u32 $0xFFFFFF80, s17;
	v1 =	vmul.f32 $8.000000000e+00, v1  }
0x36c: {  	s20 =	sand.u32 $0xFFFFFF80, s19;
	s1 =	sadd.s32 s18, s2;
	s0 =	sand.u32 $0x7F, s17;
	v2 =	vmul.f32 $8.000000000e+00, v2  }
0x36d: {  	s10 =	sadd.s32 s20, s7;
	s9 =	sand.u32 $0x7F, s19;
	s0 =	sor.u32 s0, s1;
	[tilespmem:s26+$0x15E10] =	vst v1  }
0x36e: {  	s11 =	sor.u32 s9, s10;
	v1 =	vld [tilespmem:s0+$0x0];
	[tilespmem:s26+$0x16610] =	vst v2  }
0x36f: {  	v2 =	vld [tilespmem:s11+$0x0];
	_ =	sdelay $0x2  }
0x370: {  	s12 =	sadd.s32 $0x30, s31  }
0x371: {  	s13 =	sand.u32 $0xFFFFFF80, s12;
	s4 =	sadd.s32 $0x30, s4;
	v1 =	vmul.f32 $8.000000000e+00, v1  }
0x372: {  	s14 =	sand.u32 $0xFFFFFF80, s4;
	s1 =	sadd.s32 s13, s2;
	s0 =	sand.u32 $0x7F, s12;
	v2 =	vmul.f32 $8.000000000e+00, v2  }
0x373: {  	s15 =	sand.u32 $0x7F, s4;
	s2 =	sadd.s32 s14, s7;
	s0 =	sor.u32 s0, s1;
	[tilespmem:s26+$0x15E20] =	vst v1  }
0x374: {  	s16 =	sor.u32 s15, s2;
	v1 =	vld [tilespmem:s0+$0x0];
	[tilespmem:s26+$0x16620] =	vst v2  }
0x375: {  	v2 =	vld [tilespmem:s16+$0x0];
	_ =	sdelay $0x2  }
0x376: {  	s4 =	spop (v2sf)  }
0x377: {  	s18 =	sand.u32 $0x7F, s30;
	s17 =	sand.u32 $0xFFFFFF80, s30;
	s2 =	sadd.s32 $0x10E80, s26;
	v1 =	vmul.f32 $8.000000000e+00, v1  }
0x378: {  	s19 =	sand.u32 $0xFFFFFF80, s4;
	s7 =	sadd.s32 $0x11680, s26;
	s0 =	sadd.s32 s17, s2;
	v2 =	vmul.f32 $8.000000000e+00, v2  }
0x379: {  	s20 =	sand.u32 $0x7F, s4;
	s6 =	sadd.s32 s19, s7;
	s0 =	sor.u32 s18, s0;
	[tilespmem:s26+$0x15E30] =	vst v1  }
0x37a: {  	s31 =	sor.u32 s20, s6;
	v1 =	vld [tilespmem:s0+$0x0];
	[tilespmem:s26+$0x16630] =	vst v2  }
0x37b: {  	v2 =	vld [tilespmem:s31+$0x0];
	_ =	sdelay $0x2  }
0x37c: {  	s1 =	sadd.s32 $0x10, s30  }
0x37d: {  	s8 =	sadd.s32 $0x10, s4;
	s6 =	sand.u32 $0xFFFFFF80, s1;
	v1 =	vmul.f32 $8.000000000e+00, v1  }
0x37e: {  	s9 =	sand.u32 $0xFFFFFF80, s8;
	s0 =	sand.u32 $0x7F, s1;
	s1 =	sadd.s32 s6, s2;
	v2 =	vmul.f32 $8.000000000e+00, v2  }
0x37f: {  	s10 =	sand.u32 $0x7F, s8;
	s11 =	sadd.s32 s9, s7;
	s0 =	sor.u32 s0, s1;
	[tilespmem:s26+$0x15E80] =	vst v1  }
0x380: {  	s12 =	sor.u32 s10, s11;
	v1 =	vld [tilespmem:s0+$0x0];
	[tilespmem:s26+$0x16680] =	vst v2  }
0x381: {  	v2 =	vld [tilespmem:s12+$0x0];
	_ =	sdelay $0x2  }
0x382: {  	s13 =	sadd.s32 $0x20, s30  }
0x383: {  	s14 =	sand.u32 $0xFFFFFF80, s13;
	s15 =	sadd.s32 $0x20, s4;
	v1 =	vmul.f32 $8.000000000e+00, v1  }
0x384: {  	(v2sf) =	vpush v0, $0xE;
	s16 =	sand.u32 $0xFFFFFF80, s15;
	s1 =	sadd.s32 s14, s2;
	s0 =	sand.u32 $0x7F, s13;
	v2 =	vmul.f32 $8.000000000e+00, v2  }
0x385: {  	s17 =	sand.u32 $0x7F, s15;
	s18 =	sadd.s32 s16, s7;
	s0 =	sor.u32 s0, s1;
	[tilespmem:s26+$0x15E90] =	vst v1  }
0x386: {  	s19 =	sor.u32 s17, s18;
	v1 =	vld [tilespmem:s0+$0x0];
	[tilespmem:s26+$0x16690] =	vst v2  }
0x387: {  	v2 =	vld [tilespmem:s19+$0x0];
	_ =	sdelay $0x2  }
0x388: {  	s20 =	sadd.s32 $0x30, s30  }
0x389: {  	s4 =	sadd.s32 $0x30, s4;
	s30 =	sand.u32 $0xFFFFFF80, s20;
	v1 =	vmul.f32 $8.000000000e+00, v1  }
0x38a: {  	s31 =	sand.u32 $0xFFFFFF80, s4;
	s1 =	sadd.s32 s30, s2;
	s0 =	sand.u32 $0x7F, s20;
	v2 =	vmul.f32 $8.000000000e+00, v2  }
0x38b: {  	s4 =	sand.u32 $0x7F, s4;
	s2 =	sadd.s32 s31, s7;
	s0 =	sor.u32 s0, s1;
	[tilespmem:s26+$0x15EA0] =	vst v1  }
0x38c: {  	s6 =	sor.u32 s4, s2;
	v1 =	vld [tilespmem:s0+$0x0];
	[tilespmem:s26+$0x166A0] =	vst v2  }
0x38d: {  	v2 =	vld [tilespmem:s6+$0x0];
	_ =	sdelay $0x2  }
0x38e: {  	s8 =	sand.u32 $0x7F, s29  }
0x38f: {  	s7 =	sand.u32 $0xFFFFFF80, s29;
	s2 =	sadd.s32 $0x10F00, s26;
	s4 =	spop (v2sf);
	v1 =	vmul.f32 $8.000000000e+00, v1  }
0x390: {  	s9 =	sand.u32 $0xFFFFFF80, s4;
	s0 =	sadd.s32 s7, s2;
	s7 =	sadd.s32 $0x11700, s26;
	v2 =	vmul.f32 $8.000000000e+00, v2  }
0x391: {  	s10 =	sand.u32 $0x7F, s4;
	s0 =	sor.u32 s8, s0;
	s6 =	sadd.s32 s9, s7;
	[tilespmem:s26+$0x15EB0] =	vst v1  }
0x392: {  	s11 =	sor.u32 s10, s6;
	v1 =	vld [tilespmem:s0+$0x0];
	[tilespmem:s26+$0x166B0] =	vst v2  }
0x393: {  	v2 =	vld [tilespmem:s11+$0x0];
	_ =	sdelay $0x2  }
0x394: {  	s12 =	sadd.s32 $0x10, s29  }
0x395: {  	s14 =	sadd.s32 $0x10, s4;
	s13 =	sand.u32 $0xFFFFFF80, s12;
	v1 =	vmul.f32 $8.000000000e+00, v1  }
0x396: {  	s15 =	sand.u32 $0xFFFFFF80, s14;
	s1 =	sadd.s32 s13, s2;
	s0 =	sand.u32 $0x7F, s12;
	v2 =	vmul.f32 $8.000000000e+00, v2  }
0x397: {  	s16 =	sand.u32 $0x7F, s14;
	s17 =	sadd.s32 s15, s7;
	s0 =	sor.u32 s0, s1;
	[tilespmem:s26+$0x15F00] =	vst v1  }
0x398: {  	s18 =	sor.u32 s16, s17;
	v1 =	vld [tilespmem:s0+$0x0];
	[tilespmem:s26+$0x16700] =	vst v2  }
0x399: {  	v2 =	vld [tilespmem:s18+$0x0];
	_ =	sdelay $0x2  }
0x39a: {  	s19 =	sadd.s32 $0x20, s29  }
0x39b: {  	s30 =	sadd.s32 $0x20, s4;
	s20 =	sand.u32 $0xFFFFFF80, s19;
	v1 =	vmul.f32 $8.000000000e+00, v1  }
0x39c: {  	(v2sf) =	vpush v0, $0xF;
	s31 =	sand.u32 $0xFFFFFF80, s30;
	s1 =	sadd.s32 s20, s2;
	s0 =	sand.u32 $0x7F, s19;
	v63 =	vmul.f32 $8.000000000e+00, v2  }
0x39d: {  	s8 =	sadd.s32 s31, s7;
	s6 =	sand.u32 $0x7F, s30;
	s0 =	sor.u32 s0, s1;
	[tilespmem:s26+$0x15F10] =	vst v1  }
0x39e: {  	s9 =	sor.u32 s6, s8;
	v1 =	vld [tilespmem:s0+$0x0];
	[tilespmem:s26+$0x16710] =	vst v63  }
0x39f: {  	v0 =	vld [tilespmem:s9+$0x0];
	_ =	sdelay $0x2  }
0x3a0: {  	s10 =	sadd.s32 $0x30, s29  }
0x3a1: {  	s4 =	sadd.s32 $0x30, s4;
	s11 =	sand.u32 $0xFFFFFF80, s10;
	v1 =	vmul.f32 $8.000000000e+00, v1  }
0x3a2: {  	s12 =	sand.u32 $0xFFFFFF80, s4;
	s1 =	sadd.s32 s11, s2;
	s0 =	sand.u32 $0x7F, s10;
	v0 =	vmul.f32 $8.000000000e+00, v0  }
0x3a3: {  	s13 =	sand.u32 $0x7F, s4;
	s2 =	sadd.s32 s12, s7;
	s0 =	sor.u32 s0, s1;
	[tilespmem:s26+$0x15F20] =	vst v1  }
0x3a4: {  	s14 =	sor.u32 s13, s2;
	v1 =	vld [tilespmem:s0+$0x0];
	[tilespmem:s26+$0x16720] =	vst v0  }
0x3a5: {  	v0 =	vld [tilespmem:s14+$0x0];
	_ =	sdelay $0x2  }
0x3a6: {  	s15 =	sand.u32 $0xFFFFFF80, s28  }
0x3a7: {  	s16 =	sand.u32 $0x7F, s28;
	s4 =	spop (v2sf);
	s2 =	sadd.s32 $0x10F80, s26;
	v1 =	vmul.f32 $8.000000000e+00, v1  }
0x3a8: {  	s17 =	sand.u32 $0xFFFFFF80, s4;
	s7 =	sadd.s32 $0x11780, s26;
	s0 =	sadd.s32 s15, s2;
	v0 =	vmul.f32 $8.000000000e+00, v0  }
0x3a9: {  	s6 =	sadd.s32 s17, s7;
	s18 =	sand.u32 $0x7F, s4;
	s0 =	sor.u32 s16, s0;
	[tilespmem:s26+$0x15F30] =	vst v1  }
0x3aa: {  	s19 =	sor.u32 s18, s6;
	v1 =	vld [tilespmem:s0+$0x0];
	[tilespmem:s26+$0x16730] =	vst v0  }
0x3ab: {  	v0 =	vld [tilespmem:s19+$0x0];
	_ =	sdelay $0x2  }
0x3ac: {  	s20 =	sadd.s32 $0x10, s28  }
0x3ad: {  	s30 =	sadd.s32 $0x10, s4;
	s29 =	sand.u32 $0xFFFFFF80, s20;
	v1 =	vmul.f32 $8.000000000e+00, v1  }
0x3ae: {  	s31 =	sand.u32 $0xFFFFFF80, s30;
	s1 =	sadd.s32 s29, s2;
	s0 =	sand.u32 $0x7F, s20;
	v0 =	vmul.f32 $8.000000000e+00, v0  }
0x3af: {  	s10 =	sadd.s32 s31, s7;
	s9 =	sand.u32 $0x7F, s30;
	s0 =	sor.u32 s0, s1;
	[tilespmem:s26+$0x15F80] =	vst v1  }
0x3b0: {  	s11 =	sor.u32 s9, s10;
	v1 =	vld [tilespmem:s0+$0x0];
	[tilespmem:s26+$0x16780] =	vst v0  }
0x3b1: {  	v0 =	vld [tilespmem:s11+$0x0];
	_ =	sdelay $0x2  }
0x3b2: {  	s12 =	sadd.s32 $0x20, s28  }
0x3b3: {  	s13 =	sand.u32 $0xFFFFFF80, s12;
	s14 =	sadd.s32 $0x20, s4;
	v1 =	vmul.f32 $8.000000000e+00, v1  }
0x3b4: {  	s15 =	sand.u32 $0xFFFFFF80, s14;
	s1 =	sadd.s32 s13, s2;
	s0 =	sand.u32 $0x7F, s12;
	v0 =	vmul.f32 $8.000000000e+00, v0  }
0x3b5: {  	s16 =	sand.u32 $0x7F, s14;
	s17 =	sadd.s32 s15, s7;
	s0 =	sor.u32 s0, s1;
	[tilespmem:s26+$0x15F90] =	vst v1  }
0x3b6: {  	s18 =	sor.u32 s16, s17;
	v1 =	vld [tilespmem:s0+$0x0];
	[tilespmem:s26+$0x16790] =	vst v0  }
0x3b7: {  	v0 =	vld [tilespmem:s18+$0x0];
	_ =	sdelay $0x2  }
0x3b8: {  	s19 =	sadd.s32 $0x30, s28  }
0x3b9: {  	s4 =	sadd.s32 $0x30, s4;
	s20 =	sand.u32 $0xFFFFFF80, s19;
	v1 =	vmul.f32 $8.000000000e+00, v1  }
0x3ba: {  	s28 =	sand.u32 $0xFFFFFF80, s4;
	s1 =	sadd.s32 s20, s2;
	s0 =	sand.u32 $0x7F, s19;
	v0 =	vmul.f32 $8.000000000e+00, v0  }
0x3bb: {  	s29 =	sand.u32 $0x7F, s4;
	s2 =	sadd.s32 s28, s7;
	s0 =	sor.u32 s0, s1;
	[tilespmem:s26+$0x15FA0] =	vst v1  }
0x3bc: {  	s30 =	sor.u32 s29, s2;
	v1 =	vld [tilespmem:s0+$0x0];
	[tilespmem:s26+$0x167A0] =	vst v0  }
0x3bd: {  	v0 =	vld [tilespmem:s30+$0x0];
	_ =	sdelay $0x1  }
0x3be: {  	p0 =	slt.u32 s25, $0x8  }
.Ltmp8:
0x3bf: {  	_ = 	snop;
	(pc) =	sbr.rel @p0 .LBB2_16-.Ltmp8, $4  }
0x3c0: {  	v1 =	vmul.f32 $8.000000000e+00, v1  }
0x3c1: {  	v0 =	vmul.f32 $8.000000000e+00, v0  }
0x3c2: {  	s31 =	sadd.s32 $0x2, s25;
	[tilespmem:s26+$0x15FB0] =	vst v1  }
0x3c3: {  	s25 =	smov.u32 s31;
	[tilespmem:s26+$0x167B0] =	vst v0  }
0x3c4: {  	s21 =	sadd.s32 $0x1, s21  }
0x3c5: {  	s0 =	smul.u32 $0xA0, s24;
	p0 =	sne.s32 s21, $0x50  }
.Ltmp9:
0x3c6: {  	_ = 	snop;
	(pc) =	sbr.rel @p0 .LBB2_5-.Ltmp9, $4  }
0x3c7: {  	s0 =	sadd.s32 s3, s0  }
0x3c8: {  	s1 =	simm.s32 $0x0;
	s2 =	simm.s32 $0x15800;
	s0 =	sshll.u32 s0, $0x4  }
0x3c9: {  	s22 =	sadd.s32 $0x140, s22;
	s23 =	sadd.s32 $0x140, s23;
	s0 =	sadd.s32 s5, s0  }
0x3ca: {  	[hbm4b:s0+s1] =	stream.linear.scatter [tilespmem:s2], [sflag:$0x4], $0x5000, $0x38;
	[tilespmem:$0x1A800] =	vst v63  }
0x3cb: {  	s0 =	simm.s32 $0x2  }
0x3cc: {  	_ =	swait.ge [sflag:s0], $0x5000  }
0x3cd: {  	[sflag:s0] =	ssyncset.done $0x0  }
0x3ce: {  	s1 =	simm.s32 $0x4;
	[sflag:s0] =	ssyncadd.s32 $0xFFFFB000  }
0x3cf: {  	_ =	swait.ge [sflag:s1], $0x5000  }
0x3d0: {  	s2 =	rddreg [dreg:$0x6]  }
0x3d1: {  	s31 =	rddreg [dreg:$0x5];
	s2 =	sadd.s32 $0x1, s2  }
0x3d2: {  	p0 =	sne.s32 s2, s31  }
.Ltmp10:
0x3d3: {  	_ = 	snop;
	(pc) =	sbr.rel @p0 .LBB2_1-.Ltmp10, $3  }
0x3d4: {  	_ =	sdelay $0x1  }
0x3d5: {  	[sflag:s1] =	ssyncset.done $0x0  }
0x3d6: {  	[sflag:s1] =	ssyncadd.s32 $0xFFFFB000  }
0x3d7: {  	_ =	sfence.sel $0x180000  }
0x3d8: {  	[bflag:$0x0] =	sbarrier.arrive $0xFFFF  }
0x3d9: {  	_ =	strace $0x90000047  }
0x3da: {  	s0 =	stileid.u32;
	[bflag:$0x2] =	sbarrier.arrive $0xFFFF  }
0x3db: {  	p0 =	sne.s32 s0, $0x0;
	s0 =	rddreg [dreg:$0x2]  }
0x3dc: {  	s0 =	sadd.s32 @!p0 $0x100000, s0  }
0x3dd: {  	[sflag:s0] =	ssyncadd.tile.s32 @!p0 $0x1;
	_ =	shalt  }
.Lfunc_end2:
_tile_overlayer_lowered:
.L_overlay_start_2:
0x3de: {  	(tag) =	ssettag $0x2  }
0x3df: {  	s0 =	rddreg [dreg:$0x0];
	s2 =	stileid.u32  }
0x3e0: {  	s1 =	rddreg [dreg:$0x1];
	p0 =	sne.s32 s2, $0x0  }
0x3e1: {  	s3 =	rddreg [dreg:$0x2];
	[bflag:$0x3] =	sbarrier.arrive $0xFFFF;
	s2 =	simm.s32 @!p0 $0x1C05  }
0x3e2: {  	[timem:s3], [sflag:s2] =	dma.local @!p0 [hbm:s0], s1  }
0x3e3: {  	s0 =	simm.s32 @!p0 $0x5  }
0x3e4: {  	_ =	swait.ge @!p0 [sflag:s0], s1  }
0x3e5: {  	s1 =	ssub.s32 @!p0 $0x0, s1;
	[sflag:s0] =	ssyncset.done @!p0 $0x0  }
0x3e6: {  	[sflag:s0] =	ssyncadd.s32 @!p0 s1  }
0x3e7: {  	[bflag:$0x3] =	sbarrier.arrive $0xFFFF  }
0x3e8: {  	_ =	shalt  }

// kernel: sparse-core-data-format-call.cloned.1.call-start
scs
called_computation_lowered:
.L_overlay_start_0:
0x0: {  	s2 =	sld [smem:$0x3FD9]  }
0x1: {  	s3 =	sld [smem:$0x3FFE];
	_ =	sdelay $0x1  }
0x2: {  	s1 =	srdreg.scid  }
0x3: {  	s0 =	sand.u32 $0x1, s1  }
0x4: {  	s18 =	sshll.u32 s0, $0xA;
	s2 =	sadd.s32 s3, s2  }
0x5: {  	s2 =	sadd.s32 s2, s18  }
0x6: {  	[smem:$0x3FC6] =	sst s2  }
0x7: {  	_ = 	snop  }
0x8: {  	s2 =	sld [smem:$0x3FD0];
	(tm) =	ssettm $0x1  }
0x9: {  	s19 =	sld [smem:$0x3FFB];
	_ =	sdelay $0x3  }
0xa: {  	_ =	strace s19  }
0xb: {  	s3 =	sld [smem:$0x3FFC];
	_ =	sdelay $0x3  }
0xc: {  	_ =	strace s3  }
0xd: {  	s3 =	sld [smem:$0x3FFD];
	_ =	sdelay $0x3  }
0xe: {  	_ =	strace s3  }
0xf: {  	_ =	strace $0x8FFFFFFF  }
0x10: {  	s20 =	sld [smem:$0x3FDB];
	_ =	sdelay $0x1  }
0x11: {  	s4 =	simm.s32 $_scs_section_size  }
0x12: {  	s5 =	simm.s32 $_size__tile_overlayer_lowered;
	s6 =	simm.s32 $_tile_overlayer_lowered  }
0x13: {  	s23 =	simm.s32 $0x1BFF;
	s22 =	sshll.u32 s6, $0x1;
	s3 =	sadd.s32 s4, s20  }
0x14: {  	s7 =	simm.s32 $0x0;
	s21 =	sshll.u32 s5, $0x1;
	s5 =	sadd.s32 s22, s3  }
0x15: {  	[timem:s7], [sflag:s23] =	dma.local [hbm:s5], s21  }
0x16: {  	_ =	swait.ge [sflag:s23], s21  }
0x17: {  	s4 =	ssub.s32 $0x0, s21;
	[sflag:s23] =	ssyncset.done $0x0  }
0x18: {  	[sflag:s23] =	ssyncadd.s32 s4;
	_ =	sdelay $0x1  }
0x19: {  	s24 =	simm.s32 $0x1B8B  }
0x1a: {  	_ =	swait.ge [sflag:s24], $0x1  }
0x1b: {  	[sflag:s24] =	ssyncset.done $0x0  }
0x1c: {  	s26 =	simm.s32 $0x1B8E;
	s25 =	sld [smem:$0x3FFE];
	[sflag:s24] =	ssyncadd.s32 $0xFFFFFFFF  }
0x1d: {  	s27 =	simm.s32 $execute0_lowered;
	[smem:$0x3FD2] =	sst s26  }
0x1e: {  	s5 =	sshll.u32 s27, $0x1;
	_ =	strace $0x80000049;
	[dreg:$0x1] =	wrdreg $0xFFFFFFFF  }
0x1f: {  	s28 =	simm.s32 $_size_execute0_lowered;
	s3 =	sadd.s32 s3, s5;
	[dreg:$0x0] =	wrdreg $0x0  }
0x20: {  	s5 =	sshll.u32 s28, $0x1;
	[dreg:$0x2] =	wrdreg s3  }
0x21: {  	[dreg:$0x3] =	wrdreg s5  }
0x22: {  	[dreg:$0x4] =	wrdreg $0xC0  }
0x23: {  	_ =	task [dreg:s7], $0x5FFFF  }
0x24: {  	[dreg:$0x1] =	wrdreg $0xFFFFFFFF  }
0x25: {  	[dreg:$0x0] =	wrdreg $0x60  }
0x26: {  	[dreg:$0x2] =	wrdreg s25  }
0x27: {  	[dreg:$0x3] =	wrdreg s2  }
0x28: {  	[dreg:$0x4] =	wrdreg $0x9  }
0x29: {  	_ =	task.clear_ibuf [dreg:s7], $0x5FFFF;
	_ =	strace $0x90000049  }
0x2a: {  	s29 =	simm.s32 $0x9;
	_ =	strace $0x8000004B  }
0x2b: {  	_ =	swait.ge [sflag:s29], $0x1  }
0x2c: {  	[sflag:s29] =	ssyncadd.s32 $0xFFFFFFFF  }
0x2d: {  	_ =	strace $0x9000004B  }
0x2e: {  	_ =	sfence  }
0x2f: {  	s30 =	sld [smem:$0x0];
	_ =	sdelay $0x2  }
0x30: {  	s31 =	sshll.u32 s1, $0xD;
	s1 =	sshrl.u32 s1, $0x2  }
0x31: {  	s3 =	sand.u32 $0x4000, s31;
	s1 =	sadd.s32 s1, s30  }
0x32: {  	s0 =	sor.u32 s3, s0;
	s1 =	sshll.u32 s1, $0x11  }
0x33: {  	s0 =	sor.u32 s1, s0  }
0x34: {  	s0 =	sadd.s32 $0x8F2B, s0  }
0x35: {  	[sflag:s0] =	ssyncadd.remote.s32 $0x1  }
0x36: {  	_ =	sfence.sel $0xFFFF  }
0x37: {  	[dreg:$0x0] =	wrdreg $0xFFFFFFFF;
	(pc) =	sbr.abs _section_cstart, $3  }
0x38: {  	[dreg:$0x1] =	wrdreg $0xFFFFFFFF  }
0x39: {  	_ =	task.clear_ibuf [dreg:s7], $0x2FFFF;
	_ =	strace $0x9FFFFFFF  }
0x3a: {  	(tm) =	ssettm $0x7FFFFFFF  }
0x3b: {  	_ =	shalt  }
tec
execute0_lowered:
.L_overlay_start_1:
0x0: {  	(tag) =	ssettag $0x1  }
0x1: {  	s0 =	srdreg.scid  }
0x2: {  	s1 =	sshll.u32 s0, $0x4  }
0x3: {  	s0 =	stileid.u32;
	s1 =	sand.u32 $0x10, s1  }
0x4: {  	s1 =	sor.u32 s0, s1  }
0x5: {  	s6 =	rddreg [dreg:$0x0];
	s4 =	simm.s32 $0x1;
	s2 =	sshll.u32 s1, $0x7  }
0x6: {  	s7 =	simm.s32 $0x2;
	s12 =	simm.s32 $0x0;
	s1 =	ssub.s32 $0x1000, s2  }
0x7: {  	s8 =	simm.s32 $0x8000;
	s13 =	simm.s32 $0x0;
	s3 =	sand.u32 $0xF80, s1  }
0x8: {  	s9 =	simm.s32 $0x0;
	s5 =	sshrl.u32 s1, $0xC;
	p0 =	sne.s32 s3, $0x0  }
.Ltmp0:
0x9: {  	s1 =	rddreg [dreg:$0x2];
	s4 =	simm.s32 @!p0 $0x0;
	(pc) =	sbr.rel .LBB1_1-.Ltmp0, $4  }
0xa: {  	s11 =	simm.s32 $0x0;
	s3 =	rddreg [dreg:$0x1];
	s5 =	sadd.s32 s4, s5  }
0xb: {  	_ =	strace $0x8000004A;
	s4 =	simm.s32 $0x1;
	s5 =	smul.u32 $0xC8, s5  }
0xc: {  	s6 =	sadd.s32 $0xA00, s6;
	s10 =	smov.u32 s2;
	[sflag:s4] =	ssyncpa.u1 $0x0  }
0xd: {  	p0 =	por $0x0, $0x0;
	[sflag:s7] =	ssyncpa.u1 $0x0;
	s7 =	sor.u32 $0x1, s5  }
.LBB1_4:
0xe: {  	s16 =	sshll.u32 s13, $0x3;
	s17 =	sand.u32 $0x78, s13  }
0xf: {  	s30 =	sand.u32 $0x7E00, s13;
	s12 =	sshll.u32 s12, $0xF;
	s16 =	sand.u32 $0xC00, s16  }
0x10: {  	[tilespmem:s15+$0x810 ss:$0x81] =	vst.msk $0xffff, v2;
	s31 =	sand.u32 $0x7, s13;
	s16 =	sor.u32 s17, s16;
	s17 =	sadd.s32 s3, s30  }
0x11: {  	[tilespmem:s15+$0x1020 ss:$0x81] =	vst.msk $0xffff, v0;
	s13 =	sshll.u32 s31, $0x12;
	s12 =	sadd.s32 s12, s17;
	s16 =	sshrl.u32 s16, $0x3  }
0x12: {  	[tilespmem:s15+$0x0 ss:$0x81] =	vst.msk $0xffff, v1;
	s13 =	sor.u32 $0x400, s13;
	s12 =	sadd.s32 s16, s12  }
0x13: {  	[hbm4b:s12+s13] =	stream.strided.scatter [tilespmem:s14], [sflag:$0x2], $0x2000, s8, s13, $0x20;
	[tilespmem:$0x8080] =	vst v63  }
.LBB1_5:
0x14: {  	s14 =	sadd.s32 $0x1, s9  }
0x15: {  	s12 =	sadd.s32 $0x1000, s10;
	s16 =	smov.u32 s10;
	p2 =	sgt.s32 s14, $0xC7  }
0x16: {  	s16 =	smov.u32 @p2 s12  }
0x17: {  	s14 =	simm.s32 @p2 $0x0;
	p2 =	sgt.s32 s16, $0xFFF  }
0x18: {  	s16 =	smov.u32 @p2 s2;
	p2 =	sne.s32 s11, s7  }
.Ltmp1:
0x19: {  	p1 =	slt.u32 s11, $0x2;
	(pc) =	sbr.rel @!p2 .LBB1_6-.Ltmp1, $4  }
0x1a: {  	s15 =	simm.s32 @!p1 $0x2  }
0x1b: {  	s13 =	smov.u32 s10;
	p0 =	por !p0, !p0;
	_ =	swait.ge @!p1 [sflag:s15], $0x2000  }
0x1c: {  	s12 =	smov.u32 s9;
	[sflag:s15] =	ssyncset.done @!p1 $0x0;
	s9 =	smov.u32 s14  }
0x1d: {  	s11 =	sadd.s32 $0x1, s11;
	[sflag:s15] =	ssyncadd.s32 @!p1 $0xFFFFE000;
	s10 =	smov.u32 s16  }
.LBB1_1:
0x1e: {  	p1 =	sge.u32 s11, s5  }
0x1f: {  	s14 =	sand.u32 @!p1 $0x1FFFFFF, s9  }
0x20: {  	s15 =	smulhi.u32 @!p1 $0x147AE15, s14;
	_ =	sdelay $0x1  }
0x21: {  	s15 =	smul.u32 @!p1 $0xC8, s15  }
0x22: {  	s16 =	sxor.u32 @!p1 $0xFFFFFFFF, s11;
	s17 =	smul.u32 @!p1 $0xC80, s10  }
0x23: {  	s31 =	sadd.s32 $0xFFFFFFFF, s11;
	s16 =	sshll.u32 @!p1 s16, $0xD;
	s14 =	ssub.s32 @!p1 s14, s15  }
0x24: {  	s15 =	sand.u32 @!p1 $0x2000, s16;
	s16 =	sadd.s32 @!p1 s6, s17;
	s14 =	sshll.u32 @!p1 s14, $0x4  }
0x25: {  	s17 =	simm.s32 @!p1 $0x6400;
	s14 =	sadd.s32 @!p1 s14, s16;
	s16 =	simm.s32 @!p1 $0x40  }
0x26: {  	[tilespmem:s15], [sflag:$0x1] =	stream.strided.gather @!p1 [hbm4b:s14+s16], $0x2000, s17, s16, $0x38;
	[tilespmem:$0x8080] =	vst v63  }
0x27: {  	p1 =	sge.u32 s31, s5  }
.Ltmp2:
0x28: {  	_ = 	snop;
	(pc) =	sbr.rel @p1 .LBB1_5-.Ltmp2, $1  }
0x29: {  	_ =	sdelay $0x3  }
0x2a: {  	s14 =	simm.s32 $0x1  }
0x2b: {  	_ =	swait.ge [sflag:s4], $0x2000;
	s14 =	simm.s32 @!p0 $0x0  }
0x2c: {  	[sflag:s4] =	ssyncset.done $0x0;
	s15 =	sshll.u32 s14, $0xD  }
0x2d: {  	[sflag:s4] =	ssyncadd.s32 $0xFFFFE000;
	s18 =	sor.u32 $0x20, s15  }
0x2e: {  	s14 =	smul.u32 $0x8100, s14;
	v3 =	vld [tilespmem:s18+$0x10]  }
0x2f: {  	s30 =	sand.u32 $0x1, s11;
	v2 =	vld [tilespmem:s18+$0xFFFFFFF0]  }
0x30: {  	s15 =	smul.u32 $0x8100, s30;
	s14 =	sshrl.u32 s14, $0x2;
	v0 =	vld [tilespmem:s18+$0x0]  }
0x31: {  	v1 =	vld [tilespmem:s18+$0xFFFFFFE0];
	s16 =	sor.u32 $0x4000, s14  }
0x32: {  	s31 =	sshrl.u32 s15, $0x2;
	s15 =	sadd.s32 $0x0, s16  }
0x33: {  	s17 =	simm.s32 $0x4;
	s18 =	sadd.s32 $0x40, s18;
	s14 =	sor.u32 $0x4000, s31;
	[tilespmem:s15+$0x1830 ss:$0x81] =	vst.msk $0xffff, v3  }
.LBB1_3:
0x34: {  	v3 =	vld [tilespmem:s18+$0x10];
	p1 =	sne.s32 s17, $0x1FC;
	[tilespmem:s15+$0x810 ss:$0x81] =	vst.msk $0xffff, v2;
	s19 =	smov.u32 s17;
	s17 =	sadd.s32 $0x4, s17  }
.Ltmp3:
0x35: {  	v2 =	vld [tilespmem:s18+$0xFFFFFFF0];
	[tilespmem:s15+$0x1020 ss:$0x81] =	vst.msk $0xffff, v0;
	(pc) =	sbr.rel @p1 .LBB1_3-.Ltmp3, $4  }
0x36: {  	v0 =	vld [tilespmem:s18+$0x0];
	[tilespmem:s15+$0x0 ss:$0x81] =	vst.msk $0xffff, v1  }
0x37: {  	s15 =	sshra.s32 s19, $0x2;
	v1 =	vld [tilespmem:s18+$0xFFFFFFE0]  }
0x38: {  	s15 =	sadd.s32 s15, s16  }
0x39: {  	s18 =	sadd.s32 $0x40, s18;
	[tilespmem:s15+$0x1830 ss:$0x81] =	vst.msk $0xffff, v3  }
.Ltmp4:
0x3a: {  	_ = 	snop;
	(pc) =	sbr.rel .LBB1_4-.Ltmp4, $1  }
0x3b: {  	_ =	sdelay $0x3  }
.LBB1_6:
0x3c: {  	_ =	sfence.sel $0x180000  }
0x3d: {  	s2 =	simm.s32 $0x1;
	[bflag:$0x0] =	sbarrier.arrive $0xFFFF  }
0x3e: {  	s31 =	simm.s32 $0x2;
	[sflag:s2] =	ssyncpa.u1 $0x1  }
0x3f: {  	[sflag:s31] =	ssyncpa.u1 $0x1  }
0x40: {  	p0 =	sne.s32 s0, $0x0;
	_ =	strace $0x9000004A  }
0x41: {  	s0 =	sadd.s32 @!p0 $0x100000, s1;
	[bflag:$0x2] =	sbarrier.arrive $0xFFFF  }
0x42: {  	[sflag:s0] =	ssyncadd.tile.s32 @!p0 $0x1;
	_ =	shalt  }
.Lfunc_end1:
_tile_overlayer_lowered:
.L_overlay_start_2:
0x43: {  	(tag) =	ssettag $0x2  }
0x44: {  	s0 =	rddreg [dreg:$0x0];
	s2 =	stileid.u32  }
0x45: {  	s1 =	rddreg [dreg:$0x1];
	p0 =	sne.s32 s2, $0x0  }
0x46: {  	s3 =	rddreg [dreg:$0x2];
	[bflag:$0x3] =	sbarrier.arrive $0xFFFF;
	s2 =	simm.s32 @!p0 $0x1C01  }
0x47: {  	[timem:s3], [sflag:s2] =	dma.local @!p0 [hbm:s0], s1  }
0x48: {  	s0 =	simm.s32 @!p0 $0x1  }
0x49: {  	_ =	swait.ge @!p0 [sflag:s0], s1  }
0x4a: {  	s1 =	ssub.s32 @!p0 $0x0, s1;
	[sflag:s0] =	ssyncset.done @!p0 $0x0  }
0x4b: {  	[sflag:s0] =	ssyncadd.s32 @!p0 s1  }
0x4c: {  	[bflag:$0x3] =	sbarrier.arrive $0xFFFF  }
0x4d: {  	_ =	shalt  }

</sc_bundles>
